<compile_context>
chip_gen: v7x
topology: tpu7x:2x2x1
jax: 0.10.2.dev20260603
libtpu: 0.0.44.dev20260713+nightly
codegen_flags: <defaults>
</compile_context>

<pallas_src>
import functools

import jax
import jax.numpy as jnp
from jax import lax
from jax.experimental import pallas as pl
from jax.experimental.pallas import tpu as pltpu
from jax.experimental.pallas import tpu_sc as plsc

_NSUB = 16
_NWORKERS = 32
_CE = 10240


@functools.lru_cache(maxsize=None)
def _edge_pass_kernel(n, d, e_pad, ncols):
    col_groups = d // ncols
    wpc = _NWORKERS // col_groups
    ew = e_pad // wpc
    nchunks = ew // _CE
    n_pad = n + _NSUB
    groups = _CE // 16
    mesh = plsc.VectorSubcoreMesh(core_axis_name="c", subcore_axis_name="s")

    @functools.partial(
        pl.kernel,
        out_type=jax.ShapeDtypeStruct((wpc * d * n,), jnp.float32),
        mesh=mesh,
        compiler_params=pltpu.CompilerParams(needs_layout_passes=False,
                                             disable_bounds_checks=True),
        scratch_types=(
            [pltpu.VMEM((n_pad,), jnp.float32)] * ncols
            + [pltpu.VMEM((n_pad,), jnp.float32)] * ncols
            + [pltpu.VMEM((_CE,), jnp.int32)] * 4
            + [pltpu.SemaphoreType.DMA] * 4
        ),
    )
    def kern(tflat_hbm, zeros_hbm, src_hbm, dst_hbm, out_hbm, *scr):
        tvs = scr[:ncols]
        avs = scr[ncols:2 * ncols]
        sv0, dv0, sv1, dv1 = scr[2 * ncols:2 * ncols + 4]
        sems = scr[2 * ncols + 4:]
        c = lax.axis_index("c")
        s = lax.axis_index("s")
        wid = c * _NSUB + s
        cg = wid % col_groups
        shard = wid // col_groups
        ebase = shard * ew

        for i in range(ncols):
            coff = pl.multiple_of((cg * ncols + i) * n, 8)
            pltpu.sync_copy(tflat_hbm.at[pl.ds(coff, n)],
                            tvs[i].at[pl.ds(0, n)])
            pltpu.sync_copy(zeros_hbm, avs[i].at[pl.ds(0, n)])

        def start(k, sv, dv, sem_s, sem_d):
            off = pl.multiple_of(ebase + k * _CE, 8)
            pltpu.async_copy(src_hbm.at[pl.ds(off, _CE)], sv, sem_s)
            pltpu.async_copy(dst_hbm.at[pl.ds(off, _CE)], dv, sem_d)

        def wait(sv, dv, sem_s, sem_d):
            pltpu.make_async_copy(src_hbm.at[pl.ds(0, _CE)], sv, sem_s).wait()
            pltpu.make_async_copy(dst_hbm.at[pl.ds(0, _CE)], dv, sem_d).wait()

        def process(sv, dv):
            @plsc.parallel_loop(0, groups, unroll=8)
            def _gbody(g):
                goff = pl.multiple_of(g * 16, 16)
                si = sv[pl.ds(goff, 16)]
                di = dv[pl.ds(goff, 16)]
                for i in range(ncols):
                    vals = plsc.load_gather(tvs[i], [si])
                    plsc.addupdate_scatter(avs[i], [di], vals)

        if nchunks == 1:
            start(0, sv0, dv0, sems[0], sems[1])
            wait(sv0, dv0, sems[0], sems[1])
            process(sv0, dv0)
        else:
            start(0, sv0, dv0, sems[0], sems[1])

            def chunk2_body(k2, carry):
                wait(sv0, dv0, sems[0], sems[1])
                start(2 * k2 + 1, sv1, dv1, sems[2], sems[3])
                process(sv0, dv0)
                wait(sv1, dv1, sems[2], sems[3])

                @pl.when(2 * k2 + 2 < nchunks)
                def _start_next():
                    start(2 * k2 + 2, sv0, dv0, sems[0], sems[1])

                process(sv1, dv1)
                return carry

            lax.fori_loop(0, nchunks // 2, chunk2_body, 0)

        for i in range(ncols):
            ooff = pl.multiple_of((shard * d + cg * ncols + i) * n, 8)
            pltpu.sync_copy(avs[i].at[pl.ds(0, n)],
                            out_hbm.at[pl.ds(ooff, n)])

    return kern


def _edge_pass(n, d, e_pad, ncols=1):
    kern = _edge_pass_kernel(n, d, e_pad, ncols)
    wpc = _NWORKERS // (d // ncols)

    def run(table_t_flat, zeros, src_flat, dst_flat):
        out = kern(table_t_flat, zeros, src_flat, dst_flat)
        return out.reshape(wpc, d, n)

    return run


def _leaky(v):
    return jnp.where(v >= 0, v, 0.01 * v)


def _dgT(a, b):
    return lax.dot_general(a, b, (((0,), (0,)), ((), ())),
                           preferred_element_type=jnp.float32)


def _mm_k(x_ref, w_ref, o_ref):
    o_ref[...] = lax.dot_general(w_ref[...], x_ref[...],
                                 (((0,), (1,)), ((), ())),
                                 preferred_element_type=jnp.float32)


def _bn1_k(aggp_ref, b_ref, g_ref, be_ref, rb_ref, ow_ref,
           h_ref, ho_ref):
    v = jnp.sum(aggp_ref[...], axis=0) + b_ref[...][:, None]
    m = jnp.mean(v, axis=1, keepdims=True)
    var = jnp.mean(v * v, axis=1, keepdims=True) - m * m
    h = _leaky((v - m) * (g_ref[...][:, None] * lax.rsqrt(var + 1e-5))
               + be_ref[...][:, None])
    h_ref[...] = h
    ho_ref[...] = _dgT(ow_ref[...], h) + rb_ref[...][:, None]


def _mono_key(score):
    u = lax.bitcast_convert_type(score, jnp.uint32)
    return u ^ jnp.where(u >> 31 != 0,
                         jnp.uint32(0xFFFFFFFF), jnp.uint32(0x80000000))


def _topk_mask(score, valid, k):
    n = score.shape[1]
    key = _mono_key(score)

    def vbit(b, t):
        tt = t | (jnp.uint32(1) << b)
        cnt = jnp.sum(valid & (key >= tt))
        return jnp.where(cnt >= k, tt, t)

    t = lax.fori_loop(0, 32, lambda i, t: vbit(jnp.uint32(31 - i), t),
                      jnp.uint32(0))
    cnt_gt = jnp.sum(valid & (key > t))
    need = k - cnt_gt
    idx = lax.broadcasted_iota(jnp.int32, (1, n), 1)
    ties = valid & (key == t)

    def ibit(b, m):
        mm = m | (jnp.int32(1) << b)
        cnt = jnp.sum(ties & (idx < mm))
        return jnp.where(cnt < need, mm, m)

    m = lax.fori_loop(0, 15, lambda i, m: ibit(jnp.int32(14 - i), m),
                      jnp.int32(0))
    return valid & ((key > t) | (ties & (idx <= m)))


def _topk1_k(saggp_ref, rw_ref, ho_ref, h_ref, w2_ref, h2lin_ref, sel_ref,
             *, k):
    score = _dgT(rw_ref[...], jnp.sum(saggp_ref[...], axis=0)) + ho_ref[...]
    sel = _topk_mask(score, jnp.full(score.shape, True), k)
    xn = jnp.where(sel, h_ref[...] * jnp.tanh(score), 0.0)
    h2lin_ref[...] = _dgT(w2_ref[...], xn)
    sel_ref[...] = sel.astype(jnp.float32)


def _bn2_k(aggp_ref, sel_ref, b_ref, g_ref, be_ref, rb_ref, ow_ref,
           h2_ref, ho_ref, *, k):
    selv = sel_ref[...]
    v = jnp.sum(aggp_ref[...], axis=0) + b_ref[...][:, None]
    m = jnp.sum(v * selv, axis=1, keepdims=True) / k
    var = jnp.sum(v * v * selv, axis=1, keepdims=True) / k - m * m
    h2 = selv * _leaky((v - m) * (g_ref[...][:, None] * lax.rsqrt(var + 1e-5))
                       + be_ref[...][:, None])
    h2_ref[...] = h2
    ho_ref[...] = _dgT(ow_ref[...], h2) + rb_ref[...][:, None]


def _final_k(saggp_ref, rw_ref, ho_ref, sel_ref, h2_ref,
             f1w_ref, f1b_ref, f2w_ref, f2b_ref, f3w_ref, f3b_ref,
             o_ref, *, k):
    score = _dgT(rw_ref[...], jnp.sum(saggp_ref[...], axis=0)) + ho_ref[...]
    sel2 = _topk_mask(score, sel_ref[...] > 0, k)
    w = jnp.where(sel2, jnp.tanh(score), 0.0)
    ap = jnp.sum(h2_ref[...] * w, axis=1, keepdims=True)
    o = _leaky(_dgT(f1w_ref[...], ap) + f1b_ref[...][:, None])
    o = _leaky(_dgT(f2w_ref[...], o) + f2b_ref[...][:, None])
    o = _leaky(_dgT(f3w_ref[...], o) + f3b_ref[...][:, None])
    o_ref[...] = o


def _call(body, out_shapes):
    return pl.pallas_call(
        body, out_shape=[jax.ShapeDtypeStruct(s, jnp.float32)
                         for s in out_shapes])


def kernel(x, edge_index, edge_weigth, batch,
           W1, b1, g1, be1, p1rw, p1rb, p1ow,
           W2, b2, g2, be2, p2rw, p2rb, p2ow,
           f1w, f1b, f2w, f2b, f3w, f3b):
    n, _ = x.shape
    e = edge_index.shape[1]
    k1 = -(-n // 2)
    k2 = -(-k1 // 2)
    d1 = W1.shape[1]
    d2 = W2.shape[1]

    e_pad = -(-e // (_NWORKERS * _CE)) * (_NWORKERS * _CE)
    pad_idx = n + (jnp.arange(e_pad - e, dtype=jnp.int32) % _NSUB)
    src = jnp.concatenate([edge_index[0], pad_idx])
    dst = jnp.concatenate([edge_index[1], pad_idx])

    ep16 = _edge_pass(n, d1, e_pad, ncols=2)
    ep32 = _edge_pass(n, d2, e_pad, ncols=4)
    zeros = jnp.zeros((n,), jnp.float32)

    (hlinT,) = _call(_mm_k, [(d1, n)])(x, W1)
    agg1p = ep16(hlinT.reshape(-1), zeros, src, dst)
    hT, ho1 = _call(_bn1_k, [(d1, n), (1, n)])(
        agg1p, b1, g1, be1, p1rb, p1ow)

    sagg1p = ep16(hT.reshape(-1), zeros, src, dst)
    h2linT, sel1 = _call(functools.partial(_topk1_k, k=k1),
                         [(d2, n), (1, n)])(sagg1p, p1rw, ho1, hT, W2)

    agg2p = ep32(h2linT.reshape(-1), zeros, src, dst)
    h2T, ho2 = _call(functools.partial(_bn2_k, k=k1),
                     [(d2, n), (1, n)])(
        agg2p, sel1, b2, g2, be2, p2rb, p2ow)

    sagg2p = ep32(h2T.reshape(-1), zeros, src, dst)
    (o,) = _call(functools.partial(_final_k, k=k2), [(2, 1)])(
        sagg2p, p2rw, ho2, sel1, h2T, f1w, f1b, f2w, f2b, f3w, f3b)
    return o.T

# --- scband reference (transcript-rebuilt; emitter-appended) ---
"""Pipeline reference for scband-eegconv-net-mini-v3-7112465842810 (READ-ONLY COPY).

The authoritative reference and input builder live on the scoring server;
editing this copy changes nothing except your own understanding.
"""

import jax, jax.numpy as jnp
import numpy as np

N = 10000
E = 320000
D = 128

def leaky(v, s=0.01):
    return jnp.where(v >= 0, v, s * v)

def batchnorm(v, g, b, eps=1e-5):
    m = v.mean(0)
    var = v.var(0)
    return (v - m) / jnp.sqrt(var + eps) * g + b

def gcn_conv(x, src, dst, W, b, emask, n):
    h = x @ W
    msg = h[src]
    if emask is not None:
        msg = msg * emask[:, None]
    agg = jnp.zeros((n, h.shape[1]), h.dtype).at[dst].add(msg)
    return agg + b

def graphconv_score(x, src, dst, Wrel, brel, Wroot, emask, n):
    msg = x[src]
    if emask is not None:
        msg = msg * emask[:, None]
    agg = jnp.zeros((n, x.shape[1]), x.dtype).at[dst].add(msg)
    return (agg @ Wrel + brel + x @ Wroot)[:, 0]

def sag_pool(x, src, dst, emask_bool, Wrel, brel, Wroot, ratio=0.5):
    n = x.shape[0]
    ef = None if emask_bool is None else emask_bool.astype(x.dtype)
    score = graphconv_score(x, src, dst, Wrel, brel, Wroot, ef, n)
    k = int(np.ceil(ratio * n))
    _, perm = jax.lax.top_k(score, k)
    xn = x[perm] * jnp.tanh(score[perm])[:, None]
    sel = jnp.zeros((n,), dtype=bool).at[perm].set(True)
    nmap = jnp.zeros((n,), jnp.int32).at[perm].set(jnp.arange(k, dtype=jnp.int32))
    new_mask = sel[src] & sel[dst]
    if emask_bool is not None:
        new_mask = new_mask & emask_bool
    return xn, nmap[src], nmap[dst], new_mask

def _forward(x, edge_index, W1, b1, g1, be1, p1rw, p1rb, p1ow, W2, b2, g2, be2, p2rw, p2rb, p2ow, f1w, f1b, f2w, f2b, f3w, f3b):
    src = edge_index[0]
    dst = edge_index[1]
    n = x.shape[0]
    h = leaky(batchnorm(gcn_conv(x, src, dst, W1, b1, None, n), g1, be1))
    x1 = jnp.concatenate([h.max(0, keepdims=True), h.mean(0, keepdims=True)], axis=1)
    h, s, d, m = sag_pool(h, src, dst, None, p1rw, p1rb, p1ow)
    mf = m.astype(h.dtype)
    h2 = leaky(batchnorm(gcn_conv(h, s, d, W2, b2, mf, h.shape[0]), g2, be2))
    h2, s2, d2, m2 = sag_pool(h2, s, d, m, p2rw, p2rb, p2ow)
    x2 = jnp.concatenate([h2.max(0, keepdims=True), h2.mean(0, keepdims=True)], axis=1)
    add_pool = h2.sum(0, keepdims=True)
    o = leaky(add_pool @ f1w + f1b)
    o = leaky(o @ f2w + f2b)
    o = leaky(o @ f3w + f3b)
    return o

def setup_inputs(seed: int = 0):
    key = jax.random.key(seed)
    ks = jax.random.split(key, 16)
    inp = {}
    inp["x"] = jax.random.normal(ks[0], (N, D), dtype=jnp.float32)
    inp["edge_index"] = jax.random.randint(ks[1], (2, E), 0, N, dtype=jnp.int32)
    inp["edge_weigth"] = jax.random.uniform(ks[2], (E,), dtype=jnp.float32)
    inp["batch"] = jnp.zeros((N,), dtype=jnp.int32)
    inp["W1"] = jax.random.normal(ks[3], (D, 16), dtype=jnp.float32) * 0.08
    inp["b1"] = jnp.zeros((16,), jnp.float32)
    inp["g1"] = jnp.ones((16,), jnp.float32)
    inp["be1"] = jnp.zeros((16,), jnp.float32)
    inp["p1rw"] = jax.random.normal(ks[4], (16, 1), jnp.float32) * 0.25
    inp["p1rb"] = jnp.zeros((1,), jnp.float32)
    inp["p1ow"] = jax.random.normal(ks[5], (16, 1), jnp.float32) * 0.25
    inp["W2"] = jax.random.normal(ks[6], (16, 32), jnp.float32) * 0.25
    inp["b2"] = jnp.zeros((32,), jnp.float32)
    inp["g2"] = jnp.ones((32,), jnp.float32)
    inp["be2"] = jnp.zeros((32,), jnp.float32)
    inp["p2rw"] = jax.random.normal(ks[7], (32, 1), jnp.float32) * 0.18
    inp["p2rb"] = jnp.zeros((1,), jnp.float32)
    inp["p2ow"] = jax.random.normal(ks[8], (32, 1), jnp.float32) * 0.18
    inp["f1w"] = jax.random.normal(ks[9], (32, 8), jnp.float32) * 0.18
    inp["f1b"] = jnp.zeros((8,), jnp.float32)
    inp["f2w"] = jax.random.normal(ks[10], (8, 4), jnp.float32) * 0.35
    inp["f2b"] = jnp.zeros((4,), jnp.float32)
    inp["f3w"] = jax.random.normal(ks[11], (4, 2), jnp.float32) * 0.5
    inp["f3b"] = jnp.zeros((2,), jnp.float32)
    return inp

def reference(x, edge_index, edge_weigth, batch, W1, b1, g1, be1, p1rw, p1rb, p1ow, W2, b2, g2, be2, p2rw, p2rb, p2ow, f1w, f1b, f2w, f2b, f3w, f3b):
    return _forward(x, edge_index, W1, b1, g1, be1, p1rw, p1rb, p1ow, W2, b2, g2, be2, p2rw, p2rb, p2ow, f1w, f1b, f2w, f2b, f3w, f3b)

if __name__ == "__main__":
    import jax
    _d = setup_inputs()
    print(jax.jit(kernel)(*tuple(_d.values())))

</pallas_src>

<mosaic_0001>
#map = affine_map<(d0, d1) -> (0)>
module attributes {stable_mosaic.version = 14 : i64} {
  func.func @kern(%arg0: i32, %arg1: i32, %arg2: memref<320000xf32, #tpu.memory_space<hbm>>, %arg3: memref<10000xf32, #tpu.memory_space<hbm>>, %arg4: memref<327680xi32, #tpu.memory_space<hbm>>, %arg5: memref<327680xi32, #tpu.memory_space<hbm>>, %arg6: memref<1280000xf32, #tpu.memory_space<hbm>>, %arg7: memref<10016xf32, #tpu.memory_space<vmem>>, %arg8: memref<10016xf32, #tpu.memory_space<vmem>>, %arg9: memref<10016xf32, #tpu.memory_space<vmem>>, %arg10: memref<10016xf32, #tpu.memory_space<vmem>>, %arg11: memref<10016xf32, #tpu.memory_space<vmem>>, %arg12: memref<10016xf32, #tpu.memory_space<vmem>>, %arg13: memref<10016xf32, #tpu.memory_space<vmem>>, %arg14: memref<10016xf32, #tpu.memory_space<vmem>>, %arg15: memref<10240xi32, #tpu.memory_space<vmem>>, %arg16: memref<10240xi32, #tpu.memory_space<vmem>>, %arg17: memref<10240xi32, #tpu.memory_space<vmem>>, %arg18: memref<10240xi32, #tpu.memory_space<vmem>>, %arg19: memref<!tpu.dma_semaphore, #tpu.memory_space<semaphore_mem>>, %arg20: memref<!tpu.dma_semaphore, #tpu.memory_space<semaphore_mem>>, %arg21: memref<!tpu.dma_semaphore, #tpu.memory_space<semaphore_mem>>, %arg22: memref<!tpu.dma_semaphore, #tpu.memory_space<semaphore_mem>>) attributes {dimension_semantics = [#tpu.dimension_semantics<core_parallel>, #tpu.dimension_semantics<subcore_parallel>], iteration_bounds = array<i64: 2, 16>, scalar_prefetch = 0 : i64, scratch_operands = 16 : i64, tpu.core_type = #tpu.core_type<sc_vector_subcore>, window_params = [{transform_indices = #map}, {transform_indices = #map}, {transform_indices = #map}, {transform_indices = #map}, {transform_indices = #map}]} {
    %mul3A = arith.constant 16 : i32
    %mul3A_0 = arith.muli %arg0, %mul3A : i32
    %add3A = arith.addi %mul3A_0, %arg1 : i32
    %jit3A = arith.constant 8 : i32
    %eq3A = arith.constant 0 : i32
    %eq3A_1 = arith.cmpi eq, %jit3A, %eq3A : i32
    %jit3A_2 = arith.constant 1 : i32
    %select_n3A = arith.select %eq3A_1, %jit3A_2, %jit3A : i32
    %rem3A = arith.remsi %add3A, %select_n3A : i32
    %ne3A = arith.constant 0 : i32
    %ne3A_3 = arith.cmpi ne, %rem3A, %ne3A : i32
    %lt3A = arith.constant 0 : i32
    %lt3A_4 = arith.cmpi slt, %rem3A, %lt3A : i32
    %lt3A_5 = arith.constant 0 : i32
    %lt3A_6 = arith.cmpi slt, %select_n3A, %lt3A_5 : i32
    %ne3A_7 = arith.xori %lt3A_4, %lt3A_6 : i1
    %and3A = arith.andi %ne3A_7, %ne3A_3 : i1
    %add3A_8 = arith.addi %rem3A, %select_n3A : i32
    %select_n3A_9 = arith.select %and3A, %add3A_8, %rem3A : i32
    %jit3A_10 = arith.constant 8 : i32
    %div3A = arith.divsi %add3A, %jit3A_10 : i32
    %sign3A = arith.constant 0 : i32
    %sign3A_11 = arith.cmpi sgt, %add3A, %sign3A : i32
    %sign3A_12 = arith.extui %sign3A_11 : i1 to i32
    %sign3A_13 = arith.constant 0 : i32
    %sign3A_14 = arith.cmpi slt, %add3A, %sign3A_13 : i32
    %sign3A_15 = arith.extui %sign3A_14 : i1 to i32
    %sign3A_16 = arith.subi %sign3A_12, %sign3A_15 : i32
    %sign3A_17 = arith.constant 0 : i32
    %sign3A_18 = arith.cmpi sgt, %jit3A_10, %sign3A_17 : i32
    %sign3A_19 = arith.extui %sign3A_18 : i1 to i32
    %sign3A_20 = arith.constant 0 : i32
    %sign3A_21 = arith.cmpi slt, %jit3A_10, %sign3A_20 : i32
    %sign3A_22 = arith.extui %sign3A_21 : i1 to i32
    %sign3A_23 = arith.subi %sign3A_19, %sign3A_22 : i32
    %ne3A_24 = arith.cmpi ne, %sign3A_16, %sign3A_23 : i32
    %rem3A_25 = arith.remsi %add3A, %jit3A_10 : i32
    %ne3A_26 = arith.constant 0 : i32
    %ne3A_27 = arith.cmpi ne, %rem3A_25, %ne3A_26 : i32
    %and3A_28 = arith.andi %ne3A_24, %ne3A_27 : i1
    %sub3A = arith.constant 1 : i32
    %sub3A_29 = arith.subi %div3A, %sub3A : i32
    %select_n3A_30 = arith.select %and3A_28, %sub3A_29, %div3A : i32
    %mul3A_31 = arith.constant 81920 : i32
    %mul3A_32 = arith.muli %select_n3A_30, %mul3A_31 : i32
    %mul3A_33 = arith.constant 4 : i32
    %mul3A_34 = arith.muli %select_n3A_9, %mul3A_33 : i32
    %add3A_35 = arith.constant 0 : i32
    %add3A_36 = arith.addi %mul3A_34, %add3A_35 : i32
    %mul3A_37 = arith.constant 10000 : i32
    %mul3A_38 = arith.muli %add3A_36, %mul3A_37 : i32
    %multiple_of3A = tpu.assume_multiple %mul3A_38, 8 : i32
    "tpu.region"() ({
      %run_scoped3A = tpu.sem_alloc : memref<!tpu.dma_semaphore, #tpu.memory_space<semaphore_mem>>
      %dma_start3A_111 = arith.constant 0 : i32
      %dma_start3A_112 = tpu.memref_slice %arg7[%dma_start3A_111] : memref<10016xf32, #tpu.memory_space<vmem>> -> memref<10000xf32, #tpu.memory_space<vmem>>
      %dma_start3A_113 = tpu.memref_slice %arg2[%multiple_of3A] : memref<320000xf32, #tpu.memory_space<hbm>> -> memref<10000xf32, #tpu.memory_space<hbm>>
      %dma_start3A_114 = arith.constant 0 : i32
      %dma_start3A_115 = tpu.memref_slice %arg7[%dma_start3A_114] : memref<10016xf32, #tpu.memory_space<vmem>> -> memref<10000xf32, #tpu.memory_space<vmem>>
      %dma_start3A_116 = tpu.memref_slice %arg2[%multiple_of3A] : memref<320000xf32, #tpu.memory_space<hbm>> -> memref<10000xf32, #tpu.memory_space<hbm>>
      tpu.enqueue_dma source(%dma_start3A_116 : memref<10000xf32, #tpu.memory_space<hbm>>) target(%dma_start3A_115 : memref<10000xf32, #tpu.memory_space<vmem>>) target_semaphore(%run_scoped3A : memref<!tpu.dma_semaphore, #tpu.memory_space<semaphore_mem>>)
      %dma_wait3A = arith.constant 0 : i32
      %dma_wait3A_117 = tpu.memref_slice %arg7[%dma_wait3A] : memref<10016xf32, #tpu.memory_space<vmem>> -> memref<10000xf32, #tpu.memory_space<vmem>>
      %dma_wait3A_118 = tpu.memref_slice %arg2[%multiple_of3A] : memref<320000xf32, #tpu.memory_space<hbm>> -> memref<10000xf32, #tpu.memory_space<hbm>>
      %dma_wait3A_119 = arith.constant 0 : i32
      %dma_wait3A_120 = tpu.memref_slice %arg7[%dma_wait3A_119] : memref<10016xf32, #tpu.memory_space<vmem>> -> memref<10000xf32, #tpu.memory_space<vmem>>
      %dma_wait3A_121 = tpu.memref_slice %arg2[%multiple_of3A] : memref<320000xf32, #tpu.memory_space<hbm>> -> memref<10000xf32, #tpu.memory_space<hbm>>
      tpu.wait_dma2 semaphore(%run_scoped3A : memref<!tpu.dma_semaphore, #tpu.memory_space<semaphore_mem>>) src(%dma_wait3A_121 : memref<10000xf32, #tpu.memory_space<hbm>>) dst(%dma_wait3A_120 : memref<10000xf32, #tpu.memory_space<vmem>>)
      tpu.yield
    }) : () -> ()
    "tpu.region"() ({
      %run_scoped3A = tpu.sem_alloc : memref<!tpu.dma_semaphore, #tpu.memory_space<semaphore_mem>>
      %dma_start3A_111 = arith.constant 0 : i32
      %dma_start3A_112 = tpu.memref_slice %arg11[%dma_start3A_111] : memref<10016xf32, #tpu.memory_space<vmem>> -> memref<10000xf32, #tpu.memory_space<vmem>>
      %dma_start3A_113 = arith.constant 0 : i32
      %dma_start3A_114 = tpu.memref_slice %arg11[%dma_start3A_113] : memref<10016xf32, #tpu.memory_space<vmem>> -> memref<10000xf32, #tpu.memory_space<vmem>>
      tpu.enqueue_dma source(%arg3 : memref<10000xf32, #tpu.memory_space<hbm>>) target(%dma_start3A_114 : memref<10000xf32, #tpu.memory_space<vmem>>) target_semaphore(%run_scoped3A : memref<!tpu.dma_semaphore, #tpu.memory_space<semaphore_mem>>)
      %dma_wait3A = arith.constant 0 : i32
      %dma_wait3A_115 = tpu.memref_slice %arg11[%dma_wait3A] : memref<10016xf32, #tpu.memory_space<vmem>> -> memref<10000xf32, #tpu.memory_space<vmem>>
      %dma_wait3A_116 = arith.constant 0 : i32
      %dma_wait3A_117 = tpu.memref_slice %arg11[%dma_wait3A_116] : memref<10016xf32, #tpu.memory_space<vmem>> -> memref<10000xf32, #tpu.memory_space<vmem>>
      tpu.wait_dma2 semaphore(%run_scoped3A : memref<!tpu.dma_semaphore, #tpu.memory_space<semaphore_mem>>) src(%arg3 : memref<10000xf32, #tpu.memory_space<hbm>>) dst(%dma_wait3A_117 : memref<10000xf32, #tpu.memory_space<vmem>>)
      tpu.yield
    }) : () -> ()
    %mul3A_39 = arith.constant 4 : i32
    %mul3A_40 = arith.muli %select_n3A_9, %mul3A_39 : i32
    %add3A_41 = arith.constant 1 : i32
    %add3A_42 = arith.addi %mul3A_40, %add3A_41 : i32
    %mul3A_43 = arith.constant 10000 : i32
    %mul3A_44 = arith.muli %add3A_42, %mul3A_43 : i32
    %multiple_of3A_45 = tpu.assume_multiple %mul3A_44, 8 : i32
    "tpu.region"() ({
      %run_scoped3A = tpu.sem_alloc : memref<!tpu.dma_semaphore, #tpu.memory_space<semaphore_mem>>
      %dma_start3A_111 = arith.constant 0 : i32
      %dma_start3A_112 = tpu.memref_slice %arg8[%dma_start3A_111] : memref<10016xf32, #tpu.memory_space<vmem>> -> memref<10000xf32, #tpu.memory_space<vmem>>
      %dma_start3A_113 = tpu.memref_slice %arg2[%multiple_of3A_45] : memref<320000xf32, #tpu.memory_space<hbm>> -> memref<10000xf32, #tpu.memory_space<hbm>>
      %dma_start3A_114 = arith.constant 0 : i32
      %dma_start3A_115 = tpu.memref_slice %arg8[%dma_start3A_114] : memref<10016xf32, #tpu.memory_space<vmem>> -> memref<10000xf32, #tpu.memory_space<vmem>>
      %dma_start3A_116 = tpu.memref_slice %arg2[%multiple_of3A_45] : memref<320000xf32, #tpu.memory_space<hbm>> -> memref<10000xf32, #tpu.memory_space<hbm>>
      tpu.enqueue_dma source(%dma_start3A_116 : memref<10000xf32, #tpu.memory_space<hbm>>) target(%dma_start3A_115 : memref<10000xf32, #tpu.memory_space<vmem>>) target_semaphore(%run_scoped3A : memref<!tpu.dma_semaphore, #tpu.memory_space<semaphore_mem>>)
      %dma_wait3A = arith.constant 0 : i32
      %dma_wait3A_117 = tpu.memref_slice %arg8[%dma_wait3A] : memref<10016xf32, #tpu.memory_space<vmem>> -> memref<10000xf32, #tpu.memory_space<vmem>>
      %dma_wait3A_118 = tpu.memref_slice %arg2[%multiple_of3A_45] : memref<320000xf32, #tpu.memory_space<hbm>> -> memref<10000xf32, #tpu.memory_space<hbm>>
      %dma_wait3A_119 = arith.constant 0 : i32
      %dma_wait3A_120 = tpu.memref_slice %arg8[%dma_wait3A_119] : memref<10016xf32, #tpu.memory_space<vmem>> -> memref<10000xf32, #tpu.memory_space<vmem>>
      %dma_wait3A_121 = tpu.memref_slice %arg2[%multiple_of3A_45] : memref<320000xf32, #tpu.memory_space<hbm>> -> memref<10000xf32, #tpu.memory_space<hbm>>
      tpu.wait_dma2 semaphore(%run_scoped3A : memref<!tpu.dma_semaphore, #tpu.memory_space<semaphore_mem>>) src(%dma_wait3A_121 : memref<10000xf32, #tpu.memory_space<hbm>>) dst(%dma_wait3A_120 : memref<10000xf32, #tpu.memory_space<vmem>>)
      tpu.yield
    }) : () -> ()
    "tpu.region"() ({
      %run_scoped3A = tpu.sem_alloc : memref<!tpu.dma_semaphore, #tpu.memory_space<semaphore_mem>>
      %dma_start3A_111 = arith.constant 0 : i32
      %dma_start3A_112 = tpu.memref_slice %arg12[%dma_start3A_111] : memref<10016xf32, #tpu.memory_space<vmem>> -> memref<10000xf32, #tpu.memory_space<vmem>>
      %dma_start3A_113 = arith.constant 0 : i32
      %dma_start3A_114 = tpu.memref_slice %arg12[%dma_start3A_113] : memref<10016xf32, #tpu.memory_space<vmem>> -> memref<10000xf32, #tpu.memory_space<vmem>>
      tpu.enqueue_dma source(%arg3 : memref<10000xf32, #tpu.memory_space<hbm>>) target(%dma_start3A_114 : memref<10000xf32, #tpu.memory_space<vmem>>) target_semaphore(%run_scoped3A : memref<!tpu.dma_semaphore, #tpu.memory_space<semaphore_mem>>)
      %dma_wait3A = arith.constant 0 : i32
      %dma_wait3A_115 = tpu.memref_slice %arg12[%dma_wait3A] : memref<10016xf32, #tpu.memory_space<vmem>> -> memref<10000xf32, #tpu.memory_space<vmem>>
      %dma_wait3A_116 = arith.constant 0 : i32
      %dma_wait3A_117 = tpu.memref_slice %arg12[%dma_wait3A_116] : memref<10016xf32, #tpu.memory_space<vmem>> -> memref<10000xf32, #tpu.memory_space<vmem>>
      tpu.wait_dma2 semaphore(%run_scoped3A : memref<!tpu.dma_semaphore, #tpu.memory_space<semaphore_mem>>) src(%arg3 : memref<10000xf32, #tpu.memory_space<hbm>>) dst(%dma_wait3A_117 : memref<10000xf32, #tpu.memory_space<vmem>>)
      tpu.yield
    }) : () -> ()
    %mul3A_46 = arith.constant 4 : i32
    %mul3A_47 = arith.muli %select_n3A_9, %mul3A_46 : i32
    %add3A_48 = arith.constant 2 : i32
    %add3A_49 = arith.addi %mul3A_47, %add3A_48 : i32
    %mul3A_50 = arith.constant 10000 : i32
    %mul3A_51 = arith.muli %add3A_49, %mul3A_50 : i32
    %multiple_of3A_52 = tpu.assume_multiple %mul3A_51, 8 : i32
    "tpu.region"() ({
      %run_scoped3A = tpu.sem_alloc : memref<!tpu.dma_semaphore, #tpu.memory_space<semaphore_mem>>
      %dma_start3A_111 = arith.constant 0 : i32
      %dma_start3A_112 = tpu.memref_slice %arg9[%dma_start3A_111] : memref<10016xf32, #tpu.memory_space<vmem>> -> memref<10000xf32, #tpu.memory_space<vmem>>
      %dma_start3A_113 = tpu.memref_slice %arg2[%multiple_of3A_52] : memref<320000xf32, #tpu.memory_space<hbm>> -> memref<10000xf32, #tpu.memory_space<hbm>>
      %dma_start3A_114 = arith.constant 0 : i32
      %dma_start3A_115 = tpu.memref_slice %arg9[%dma_start3A_114] : memref<10016xf32, #tpu.memory_space<vmem>> -> memref<10000xf32, #tpu.memory_space<vmem>>
      %dma_start3A_116 = tpu.memref_slice %arg2[%multiple_of3A_52] : memref<320000xf32, #tpu.memory_space<hbm>> -> memref<10000xf32, #tpu.memory_space<hbm>>
      tpu.enqueue_dma source(%dma_start3A_116 : memref<10000xf32, #tpu.memory_space<hbm>>) target(%dma_start3A_115 : memref<10000xf32, #tpu.memory_space<vmem>>) target_semaphore(%run_scoped3A : memref<!tpu.dma_semaphore, #tpu.memory_space<semaphore_mem>>)
      %dma_wait3A = arith.constant 0 : i32
      %dma_wait3A_117 = tpu.memref_slice %arg9[%dma_wait3A] : memref<10016xf32, #tpu.memory_space<vmem>> -> memref<10000xf32, #tpu.memory_space<vmem>>
      %dma_wait3A_118 = tpu.memref_slice %arg2[%multiple_of3A_52] : memref<320000xf32, #tpu.memory_space<hbm>> -> memref<10000xf32, #tpu.memory_space<hbm>>
      %dma_wait3A_119 = arith.constant 0 : i32
      %dma_wait3A_120 = tpu.memref_slice %arg9[%dma_wait3A_119] : memref<10016xf32, #tpu.memory_space<vmem>> -> memref<10000xf32, #tpu.memory_space<vmem>>
      %dma_wait3A_121 = tpu.memref_slice %arg2[%multiple_of3A_52] : memref<320000xf32, #tpu.memory_space<hbm>> -> memref<10000xf32, #tpu.memory_space<hbm>>
      tpu.wait_dma2 semaphore(%run_scoped3A : memref<!tpu.dma_semaphore, #tpu.memory_space<semaphore_mem>>) src(%dma_wait3A_121 : memref<10000xf32, #tpu.memory_space<hbm>>) dst(%dma_wait3A_120 : memref<10000xf32, #tpu.memory_space<vmem>>)
      tpu.yield
    }) : () -> ()
    "tpu.region"() ({
      %run_scoped3A = tpu.sem_alloc : memref<!tpu.dma_semaphore, #tpu.memory_space<semaphore_mem>>
      %dma_start3A_111 = arith.constant 0 : i32
      %dma_start3A_112 = tpu.memref_slice %arg13[%dma_start3A_111] : memref<10016xf32, #tpu.memory_space<vmem>> -> memref<10000xf32, #tpu.memory_space<vmem>>
      %dma_start3A_113 = arith.constant 0 : i32
      %dma_start3A_114 = tpu.memref_slice %arg13[%dma_start3A_113] : memref<10016xf32, #tpu.memory_space<vmem>> -> memref<10000xf32, #tpu.memory_space<vmem>>
      tpu.enqueue_dma source(%arg3 : memref<10000xf32, #tpu.memory_space<hbm>>) target(%dma_start3A_114 : memref<10000xf32, #tpu.memory_space<vmem>>) target_semaphore(%run_scoped3A : memref<!tpu.dma_semaphore, #tpu.memory_space<semaphore_mem>>)
      %dma_wait3A = arith.constant 0 : i32
      %dma_wait3A_115 = tpu.memref_slice %arg13[%dma_wait3A] : memref<10016xf32, #tpu.memory_space<vmem>> -> memref<10000xf32, #tpu.memory_space<vmem>>
      %dma_wait3A_116 = arith.constant 0 : i32
      %dma_wait3A_117 = tpu.memref_slice %arg13[%dma_wait3A_116] : memref<10016xf32, #tpu.memory_space<vmem>> -> memref<10000xf32, #tpu.memory_space<vmem>>
      tpu.wait_dma2 semaphore(%run_scoped3A : memref<!tpu.dma_semaphore, #tpu.memory_space<semaphore_mem>>) src(%arg3 : memref<10000xf32, #tpu.memory_space<hbm>>) dst(%dma_wait3A_117 : memref<10000xf32, #tpu.memory_space<vmem>>)
      tpu.yield
    }) : () -> ()
    %mul3A_53 = arith.constant 4 : i32
    %mul3A_54 = arith.muli %select_n3A_9, %mul3A_53 : i32
    %add3A_55 = arith.constant 3 : i32
    %add3A_56 = arith.addi %mul3A_54, %add3A_55 : i32
    %mul3A_57 = arith.constant 10000 : i32
    %mul3A_58 = arith.muli %add3A_56, %mul3A_57 : i32
    %multiple_of3A_59 = tpu.assume_multiple %mul3A_58, 8 : i32
    "tpu.region"() ({
      %run_scoped3A = tpu.sem_alloc : memref<!tpu.dma_semaphore, #tpu.memory_space<semaphore_mem>>
      %dma_start3A_111 = arith.constant 0 : i32
      %dma_start3A_112 = tpu.memref_slice %arg10[%dma_start3A_111] : memref<10016xf32, #tpu.memory_space<vmem>> -> memref<10000xf32, #tpu.memory_space<vmem>>
      %dma_start3A_113 = tpu.memref_slice %arg2[%multiple_of3A_59] : memref<320000xf32, #tpu.memory_space<hbm>> -> memref<10000xf32, #tpu.memory_space<hbm>>
      %dma_start3A_114 = arith.constant 0 : i32
      %dma_start3A_115 = tpu.memref_slice %arg10[%dma_start3A_114] : memref<10016xf32, #tpu.memory_space<vmem>> -> memref<10000xf32, #tpu.memory_space<vmem>>
      %dma_start3A_116 = tpu.memref_slice %arg2[%multiple_of3A_59] : memref<320000xf32, #tpu.memory_space<hbm>> -> memref<10000xf32, #tpu.memory_space<hbm>>
      tpu.enqueue_dma source(%dma_start3A_116 : memref<10000xf32, #tpu.memory_space<hbm>>) target(%dma_start3A_115 : memref<10000xf32, #tpu.memory_space<vmem>>) target_semaphore(%run_scoped3A : memref<!tpu.dma_semaphore, #tpu.memory_space<semaphore_mem>>)
      %dma_wait3A = arith.constant 0 : i32
      %dma_wait3A_117 = tpu.memref_slice %arg10[%dma_wait3A] : memref<10016xf32, #tpu.memory_space<vmem>> -> memref<10000xf32, #tpu.memory_space<vmem>>
      %dma_wait3A_118 = tpu.memref_slice %arg2[%multiple_of3A_59] : memref<320000xf32, #tpu.memory_space<hbm>> -> memref<10000xf32, #tpu.memory_space<hbm>>
      %dma_wait3A_119 = arith.constant 0 : i32
      %dma_wait3A_120 = tpu.memref_slice %arg10[%dma_wait3A_119] : memref<10016xf32, #tpu.memory_space<vmem>> -> memref<10000xf32, #tpu.memory_space<vmem>>
      %dma_wait3A_121 = tpu.memref_slice %arg2[%multiple_of3A_59] : memref<320000xf32, #tpu.memory_space<hbm>> -> memref<10000xf32, #tpu.memory_space<hbm>>
      tpu.wait_dma2 semaphore(%run_scoped3A : memref<!tpu.dma_semaphore, #tpu.memory_space<semaphore_mem>>) src(%dma_wait3A_121 : memref<10000xf32, #tpu.memory_space<hbm>>) dst(%dma_wait3A_120 : memref<10000xf32, #tpu.memory_space<vmem>>)
      tpu.yield
    }) : () -> ()
    "tpu.region"() ({
      %run_scoped3A = tpu.sem_alloc : memref<!tpu.dma_semaphore, #tpu.memory_space<semaphore_mem>>
      %dma_start3A_111 = arith.constant 0 : i32
      %dma_start3A_112 = tpu.memref_slice %arg14[%dma_start3A_111] : memref<10016xf32, #tpu.memory_space<vmem>> -> memref<10000xf32, #tpu.memory_space<vmem>>
      %dma_start3A_113 = arith.constant 0 : i32
      %dma_start3A_114 = tpu.memref_slice %arg14[%dma_start3A_113] : memref<10016xf32, #tpu.memory_space<vmem>> -> memref<10000xf32, #tpu.memory_space<vmem>>
      tpu.enqueue_dma source(%arg3 : memref<10000xf32, #tpu.memory_space<hbm>>) target(%dma_start3A_114 : memref<10000xf32, #tpu.memory_space<vmem>>) target_semaphore(%run_scoped3A : memref<!tpu.dma_semaphore, #tpu.memory_space<semaphore_mem>>)
      %dma_wait3A = arith.constant 0 : i32
      %dma_wait3A_115 = tpu.memref_slice %arg14[%dma_wait3A] : memref<10016xf32, #tpu.memory_space<vmem>> -> memref<10000xf32, #tpu.memory_space<vmem>>
      %dma_wait3A_116 = arith.constant 0 : i32
      %dma_wait3A_117 = tpu.memref_slice %arg14[%dma_wait3A_116] : memref<10016xf32, #tpu.memory_space<vmem>> -> memref<10000xf32, #tpu.memory_space<vmem>>
      tpu.wait_dma2 semaphore(%run_scoped3A : memref<!tpu.dma_semaphore, #tpu.memory_space<semaphore_mem>>) src(%arg3 : memref<10000xf32, #tpu.memory_space<hbm>>) dst(%dma_wait3A_117 : memref<10000xf32, #tpu.memory_space<vmem>>)
      tpu.yield
    }) : () -> ()
    %add3A_60 = arith.constant 0 : i32
    %add3A_61 = arith.addi %mul3A_32, %add3A_60 : i32
    %multiple_of3A_62 = tpu.assume_multiple %add3A_61, 8 : i32
    %dma_start3A = tpu.memref_slice %arg4[%multiple_of3A_62] : memref<327680xi32, #tpu.memory_space<hbm>> -> memref<10240xi32, #tpu.memory_space<hbm>>
    %dma_start3A_63 = tpu.memref_slice %arg4[%multiple_of3A_62] : memref<327680xi32, #tpu.memory_space<hbm>> -> memref<10240xi32, #tpu.memory_space<hbm>>
    tpu.enqueue_dma source(%dma_start3A_63 : memref<10240xi32, #tpu.memory_space<hbm>>) target(%arg15 : memref<10240xi32, #tpu.memory_space<vmem>>) target_semaphore(%arg19 : memref<!tpu.dma_semaphore, #tpu.memory_space<semaphore_mem>>)
    %dma_start3A_64 = tpu.memref_slice %arg5[%multiple_of3A_62] : memref<327680xi32, #tpu.memory_space<hbm>> -> memref<10240xi32, #tpu.memory_space<hbm>>
    %dma_start3A_65 = tpu.memref_slice %arg5[%multiple_of3A_62] : memref<327680xi32, #tpu.memory_space<hbm>> -> memref<10240xi32, #tpu.memory_space<hbm>>
    tpu.enqueue_dma source(%dma_start3A_65 : memref<10240xi32, #tpu.memory_space<hbm>>) target(%arg16 : memref<10240xi32, #tpu.memory_space<vmem>>) target_semaphore(%arg20 : memref<!tpu.dma_semaphore, #tpu.memory_space<semaphore_mem>>)
    %scan3A = arith.constant 0 : i32
    %scan3A_66 = arith.constant 0 : i32
    %scan3A_67 = arith.constant 4 : i32
    %scan3A_68 = arith.addi %scan3A_66, %scan3A_67 : i32
    %scan3A_69 = arith.constant 1 : i32
    scf.for %scan3A_111 = %scan3A_66 to %scan3A_68 step %scan3A_69  : i32 {
      %dma_wait3A = arith.constant 0 : i32
      %dma_wait3A_112 = tpu.memref_slice %arg4[%dma_wait3A] : memref<327680xi32, #tpu.memory_space<hbm>> -> memref<10240xi32, #tpu.memory_space<hbm>>
      %dma_wait3A_113 = arith.constant 0 : i32
      %dma_wait3A_114 = tpu.memref_slice %arg4[%dma_wait3A_113] : memref<327680xi32, #tpu.memory_space<hbm>> -> memref<10240xi32, #tpu.memory_space<hbm>>
      tpu.wait_dma2 semaphore(%arg19 : memref<!tpu.dma_semaphore, #tpu.memory_space<semaphore_mem>>) src(%dma_wait3A_114 : memref<10240xi32, #tpu.memory_space<hbm>>) dst(%arg15 : memref<10240xi32, #tpu.memory_space<vmem>>)
      %dma_wait3A_115 = arith.constant 0 : i32
      %dma_wait3A_116 = tpu.memref_slice %arg5[%dma_wait3A_115] : memref<327680xi32, #tpu.memory_space<hbm>> -> memref<10240xi32, #tpu.memory_space<hbm>>
      %dma_wait3A_117 = arith.constant 0 : i32
      %dma_wait3A_118 = tpu.memref_slice %arg5[%dma_wait3A_117] : memref<327680xi32, #tpu.memory_space<hbm>> -> memref<10240xi32, #tpu.memory_space<hbm>>
      tpu.wait_dma2 semaphore(%arg20 : memref<!tpu.dma_semaphore, #tpu.memory_space<semaphore_mem>>) src(%dma_wait3A_118 : memref<10240xi32, #tpu.memory_space<hbm>>) dst(%arg16 : memref<10240xi32, #tpu.memory_space<vmem>>)
      %mul3A_119 = arith.constant 2 : i32
      %mul3A_120 = arith.muli %mul3A_119, %scan3A_111 : i32
      %add3A_121 = arith.constant 1 : i32
      %add3A_122 = arith.addi %mul3A_120, %add3A_121 : i32
      %mul3A_123 = arith.constant 10240 : i32
      %mul3A_124 = arith.muli %add3A_122, %mul3A_123 : i32
      %add3A_125 = arith.addi %mul3A_32, %mul3A_124 : i32
      %multiple_of3A_126 = tpu.assume_multiple %add3A_125, 8 : i32
      %dma_start3A_127 = tpu.memref_slice %arg4[%multiple_of3A_126] : memref<327680xi32, #tpu.memory_space<hbm>> -> memref<10240xi32, #tpu.memory_space<hbm>>
      %dma_start3A_128 = tpu.memref_slice %arg4[%multiple_of3A_126] : memref<327680xi32, #tpu.memory_space<hbm>> -> memref<10240xi32, #tpu.memory_space<hbm>>
      tpu.enqueue_dma source(%dma_start3A_128 : memref<10240xi32, #tpu.memory_space<hbm>>) target(%arg17 : memref<10240xi32, #tpu.memory_space<vmem>>) target_semaphore(%arg21 : memref<!tpu.dma_semaphore, #tpu.memory_space<semaphore_mem>>)
      %dma_start3A_129 = tpu.memref_slice %arg5[%multiple_of3A_126] : memref<327680xi32, #tpu.memory_space<hbm>> -> memref<10240xi32, #tpu.memory_space<hbm>>
      %dma_start3A_130 = tpu.memref_slice %arg5[%multiple_of3A_126] : memref<327680xi32, #tpu.memory_space<hbm>> -> memref<10240xi32, #tpu.memory_space<hbm>>
      tpu.enqueue_dma source(%dma_start3A_130 : memref<10240xi32, #tpu.memory_space<hbm>>) target(%arg18 : memref<10240xi32, #tpu.memory_space<vmem>>) target_semaphore(%arg22 : memref<!tpu.dma_semaphore, #tpu.memory_space<semaphore_mem>>)
      %parallel_loop3A = arith.constant 0 : i32
      %parallel_loop3A_131 = arith.constant 640 : i32
      %parallel_loop3A_132 = arith.constant 1 : i32
      scf.for %parallel_loop3A_151 = %parallel_loop3A to %parallel_loop3A_131 step %parallel_loop3A_132  : i32 {
        %parallel_loop3A_152 = arith.constant 16 : i32
        %parallel_loop3A_153 = arith.muli %parallel_loop3A_151, %parallel_loop3A_152 : i32
        %parallel_loop3A_154 = tpu.assume_multiple %parallel_loop3A_153, 16 : i32
        %parallel_loop3A_155 = arith.index_cast %parallel_loop3A_154 : i32 to index
        %parallel_loop3A_156 = tpu.vector_load %arg15[%parallel_loop3A_155] {strides = array<i32>} : memref<10240xi32, #tpu.memory_space<vmem>>, vector<16xi32>,
        %parallel_loop3A_157 = arith.index_cast %parallel_loop3A_154 : i32 to index
        %parallel_loop3A_158 = tpu.vector_load %arg16[%parallel_loop3A_157] {strides = array<i32>} : memref<10240xi32, #tpu.memory_space<vmem>>, vector<16xi32>,
        %parallel_loop3A_159 = tpu.vector_load_idx %arg7[%parallel_loop3A_156] : memref<10016xf32, #tpu.memory_space<vmem>>[vector<16xi32>], vector<16xf32>,
        tpu.vector_store_idx %arg11[%parallel_loop3A_158], %parallel_loop3A_159 {add = true} : memref<10016xf32, #tpu.memory_space<vmem>>[vector<16xi32>], vector<16xf32>,
        %parallel_loop3A_160 = tpu.vector_load_idx %arg8[%parallel_loop3A_156] : memref<10016xf32, #tpu.memory_space<vmem>>[vector<16xi32>], vector<16xf32>,
        tpu.vector_store_idx %arg12[%parallel_loop3A_158], %parallel_loop3A_160 {add = true} : memref<10016xf32, #tpu.memory_space<vmem>>[vector<16xi32>], vector<16xf32>,
        %parallel_loop3A_161 = tpu.vector_load_idx %arg9[%parallel_loop3A_156] : memref<10016xf32, #tpu.memory_space<vmem>>[vector<16xi32>], vector<16xf32>,
        tpu.vector_store_idx %arg13[%parallel_loop3A_158], %parallel_loop3A_161 {add = true} : memref<10016xf32, #tpu.memory_space<vmem>>[vector<16xi32>], vector<16xf32>,
        %parallel_loop3A_162 = tpu.vector_load_idx %arg10[%parallel_loop3A_156] : memref<10016xf32, #tpu.memory_space<vmem>>[vector<16xi32>], vector<16xf32>,
        tpu.vector_store_idx %arg14[%parallel_loop3A_158], %parallel_loop3A_162 {add = true} : memref<10016xf32, #tpu.memory_space<vmem>>[vector<16xi32>], vector<16xf32>,
      } {sc.loop_unroll_factor = 8 : i64, sc.parallel_access}
      %dma_wait3A_133 = arith.constant 0 : i32
      %dma_wait3A_134 = tpu.memref_slice %arg4[%dma_wait3A_133] : memref<327680xi32, #tpu.memory_space<hbm>> -> memref<10240xi32, #tpu.memory_space<hbm>>
      %dma_wait3A_135 = arith.constant 0 : i32
      %dma_wait3A_136 = tpu.memref_slice %arg4[%dma_wait3A_135] : memref<327680xi32, #tpu.memory_space<hbm>> -> memref<10240xi32, #tpu.memory_space<hbm>>
      tpu.wait_dma2 semaphore(%arg21 : memref<!tpu.dma_semaphore, #tpu.memory_space<semaphore_mem>>) src(%dma_wait3A_136 : memref<10240xi32, #tpu.memory_space<hbm>>) dst(%arg17 : memref<10240xi32, #tpu.memory_space<vmem>>)
      %dma_wait3A_137 = arith.constant 0 : i32
      %dma_wait3A_138 = tpu.memref_slice %arg5[%dma_wait3A_137] : memref<327680xi32, #tpu.memory_space<hbm>> -> memref<10240xi32, #tpu.memory_space<hbm>>
      %dma_wait3A_139 = arith.constant 0 : i32
      %dma_wait3A_140 = tpu.memref_slice %arg5[%dma_wait3A_139] : memref<327680xi32, #tpu.memory_space<hbm>> -> memref<10240xi32, #tpu.memory_space<hbm>>
      tpu.wait_dma2 semaphore(%arg22 : memref<!tpu.dma_semaphore, #tpu.memory_space<semaphore_mem>>) src(%dma_wait3A_140 : memref<10240xi32, #tpu.memory_space<hbm>>) dst(%arg18 : memref<10240xi32, #tpu.memory_space<vmem>>)
      %mul3A_141 = arith.constant 2 : i32
      %mul3A_142 = arith.muli %mul3A_141, %scan3A_111 : i32
      %add3A_143 = arith.constant 2 : i32
      %add3A_144 = arith.addi %mul3A_142, %add3A_143 : i32
      %lt3A_145 = arith.constant 8 : i32
      %lt3A_146 = arith.cmpi slt, %add3A_144, %lt3A_145 : i32
      %convert_element_type3A = arith.extui %lt3A_146 : i1 to i32
      %cond3A = arith.constant 0 : i32
      %cond3A_147 = arith.cmpi ne, %convert_element_type3A, %cond3A : i32
      scf.if %cond3A_147 {
        %mul3A_151 = arith.constant 2 : i32
        %mul3A_152 = arith.muli %mul3A_151, %scan3A_111 : i32
        %add3A_153 = arith.constant 2 : i32
        %add3A_154 = arith.addi %mul3A_152, %add3A_153 : i32
        %mul3A_155 = arith.constant 10240 : i32
        %mul3A_156 = arith.muli %add3A_154, %mul3A_155 : i32
        %add3A_157 = arith.addi %mul3A_32, %mul3A_156 : i32
        %multiple_of3A_158 = tpu.assume_multiple %add3A_157, 8 : i32
        %dma_start3A_159 = tpu.memref_slice %arg4[%multiple_of3A_158] : memref<327680xi32, #tpu.memory_space<hbm>> -> memref<10240xi32, #tpu.memory_space<hbm>>
        %dma_start3A_160 = tpu.memref_slice %arg4[%multiple_of3A_158] : memref<327680xi32, #tpu.memory_space<hbm>> -> memref<10240xi32, #tpu.memory_space<hbm>>
        tpu.enqueue_dma source(%dma_start3A_160 : memref<10240xi32, #tpu.memory_space<hbm>>) target(%arg15 : memref<10240xi32, #tpu.memory_space<vmem>>) target_semaphore(%arg19 : memref<!tpu.dma_semaphore, #tpu.memory_space<semaphore_mem>>)
        %dma_start3A_161 = tpu.memref_slice %arg5[%multiple_of3A_158] : memref<327680xi32, #tpu.memory_space<hbm>> -> memref<10240xi32, #tpu.memory_space<hbm>>
        %dma_start3A_162 = tpu.memref_slice %arg5[%multiple_of3A_158] : memref<327680xi32, #tpu.memory_space<hbm>> -> memref<10240xi32, #tpu.memory_space<hbm>>
        tpu.enqueue_dma source(%dma_start3A_162 : memref<10240xi32, #tpu.memory_space<hbm>>) target(%arg16 : memref<10240xi32, #tpu.memory_space<vmem>>) target_semaphore(%arg20 : memref<!tpu.dma_semaphore, #tpu.memory_space<semaphore_mem>>)
      } else {
      }
      %parallel_loop3A_148 = arith.constant 0 : i32
      %parallel_loop3A_149 = arith.constant 640 : i32
      %parallel_loop3A_150 = arith.constant 1 : i32
      scf.for %parallel_loop3A_151 = %parallel_loop3A_148 to %parallel_loop3A_149 step %parallel_loop3A_150  : i32 {
        %parallel_loop3A_152 = arith.constant 16 : i32
        %parallel_loop3A_153 = arith.muli %parallel_loop3A_151, %parallel_loop3A_152 : i32
        %parallel_loop3A_154 = tpu.assume_multiple %parallel_loop3A_153, 16 : i32
        %parallel_loop3A_155 = arith.index_cast %parallel_loop3A_154 : i32 to index
        %parallel_loop3A_156 = tpu.vector_load %arg17[%parallel_loop3A_155] {strides = array<i32>} : memref<10240xi32, #tpu.memory_space<vmem>>, vector<16xi32>,
        %parallel_loop3A_157 = arith.index_cast %parallel_loop3A_154 : i32 to index
        %parallel_loop3A_158 = tpu.vector_load %arg18[%parallel_loop3A_157] {strides = array<i32>} : memref<10240xi32, #tpu.memory_space<vmem>>, vector<16xi32>,
        %parallel_loop3A_159 = tpu.vector_load_idx %arg7[%parallel_loop3A_156] : memref<10016xf32, #tpu.memory_space<vmem>>[vector<16xi32>], vector<16xf32>,
        tpu.vector_store_idx %arg11[%parallel_loop3A_158], %parallel_loop3A_159 {add = true} : memref<10016xf32, #tpu.memory_space<vmem>>[vector<16xi32>], vector<16xf32>,
        %parallel_loop3A_160 = tpu.vector_load_idx %arg8[%parallel_loop3A_156] : memref<10016xf32, #tpu.memory_space<vmem>>[vector<16xi32>], vector<16xf32>,
        tpu.vector_store_idx %arg12[%parallel_loop3A_158], %parallel_loop3A_160 {add = true} : memref<10016xf32, #tpu.memory_space<vmem>>[vector<16xi32>], vector<16xf32>,
        %parallel_loop3A_161 = tpu.vector_load_idx %arg9[%parallel_loop3A_156] : memref<10016xf32, #tpu.memory_space<vmem>>[vector<16xi32>], vector<16xf32>,
        tpu.vector_store_idx %arg13[%parallel_loop3A_158], %parallel_loop3A_161 {add = true} : memref<10016xf32, #tpu.memory_space<vmem>>[vector<16xi32>], vector<16xf32>,
        %parallel_loop3A_162 = tpu.vector_load_idx %arg10[%parallel_loop3A_156] : memref<10016xf32, #tpu.memory_space<vmem>>[vector<16xi32>], vector<16xf32>,
        tpu.vector_store_idx %arg14[%parallel_loop3A_158], %parallel_loop3A_162 {add = true} : memref<10016xf32, #tpu.memory_space<vmem>>[vector<16xi32>], vector<16xf32>,
      } {sc.loop_unroll_factor = 8 : i64, sc.parallel_access}
    }
    %scan3A_70 = arith.constant 4 : i32
    %mul3A_71 = arith.constant 32 : i32
    %mul3A_72 = arith.muli %select_n3A_30, %mul3A_71 : i32
    %mul3A_73 = arith.constant 4 : i32
    %mul3A_74 = arith.muli %select_n3A_9, %mul3A_73 : i32
    %add3A_75 = arith.addi %mul3A_72, %mul3A_74 : i32
    %add3A_76 = arith.constant 0 : i32
    %add3A_77 = arith.addi %add3A_75, %add3A_76 : i32
    %mul3A_78 = arith.constant 10000 : i32
    %mul3A_79 = arith.muli %add3A_77, %mul3A_78 : i32
    %multiple_of3A_80 = tpu.assume_multiple %mul3A_79, 8 : i32
    "tpu.region"() ({
      %run_scoped3A = tpu.sem_alloc : memref<!tpu.dma_semaphore, #tpu.memory_space<semaphore_mem>>
      %dma_start3A_111 = arith.constant 0 : i32
      %dma_start3A_112 = tpu.memref_slice %arg11[%dma_start3A_111] : memref<10016xf32, #tpu.memory_space<vmem>> -> memref<10000xf32, #tpu.memory_space<vmem>>
      %dma_start3A_113 = tpu.memref_slice %arg6[%multiple_of3A_80] : memref<1280000xf32, #tpu.memory_space<hbm>> -> memref<10000xf32, #tpu.memory_space<hbm>>
      %dma_start3A_114 = tpu.memref_slice %arg6[%multiple_of3A_80] : memref<1280000xf32, #tpu.memory_space<hbm>> -> memref<10000xf32, #tpu.memory_space<hbm>>
      %dma_start3A_115 = arith.constant 0 : i32
      %dma_start3A_116 = tpu.memref_slice %arg11[%dma_start3A_115] : memref<10016xf32, #tpu.memory_space<vmem>> -> memref<10000xf32, #tpu.memory_space<vmem>>
      tpu.enqueue_dma source(%dma_start3A_116 : memref<10000xf32, #tpu.memory_space<vmem>>) target(%dma_start3A_114 : memref<10000xf32, #tpu.memory_space<hbm>>) target_semaphore(%run_scoped3A : memref<!tpu.dma_semaphore, #tpu.memory_space<semaphore_mem>>)
      %dma_wait3A = arith.constant 0 : i32
      %dma_wait3A_117 = tpu.memref_slice %arg11[%dma_wait3A] : memref<10016xf32, #tpu.memory_space<vmem>> -> memref<10000xf32, #tpu.memory_space<vmem>>
      %dma_wait3A_118 = tpu.memref_slice %arg6[%multiple_of3A_80] : memref<1280000xf32, #tpu.memory_space<hbm>> -> memref<10000xf32, #tpu.memory_space<hbm>>
      %dma_wait3A_119 = tpu.memref_slice %arg6[%multiple_of3A_80] : memref<1280000xf32, #tpu.memory_space<hbm>> -> memref<10000xf32, #tpu.memory_space<hbm>>
      %dma_wait3A_120 = arith.constant 0 : i32
      %dma_wait3A_121 = tpu.memref_slice %arg11[%dma_wait3A_120] : memref<10016xf32, #tpu.memory_space<vmem>> -> memref<10000xf32, #tpu.memory_space<vmem>>
      tpu.wait_dma2 semaphore(%run_scoped3A : memref<!tpu.dma_semaphore, #tpu.memory_space<semaphore_mem>>) src(%dma_wait3A_121 : memref<10000xf32, #tpu.memory_space<vmem>>) dst(%dma_wait3A_119 : memref<10000xf32, #tpu.memory_space<hbm>>)
      tpu.yield
    }) : () -> ()
    %mul3A_81 = arith.constant 32 : i32
    %mul3A_82 = arith.muli %select_n3A_30, %mul3A_81 : i32
    %mul3A_83 = arith.constant 4 : i32
    %mul3A_84 = arith.muli %select_n3A_9, %mul3A_83 : i32
    %add3A_85 = arith.addi %mul3A_82, %mul3A_84 : i32
    %add3A_86 = arith.constant 1 : i32
    %add3A_87 = arith.addi %add3A_85, %add3A_86 : i32
    %mul3A_88 = arith.constant 10000 : i32
    %mul3A_89 = arith.muli %add3A_87, %mul3A_88 : i32
    %multiple_of3A_90 = tpu.assume_multiple %mul3A_89, 8 : i32
    "tpu.region"() ({
      %run_scoped3A = tpu.sem_alloc : memref<!tpu.dma_semaphore, #tpu.memory_space<semaphore_mem>>
      %dma_start3A_111 = arith.constant 0 : i32
      %dma_start3A_112 = tpu.memref_slice %arg12[%dma_start3A_111] : memref<10016xf32, #tpu.memory_space<vmem>> -> memref<10000xf32, #tpu.memory_space<vmem>>
      %dma_start3A_113 = tpu.memref_slice %arg6[%multiple_of3A_90] : memref<1280000xf32, #tpu.memory_space<hbm>> -> memref<10000xf32, #tpu.memory_space<hbm>>
      %dma_start3A_114 = tpu.memref_slice %arg6[%multiple_of3A_90] : memref<1280000xf32, #tpu.memory_space<hbm>> -> memref<10000xf32, #tpu.memory_space<hbm>>
      %dma_start3A_115 = arith.constant 0 : i32
      %dma_start3A_116 = tpu.memref_slice %arg12[%dma_start3A_115] : memref<10016xf32, #tpu.memory_space<vmem>> -> memref<10000xf32, #tpu.memory_space<vmem>>
      tpu.enqueue_dma source(%dma_start3A_116 : memref<10000xf32, #tpu.memory_space<vmem>>) target(%dma_start3A_114 : memref<10000xf32, #tpu.memory_space<hbm>>) target_semaphore(%run_scoped3A : memref<!tpu.dma_semaphore, #tpu.memory_space<semaphore_mem>>)
      %dma_wait3A = arith.constant 0 : i32
      %dma_wait3A_117 = tpu.memref_slice %arg12[%dma_wait3A] : memref<10016xf32, #tpu.memory_space<vmem>> -> memref<10000xf32, #tpu.memory_space<vmem>>
      %dma_wait3A_118 = tpu.memref_slice %arg6[%multiple_of3A_90] : memref<1280000xf32, #tpu.memory_space<hbm>> -> memref<10000xf32, #tpu.memory_space<hbm>>
      %dma_wait3A_119 = tpu.memref_slice %arg6[%multiple_of3A_90] : memref<1280000xf32, #tpu.memory_space<hbm>> -> memref<10000xf32, #tpu.memory_space<hbm>>
      %dma_wait3A_120 = arith.constant 0 : i32
      %dma_wait3A_121 = tpu.memref_slice %arg12[%dma_wait3A_120] : memref<10016xf32, #tpu.memory_space<vmem>> -> memref<10000xf32, #tpu.memory_space<vmem>>
      tpu.wait_dma2 semaphore(%run_scoped3A : memref<!tpu.dma_semaphore, #tpu.memory_space<semaphore_mem>>) src(%dma_wait3A_121 : memref<10000xf32, #tpu.memory_space<vmem>>) dst(%dma_wait3A_119 : memref<10000xf32, #tpu.memory_space<hbm>>)
      tpu.yield
    }) : () -> ()
    %mul3A_91 = arith.constant 32 : i32
    %mul3A_92 = arith.muli %select_n3A_30, %mul3A_91 : i32
    %mul3A_93 = arith.constant 4 : i32
    %mul3A_94 = arith.muli %select_n3A_9, %mul3A_93 : i32
    %add3A_95 = arith.addi %mul3A_92, %mul3A_94 : i32
    %add3A_96 = arith.constant 2 : i32
    %add3A_97 = arith.addi %add3A_95, %add3A_96 : i32
    %mul3A_98 = arith.constant 10000 : i32
    %mul3A_99 = arith.muli %add3A_97, %mul3A_98 : i32
    %multiple_of3A_100 = tpu.assume_multiple %mul3A_99, 8 : i32
    "tpu.region"() ({
      %run_scoped3A = tpu.sem_alloc : memref<!tpu.dma_semaphore, #tpu.memory_space<semaphore_mem>>
      %dma_start3A_111 = arith.constant 0 : i32
      %dma_start3A_112 = tpu.memref_slice %arg13[%dma_start3A_111] : memref<10016xf32, #tpu.memory_space<vmem>> -> memref<10000xf32, #tpu.memory_space<vmem>>
      %dma_start3A_113 = tpu.memref_slice %arg6[%multiple_of3A_100] : memref<1280000xf32, #tpu.memory_space<hbm>> -> memref<10000xf32, #tpu.memory_space<hbm>>
      %dma_start3A_114 = tpu.memref_slice %arg6[%multiple_of3A_100] : memref<1280000xf32, #tpu.memory_space<hbm>> -> memref<10000xf32, #tpu.memory_space<hbm>>
      %dma_start3A_115 = arith.constant 0 : i32
      %dma_start3A_116 = tpu.memref_slice %arg13[%dma_start3A_115] : memref<10016xf32, #tpu.memory_space<vmem>> -> memref<10000xf32, #tpu.memory_space<vmem>>
      tpu.enqueue_dma source(%dma_start3A_116 : memref<10000xf32, #tpu.memory_space<vmem>>) target(%dma_start3A_114 : memref<10000xf32, #tpu.memory_space<hbm>>) target_semaphore(%run_scoped3A : memref<!tpu.dma_semaphore, #tpu.memory_space<semaphore_mem>>)
      %dma_wait3A = arith.constant 0 : i32
      %dma_wait3A_117 = tpu.memref_slice %arg13[%dma_wait3A] : memref<10016xf32, #tpu.memory_space<vmem>> -> memref<10000xf32, #tpu.memory_space<vmem>>
      %dma_wait3A_118 = tpu.memref_slice %arg6[%multiple_of3A_100] : memref<1280000xf32, #tpu.memory_space<hbm>> -> memref<10000xf32, #tpu.memory_space<hbm>>
      %dma_wait3A_119 = tpu.memref_slice %arg6[%multiple_of3A_100] : memref<1280000xf32, #tpu.memory_space<hbm>> -> memref<10000xf32, #tpu.memory_space<hbm>>
      %dma_wait3A_120 = arith.constant 0 : i32
      %dma_wait3A_121 = tpu.memref_slice %arg13[%dma_wait3A_120] : memref<10016xf32, #tpu.memory_space<vmem>> -> memref<10000xf32, #tpu.memory_space<vmem>>
      tpu.wait_dma2 semaphore(%run_scoped3A : memref<!tpu.dma_semaphore, #tpu.memory_space<semaphore_mem>>) src(%dma_wait3A_121 : memref<10000xf32, #tpu.memory_space<vmem>>) dst(%dma_wait3A_119 : memref<10000xf32, #tpu.memory_space<hbm>>)
      tpu.yield
    }) : () -> ()
    %mul3A_101 = arith.constant 32 : i32
    %mul3A_102 = arith.muli %select_n3A_30, %mul3A_101 : i32
    %mul3A_103 = arith.constant 4 : i32
    %mul3A_104 = arith.muli %select_n3A_9, %mul3A_103 : i32
    %add3A_105 = arith.addi %mul3A_102, %mul3A_104 : i32
    %add3A_106 = arith.constant 3 : i32
    %add3A_107 = arith.addi %add3A_105, %add3A_106 : i32
    %mul3A_108 = arith.constant 10000 : i32
    %mul3A_109 = arith.muli %add3A_107, %mul3A_108 : i32
    %multiple_of3A_110 = tpu.assume_multiple %mul3A_109, 8 : i32
    "tpu.region"() ({
      %run_scoped3A = tpu.sem_alloc : memref<!tpu.dma_semaphore, #tpu.memory_space<semaphore_mem>>
      %dma_start3A_111 = arith.constant 0 : i32
      %dma_start3A_112 = tpu.memref_slice %arg14[%dma_start3A_111] : memref<10016xf32, #tpu.memory_space<vmem>> -> memref<10000xf32, #tpu.memory_space<vmem>>
      %dma_start3A_113 = tpu.memref_slice %arg6[%multiple_of3A_110] : memref<1280000xf32, #tpu.memory_space<hbm>> -> memref<10000xf32, #tpu.memory_space<hbm>>
      %dma_start3A_114 = tpu.memref_slice %arg6[%multiple_of3A_110] : memref<1280000xf32, #tpu.memory_space<hbm>> -> memref<10000xf32, #tpu.memory_space<hbm>>
      %dma_start3A_115 = arith.constant 0 : i32
      %dma_start3A_116 = tpu.memref_slice %arg14[%dma_start3A_115] : memref<10016xf32, #tpu.memory_space<vmem>> -> memref<10000xf32, #tpu.memory_space<vmem>>
      tpu.enqueue_dma source(%dma_start3A_116 : memref<10000xf32, #tpu.memory_space<vmem>>) target(%dma_start3A_114 : memref<10000xf32, #tpu.memory_space<hbm>>) target_semaphore(%run_scoped3A : memref<!tpu.dma_semaphore, #tpu.memory_space<semaphore_mem>>)
      %dma_wait3A = arith.constant 0 : i32
      %dma_wait3A_117 = tpu.memref_slice %arg14[%dma_wait3A] : memref<10016xf32, #tpu.memory_space<vmem>> -> memref<10000xf32, #tpu.memory_space<vmem>>
      %dma_wait3A_118 = tpu.memref_slice %arg6[%multiple_of3A_110] : memref<1280000xf32, #tpu.memory_space<hbm>> -> memref<10000xf32, #tpu.memory_space<hbm>>
      %dma_wait3A_119 = tpu.memref_slice %arg6[%multiple_of3A_110] : memref<1280000xf32, #tpu.memory_space<hbm>> -> memref<10000xf32, #tpu.memory_space<hbm>>
      %dma_wait3A_120 = arith.constant 0 : i32
      %dma_wait3A_121 = tpu.memref_slice %arg14[%dma_wait3A_120] : memref<10016xf32, #tpu.memory_space<vmem>> -> memref<10000xf32, #tpu.memory_space<vmem>>
      tpu.wait_dma2 semaphore(%run_scoped3A : memref<!tpu.dma_semaphore, #tpu.memory_space<semaphore_mem>>) src(%dma_wait3A_121 : memref<10000xf32, #tpu.memory_space<vmem>>) dst(%dma_wait3A_119 : memref<10000xf32, #tpu.memory_space<hbm>>)
      tpu.yield
    }) : () -> ()
    return
  }
}

#map = affine_map<(d0, d1) -> (0)>
module attributes {stable_mosaic.version = 14 : i64} {
  func.func @kern(%arg0: i32, %arg1: i32, %arg2: memref<160000xf32, #tpu.memory_space<hbm>>, %arg3: memref<10000xf32, #tpu.memory_space<hbm>>, %arg4: memref<327680xi32, #tpu.memory_space<hbm>>, %arg5: memref<327680xi32, #tpu.memory_space<hbm>>, %arg6: memref<640000xf32, #tpu.memory_space<hbm>>, %arg7: memref<10016xf32, #tpu.memory_space<vmem>>, %arg8: memref<10016xf32, #tpu.memory_space<vmem>>, %arg9: memref<10016xf32, #tpu.memory_space<vmem>>, %arg10: memref<10016xf32, #tpu.memory_space<vmem>>, %arg11: memref<10240xi32, #tpu.memory_space<vmem>>, %arg12: memref<10240xi32, #tpu.memory_space<vmem>>, %arg13: memref<10240xi32, #tpu.memory_space<vmem>>, %arg14: memref<10240xi32, #tpu.memory_space<vmem>>, %arg15: memref<!tpu.dma_semaphore, #tpu.memory_space<semaphore_mem>>, %arg16: memref<!tpu.dma_semaphore, #tpu.memory_space<semaphore_mem>>, %arg17: memref<!tpu.dma_semaphore, #tpu.memory_space<semaphore_mem>>, %arg18: memref<!tpu.dma_semaphore, #tpu.memory_space<semaphore_mem>>) attributes {dimension_semantics = [#tpu.dimension_semantics<core_parallel>, #tpu.dimension_semantics<subcore_parallel>], iteration_bounds = array<i64: 2, 16>, scalar_prefetch = 0 : i64, scratch_operands = 12 : i64, tpu.core_type = #tpu.core_type<sc_vector_subcore>, window_params = [{transform_indices = #map}, {transform_indices = #map}, {transform_indices = #map}, {transform_indices = #map}, {transform_indices = #map}]} {
    %mul3A = arith.constant 16 : i32
    %mul3A_0 = arith.muli %arg0, %mul3A : i32
    %add3A = arith.addi %mul3A_0, %arg1 : i32
    %jit3A = arith.constant 8 : i32
    %eq3A = arith.constant 0 : i32
    %eq3A_1 = arith.cmpi eq, %jit3A, %eq3A : i32
    %jit3A_2 = arith.constant 1 : i32
    %select_n3A = arith.select %eq3A_1, %jit3A_2, %jit3A : i32
    %rem3A = arith.remsi %add3A, %select_n3A : i32
    %ne3A = arith.constant 0 : i32
    %ne3A_3 = arith.cmpi ne, %rem3A, %ne3A : i32
    %lt3A = arith.constant 0 : i32
    %lt3A_4 = arith.cmpi slt, %rem3A, %lt3A : i32
    %lt3A_5 = arith.constant 0 : i32
    %lt3A_6 = arith.cmpi slt, %select_n3A, %lt3A_5 : i32
    %ne3A_7 = arith.xori %lt3A_4, %lt3A_6 : i1
    %and3A = arith.andi %ne3A_7, %ne3A_3 : i1
    %add3A_8 = arith.addi %rem3A, %select_n3A : i32
    %select_n3A_9 = arith.select %and3A, %add3A_8, %rem3A : i32
    %jit3A_10 = arith.constant 8 : i32
    %div3A = arith.divsi %add3A, %jit3A_10 : i32
    %sign3A = arith.constant 0 : i32
    %sign3A_11 = arith.cmpi sgt, %add3A, %sign3A : i32
    %sign3A_12 = arith.extui %sign3A_11 : i1 to i32
    %sign3A_13 = arith.constant 0 : i32
    %sign3A_14 = arith.cmpi slt, %add3A, %sign3A_13 : i32
    %sign3A_15 = arith.extui %sign3A_14 : i1 to i32
    %sign3A_16 = arith.subi %sign3A_12, %sign3A_15 : i32
    %sign3A_17 = arith.constant 0 : i32
    %sign3A_18 = arith.cmpi sgt, %jit3A_10, %sign3A_17 : i32
    %sign3A_19 = arith.extui %sign3A_18 : i1 to i32
    %sign3A_20 = arith.constant 0 : i32
    %sign3A_21 = arith.cmpi slt, %jit3A_10, %sign3A_20 : i32
    %sign3A_22 = arith.extui %sign3A_21 : i1 to i32
    %sign3A_23 = arith.subi %sign3A_19, %sign3A_22 : i32
    %ne3A_24 = arith.cmpi ne, %sign3A_16, %sign3A_23 : i32
    %rem3A_25 = arith.remsi %add3A, %jit3A_10 : i32
    %ne3A_26 = arith.constant 0 : i32
    %ne3A_27 = arith.cmpi ne, %rem3A_25, %ne3A_26 : i32
    %and3A_28 = arith.andi %ne3A_24, %ne3A_27 : i1
    %sub3A = arith.constant 1 : i32
    %sub3A_29 = arith.subi %div3A, %sub3A : i32
    %select_n3A_30 = arith.select %and3A_28, %sub3A_29, %div3A : i32
    %mul3A_31 = arith.constant 81920 : i32
    %mul3A_32 = arith.muli %select_n3A_30, %mul3A_31 : i32
    %mul3A_33 = arith.constant 2 : i32
    %mul3A_34 = arith.muli %select_n3A_9, %mul3A_33 : i32
    %add3A_35 = arith.constant 0 : i32
    %add3A_36 = arith.addi %mul3A_34, %add3A_35 : i32
    %mul3A_37 = arith.constant 10000 : i32
    %mul3A_38 = arith.muli %add3A_36, %mul3A_37 : i32
    %multiple_of3A = tpu.assume_multiple %mul3A_38, 8 : i32
    "tpu.region"() ({
      %run_scoped3A = tpu.sem_alloc : memref<!tpu.dma_semaphore, #tpu.memory_space<semaphore_mem>>
      %dma_start3A_77 = arith.constant 0 : i32
      %dma_start3A_78 = tpu.memref_slice %arg7[%dma_start3A_77] : memref<10016xf32, #tpu.memory_space<vmem>> -> memref<10000xf32, #tpu.memory_space<vmem>>
      %dma_start3A_79 = tpu.memref_slice %arg2[%multiple_of3A] : memref<160000xf32, #tpu.memory_space<hbm>> -> memref<10000xf32, #tpu.memory_space<hbm>>
      %dma_start3A_80 = arith.constant 0 : i32
      %dma_start3A_81 = tpu.memref_slice %arg7[%dma_start3A_80] : memref<10016xf32, #tpu.memory_space<vmem>> -> memref<10000xf32, #tpu.memory_space<vmem>>
      %dma_start3A_82 = tpu.memref_slice %arg2[%multiple_of3A] : memref<160000xf32, #tpu.memory_space<hbm>> -> memref<10000xf32, #tpu.memory_space<hbm>>
      tpu.enqueue_dma source(%dma_start3A_82 : memref<10000xf32, #tpu.memory_space<hbm>>) target(%dma_start3A_81 : memref<10000xf32, #tpu.memory_space<vmem>>) target_semaphore(%run_scoped3A : memref<!tpu.dma_semaphore, #tpu.memory_space<semaphore_mem>>)
      %dma_wait3A = arith.constant 0 : i32
      %dma_wait3A_83 = tpu.memref_slice %arg7[%dma_wait3A] : memref<10016xf32, #tpu.memory_space<vmem>> -> memref<10000xf32, #tpu.memory_space<vmem>>
      %dma_wait3A_84 = tpu.memref_slice %arg2[%multiple_of3A] : memref<160000xf32, #tpu.memory_space<hbm>> -> memref<10000xf32, #tpu.memory_space<hbm>>
      %dma_wait3A_85 = arith.constant 0 : i32
      %dma_wait3A_86 = tpu.memref_slice %arg7[%dma_wait3A_85] : memref<10016xf32, #tpu.memory_space<vmem>> -> memref<10000xf32, #tpu.memory_space<vmem>>
      %dma_wait3A_87 = tpu.memref_slice %arg2[%multiple_of3A] : memref<160000xf32, #tpu.memory_space<hbm>> -> memref<10000xf32, #tpu.memory_space<hbm>>
      tpu.wait_dma2 semaphore(%run_scoped3A : memref<!tpu.dma_semaphore, #tpu.memory_space<semaphore_mem>>) src(%dma_wait3A_87 : memref<10000xf32, #tpu.memory_space<hbm>>) dst(%dma_wait3A_86 : memref<10000xf32, #tpu.memory_space<vmem>>)
      tpu.yield
    }) : () -> ()
    "tpu.region"() ({
      %run_scoped3A = tpu.sem_alloc : memref<!tpu.dma_semaphore, #tpu.memory_space<semaphore_mem>>
      %dma_start3A_77 = arith.constant 0 : i32
      %dma_start3A_78 = tpu.memref_slice %arg9[%dma_start3A_77] : memref<10016xf32, #tpu.memory_space<vmem>> -> memref<10000xf32, #tpu.memory_space<vmem>>
      %dma_start3A_79 = arith.constant 0 : i32
      %dma_start3A_80 = tpu.memref_slice %arg9[%dma_start3A_79] : memref<10016xf32, #tpu.memory_space<vmem>> -> memref<10000xf32, #tpu.memory_space<vmem>>
      tpu.enqueue_dma source(%arg3 : memref<10000xf32, #tpu.memory_space<hbm>>) target(%dma_start3A_80 : memref<10000xf32, #tpu.memory_space<vmem>>) target_semaphore(%run_scoped3A : memref<!tpu.dma_semaphore, #tpu.memory_space<semaphore_mem>>)
      %dma_wait3A = arith.constant 0 : i32
      %dma_wait3A_81 = tpu.memref_slice %arg9[%dma_wait3A] : memref<10016xf32, #tpu.memory_space<vmem>> -> memref<10000xf32, #tpu.memory_space<vmem>>
      %dma_wait3A_82 = arith.constant 0 : i32
      %dma_wait3A_83 = tpu.memref_slice %arg9[%dma_wait3A_82] : memref<10016xf32, #tpu.memory_space<vmem>> -> memref<10000xf32, #tpu.memory_space<vmem>>
      tpu.wait_dma2 semaphore(%run_scoped3A : memref<!tpu.dma_semaphore, #tpu.memory_space<semaphore_mem>>) src(%arg3 : memref<10000xf32, #tpu.memory_space<hbm>>) dst(%dma_wait3A_83 : memref<10000xf32, #tpu.memory_space<vmem>>)
      tpu.yield
    }) : () -> ()
    %mul3A_39 = arith.constant 2 : i32
    %mul3A_40 = arith.muli %select_n3A_9, %mul3A_39 : i32
    %add3A_41 = arith.constant 1 : i32
    %add3A_42 = arith.addi %mul3A_40, %add3A_41 : i32
    %mul3A_43 = arith.constant 10000 : i32
    %mul3A_44 = arith.muli %add3A_42, %mul3A_43 : i32
    %multiple_of3A_45 = tpu.assume_multiple %mul3A_44, 8 : i32
    "tpu.region"() ({
      %run_scoped3A = tpu.sem_alloc : memref<!tpu.dma_semaphore, #tpu.memory_space<semaphore_mem>>
      %dma_start3A_77 = arith.constant 0 : i32
      %dma_start3A_78 = tpu.memref_slice %arg8[%dma_start3A_77] : memref<10016xf32, #tpu.memory_space<vmem>> -> memref<10000xf32, #tpu.memory_space<vmem>>
      %dma_start3A_79 = tpu.memref_slice %arg2[%multiple_of3A_45] : memref<160000xf32, #tpu.memory_space<hbm>> -> memref<10000xf32, #tpu.memory_space<hbm>>
      %dma_start3A_80 = arith.constant 0 : i32
      %dma_start3A_81 = tpu.memref_slice %arg8[%dma_start3A_80] : memref<10016xf32, #tpu.memory_space<vmem>> -> memref<10000xf32, #tpu.memory_space<vmem>>
      %dma_start3A_82 = tpu.memref_slice %arg2[%multiple_of3A_45] : memref<160000xf32, #tpu.memory_space<hbm>> -> memref<10000xf32, #tpu.memory_space<hbm>>
      tpu.enqueue_dma source(%dma_start3A_82 : memref<10000xf32, #tpu.memory_space<hbm>>) target(%dma_start3A_81 : memref<10000xf32, #tpu.memory_space<vmem>>) target_semaphore(%run_scoped3A : memref<!tpu.dma_semaphore, #tpu.memory_space<semaphore_mem>>)
      %dma_wait3A = arith.constant 0 : i32
      %dma_wait3A_83 = tpu.memref_slice %arg8[%dma_wait3A] : memref<10016xf32, #tpu.memory_space<vmem>> -> memref<10000xf32, #tpu.memory_space<vmem>>
      %dma_wait3A_84 = tpu.memref_slice %arg2[%multiple_of3A_45] : memref<160000xf32, #tpu.memory_space<hbm>> -> memref<10000xf32, #tpu.memory_space<hbm>>
      %dma_wait3A_85 = arith.constant 0 : i32
      %dma_wait3A_86 = tpu.memref_slice %arg8[%dma_wait3A_85] : memref<10016xf32, #tpu.memory_space<vmem>> -> memref<10000xf32, #tpu.memory_space<vmem>>
      %dma_wait3A_87 = tpu.memref_slice %arg2[%multiple_of3A_45] : memref<160000xf32, #tpu.memory_space<hbm>> -> memref<10000xf32, #tpu.memory_space<hbm>>
      tpu.wait_dma2 semaphore(%run_scoped3A : memref<!tpu.dma_semaphore, #tpu.memory_space<semaphore_mem>>) src(%dma_wait3A_87 : memref<10000xf32, #tpu.memory_space<hbm>>) dst(%dma_wait3A_86 : memref<10000xf32, #tpu.memory_space<vmem>>)
      tpu.yield
    }) : () -> ()
    "tpu.region"() ({
      %run_scoped3A = tpu.sem_alloc : memref<!tpu.dma_semaphore, #tpu.memory_space<semaphore_mem>>
      %dma_start3A_77 = arith.constant 0 : i32
      %dma_start3A_78 = tpu.memref_slice %arg10[%dma_start3A_77] : memref<10016xf32, #tpu.memory_space<vmem>> -> memref<10000xf32, #tpu.memory_space<vmem>>
      %dma_start3A_79 = arith.constant 0 : i32
      %dma_start3A_80 = tpu.memref_slice %arg10[%dma_start3A_79] : memref<10016xf32, #tpu.memory_space<vmem>> -> memref<10000xf32, #tpu.memory_space<vmem>>
      tpu.enqueue_dma source(%arg3 : memref<10000xf32, #tpu.memory_space<hbm>>) target(%dma_start3A_80 : memref<10000xf32, #tpu.memory_space<vmem>>) target_semaphore(%run_scoped3A : memref<!tpu.dma_semaphore, #tpu.memory_space<semaphore_mem>>)
      %dma_wait3A = arith.constant 0 : i32
      %dma_wait3A_81 = tpu.memref_slice %arg10[%dma_wait3A] : memref<10016xf32, #tpu.memory_space<vmem>> -> memref<10000xf32, #tpu.memory_space<vmem>>
      %dma_wait3A_82 = arith.constant 0 : i32
      %dma_wait3A_83 = tpu.memref_slice %arg10[%dma_wait3A_82] : memref<10016xf32, #tpu.memory_space<vmem>> -> memref<10000xf32, #tpu.memory_space<vmem>>
      tpu.wait_dma2 semaphore(%run_scoped3A : memref<!tpu.dma_semaphore, #tpu.memory_space<semaphore_mem>>) src(%arg3 : memref<10000xf32, #tpu.memory_space<hbm>>) dst(%dma_wait3A_83 : memref<10000xf32, #tpu.memory_space<vmem>>)
      tpu.yield
    }) : () -> ()
    %add3A_46 = arith.constant 0 : i32
    %add3A_47 = arith.addi %mul3A_32, %add3A_46 : i32
    %multiple_of3A_48 = tpu.assume_multiple %add3A_47, 8 : i32
    %dma_start3A = tpu.memref_slice %arg4[%multiple_of3A_48] : memref<327680xi32, #tpu.memory_space<hbm>> -> memref<10240xi32, #tpu.memory_space<hbm>>
    %dma_start3A_49 = tpu.memref_slice %arg4[%multiple_of3A_48] : memref<327680xi32, #tpu.memory_space<hbm>> -> memref<10240xi32, #tpu.memory_space<hbm>>
    tpu.enqueue_dma source(%dma_start3A_49 : memref<10240xi32, #tpu.memory_space<hbm>>) target(%arg11 : memref<10240xi32, #tpu.memory_space<vmem>>) target_semaphore(%arg15 : memref<!tpu.dma_semaphore, #tpu.memory_space<semaphore_mem>>)
    %dma_start3A_50 = tpu.memref_slice %arg5[%multiple_of3A_48] : memref<327680xi32, #tpu.memory_space<hbm>> -> memref<10240xi32, #tpu.memory_space<hbm>>
    %dma_start3A_51 = tpu.memref_slice %arg5[%multiple_of3A_48] : memref<327680xi32, #tpu.memory_space<hbm>> -> memref<10240xi32, #tpu.memory_space<hbm>>
    tpu.enqueue_dma source(%dma_start3A_51 : memref<10240xi32, #tpu.memory_space<hbm>>) target(%arg12 : memref<10240xi32, #tpu.memory_space<vmem>>) target_semaphore(%arg16 : memref<!tpu.dma_semaphore, #tpu.memory_space<semaphore_mem>>)
    %scan3A = arith.constant 0 : i32
    %scan3A_52 = arith.constant 0 : i32
    %scan3A_53 = arith.constant 4 : i32
    %scan3A_54 = arith.addi %scan3A_52, %scan3A_53 : i32
    %scan3A_55 = arith.constant 1 : i32
    scf.for %scan3A_77 = %scan3A_52 to %scan3A_54 step %scan3A_55  : i32 {
      %dma_wait3A = arith.constant 0 : i32
      %dma_wait3A_78 = tpu.memref_slice %arg4[%dma_wait3A] : memref<327680xi32, #tpu.memory_space<hbm>> -> memref<10240xi32, #tpu.memory_space<hbm>>
      %dma_wait3A_79 = arith.constant 0 : i32
      %dma_wait3A_80 = tpu.memref_slice %arg4[%dma_wait3A_79] : memref<327680xi32, #tpu.memory_space<hbm>> -> memref<10240xi32, #tpu.memory_space<hbm>>
      tpu.wait_dma2 semaphore(%arg15 : memref<!tpu.dma_semaphore, #tpu.memory_space<semaphore_mem>>) src(%dma_wait3A_80 : memref<10240xi32, #tpu.memory_space<hbm>>) dst(%arg11 : memref<10240xi32, #tpu.memory_space<vmem>>)
      %dma_wait3A_81 = arith.constant 0 : i32
      %dma_wait3A_82 = tpu.memref_slice %arg5[%dma_wait3A_81] : memref<327680xi32, #tpu.memory_space<hbm>> -> memref<10240xi32, #tpu.memory_space<hbm>>
      %dma_wait3A_83 = arith.constant 0 : i32
      %dma_wait3A_84 = tpu.memref_slice %arg5[%dma_wait3A_83] : memref<327680xi32, #tpu.memory_space<hbm>> -> memref<10240xi32, #tpu.memory_space<hbm>>
      tpu.wait_dma2 semaphore(%arg16 : memref<!tpu.dma_semaphore, #tpu.memory_space<semaphore_mem>>) src(%dma_wait3A_84 : memref<10240xi32, #tpu.memory_space<hbm>>) dst(%arg12 : memref<10240xi32, #tpu.memory_space<vmem>>)
      %mul3A_85 = arith.constant 2 : i32
      %mul3A_86 = arith.muli %mul3A_85, %scan3A_77 : i32
      %add3A_87 = arith.constant 1 : i32
      %add3A_88 = arith.addi %mul3A_86, %add3A_87 : i32
      %mul3A_89 = arith.constant 10240 : i32
      %mul3A_90 = arith.muli %add3A_88, %mul3A_89 : i32
      %add3A_91 = arith.addi %mul3A_32, %mul3A_90 : i32
      %multiple_of3A_92 = tpu.assume_multiple %add3A_91, 8 : i32
      %dma_start3A_93 = tpu.memref_slice %arg4[%multiple_of3A_92] : memref<327680xi32, #tpu.memory_space<hbm>> -> memref<10240xi32, #tpu.memory_space<hbm>>
      %dma_start3A_94 = tpu.memref_slice %arg4[%multiple_of3A_92] : memref<327680xi32, #tpu.memory_space<hbm>> -> memref<10240xi32, #tpu.memory_space<hbm>>
      tpu.enqueue_dma source(%dma_start3A_94 : memref<10240xi32, #tpu.memory_space<hbm>>) target(%arg13 : memref<10240xi32, #tpu.memory_space<vmem>>) target_semaphore(%arg17 : memref<!tpu.dma_semaphore, #tpu.memory_space<semaphore_mem>>)
      %dma_start3A_95 = tpu.memref_slice %arg5[%multiple_of3A_92] : memref<327680xi32, #tpu.memory_space<hbm>> -> memref<10240xi32, #tpu.memory_space<hbm>>
      %dma_start3A_96 = tpu.memref_slice %arg5[%multiple_of3A_92] : memref<327680xi32, #tpu.memory_space<hbm>> -> memref<10240xi32, #tpu.memory_space<hbm>>
      tpu.enqueue_dma source(%dma_start3A_96 : memref<10240xi32, #tpu.memory_space<hbm>>) target(%arg14 : memref<10240xi32, #tpu.memory_space<vmem>>) target_semaphore(%arg18 : memref<!tpu.dma_semaphore, #tpu.memory_space<semaphore_mem>>)
      %parallel_loop3A = arith.constant 0 : i32
      %parallel_loop3A_97 = arith.constant 640 : i32
      %parallel_loop3A_98 = arith.constant 1 : i32
      scf.for %parallel_loop3A_117 = %parallel_loop3A to %parallel_loop3A_97 step %parallel_loop3A_98  : i32 {
        %parallel_loop3A_118 = arith.constant 16 : i32
        %parallel_loop3A_119 = arith.muli %parallel_loop3A_117, %parallel_loop3A_118 : i32
        %parallel_loop3A_120 = tpu.assume_multiple %parallel_loop3A_119, 16 : i32
        %parallel_loop3A_121 = arith.index_cast %parallel_loop3A_120 : i32 to index
        %parallel_loop3A_122 = tpu.vector_load %arg11[%parallel_loop3A_121] {strides = array<i32>} : memref<10240xi32, #tpu.memory_space<vmem>>, vector<16xi32>,
        %parallel_loop3A_123 = arith.index_cast %parallel_loop3A_120 : i32 to index
        %parallel_loop3A_124 = tpu.vector_load %arg12[%parallel_loop3A_123] {strides = array<i32>} : memref<10240xi32, #tpu.memory_space<vmem>>, vector<16xi32>,
        %parallel_loop3A_125 = tpu.vector_load_idx %arg7[%parallel_loop3A_122] : memref<10016xf32, #tpu.memory_space<vmem>>[vector<16xi32>], vector<16xf32>,
        tpu.vector_store_idx %arg9[%parallel_loop3A_124], %parallel_loop3A_125 {add = true} : memref<10016xf32, #tpu.memory_space<vmem>>[vector<16xi32>], vector<16xf32>,
        %parallel_loop3A_126 = tpu.vector_load_idx %arg8[%parallel_loop3A_122] : memref<10016xf32, #tpu.memory_space<vmem>>[vector<16xi32>], vector<16xf32>,
        tpu.vector_store_idx %arg10[%parallel_loop3A_124], %parallel_loop3A_126 {add = true} : memref<10016xf32, #tpu.memory_space<vmem>>[vector<16xi32>], vector<16xf32>,
      } {sc.loop_unroll_factor = 8 : i64, sc.parallel_access}
      %dma_wait3A_99 = arith.constant 0 : i32
      %dma_wait3A_100 = tpu.memref_slice %arg4[%dma_wait3A_99] : memref<327680xi32, #tpu.memory_space<hbm>> -> memref<10240xi32, #tpu.memory_space<hbm>>
      %dma_wait3A_101 = arith.constant 0 : i32
      %dma_wait3A_102 = tpu.memref_slice %arg4[%dma_wait3A_101] : memref<327680xi32, #tpu.memory_space<hbm>> -> memref<10240xi32, #tpu.memory_space<hbm>>
      tpu.wait_dma2 semaphore(%arg17 : memref<!tpu.dma_semaphore, #tpu.memory_space<semaphore_mem>>) src(%dma_wait3A_102 : memref<10240xi32, #tpu.memory_space<hbm>>) dst(%arg13 : memref<10240xi32, #tpu.memory_space<vmem>>)
      %dma_wait3A_103 = arith.constant 0 : i32
      %dma_wait3A_104 = tpu.memref_slice %arg5[%dma_wait3A_103] : memref<327680xi32, #tpu.memory_space<hbm>> -> memref<10240xi32, #tpu.memory_space<hbm>>
      %dma_wait3A_105 = arith.constant 0 : i32
      %dma_wait3A_106 = tpu.memref_slice %arg5[%dma_wait3A_105] : memref<327680xi32, #tpu.memory_space<hbm>> -> memref<10240xi32, #tpu.memory_space<hbm>>
      tpu.wait_dma2 semaphore(%arg18 : memref<!tpu.dma_semaphore, #tpu.memory_space<semaphore_mem>>) src(%dma_wait3A_106 : memref<10240xi32, #tpu.memory_space<hbm>>) dst(%arg14 : memref<10240xi32, #tpu.memory_space<vmem>>)
      %mul3A_107 = arith.constant 2 : i32
      %mul3A_108 = arith.muli %mul3A_107, %scan3A_77 : i32
      %add3A_109 = arith.constant 2 : i32
      %add3A_110 = arith.addi %mul3A_108, %add3A_109 : i32
      %lt3A_111 = arith.constant 8 : i32
      %lt3A_112 = arith.cmpi slt, %add3A_110, %lt3A_111 : i32
      %convert_element_type3A = arith.extui %lt3A_112 : i1 to i32
      %cond3A = arith.constant 0 : i32
      %cond3A_113 = arith.cmpi ne, %convert_element_type3A, %cond3A : i32
      scf.if %cond3A_113 {
        %mul3A_117 = arith.constant 2 : i32
        %mul3A_118 = arith.muli %mul3A_117, %scan3A_77 : i32
        %add3A_119 = arith.constant 2 : i32
        %add3A_120 = arith.addi %mul3A_118, %add3A_119 : i32
        %mul3A_121 = arith.constant 10240 : i32
        %mul3A_122 = arith.muli %add3A_120, %mul3A_121 : i32
        %add3A_123 = arith.addi %mul3A_32, %mul3A_122 : i32
        %multiple_of3A_124 = tpu.assume_multiple %add3A_123, 8 : i32
        %dma_start3A_125 = tpu.memref_slice %arg4[%multiple_of3A_124] : memref<327680xi32, #tpu.memory_space<hbm>> -> memref<10240xi32, #tpu.memory_space<hbm>>
        %dma_start3A_126 = tpu.memref_slice %arg4[%multiple_of3A_124] : memref<327680xi32, #tpu.memory_space<hbm>> -> memref<10240xi32, #tpu.memory_space<hbm>>
        tpu.enqueue_dma source(%dma_start3A_126 : memref<10240xi32, #tpu.memory_space<hbm>>) target(%arg11 : memref<10240xi32, #tpu.memory_space<vmem>>) target_semaphore(%arg15 : memref<!tpu.dma_semaphore, #tpu.memory_space<semaphore_mem>>)
        %dma_start3A_127 = tpu.memref_slice %arg5[%multiple_of3A_124] : memref<327680xi32, #tpu.memory_space<hbm>> -> memref<10240xi32, #tpu.memory_space<hbm>>
        %dma_start3A_128 = tpu.memref_slice %arg5[%multiple_of3A_124] : memref<327680xi32, #tpu.memory_space<hbm>> -> memref<10240xi32, #tpu.memory_space<hbm>>
        tpu.enqueue_dma source(%dma_start3A_128 : memref<10240xi32, #tpu.memory_space<hbm>>) target(%arg12 : memref<10240xi32, #tpu.memory_space<vmem>>) target_semaphore(%arg16 : memref<!tpu.dma_semaphore, #tpu.memory_space<semaphore_mem>>)
      } else {
      }
      %parallel_loop3A_114 = arith.constant 0 : i32
      %parallel_loop3A_115 = arith.constant 640 : i32
      %parallel_loop3A_116 = arith.constant 1 : i32
      scf.for %parallel_loop3A_117 = %parallel_loop3A_114 to %parallel_loop3A_115 step %parallel_loop3A_116  : i32 {
        %parallel_loop3A_118 = arith.constant 16 : i32
        %parallel_loop3A_119 = arith.muli %parallel_loop3A_117, %parallel_loop3A_118 : i32
        %parallel_loop3A_120 = tpu.assume_multiple %parallel_loop3A_119, 16 : i32
        %parallel_loop3A_121 = arith.index_cast %parallel_loop3A_120 : i32 to index
        %parallel_loop3A_122 = tpu.vector_load %arg13[%parallel_loop3A_121] {strides = array<i32>} : memref<10240xi32, #tpu.memory_space<vmem>>, vector<16xi32>,
        %parallel_loop3A_123 = arith.index_cast %parallel_loop3A_120 : i32 to index
        %parallel_loop3A_124 = tpu.vector_load %arg14[%parallel_loop3A_123] {strides = array<i32>} : memref<10240xi32, #tpu.memory_space<vmem>>, vector<16xi32>,
        %parallel_loop3A_125 = tpu.vector_load_idx %arg7[%parallel_loop3A_122] : memref<10016xf32, #tpu.memory_space<vmem>>[vector<16xi32>], vector<16xf32>,
        tpu.vector_store_idx %arg9[%parallel_loop3A_124], %parallel_loop3A_125 {add = true} : memref<10016xf32, #tpu.memory_space<vmem>>[vector<16xi32>], vector<16xf32>,
        %parallel_loop3A_126 = tpu.vector_load_idx %arg8[%parallel_loop3A_122] : memref<10016xf32, #tpu.memory_space<vmem>>[vector<16xi32>], vector<16xf32>,
        tpu.vector_store_idx %arg10[%parallel_loop3A_124], %parallel_loop3A_126 {add = true} : memref<10016xf32, #tpu.memory_space<vmem>>[vector<16xi32>], vector<16xf32>,
      } {sc.loop_unroll_factor = 8 : i64, sc.parallel_access}
    }
    %scan3A_56 = arith.constant 4 : i32
    %mul3A_57 = arith.constant 16 : i32
    %mul3A_58 = arith.muli %select_n3A_30, %mul3A_57 : i32
    %mul3A_59 = arith.constant 2 : i32
    %mul3A_60 = arith.muli %select_n3A_9, %mul3A_59 : i32
    %add3A_61 = arith.addi %mul3A_58, %mul3A_60 : i32
    %add3A_62 = arith.constant 0 : i32
    %add3A_63 = arith.addi %add3A_61, %add3A_62 : i32
    %mul3A_64 = arith.constant 10000 : i32
    %mul3A_65 = arith.muli %add3A_63, %mul3A_64 : i32
    %multiple_of3A_66 = tpu.assume_multiple %mul3A_65, 8 : i32
    "tpu.region"() ({
      %run_scoped3A = tpu.sem_alloc : memref<!tpu.dma_semaphore, #tpu.memory_space<semaphore_mem>>
      %dma_start3A_77 = arith.constant 0 : i32
      %dma_start3A_78 = tpu.memref_slice %arg9[%dma_start3A_77] : memref<10016xf32, #tpu.memory_space<vmem>> -> memref<10000xf32, #tpu.memory_space<vmem>>
      %dma_start3A_79 = tpu.memref_slice %arg6[%multiple_of3A_66] : memref<640000xf32, #tpu.memory_space<hbm>> -> memref<10000xf32, #tpu.memory_space<hbm>>
      %dma_start3A_80 = tpu.memref_slice %arg6[%multiple_of3A_66] : memref<640000xf32, #tpu.memory_space<hbm>> -> memref<10000xf32, #tpu.memory_space<hbm>>
      %dma_start3A_81 = arith.constant 0 : i32
      %dma_start3A_82 = tpu.memref_slice %arg9[%dma_start3A_81] : memref<10016xf32, #tpu.memory_space<vmem>> -> memref<10000xf32, #tpu.memory_space<vmem>>
      tpu.enqueue_dma source(%dma_start3A_82 : memref<10000xf32, #tpu.memory_space<vmem>>) target(%dma_start3A_80 : memref<10000xf32, #tpu.memory_space<hbm>>) target_semaphore(%run_scoped3A : memref<!tpu.dma_semaphore, #tpu.memory_space<semaphore_mem>>)
      %dma_wait3A = arith.constant 0 : i32
      %dma_wait3A_83 = tpu.memref_slice %arg9[%dma_wait3A] : memref<10016xf32, #tpu.memory_space<vmem>> -> memref<10000xf32, #tpu.memory_space<vmem>>
      %dma_wait3A_84 = tpu.memref_slice %arg6[%multiple_of3A_66] : memref<640000xf32, #tpu.memory_space<hbm>> -> memref<10000xf32, #tpu.memory_space<hbm>>
      %dma_wait3A_85 = tpu.memref_slice %arg6[%multiple_of3A_66] : memref<640000xf32, #tpu.memory_space<hbm>> -> memref<10000xf32, #tpu.memory_space<hbm>>
      %dma_wait3A_86 = arith.constant 0 : i32
      %dma_wait3A_87 = tpu.memref_slice %arg9[%dma_wait3A_86] : memref<10016xf32, #tpu.memory_space<vmem>> -> memref<10000xf32, #tpu.memory_space<vmem>>
      tpu.wait_dma2 semaphore(%run_scoped3A : memref<!tpu.dma_semaphore, #tpu.memory_space<semaphore_mem>>) src(%dma_wait3A_87 : memref<10000xf32, #tpu.memory_space<vmem>>) dst(%dma_wait3A_85 : memref<10000xf32, #tpu.memory_space<hbm>>)
      tpu.yield
    }) : () -> ()
    %mul3A_67 = arith.constant 16 : i32
    %mul3A_68 = arith.muli %select_n3A_30, %mul3A_67 : i32
    %mul3A_69 = arith.constant 2 : i32
    %mul3A_70 = arith.muli %select_n3A_9, %mul3A_69 : i32
    %add3A_71 = arith.addi %mul3A_68, %mul3A_70 : i32
    %add3A_72 = arith.constant 1 : i32
    %add3A_73 = arith.addi %add3A_71, %add3A_72 : i32
    %mul3A_74 = arith.constant 10000 : i32
    %mul3A_75 = arith.muli %add3A_73, %mul3A_74 : i32
    %multiple_of3A_76 = tpu.assume_multiple %mul3A_75, 8 : i32
    "tpu.region"() ({
      %run_scoped3A = tpu.sem_alloc : memref<!tpu.dma_semaphore, #tpu.memory_space<semaphore_mem>>
      %dma_start3A_77 = arith.constant 0 : i32
      %dma_start3A_78 = tpu.memref_slice %arg10[%dma_start3A_77] : memref<10016xf32, #tpu.memory_space<vmem>> -> memref<10000xf32, #tpu.memory_space<vmem>>
      %dma_start3A_79 = tpu.memref_slice %arg6[%multiple_of3A_76] : memref<640000xf32, #tpu.memory_space<hbm>> -> memref<10000xf32, #tpu.memory_space<hbm>>
      %dma_start3A_80 = tpu.memref_slice %arg6[%multiple_of3A_76] : memref<640000xf32, #tpu.memory_space<hbm>> -> memref<10000xf32, #tpu.memory_space<hbm>>
      %dma_start3A_81 = arith.constant 0 : i32
      %dma_start3A_82 = tpu.memref_slice %arg10[%dma_start3A_81] : memref<10016xf32, #tpu.memory_space<vmem>> -> memref<10000xf32, #tpu.memory_space<vmem>>
      tpu.enqueue_dma source(%dma_start3A_82 : memref<10000xf32, #tpu.memory_space<vmem>>) target(%dma_start3A_80 : memref<10000xf32, #tpu.memory_space<hbm>>) target_semaphore(%run_scoped3A : memref<!tpu.dma_semaphore, #tpu.memory_space<semaphore_mem>>)
      %dma_wait3A = arith.constant 0 : i32
      %dma_wait3A_83 = tpu.memref_slice %arg10[%dma_wait3A] : memref<10016xf32, #tpu.memory_space<vmem>> -> memref<10000xf32, #tpu.memory_space<vmem>>
      %dma_wait3A_84 = tpu.memref_slice %arg6[%multiple_of3A_76] : memref<640000xf32, #tpu.memory_space<hbm>> -> memref<10000xf32, #tpu.memory_space<hbm>>
      %dma_wait3A_85 = tpu.memref_slice %arg6[%multiple_of3A_76] : memref<640000xf32, #tpu.memory_space<hbm>> -> memref<10000xf32, #tpu.memory_space<hbm>>
      %dma_wait3A_86 = arith.constant 0 : i32
      %dma_wait3A_87 = tpu.memref_slice %arg10[%dma_wait3A_86] : memref<10016xf32, #tpu.memory_space<vmem>> -> memref<10000xf32, #tpu.memory_space<vmem>>
      tpu.wait_dma2 semaphore(%run_scoped3A : memref<!tpu.dma_semaphore, #tpu.memory_space<semaphore_mem>>) src(%dma_wait3A_87 : memref<10000xf32, #tpu.memory_space<vmem>>) dst(%dma_wait3A_85 : memref<10000xf32, #tpu.memory_space<hbm>>)
      tpu.yield
    }) : () -> ()
    return
  }
}

#map = affine_map<(d0, d1) -> (0)>
module attributes {stable_mosaic.version = 14 : i64} {
  func.func @kern(%arg0: i32, %arg1: i32, %arg2: memref<320000xf32, #tpu.memory_space<hbm>>, %arg3: memref<10000xf32, #tpu.memory_space<hbm>>, %arg4: memref<327680xi32, #tpu.memory_space<hbm>>, %arg5: memref<327680xi32, #tpu.memory_space<hbm>>, %arg6: memref<1280000xf32, #tpu.memory_space<hbm>>, %arg7: memref<10016xf32, #tpu.memory_space<vmem>>, %arg8: memref<10016xf32, #tpu.memory_space<vmem>>, %arg9: memref<10016xf32, #tpu.memory_space<vmem>>, %arg10: memref<10016xf32, #tpu.memory_space<vmem>>, %arg11: memref<10016xf32, #tpu.memory_space<vmem>>, %arg12: memref<10016xf32, #tpu.memory_space<vmem>>, %arg13: memref<10016xf32, #tpu.memory_space<vmem>>, %arg14: memref<10016xf32, #tpu.memory_space<vmem>>, %arg15: memref<10240xi32, #tpu.memory_space<vmem>>, %arg16: memref<10240xi32, #tpu.memory_space<vmem>>, %arg17: memref<10240xi32, #tpu.memory_space<vmem>>, %arg18: memref<10240xi32, #tpu.memory_space<vmem>>, %arg19: memref<!tpu.dma_semaphore, #tpu.memory_space<semaphore_mem>>, %arg20: memref<!tpu.dma_semaphore, #tpu.memory_space<semaphore_mem>>, %arg21: memref<!tpu.dma_semaphore, #tpu.memory_space<semaphore_mem>>, %arg22: memref<!tpu.dma_semaphore, #tpu.memory_space<semaphore_mem>>) attributes {dimension_semantics = [#tpu.dimension_semantics<core_parallel>, #tpu.dimension_semantics<subcore_parallel>], iteration_bounds = array<i64: 2, 16>, scalar_prefetch = 0 : i64, scratch_operands = 16 : i64, tpu.core_type = #tpu.core_type<sc_vector_subcore>, window_params = [{transform_indices = #map}, {transform_indices = #map}, {transform_indices = #map}, {transform_indices = #map}, {transform_indices = #map}]} {
    %mul3A = arith.constant 16 : i32
    %mul3A_0 = arith.muli %arg0, %mul3A : i32
    %add3A = arith.addi %mul3A_0, %arg1 : i32
    %jit3A = arith.constant 8 : i32
    %eq3A = arith.constant 0 : i32
    %eq3A_1 = arith.cmpi eq, %jit3A, %eq3A : i32
    %jit3A_2 = arith.constant 1 : i32
    %select_n3A = arith.select %eq3A_1, %jit3A_2, %jit3A : i32
    %rem3A = arith.remsi %add3A, %select_n3A : i32
    %ne3A = arith.constant 0 : i32
    %ne3A_3 = arith.cmpi ne, %rem3A, %ne3A : i32
    %lt3A = arith.constant 0 : i32
    %lt3A_4 = arith.cmpi slt, %rem3A, %lt3A : i32
    %lt3A_5 = arith.constant 0 : i32
    %lt3A_6 = arith.cmpi slt, %select_n3A, %lt3A_5 : i32
    %ne3A_7 = arith.xori %lt3A_4, %lt3A_6 : i1
    %and3A = arith.andi %ne3A_7, %ne3A_3 : i1
    %add3A_8 = arith.addi %rem3A, %select_n3A : i32
    %select_n3A_9 = arith.select %and3A, %add3A_8, %rem3A : i32
    %jit3A_10 = arith.constant 8 : i32
    %div3A = arith.divsi %add3A, %jit3A_10 : i32
    %sign3A = arith.constant 0 : i32
    %sign3A_11 = arith.cmpi sgt, %add3A, %sign3A : i32
    %sign3A_12 = arith.extui %sign3A_11 : i1 to i32
    %sign3A_13 = arith.constant 0 : i32
    %sign3A_14 = arith.cmpi slt, %add3A, %sign3A_13 : i32
    %sign3A_15 = arith.extui %sign3A_14 : i1 to i32
    %sign3A_16 = arith.subi %sign3A_12, %sign3A_15 : i32
    %sign3A_17 = arith.constant 0 : i32
    %sign3A_18 = arith.cmpi sgt, %jit3A_10, %sign3A_17 : i32
    %sign3A_19 = arith.extui %sign3A_18 : i1 to i32
    %sign3A_20 = arith.constant 0 : i32
    %sign3A_21 = arith.cmpi slt, %jit3A_10, %sign3A_20 : i32
    %sign3A_22 = arith.extui %sign3A_21 : i1 to i32
    %sign3A_23 = arith.subi %sign3A_19, %sign3A_22 : i32
    %ne3A_24 = arith.cmpi ne, %sign3A_16, %sign3A_23 : i32
    %rem3A_25 = arith.remsi %add3A, %jit3A_10 : i32
    %ne3A_26 = arith.constant 0 : i32
    %ne3A_27 = arith.cmpi ne, %rem3A_25, %ne3A_26 : i32
    %and3A_28 = arith.andi %ne3A_24, %ne3A_27 : i1
    %sub3A = arith.constant 1 : i32
    %sub3A_29 = arith.subi %div3A, %sub3A : i32
    %select_n3A_30 = arith.select %and3A_28, %sub3A_29, %div3A : i32
    %mul3A_31 = arith.constant 81920 : i32
    %mul3A_32 = arith.muli %select_n3A_30, %mul3A_31 : i32
    %mul3A_33 = arith.constant 4 : i32
    %mul3A_34 = arith.muli %select_n3A_9, %mul3A_33 : i32
    %add3A_35 = arith.constant 0 : i32
    %add3A_36 = arith.addi %mul3A_34, %add3A_35 : i32
    %mul3A_37 = arith.constant 10000 : i32
    %mul3A_38 = arith.muli %add3A_36, %mul3A_37 : i32
    %multiple_of3A = tpu.assume_multiple %mul3A_38, 8 : i32
    "tpu.region"() ({
      %run_scoped3A = tpu.sem_alloc : memref<!tpu.dma_semaphore, #tpu.memory_space<semaphore_mem>>
      %dma_start3A_111 = arith.constant 0 : i32
      %dma_start3A_112 = tpu.memref_slice %arg7[%dma_start3A_111] : memref<10016xf32, #tpu.memory_space<vmem>> -> memref<10000xf32, #tpu.memory_space<vmem>>
      %dma_start3A_113 = tpu.memref_slice %arg2[%multiple_of3A] : memref<320000xf32, #tpu.memory_space<hbm>> -> memref<10000xf32, #tpu.memory_space<hbm>>
      %dma_start3A_114 = arith.constant 0 : i32
      %dma_start3A_115 = tpu.memref_slice %arg7[%dma_start3A_114] : memref<10016xf32, #tpu.memory_space<vmem>> -> memref<10000xf32, #tpu.memory_space<vmem>>
      %dma_start3A_116 = tpu.memref_slice %arg2[%multiple_of3A] : memref<320000xf32, #tpu.memory_space<hbm>> -> memref<10000xf32, #tpu.memory_space<hbm>>
      tpu.enqueue_dma source(%dma_start3A_116 : memref<10000xf32, #tpu.memory_space<hbm>>) target(%dma_start3A_115 : memref<10000xf32, #tpu.memory_space<vmem>>) target_semaphore(%run_scoped3A : memref<!tpu.dma_semaphore, #tpu.memory_space<semaphore_mem>>)
      %dma_wait3A = arith.constant 0 : i32
      %dma_wait3A_117 = tpu.memref_slice %arg7[%dma_wait3A] : memref<10016xf32, #tpu.memory_space<vmem>> -> memref<10000xf32, #tpu.memory_space<vmem>>
      %dma_wait3A_118 = tpu.memref_slice %arg2[%multiple_of3A] : memref<320000xf32, #tpu.memory_space<hbm>> -> memref<10000xf32, #tpu.memory_space<hbm>>
      %dma_wait3A_119 = arith.constant 0 : i32
      %dma_wait3A_120 = tpu.memref_slice %arg7[%dma_wait3A_119] : memref<10016xf32, #tpu.memory_space<vmem>> -> memref<10000xf32, #tpu.memory_space<vmem>>
      %dma_wait3A_121 = tpu.memref_slice %arg2[%multiple_of3A] : memref<320000xf32, #tpu.memory_space<hbm>> -> memref<10000xf32, #tpu.memory_space<hbm>>
      tpu.wait_dma2 semaphore(%run_scoped3A : memref<!tpu.dma_semaphore, #tpu.memory_space<semaphore_mem>>) src(%dma_wait3A_121 : memref<10000xf32, #tpu.memory_space<hbm>>) dst(%dma_wait3A_120 : memref<10000xf32, #tpu.memory_space<vmem>>)
      tpu.yield
    }) : () -> ()
    "tpu.region"() ({
      %run_scoped3A = tpu.sem_alloc : memref<!tpu.dma_semaphore, #tpu.memory_space<semaphore_mem>>
      %dma_start3A_111 = arith.constant 0 : i32
      %dma_start3A_112 = tpu.memref_slice %arg11[%dma_start3A_111] : memref<10016xf32, #tpu.memory_space<vmem>> -> memref<10000xf32, #tpu.memory_space<vmem>>
      %dma_start3A_113 = arith.constant 0 : i32
      %dma_start3A_114 = tpu.memref_slice %arg11[%dma_start3A_113] : memref<10016xf32, #tpu.memory_space<vmem>> -> memref<10000xf32, #tpu.memory_space<vmem>>
      tpu.enqueue_dma source(%arg3 : memref<10000xf32, #tpu.memory_space<hbm>>) target(%dma_start3A_114 : memref<10000xf32, #tpu.memory_space<vmem>>) target_semaphore(%run_scoped3A : memref<!tpu.dma_semaphore, #tpu.memory_space<semaphore_mem>>)
      %dma_wait3A = arith.constant 0 : i32
      %dma_wait3A_115 = tpu.memref_slice %arg11[%dma_wait3A] : memref<10016xf32, #tpu.memory_space<vmem>> -> memref<10000xf32, #tpu.memory_space<vmem>>
      %dma_wait3A_116 = arith.constant 0 : i32
      %dma_wait3A_117 = tpu.memref_slice %arg11[%dma_wait3A_116] : memref<10016xf32, #tpu.memory_space<vmem>> -> memref<10000xf32, #tpu.memory_space<vmem>>
      tpu.wait_dma2 semaphore(%run_scoped3A : memref<!tpu.dma_semaphore, #tpu.memory_space<semaphore_mem>>) src(%arg3 : memref<10000xf32, #tpu.memory_space<hbm>>) dst(%dma_wait3A_117 : memref<10000xf32, #tpu.memory_space<vmem>>)
      tpu.yield
    }) : () -> ()
    %mul3A_39 = arith.constant 4 : i32
    %mul3A_40 = arith.muli %select_n3A_9, %mul3A_39 : i32
    %add3A_41 = arith.constant 1 : i32
    %add3A_42 = arith.addi %mul3A_40, %add3A_41 : i32
    %mul3A_43 = arith.constant 10000 : i32
    %mul3A_44 = arith.muli %add3A_42, %mul3A_43 : i32
    %multiple_of3A_45 = tpu.assume_multiple %mul3A_44, 8 : i32
    "tpu.region"() ({
      %run_scoped3A = tpu.sem_alloc : memref<!tpu.dma_semaphore, #tpu.memory_space<semaphore_mem>>
      %dma_start3A_111 = arith.constant 0 : i32
      %dma_start3A_112 = tpu.memref_slice %arg8[%dma_start3A_111] : memref<10016xf32, #tpu.memory_space<vmem>> -> memref<10000xf32, #tpu.memory_space<vmem>>
      %dma_start3A_113 = tpu.memref_slice %arg2[%multiple_of3A_45] : memref<320000xf32, #tpu.memory_space<hbm>> -> memref<10000xf32, #tpu.memory_space<hbm>>
      %dma_start3A_114 = arith.constant 0 : i32
      %dma_start3A_115 = tpu.memref_slice %arg8[%dma_start3A_114] : memref<10016xf32, #tpu.memory_space<vmem>> -> memref<10000xf32, #tpu.memory_space<vmem>>
      %dma_start3A_116 = tpu.memref_slice %arg2[%multiple_of3A_45] : memref<320000xf32, #tpu.memory_space<hbm>> -> memref<10000xf32, #tpu.memory_space<hbm>>
      tpu.enqueue_dma source(%dma_start3A_116 : memref<10000xf32, #tpu.memory_space<hbm>>) target(%dma_start3A_115 : memref<10000xf32, #tpu.memory_space<vmem>>) target_semaphore(%run_scoped3A : memref<!tpu.dma_semaphore, #tpu.memory_space<semaphore_mem>>)
      %dma_wait3A = arith.constant 0 : i32
      %dma_wait3A_117 = tpu.memref_slice %arg8[%dma_wait3A] : memref<10016xf32, #tpu.memory_space<vmem>> -> memref<10000xf32, #tpu.memory_space<vmem>>
      %dma_wait3A_118 = tpu.memref_slice %arg2[%multiple_of3A_45] : memref<320000xf32, #tpu.memory_space<hbm>> -> memref<10000xf32, #tpu.memory_space<hbm>>
      %dma_wait3A_119 = arith.constant 0 : i32
      %dma_wait3A_120 = tpu.memref_slice %arg8[%dma_wait3A_119] : memref<10016xf32, #tpu.memory_space<vmem>> -> memref<10000xf32, #tpu.memory_space<vmem>>
      %dma_wait3A_121 = tpu.memref_slice %arg2[%multiple_of3A_45] : memref<320000xf32, #tpu.memory_space<hbm>> -> memref<10000xf32, #tpu.memory_space<hbm>>
      tpu.wait_dma2 semaphore(%run_scoped3A : memref<!tpu.dma_semaphore, #tpu.memory_space<semaphore_mem>>) src(%dma_wait3A_121 : memref<10000xf32, #tpu.memory_space<hbm>>) dst(%dma_wait3A_120 : memref<10000xf32, #tpu.memory_space<vmem>>)
      tpu.yield
    }) : () -> ()
    "tpu.region"() ({
      %run_scoped3A = tpu.sem_alloc : memref<!tpu.dma_semaphore, #tpu.memory_space<semaphore_mem>>
      %dma_start3A_111 = arith.constant 0 : i32
      %dma_start3A_112 = tpu.memref_slice %arg12[%dma_start3A_111] : memref<10016xf32, #tpu.memory_space<vmem>> -> memref<10000xf32, #tpu.memory_space<vmem>>
      %dma_start3A_113 = arith.constant 0 : i32
      %dma_start3A_114 = tpu.memref_slice %arg12[%dma_start3A_113] : memref<10016xf32, #tpu.memory_space<vmem>> -> memref<10000xf32, #tpu.memory_space<vmem>>
      tpu.enqueue_dma source(%arg3 : memref<10000xf32, #tpu.memory_space<hbm>>) target(%dma_start3A_114 : memref<10000xf32, #tpu.memory_space<vmem>>) target_semaphore(%run_scoped3A : memref<!tpu.dma_semaphore, #tpu.memory_space<semaphore_mem>>)
      %dma_wait3A = arith.constant 0 : i32
      %dma_wait3A_115 = tpu.memref_slice %arg12[%dma_wait3A] : memref<10016xf32, #tpu.memory_space<vmem>> -> memref<10000xf32, #tpu.memory_space<vmem>>
      %dma_wait3A_116 = arith.constant 0 : i32
      %dma_wait3A_117 = tpu.memref_slice %arg12[%dma_wait3A_116] : memref<10016xf32, #tpu.memory_space<vmem>> -> memref<10000xf32, #tpu.memory_space<vmem>>
      tpu.wait_dma2 semaphore(%run_scoped3A : memref<!tpu.dma_semaphore, #tpu.memory_space<semaphore_mem>>) src(%arg3 : memref<10000xf32, #tpu.memory_space<hbm>>) dst(%dma_wait3A_117 : memref<10000xf32, #tpu.memory_space<vmem>>)
      tpu.yield
    }) : () -> ()
    %mul3A_46 = arith.constant 4 : i32
    %mul3A_47 = arith.muli %select_n3A_9, %mul3A_46 : i32
    %add3A_48 = arith.constant 2 : i32
    %add3A_49 = arith.addi %mul3A_47, %add3A_48 : i32
    %mul3A_50 = arith.constant 10000 : i32
    %mul3A_51 = arith.muli %add3A_49, %mul3A_50 : i32
    %multiple_of3A_52 = tpu.assume_multiple %mul3A_51, 8 : i32
    "tpu.region"() ({
      %run_scoped3A = tpu.sem_alloc : memref<!tpu.dma_semaphore, #tpu.memory_space<semaphore_mem>>
      %dma_start3A_111 = arith.constant 0 : i32
      %dma_start3A_112 = tpu.memref_slice %arg9[%dma_start3A_111] : memref<10016xf32, #tpu.memory_space<vmem>> -> memref<10000xf32, #tpu.memory_space<vmem>>
      %dma_start3A_113 = tpu.memref_slice %arg2[%multiple_of3A_52] : memref<320000xf32, #tpu.memory_space<hbm>> -> memref<10000xf32, #tpu.memory_space<hbm>>
      %dma_start3A_114 = arith.constant 0 : i32
      %dma_start3A_115 = tpu.memref_slice %arg9[%dma_start3A_114] : memref<10016xf32, #tpu.memory_space<vmem>> -> memref<10000xf32, #tpu.memory_space<vmem>>
      %dma_start3A_116 = tpu.memref_slice %arg2[%multiple_of3A_52] : memref<320000xf32, #tpu.memory_space<hbm>> -> memref<10000xf32, #tpu.memory_space<hbm>>
      tpu.enqueue_dma source(%dma_start3A_116 : memref<10000xf32, #tpu.memory_space<hbm>>) target(%dma_start3A_115 : memref<10000xf32, #tpu.memory_space<vmem>>) target_semaphore(%run_scoped3A : memref<!tpu.dma_semaphore, #tpu.memory_space<semaphore_mem>>)
      %dma_wait3A = arith.constant 0 : i32
      %dma_wait3A_117 = tpu.memref_slice %arg9[%dma_wait3A] : memref<10016xf32, #tpu.memory_space<vmem>> -> memref<10000xf32, #tpu.memory_space<vmem>>
      %dma_wait3A_118 = tpu.memref_slice %arg2[%multiple_of3A_52] : memref<320000xf32, #tpu.memory_space<hbm>> -> memref<10000xf32, #tpu.memory_space<hbm>>
      %dma_wait3A_119 = arith.constant 0 : i32
      %dma_wait3A_120 = tpu.memref_slice %arg9[%dma_wait3A_119] : memref<10016xf32, #tpu.memory_space<vmem>> -> memref<10000xf32, #tpu.memory_space<vmem>>
      %dma_wait3A_121 = tpu.memref_slice %arg2[%multiple_of3A_52] : memref<320000xf32, #tpu.memory_space<hbm>> -> memref<10000xf32, #tpu.memory_space<hbm>>
      tpu.wait_dma2 semaphore(%run_scoped3A : memref<!tpu.dma_semaphore, #tpu.memory_space<semaphore_mem>>) src(%dma_wait3A_121 : memref<10000xf32, #tpu.memory_space<hbm>>) dst(%dma_wait3A_120 : memref<10000xf32, #tpu.memory_space<vmem>>)
      tpu.yield
    }) : () -> ()
    "tpu.region"() ({
      %run_scoped3A = tpu.sem_alloc : memref<!tpu.dma_semaphore, #tpu.memory_space<semaphore_mem>>
      %dma_start3A_111 = arith.constant 0 : i32
      %dma_start3A_112 = tpu.memref_slice %arg13[%dma_start3A_111] : memref<10016xf32, #tpu.memory_space<vmem>> -> memref<10000xf32, #tpu.memory_space<vmem>>
      %dma_start3A_113 = arith.constant 0 : i32
      %dma_start3A_114 = tpu.memref_slice %arg13[%dma_start3A_113] : memref<10016xf32, #tpu.memory_space<vmem>> -> memref<10000xf32, #tpu.memory_space<vmem>>
      tpu.enqueue_dma source(%arg3 : memref<10000xf32, #tpu.memory_space<hbm>>) target(%dma_start3A_114 : memref<10000xf32, #tpu.memory_space<vmem>>) target_semaphore(%run_scoped3A : memref<!tpu.dma_semaphore, #tpu.memory_space<semaphore_mem>>)
      %dma_wait3A = arith.constant 0 : i32
      %dma_wait3A_115 = tpu.memref_slice %arg13[%dma_wait3A] : memref<10016xf32, #tpu.memory_space<vmem>> -> memref<10000xf32, #tpu.memory_space<vmem>>
      %dma_wait3A_116 = arith.constant 0 : i32
      %dma_wait3A_117 = tpu.memref_slice %arg13[%dma_wait3A_116] : memref<10016xf32, #tpu.memory_space<vmem>> -> memref<10000xf32, #tpu.memory_space<vmem>>
      tpu.wait_dma2 semaphore(%run_scoped3A : memref<!tpu.dma_semaphore, #tpu.memory_space<semaphore_mem>>) src(%arg3 : memref<10000xf32, #tpu.memory_space<hbm>>) dst(%dma_wait3A_117 : memref<10000xf32, #tpu.memory_space<vmem>>)
      tpu.yield
    }) : () -> ()
    %mul3A_53 = arith.constant 4 : i32
    %mul3A_54 = arith.muli %select_n3A_9, %mul3A_53 : i32
    %add3A_55 = arith.constant 3 : i32
    %add3A_56 = arith.addi %mul3A_54, %add3A_55 : i32
    %mul3A_57 = arith.constant 10000 : i32
    %mul3A_58 = arith.muli %add3A_56, %mul3A_57 : i32
    %multiple_of3A_59 = tpu.assume_multiple %mul3A_58, 8 : i32
    "tpu.region"() ({
      %run_scoped3A = tpu.sem_alloc : memref<!tpu.dma_semaphore, #tpu.memory_space<semaphore_mem>>
      %dma_start3A_111 = arith.constant 0 : i32
      %dma_start3A_112 = tpu.memref_slice %arg10[%dma_start3A_111] : memref<10016xf32, #tpu.memory_space<vmem>> -> memref<10000xf32, #tpu.memory_space<vmem>>
      %dma_start3A_113 = tpu.memref_slice %arg2[%multiple_of3A_59] : memref<320000xf32, #tpu.memory_space<hbm>> -> memref<10000xf32, #tpu.memory_space<hbm>>
      %dma_start3A_114 = arith.constant 0 : i32
      %dma_start3A_115 = tpu.memref_slice %arg10[%dma_start3A_114] : memref<10016xf32, #tpu.memory_space<vmem>> -> memref<10000xf32, #tpu.memory_space<vmem>>
      %dma_start3A_116 = tpu.memref_slice %arg2[%multiple_of3A_59] : memref<320000xf32, #tpu.memory_space<hbm>> -> memref<10000xf32, #tpu.memory_space<hbm>>
      tpu.enqueue_dma source(%dma_start3A_116 : memref<10000xf32, #tpu.memory_space<hbm>>) target(%dma_start3A_115 : memref<10000xf32, #tpu.memory_space<vmem>>) target_semaphore(%run_scoped3A : memref<!tpu.dma_semaphore, #tpu.memory_space<semaphore_mem>>)
      %dma_wait3A = arith.constant 0 : i32
      %dma_wait3A_117 = tpu.memref_slice %arg10[%dma_wait3A] : memref<10016xf32, #tpu.memory_space<vmem>> -> memref<10000xf32, #tpu.memory_space<vmem>>
      %dma_wait3A_118 = tpu.memref_slice %arg2[%multiple_of3A_59] : memref<320000xf32, #tpu.memory_space<hbm>> -> memref<10000xf32, #tpu.memory_space<hbm>>
      %dma_wait3A_119 = arith.constant 0 : i32
      %dma_wait3A_120 = tpu.memref_slice %arg10[%dma_wait3A_119] : memref<10016xf32, #tpu.memory_space<vmem>> -> memref<10000xf32, #tpu.memory_space<vmem>>
      %dma_wait3A_121 = tpu.memref_slice %arg2[%multiple_of3A_59] : memref<320000xf32, #tpu.memory_space<hbm>> -> memref<10000xf32, #tpu.memory_space<hbm>>
      tpu.wait_dma2 semaphore(%run_scoped3A : memref<!tpu.dma_semaphore, #tpu.memory_space<semaphore_mem>>) src(%dma_wait3A_121 : memref<10000xf32, #tpu.memory_space<hbm>>) dst(%dma_wait3A_120 : memref<10000xf32, #tpu.memory_space<vmem>>)
      tpu.yield
    }) : () -> ()
    "tpu.region"() ({
      %run_scoped3A = tpu.sem_alloc : memref<!tpu.dma_semaphore, #tpu.memory_space<semaphore_mem>>
      %dma_start3A_111 = arith.constant 0 : i32
      %dma_start3A_112 = tpu.memref_slice %arg14[%dma_start3A_111] : memref<10016xf32, #tpu.memory_space<vmem>> -> memref<10000xf32, #tpu.memory_space<vmem>>
      %dma_start3A_113 = arith.constant 0 : i32
      %dma_start3A_114 = tpu.memref_slice %arg14[%dma_start3A_113] : memref<10016xf32, #tpu.memory_space<vmem>> -> memref<10000xf32, #tpu.memory_space<vmem>>
      tpu.enqueue_dma source(%arg3 : memref<10000xf32, #tpu.memory_space<hbm>>) target(%dma_start3A_114 : memref<10000xf32, #tpu.memory_space<vmem>>) target_semaphore(%run_scoped3A : memref<!tpu.dma_semaphore, #tpu.memory_space<semaphore_mem>>)
      %dma_wait3A = arith.constant 0 : i32
      %dma_wait3A_115 = tpu.memref_slice %arg14[%dma_wait3A] : memref<10016xf32, #tpu.memory_space<vmem>> -> memref<10000xf32, #tpu.memory_space<vmem>>
      %dma_wait3A_116 = arith.constant 0 : i32
      %dma_wait3A_117 = tpu.memref_slice %arg14[%dma_wait3A_116] : memref<10016xf32, #tpu.memory_space<vmem>> -> memref<10000xf32, #tpu.memory_space<vmem>>
      tpu.wait_dma2 semaphore(%run_scoped3A : memref<!tpu.dma_semaphore, #tpu.memory_space<semaphore_mem>>) src(%arg3 : memref<10000xf32, #tpu.memory_space<hbm>>) dst(%dma_wait3A_117 : memref<10000xf32, #tpu.memory_space<vmem>>)
      tpu.yield
    }) : () -> ()
    %add3A_60 = arith.constant 0 : i32
    %add3A_61 = arith.addi %mul3A_32, %add3A_60 : i32
    %multiple_of3A_62 = tpu.assume_multiple %add3A_61, 8 : i32
    %dma_start3A = tpu.memref_slice %arg4[%multiple_of3A_62] : memref<327680xi32, #tpu.memory_space<hbm>> -> memref<10240xi32, #tpu.memory_space<hbm>>
    %dma_start3A_63 = tpu.memref_slice %arg4[%multiple_of3A_62] : memref<327680xi32, #tpu.memory_space<hbm>> -> memref<10240xi32, #tpu.memory_space<hbm>>
    tpu.enqueue_dma source(%dma_start3A_63 : memref<10240xi32, #tpu.memory_space<hbm>>) target(%arg15 : memref<10240xi32, #tpu.memory_space<vmem>>) target_semaphore(%arg19 : memref<!tpu.dma_semaphore, #tpu.memory_space<semaphore_mem>>)
    %dma_start3A_64 = tpu.memref_slice %arg5[%multiple_of3A_62] : memref<327680xi32, #tpu.memory_space<hbm>> -> memref<10240xi32, #tpu.memory_space<hbm>>
    %dma_start3A_65 = tpu.memref_slice %arg5[%multiple_of3A_62] : memref<327680xi32, #tpu.memory_space<hbm>> -> memref<10240xi32, #tpu.memory_space<hbm>>
    tpu.enqueue_dma source(%dma_start3A_65 : memref<10240xi32, #tpu.memory_space<hbm>>) target(%arg16 : memref<10240xi32, #tpu.memory_space<vmem>>) target_semaphore(%arg20 : memref<!tpu.dma_semaphore, #tpu.memory_space<semaphore_mem>>)
    %scan3A = arith.constant 0 : i32
    %scan3A_66 = arith.constant 0 : i32
    %scan3A_67 = arith.constant 4 : i32
    %scan3A_68 = arith.addi %scan3A_66, %scan3A_67 : i32
    %scan3A_69 = arith.constant 1 : i32
    scf.for %scan3A_111 = %scan3A_66 to %scan3A_68 step %scan3A_69  : i32 {
      %dma_wait3A = arith.constant 0 : i32
      %dma_wait3A_112 = tpu.memref_slice %arg4[%dma_wait3A] : memref<327680xi32, #tpu.memory_space<hbm>> -> memref<10240xi32, #tpu.memory_space<hbm>>
      %dma_wait3A_113 = arith.constant 0 : i32
      %dma_wait3A_114 = tpu.memref_slice %arg4[%dma_wait3A_113] : memref<327680xi32, #tpu.memory_space<hbm>> -> memref<10240xi32, #tpu.memory_space<hbm>>
      tpu.wait_dma2 semaphore(%arg19 : memref<!tpu.dma_semaphore, #tpu.memory_space<semaphore_mem>>) src(%dma_wait3A_114 : memref<10240xi32, #tpu.memory_space<hbm>>) dst(%arg15 : memref<10240xi32, #tpu.memory_space<vmem>>)
      %dma_wait3A_115 = arith.constant 0 : i32
      %dma_wait3A_116 = tpu.memref_slice %arg5[%dma_wait3A_115] : memref<327680xi32, #tpu.memory_space<hbm>> -> memref<10240xi32, #tpu.memory_space<hbm>>
      %dma_wait3A_117 = arith.constant 0 : i32
      %dma_wait3A_118 = tpu.memref_slice %arg5[%dma_wait3A_117] : memref<327680xi32, #tpu.memory_space<hbm>> -> memref<10240xi32, #tpu.memory_space<hbm>>
      tpu.wait_dma2 semaphore(%arg20 : memref<!tpu.dma_semaphore, #tpu.memory_space<semaphore_mem>>) src(%dma_wait3A_118 : memref<10240xi32, #tpu.memory_space<hbm>>) dst(%arg16 : memref<10240xi32, #tpu.memory_space<vmem>>)
      %mul3A_119 = arith.constant 2 : i32
      %mul3A_120 = arith.muli %mul3A_119, %scan3A_111 : i32
      %add3A_121 = arith.constant 1 : i32
      %add3A_122 = arith.addi %mul3A_120, %add3A_121 : i32
      %mul3A_123 = arith.constant 10240 : i32
      %mul3A_124 = arith.muli %add3A_122, %mul3A_123 : i32
      %add3A_125 = arith.addi %mul3A_32, %mul3A_124 : i32
      %multiple_of3A_126 = tpu.assume_multiple %add3A_125, 8 : i32
      %dma_start3A_127 = tpu.memref_slice %arg4[%multiple_of3A_126] : memref<327680xi32, #tpu.memory_space<hbm>> -> memref<10240xi32, #tpu.memory_space<hbm>>
      %dma_start3A_128 = tpu.memref_slice %arg4[%multiple_of3A_126] : memref<327680xi32, #tpu.memory_space<hbm>> -> memref<10240xi32, #tpu.memory_space<hbm>>
      tpu.enqueue_dma source(%dma_start3A_128 : memref<10240xi32, #tpu.memory_space<hbm>>) target(%arg17 : memref<10240xi32, #tpu.memory_space<vmem>>) target_semaphore(%arg21 : memref<!tpu.dma_semaphore, #tpu.memory_space<semaphore_mem>>)
      %dma_start3A_129 = tpu.memref_slice %arg5[%multiple_of3A_126] : memref<327680xi32, #tpu.memory_space<hbm>> -> memref<10240xi32, #tpu.memory_space<hbm>>
      %dma_start3A_130 = tpu.memref_slice %arg5[%multiple_of3A_126] : memref<327680xi32, #tpu.memory_space<hbm>> -> memref<10240xi32, #tpu.memory_space<hbm>>
      tpu.enqueue_dma source(%dma_start3A_130 : memref<10240xi32, #tpu.memory_space<hbm>>) target(%arg18 : memref<10240xi32, #tpu.memory_space<vmem>>) target_semaphore(%arg22 : memref<!tpu.dma_semaphore, #tpu.memory_space<semaphore_mem>>)
      %parallel_loop3A = arith.constant 0 : i32
      %parallel_loop3A_131 = arith.constant 640 : i32
      %parallel_loop3A_132 = arith.constant 1 : i32
      scf.for %parallel_loop3A_151 = %parallel_loop3A to %parallel_loop3A_131 step %parallel_loop3A_132  : i32 {
        %parallel_loop3A_152 = arith.constant 16 : i32
        %parallel_loop3A_153 = arith.muli %parallel_loop3A_151, %parallel_loop3A_152 : i32
        %parallel_loop3A_154 = tpu.assume_multiple %parallel_loop3A_153, 16 : i32
        %parallel_loop3A_155 = arith.index_cast %parallel_loop3A_154 : i32 to index
        %parallel_loop3A_156 = tpu.vector_load %arg15[%parallel_loop3A_155] {strides = array<i32>} : memref<10240xi32, #tpu.memory_space<vmem>>, vector<16xi32>,
        %parallel_loop3A_157 = arith.index_cast %parallel_loop3A_154 : i32 to index
        %parallel_loop3A_158 = tpu.vector_load %arg16[%parallel_loop3A_157] {strides = array<i32>} : memref<10240xi32, #tpu.memory_space<vmem>>, vector<16xi32>,
        %parallel_loop3A_159 = tpu.vector_load_idx %arg7[%parallel_loop3A_156] : memref<10016xf32, #tpu.memory_space<vmem>>[vector<16xi32>], vector<16xf32>,
        tpu.vector_store_idx %arg11[%parallel_loop3A_158], %parallel_loop3A_159 {add = true} : memref<10016xf32, #tpu.memory_space<vmem>>[vector<16xi32>], vector<16xf32>,
        %parallel_loop3A_160 = tpu.vector_load_idx %arg8[%parallel_loop3A_156] : memref<10016xf32, #tpu.memory_space<vmem>>[vector<16xi32>], vector<16xf32>,
        tpu.vector_store_idx %arg12[%parallel_loop3A_158], %parallel_loop3A_160 {add = true} : memref<10016xf32, #tpu.memory_space<vmem>>[vector<16xi32>], vector<16xf32>,
        %parallel_loop3A_161 = tpu.vector_load_idx %arg9[%parallel_loop3A_156] : memref<10016xf32, #tpu.memory_space<vmem>>[vector<16xi32>], vector<16xf32>,
        tpu.vector_store_idx %arg13[%parallel_loop3A_158], %parallel_loop3A_161 {add = true} : memref<10016xf32, #tpu.memory_space<vmem>>[vector<16xi32>], vector<16xf32>,
        %parallel_loop3A_162 = tpu.vector_load_idx %arg10[%parallel_loop3A_156] : memref<10016xf32, #tpu.memory_space<vmem>>[vector<16xi32>], vector<16xf32>,
        tpu.vector_store_idx %arg14[%parallel_loop3A_158], %parallel_loop3A_162 {add = true} : memref<10016xf32, #tpu.memory_space<vmem>>[vector<16xi32>], vector<16xf32>,
      } {sc.loop_unroll_factor = 8 : i64, sc.parallel_access}
      %dma_wait3A_133 = arith.constant 0 : i32
      %dma_wait3A_134 = tpu.memref_slice %arg4[%dma_wait3A_133] : memref<327680xi32, #tpu.memory_space<hbm>> -> memref<10240xi32, #tpu.memory_space<hbm>>
      %dma_wait3A_135 = arith.constant 0 : i32
      %dma_wait3A_136 = tpu.memref_slice %arg4[%dma_wait3A_135] : memref<327680xi32, #tpu.memory_space<hbm>> -> memref<10240xi32, #tpu.memory_space<hbm>>
      tpu.wait_dma2 semaphore(%arg21 : memref<!tpu.dma_semaphore, #tpu.memory_space<semaphore_mem>>) src(%dma_wait3A_136 : memref<10240xi32, #tpu.memory_space<hbm>>) dst(%arg17 : memref<10240xi32, #tpu.memory_space<vmem>>)
      %dma_wait3A_137 = arith.constant 0 : i32
      %dma_wait3A_138 = tpu.memref_slice %arg5[%dma_wait3A_137] : memref<327680xi32, #tpu.memory_space<hbm>> -> memref<10240xi32, #tpu.memory_space<hbm>>
      %dma_wait3A_139 = arith.constant 0 : i32
      %dma_wait3A_140 = tpu.memref_slice %arg5[%dma_wait3A_139] : memref<327680xi32, #tpu.memory_space<hbm>> -> memref<10240xi32, #tpu.memory_space<hbm>>
      tpu.wait_dma2 semaphore(%arg22 : memref<!tpu.dma_semaphore, #tpu.memory_space<semaphore_mem>>) src(%dma_wait3A_140 : memref<10240xi32, #tpu.memory_space<hbm>>) dst(%arg18 : memref<10240xi32, #tpu.memory_space<vmem>>)
      %mul3A_141 = arith.constant 2 : i32
      %mul3A_142 = arith.muli %mul3A_141, %scan3A_111 : i32
      %add3A_143 = arith.constant 2 : i32
      %add3A_144 = arith.addi %mul3A_142, %add3A_143 : i32
      %lt3A_145 = arith.constant 8 : i32
      %lt3A_146 = arith.cmpi slt, %add3A_144, %lt3A_145 : i32
      %convert_element_type3A = arith.extui %lt3A_146 : i1 to i32
      %cond3A = arith.constant 0 : i32
      %cond3A_147 = arith.cmpi ne, %convert_element_type3A, %cond3A : i32
      scf.if %cond3A_147 {
        %mul3A_151 = arith.constant 2 : i32
        %mul3A_152 = arith.muli %mul3A_151, %scan3A_111 : i32
        %add3A_153 = arith.constant 2 : i32
        %add3A_154 = arith.addi %mul3A_152, %add3A_153 : i32
        %mul3A_155 = arith.constant 10240 : i32
        %mul3A_156 = arith.muli %add3A_154, %mul3A_155 : i32
        %add3A_157 = arith.addi %mul3A_32, %mul3A_156 : i32
        %multiple_of3A_158 = tpu.assume_multiple %add3A_157, 8 : i32
        %dma_start3A_159 = tpu.memref_slice %arg4[%multiple_of3A_158] : memref<327680xi32, #tpu.memory_space<hbm>> -> memref<10240xi32, #tpu.memory_space<hbm>>
        %dma_start3A_160 = tpu.memref_slice %arg4[%multiple_of3A_158] : memref<327680xi32, #tpu.memory_space<hbm>> -> memref<10240xi32, #tpu.memory_space<hbm>>
        tpu.enqueue_dma source(%dma_start3A_160 : memref<10240xi32, #tpu.memory_space<hbm>>) target(%arg15 : memref<10240xi32, #tpu.memory_space<vmem>>) target_semaphore(%arg19 : memref<!tpu.dma_semaphore, #tpu.memory_space<semaphore_mem>>)
        %dma_start3A_161 = tpu.memref_slice %arg5[%multiple_of3A_158] : memref<327680xi32, #tpu.memory_space<hbm>> -> memref<10240xi32, #tpu.memory_space<hbm>>
        %dma_start3A_162 = tpu.memref_slice %arg5[%multiple_of3A_158] : memref<327680xi32, #tpu.memory_space<hbm>> -> memref<10240xi32, #tpu.memory_space<hbm>>
        tpu.enqueue_dma source(%dma_start3A_162 : memref<10240xi32, #tpu.memory_space<hbm>>) target(%arg16 : memref<10240xi32, #tpu.memory_space<vmem>>) target_semaphore(%arg20 : memref<!tpu.dma_semaphore, #tpu.memory_space<semaphore_mem>>)
      } else {
      }
      %parallel_loop3A_148 = arith.constant 0 : i32
      %parallel_loop3A_149 = arith.constant 640 : i32
      %parallel_loop3A_150 = arith.constant 1 : i32
      scf.for %parallel_loop3A_151 = %parallel_loop3A_148 to %parallel_loop3A_149 step %parallel_loop3A_150  : i32 {
        %parallel_loop3A_152 = arith.constant 16 : i32
        %parallel_loop3A_153 = arith.muli %parallel_loop3A_151, %parallel_loop3A_152 : i32
        %parallel_loop3A_154 = tpu.assume_multiple %parallel_loop3A_153, 16 : i32
        %parallel_loop3A_155 = arith.index_cast %parallel_loop3A_154 : i32 to index
        %parallel_loop3A_156 = tpu.vector_load %arg17[%parallel_loop3A_155] {strides = array<i32>} : memref<10240xi32, #tpu.memory_space<vmem>>, vector<16xi32>,
        %parallel_loop3A_157 = arith.index_cast %parallel_loop3A_154 : i32 to index
        %parallel_loop3A_158 = tpu.vector_load %arg18[%parallel_loop3A_157] {strides = array<i32>} : memref<10240xi32, #tpu.memory_space<vmem>>, vector<16xi32>,
        %parallel_loop3A_159 = tpu.vector_load_idx %arg7[%parallel_loop3A_156] : memref<10016xf32, #tpu.memory_space<vmem>>[vector<16xi32>], vector<16xf32>,
        tpu.vector_store_idx %arg11[%parallel_loop3A_158], %parallel_loop3A_159 {add = true} : memref<10016xf32, #tpu.memory_space<vmem>>[vector<16xi32>], vector<16xf32>,
        %parallel_loop3A_160 = tpu.vector_load_idx %arg8[%parallel_loop3A_156] : memref<10016xf32, #tpu.memory_space<vmem>>[vector<16xi32>], vector<16xf32>,
        tpu.vector_store_idx %arg12[%parallel_loop3A_158], %parallel_loop3A_160 {add = true} : memref<10016xf32, #tpu.memory_space<vmem>>[vector<16xi32>], vector<16xf32>,
        %parallel_loop3A_161 = tpu.vector_load_idx %arg9[%parallel_loop3A_156] : memref<10016xf32, #tpu.memory_space<vmem>>[vector<16xi32>], vector<16xf32>,
        tpu.vector_store_idx %arg13[%parallel_loop3A_158], %parallel_loop3A_161 {add = true} : memref<10016xf32, #tpu.memory_space<vmem>>[vector<16xi32>], vector<16xf32>,
        %parallel_loop3A_162 = tpu.vector_load_idx %arg10[%parallel_loop3A_156] : memref<10016xf32, #tpu.memory_space<vmem>>[vector<16xi32>], vector<16xf32>,
        tpu.vector_store_idx %arg14[%parallel_loop3A_158], %parallel_loop3A_162 {add = true} : memref<10016xf32, #tpu.memory_space<vmem>>[vector<16xi32>], vector<16xf32>,
      } {sc.loop_unroll_factor = 8 : i64, sc.parallel_access}
    }
    %scan3A_70 = arith.constant 4 : i32
    %mul3A_71 = arith.constant 32 : i32
    %mul3A_72 = arith.muli %select_n3A_30, %mul3A_71 : i32
    %mul3A_73 = arith.constant 4 : i32
    %mul3A_74 = arith.muli %select_n3A_9, %mul3A_73 : i32
    %add3A_75 = arith.addi %mul3A_72, %mul3A_74 : i32
    %add3A_76 = arith.constant 0 : i32
    %add3A_77 = arith.addi %add3A_75, %add3A_76 : i32
    %mul3A_78 = arith.constant 10000 : i32
    %mul3A_79 = arith.muli %add3A_77, %mul3A_78 : i32
    %multiple_of3A_80 = tpu.assume_multiple %mul3A_79, 8 : i32
    "tpu.region"() ({
      %run_scoped3A = tpu.sem_alloc : memref<!tpu.dma_semaphore, #tpu.memory_space<semaphore_mem>>
      %dma_start3A_111 = arith.constant 0 : i32
      %dma_start3A_112 = tpu.memref_slice %arg11[%dma_start3A_111] : memref<10016xf32, #tpu.memory_space<vmem>> -> memref<10000xf32, #tpu.memory_space<vmem>>
      %dma_start3A_113 = tpu.memref_slice %arg6[%multiple_of3A_80] : memref<1280000xf32, #tpu.memory_space<hbm>> -> memref<10000xf32, #tpu.memory_space<hbm>>
      %dma_start3A_114 = tpu.memref_slice %arg6[%multiple_of3A_80] : memref<1280000xf32, #tpu.memory_space<hbm>> -> memref<10000xf32, #tpu.memory_space<hbm>>
      %dma_start3A_115 = arith.constant 0 : i32
      %dma_start3A_116 = tpu.memref_slice %arg11[%dma_start3A_115] : memref<10016xf32, #tpu.memory_space<vmem>> -> memref<10000xf32, #tpu.memory_space<vmem>>
      tpu.enqueue_dma source(%dma_start3A_116 : memref<10000xf32, #tpu.memory_space<vmem>>) target(%dma_start3A_114 : memref<10000xf32, #tpu.memory_space<hbm>>) target_semaphore(%run_scoped3A : memref<!tpu.dma_semaphore, #tpu.memory_space<semaphore_mem>>)
      %dma_wait3A = arith.constant 0 : i32
      %dma_wait3A_117 = tpu.memref_slice %arg11[%dma_wait3A] : memref<10016xf32, #tpu.memory_space<vmem>> -> memref<10000xf32, #tpu.memory_space<vmem>>
      %dma_wait3A_118 = tpu.memref_slice %arg6[%multiple_of3A_80] : memref<1280000xf32, #tpu.memory_space<hbm>> -> memref<10000xf32, #tpu.memory_space<hbm>>
      %dma_wait3A_119 = tpu.memref_slice %arg6[%multiple_of3A_80] : memref<1280000xf32, #tpu.memory_space<hbm>> -> memref<10000xf32, #tpu.memory_space<hbm>>
      %dma_wait3A_120 = arith.constant 0 : i32
      %dma_wait3A_121 = tpu.memref_slice %arg11[%dma_wait3A_120] : memref<10016xf32, #tpu.memory_space<vmem>> -> memref<10000xf32, #tpu.memory_space<vmem>>
      tpu.wait_dma2 semaphore(%run_scoped3A : memref<!tpu.dma_semaphore, #tpu.memory_space<semaphore_mem>>) src(%dma_wait3A_121 : memref<10000xf32, #tpu.memory_space<vmem>>) dst(%dma_wait3A_119 : memref<10000xf32, #tpu.memory_space<hbm>>)
      tpu.yield
    }) : () -> ()
    %mul3A_81 = arith.constant 32 : i32
    %mul3A_82 = arith.muli %select_n3A_30, %mul3A_81 : i32
    %mul3A_83 = arith.constant 4 : i32
    %mul3A_84 = arith.muli %select_n3A_9, %mul3A_83 : i32
    %add3A_85 = arith.addi %mul3A_82, %mul3A_84 : i32
    %add3A_86 = arith.constant 1 : i32
    %add3A_87 = arith.addi %add3A_85, %add3A_86 : i32
    %mul3A_88 = arith.constant 10000 : i32
    %mul3A_89 = arith.muli %add3A_87, %mul3A_88 : i32
    %multiple_of3A_90 = tpu.assume_multiple %mul3A_89, 8 : i32
    "tpu.region"() ({
      %run_scoped3A = tpu.sem_alloc : memref<!tpu.dma_semaphore, #tpu.memory_space<semaphore_mem>>
      %dma_start3A_111 = arith.constant 0 : i32
      %dma_start3A_112 = tpu.memref_slice %arg12[%dma_start3A_111] : memref<10016xf32, #tpu.memory_space<vmem>> -> memref<10000xf32, #tpu.memory_space<vmem>>
      %dma_start3A_113 = tpu.memref_slice %arg6[%multiple_of3A_90] : memref<1280000xf32, #tpu.memory_space<hbm>> -> memref<10000xf32, #tpu.memory_space<hbm>>
      %dma_start3A_114 = tpu.memref_slice %arg6[%multiple_of3A_90] : memref<1280000xf32, #tpu.memory_space<hbm>> -> memref<10000xf32, #tpu.memory_space<hbm>>
      %dma_start3A_115 = arith.constant 0 : i32
      %dma_start3A_116 = tpu.memref_slice %arg12[%dma_start3A_115] : memref<10016xf32, #tpu.memory_space<vmem>> -> memref<10000xf32, #tpu.memory_space<vmem>>
      tpu.enqueue_dma source(%dma_start3A_116 : memref<10000xf32, #tpu.memory_space<vmem>>) target(%dma_start3A_114 : memref<10000xf32, #tpu.memory_space<hbm>>) target_semaphore(%run_scoped3A : memref<!tpu.dma_semaphore, #tpu.memory_space<semaphore_mem>>)
      %dma_wait3A = arith.constant 0 : i32
      %dma_wait3A_117 = tpu.memref_slice %arg12[%dma_wait3A] : memref<10016xf32, #tpu.memory_space<vmem>> -> memref<10000xf32, #tpu.memory_space<vmem>>
      %dma_wait3A_118 = tpu.memref_slice %arg6[%multiple_of3A_90] : memref<1280000xf32, #tpu.memory_space<hbm>> -> memref<10000xf32, #tpu.memory_space<hbm>>
      %dma_wait3A_119 = tpu.memref_slice %arg6[%multiple_of3A_90] : memref<1280000xf32, #tpu.memory_space<hbm>> -> memref<10000xf32, #tpu.memory_space<hbm>>
      %dma_wait3A_120 = arith.constant 0 : i32
      %dma_wait3A_121 = tpu.memref_slice %arg12[%dma_wait3A_120] : memref<10016xf32, #tpu.memory_space<vmem>> -> memref<10000xf32, #tpu.memory_space<vmem>>
      tpu.wait_dma2 semaphore(%run_scoped3A : memref<!tpu.dma_semaphore, #tpu.memory_space<semaphore_mem>>) src(%dma_wait3A_121 : memref<10000xf32, #tpu.memory_space<vmem>>) dst(%dma_wait3A_119 : memref<10000xf32, #tpu.memory_space<hbm>>)
      tpu.yield
    }) : () -> ()
    %mul3A_91 = arith.constant 32 : i32
    %mul3A_92 = arith.muli %select_n3A_30, %mul3A_91 : i32
    %mul3A_93 = arith.constant 4 : i32
    %mul3A_94 = arith.muli %select_n3A_9, %mul3A_93 : i32
    %add3A_95 = arith.addi %mul3A_92, %mul3A_94 : i32
    %add3A_96 = arith.constant 2 : i32
    %add3A_97 = arith.addi %add3A_95, %add3A_96 : i32
    %mul3A_98 = arith.constant 10000 : i32
    %mul3A_99 = arith.muli %add3A_97, %mul3A_98 : i32
    %multiple_of3A_100 = tpu.assume_multiple %mul3A_99, 8 : i32
    "tpu.region"() ({
      %run_scoped3A = tpu.sem_alloc : memref<!tpu.dma_semaphore, #tpu.memory_space<semaphore_mem>>
      %dma_start3A_111 = arith.constant 0 : i32
      %dma_start3A_112 = tpu.memref_slice %arg13[%dma_start3A_111] : memref<10016xf32, #tpu.memory_space<vmem>> -> memref<10000xf32, #tpu.memory_space<vmem>>
      %dma_start3A_113 = tpu.memref_slice %arg6[%multiple_of3A_100] : memref<1280000xf32, #tpu.memory_space<hbm>> -> memref<10000xf32, #tpu.memory_space<hbm>>
      %dma_start3A_114 = tpu.memref_slice %arg6[%multiple_of3A_100] : memref<1280000xf32, #tpu.memory_space<hbm>> -> memref<10000xf32, #tpu.memory_space<hbm>>
      %dma_start3A_115 = arith.constant 0 : i32
      %dma_start3A_116 = tpu.memref_slice %arg13[%dma_start3A_115] : memref<10016xf32, #tpu.memory_space<vmem>> -> memref<10000xf32, #tpu.memory_space<vmem>>
      tpu.enqueue_dma source(%dma_start3A_116 : memref<10000xf32, #tpu.memory_space<vmem>>) target(%dma_start3A_114 : memref<10000xf32, #tpu.memory_space<hbm>>) target_semaphore(%run_scoped3A : memref<!tpu.dma_semaphore, #tpu.memory_space<semaphore_mem>>)
      %dma_wait3A = arith.constant 0 : i32
      %dma_wait3A_117 = tpu.memref_slice %arg13[%dma_wait3A] : memref<10016xf32, #tpu.memory_space<vmem>> -> memref<10000xf32, #tpu.memory_space<vmem>>
      %dma_wait3A_118 = tpu.memref_slice %arg6[%multiple_of3A_100] : memref<1280000xf32, #tpu.memory_space<hbm>> -> memref<10000xf32, #tpu.memory_space<hbm>>
      %dma_wait3A_119 = tpu.memref_slice %arg6[%multiple_of3A_100] : memref<1280000xf32, #tpu.memory_space<hbm>> -> memref<10000xf32, #tpu.memory_space<hbm>>
      %dma_wait3A_120 = arith.constant 0 : i32
      %dma_wait3A_121 = tpu.memref_slice %arg13[%dma_wait3A_120] : memref<10016xf32, #tpu.memory_space<vmem>> -> memref<10000xf32, #tpu.memory_space<vmem>>
      tpu.wait_dma2 semaphore(%run_scoped3A : memref<!tpu.dma_semaphore, #tpu.memory_space<semaphore_mem>>) src(%dma_wait3A_121 : memref<10000xf32, #tpu.memory_space<vmem>>) dst(%dma_wait3A_119 : memref<10000xf32, #tpu.memory_space<hbm>>)
      tpu.yield
    }) : () -> ()
    %mul3A_101 = arith.constant 32 : i32
    %mul3A_102 = arith.muli %select_n3A_30, %mul3A_101 : i32
    %mul3A_103 = arith.constant 4 : i32
    %mul3A_104 = arith.muli %select_n3A_9, %mul3A_103 : i32
    %add3A_105 = arith.addi %mul3A_102, %mul3A_104 : i32
    %add3A_106 = arith.constant 3 : i32
    %add3A_107 = arith.addi %add3A_105, %add3A_106 : i32
    %mul3A_108 = arith.constant 10000 : i32
    %mul3A_109 = arith.muli %add3A_107, %mul3A_108 : i32
    %multiple_of3A_110 = tpu.assume_multiple %mul3A_109, 8 : i32
    "tpu.region"() ({
      %run_scoped3A = tpu.sem_alloc : memref<!tpu.dma_semaphore, #tpu.memory_space<semaphore_mem>>
      %dma_start3A_111 = arith.constant 0 : i32
      %dma_start3A_112 = tpu.memref_slice %arg14[%dma_start3A_111] : memref<10016xf32, #tpu.memory_space<vmem>> -> memref<10000xf32, #tpu.memory_space<vmem>>
      %dma_start3A_113 = tpu.memref_slice %arg6[%multiple_of3A_110] : memref<1280000xf32, #tpu.memory_space<hbm>> -> memref<10000xf32, #tpu.memory_space<hbm>>
      %dma_start3A_114 = tpu.memref_slice %arg6[%multiple_of3A_110] : memref<1280000xf32, #tpu.memory_space<hbm>> -> memref<10000xf32, #tpu.memory_space<hbm>>
      %dma_start3A_115 = arith.constant 0 : i32
      %dma_start3A_116 = tpu.memref_slice %arg14[%dma_start3A_115] : memref<10016xf32, #tpu.memory_space<vmem>> -> memref<10000xf32, #tpu.memory_space<vmem>>
      tpu.enqueue_dma source(%dma_start3A_116 : memref<10000xf32, #tpu.memory_space<vmem>>) target(%dma_start3A_114 : memref<10000xf32, #tpu.memory_space<hbm>>) target_semaphore(%run_scoped3A : memref<!tpu.dma_semaphore, #tpu.memory_space<semaphore_mem>>)
      %dma_wait3A = arith.constant 0 : i32
      %dma_wait3A_117 = tpu.memref_slice %arg14[%dma_wait3A] : memref<10016xf32, #tpu.memory_space<vmem>> -> memref<10000xf32, #tpu.memory_space<vmem>>
      %dma_wait3A_118 = tpu.memref_slice %arg6[%multiple_of3A_110] : memref<1280000xf32, #tpu.memory_space<hbm>> -> memref<10000xf32, #tpu.memory_space<hbm>>
      %dma_wait3A_119 = tpu.memref_slice %arg6[%multiple_of3A_110] : memref<1280000xf32, #tpu.memory_space<hbm>> -> memref<10000xf32, #tpu.memory_space<hbm>>
      %dma_wait3A_120 = arith.constant 0 : i32
      %dma_wait3A_121 = tpu.memref_slice %arg14[%dma_wait3A_120] : memref<10016xf32, #tpu.memory_space<vmem>> -> memref<10000xf32, #tpu.memory_space<vmem>>
      tpu.wait_dma2 semaphore(%run_scoped3A : memref<!tpu.dma_semaphore, #tpu.memory_space<semaphore_mem>>) src(%dma_wait3A_121 : memref<10000xf32, #tpu.memory_space<vmem>>) dst(%dma_wait3A_119 : memref<10000xf32, #tpu.memory_space<hbm>>)
      tpu.yield
    }) : () -> ()
    return
  }
}

#map = affine_map<(d0, d1) -> (0)>
module attributes {stable_mosaic.version = 14 : i64} {
  func.func @kern(%arg0: i32, %arg1: i32, %arg2: memref<160000xf32, #tpu.memory_space<hbm>>, %arg3: memref<10000xf32, #tpu.memory_space<hbm>>, %arg4: memref<327680xi32, #tpu.memory_space<hbm>>, %arg5: memref<327680xi32, #tpu.memory_space<hbm>>, %arg6: memref<640000xf32, #tpu.memory_space<hbm>>, %arg7: memref<10016xf32, #tpu.memory_space<vmem>>, %arg8: memref<10016xf32, #tpu.memory_space<vmem>>, %arg9: memref<10016xf32, #tpu.memory_space<vmem>>, %arg10: memref<10016xf32, #tpu.memory_space<vmem>>, %arg11: memref<10240xi32, #tpu.memory_space<vmem>>, %arg12: memref<10240xi32, #tpu.memory_space<vmem>>, %arg13: memref<10240xi32, #tpu.memory_space<vmem>>, %arg14: memref<10240xi32, #tpu.memory_space<vmem>>, %arg15: memref<!tpu.dma_semaphore, #tpu.memory_space<semaphore_mem>>, %arg16: memref<!tpu.dma_semaphore, #tpu.memory_space<semaphore_mem>>, %arg17: memref<!tpu.dma_semaphore, #tpu.memory_space<semaphore_mem>>, %arg18: memref<!tpu.dma_semaphore, #tpu.memory_space<semaphore_mem>>) attributes {dimension_semantics = [#tpu.dimension_semantics<core_parallel>, #tpu.dimension_semantics<subcore_parallel>], iteration_bounds = array<i64: 2, 16>, scalar_prefetch = 0 : i64, scratch_operands = 12 : i64, tpu.core_type = #tpu.core_type<sc_vector_subcore>, window_params = [{transform_indices = #map}, {transform_indices = #map}, {transform_indices = #map}, {transform_indices = #map}, {transform_indices = #map}]} {
    %mul3A = arith.constant 16 : i32
    %mul3A_0 = arith.muli %arg0, %mul3A : i32
    %add3A = arith.addi %mul3A_0, %arg1 : i32
    %jit3A = arith.constant 8 : i32
    %eq3A = arith.constant 0 : i32
    %eq3A_1 = arith.cmpi eq, %jit3A, %eq3A : i32
    %jit3A_2 = arith.constant 1 : i32
    %select_n3A = arith.select %eq3A_1, %jit3A_2, %jit3A : i32
    %rem3A = arith.remsi %add3A, %select_n3A : i32
    %ne3A = arith.constant 0 : i32
    %ne3A_3 = arith.cmpi ne, %rem3A, %ne3A : i32
    %lt3A = arith.constant 0 : i32
    %lt3A_4 = arith.cmpi slt, %rem3A, %lt3A : i32
    %lt3A_5 = arith.constant 0 : i32
    %lt3A_6 = arith.cmpi slt, %select_n3A, %lt3A_5 : i32
    %ne3A_7 = arith.xori %lt3A_4, %lt3A_6 : i1
    %and3A = arith.andi %ne3A_7, %ne3A_3 : i1
    %add3A_8 = arith.addi %rem3A, %select_n3A : i32
    %select_n3A_9 = arith.select %and3A, %add3A_8, %rem3A : i32
    %jit3A_10 = arith.constant 8 : i32
    %div3A = arith.divsi %add3A, %jit3A_10 : i32
    %sign3A = arith.constant 0 : i32
    %sign3A_11 = arith.cmpi sgt, %add3A, %sign3A : i32
    %sign3A_12 = arith.extui %sign3A_11 : i1 to i32
    %sign3A_13 = arith.constant 0 : i32
    %sign3A_14 = arith.cmpi slt, %add3A, %sign3A_13 : i32
    %sign3A_15 = arith.extui %sign3A_14 : i1 to i32
    %sign3A_16 = arith.subi %sign3A_12, %sign3A_15 : i32
    %sign3A_17 = arith.constant 0 : i32
    %sign3A_18 = arith.cmpi sgt, %jit3A_10, %sign3A_17 : i32
    %sign3A_19 = arith.extui %sign3A_18 : i1 to i32
    %sign3A_20 = arith.constant 0 : i32
    %sign3A_21 = arith.cmpi slt, %jit3A_10, %sign3A_20 : i32
    %sign3A_22 = arith.extui %sign3A_21 : i1 to i32
    %sign3A_23 = arith.subi %sign3A_19, %sign3A_22 : i32
    %ne3A_24 = arith.cmpi ne, %sign3A_16, %sign3A_23 : i32
    %rem3A_25 = arith.remsi %add3A, %jit3A_10 : i32
    %ne3A_26 = arith.constant 0 : i32
    %ne3A_27 = arith.cmpi ne, %rem3A_25, %ne3A_26 : i32
    %and3A_28 = arith.andi %ne3A_24, %ne3A_27 : i1
    %sub3A = arith.constant 1 : i32
    %sub3A_29 = arith.subi %div3A, %sub3A : i32
    %select_n3A_30 = arith.select %and3A_28, %sub3A_29, %div3A : i32
    %mul3A_31 = arith.constant 81920 : i32
    %mul3A_32 = arith.muli %select_n3A_30, %mul3A_31 : i32
    %mul3A_33 = arith.constant 2 : i32
    %mul3A_34 = arith.muli %select_n3A_9, %mul3A_33 : i32
    %add3A_35 = arith.constant 0 : i32
    %add3A_36 = arith.addi %mul3A_34, %add3A_35 : i32
    %mul3A_37 = arith.constant 10000 : i32
    %mul3A_38 = arith.muli %add3A_36, %mul3A_37 : i32
    %multiple_of3A = tpu.assume_multiple %mul3A_38, 8 : i32
    "tpu.region"() ({
      %run_scoped3A = tpu.sem_alloc : memref<!tpu.dma_semaphore, #tpu.memory_space<semaphore_mem>>
      %dma_start3A_77 = arith.constant 0 : i32
      %dma_start3A_78 = tpu.memref_slice %arg7[%dma_start3A_77] : memref<10016xf32, #tpu.memory_space<vmem>> -> memref<10000xf32, #tpu.memory_space<vmem>>
      %dma_start3A_79 = tpu.memref_slice %arg2[%multiple_of3A] : memref<160000xf32, #tpu.memory_space<hbm>> -> memref<10000xf32, #tpu.memory_space<hbm>>
      %dma_start3A_80 = arith.constant 0 : i32
      %dma_start3A_81 = tpu.memref_slice %arg7[%dma_start3A_80] : memref<10016xf32, #tpu.memory_space<vmem>> -> memref<10000xf32, #tpu.memory_space<vmem>>
      %dma_start3A_82 = tpu.memref_slice %arg2[%multiple_of3A] : memref<160000xf32, #tpu.memory_space<hbm>> -> memref<10000xf32, #tpu.memory_space<hbm>>
      tpu.enqueue_dma source(%dma_start3A_82 : memref<10000xf32, #tpu.memory_space<hbm>>) target(%dma_start3A_81 : memref<10000xf32, #tpu.memory_space<vmem>>) target_semaphore(%run_scoped3A : memref<!tpu.dma_semaphore, #tpu.memory_space<semaphore_mem>>)
      %dma_wait3A = arith.constant 0 : i32
      %dma_wait3A_83 = tpu.memref_slice %arg7[%dma_wait3A] : memref<10016xf32, #tpu.memory_space<vmem>> -> memref<10000xf32, #tpu.memory_space<vmem>>
      %dma_wait3A_84 = tpu.memref_slice %arg2[%multiple_of3A] : memref<160000xf32, #tpu.memory_space<hbm>> -> memref<10000xf32, #tpu.memory_space<hbm>>
      %dma_wait3A_85 = arith.constant 0 : i32
      %dma_wait3A_86 = tpu.memref_slice %arg7[%dma_wait3A_85] : memref<10016xf32, #tpu.memory_space<vmem>> -> memref<10000xf32, #tpu.memory_space<vmem>>
      %dma_wait3A_87 = tpu.memref_slice %arg2[%multiple_of3A] : memref<160000xf32, #tpu.memory_space<hbm>> -> memref<10000xf32, #tpu.memory_space<hbm>>
      tpu.wait_dma2 semaphore(%run_scoped3A : memref<!tpu.dma_semaphore, #tpu.memory_space<semaphore_mem>>) src(%dma_wait3A_87 : memref<10000xf32, #tpu.memory_space<hbm>>) dst(%dma_wait3A_86 : memref<10000xf32, #tpu.memory_space<vmem>>)
      tpu.yield
    }) : () -> ()
    "tpu.region"() ({
      %run_scoped3A = tpu.sem_alloc : memref<!tpu.dma_semaphore, #tpu.memory_space<semaphore_mem>>
      %dma_start3A_77 = arith.constant 0 : i32
      %dma_start3A_78 = tpu.memref_slice %arg9[%dma_start3A_77] : memref<10016xf32, #tpu.memory_space<vmem>> -> memref<10000xf32, #tpu.memory_space<vmem>>
      %dma_start3A_79 = arith.constant 0 : i32
      %dma_start3A_80 = tpu.memref_slice %arg9[%dma_start3A_79] : memref<10016xf32, #tpu.memory_space<vmem>> -> memref<10000xf32, #tpu.memory_space<vmem>>
      tpu.enqueue_dma source(%arg3 : memref<10000xf32, #tpu.memory_space<hbm>>) target(%dma_start3A_80 : memref<10000xf32, #tpu.memory_space<vmem>>) target_semaphore(%run_scoped3A : memref<!tpu.dma_semaphore, #tpu.memory_space<semaphore_mem>>)
      %dma_wait3A = arith.constant 0 : i32
      %dma_wait3A_81 = tpu.memref_slice %arg9[%dma_wait3A] : memref<10016xf32, #tpu.memory_space<vmem>> -> memref<10000xf32, #tpu.memory_space<vmem>>
      %dma_wait3A_82 = arith.constant 0 : i32
      %dma_wait3A_83 = tpu.memref_slice %arg9[%dma_wait3A_82] : memref<10016xf32, #tpu.memory_space<vmem>> -> memref<10000xf32, #tpu.memory_space<vmem>>
      tpu.wait_dma2 semaphore(%run_scoped3A : memref<!tpu.dma_semaphore, #tpu.memory_space<semaphore_mem>>) src(%arg3 : memref<10000xf32, #tpu.memory_space<hbm>>) dst(%dma_wait3A_83 : memref<10000xf32, #tpu.memory_space<vmem>>)
      tpu.yield
    }) : () -> ()
    %mul3A_39 = arith.constant 2 : i32
    %mul3A_40 = arith.muli %select_n3A_9, %mul3A_39 : i32
    %add3A_41 = arith.constant 1 : i32
    %add3A_42 = arith.addi %mul3A_40, %add3A_41 : i32
    %mul3A_43 = arith.constant 10000 : i32
    %mul3A_44 = arith.muli %add3A_42, %mul3A_43 : i32
    %multiple_of3A_45 = tpu.assume_multiple %mul3A_44, 8 : i32
    "tpu.region"() ({
      %run_scoped3A = tpu.sem_alloc : memref<!tpu.dma_semaphore, #tpu.memory_space<semaphore_mem>>
      %dma_start3A_77 = arith.constant 0 : i32
      %dma_start3A_78 = tpu.memref_slice %arg8[%dma_start3A_77] : memref<10016xf32, #tpu.memory_space<vmem>> -> memref<10000xf32, #tpu.memory_space<vmem>>
      %dma_start3A_79 = tpu.memref_slice %arg2[%multiple_of3A_45] : memref<160000xf32, #tpu.memory_space<hbm>> -> memref<10000xf32, #tpu.memory_space<hbm>>
      %dma_start3A_80 = arith.constant 0 : i32
      %dma_start3A_81 = tpu.memref_slice %arg8[%dma_start3A_80] : memref<10016xf32, #tpu.memory_space<vmem>> -> memref<10000xf32, #tpu.memory_space<vmem>>
      %dma_start3A_82 = tpu.memref_slice %arg2[%multiple_of3A_45] : memref<160000xf32, #tpu.memory_space<hbm>> -> memref<10000xf32, #tpu.memory_space<hbm>>
      tpu.enqueue_dma source(%dma_start3A_82 : memref<10000xf32, #tpu.memory_space<hbm>>) target(%dma_start3A_81 : memref<10000xf32, #tpu.memory_space<vmem>>) target_semaphore(%run_scoped3A : memref<!tpu.dma_semaphore, #tpu.memory_space<semaphore_mem>>)
      %dma_wait3A = arith.constant 0 : i32
      %dma_wait3A_83 = tpu.memref_slice %arg8[%dma_wait3A] : memref<10016xf32, #tpu.memory_space<vmem>> -> memref<10000xf32, #tpu.memory_space<vmem>>
      %dma_wait3A_84 = tpu.memref_slice %arg2[%multiple_of3A_45] : memref<160000xf32, #tpu.memory_space<hbm>> -> memref<10000xf32, #tpu.memory_space<hbm>>
      %dma_wait3A_85 = arith.constant 0 : i32
      %dma_wait3A_86 = tpu.memref_slice %arg8[%dma_wait3A_85] : memref<10016xf32, #tpu.memory_space<vmem>> -> memref<10000xf32, #tpu.memory_space<vmem>>
      %dma_wait3A_87 = tpu.memref_slice %arg2[%multiple_of3A_45] : memref<160000xf32, #tpu.memory_space<hbm>> -> memref<10000xf32, #tpu.memory_space<hbm>>
      tpu.wait_dma2 semaphore(%run_scoped3A : memref<!tpu.dma_semaphore, #tpu.memory_space<semaphore_mem>>) src(%dma_wait3A_87 : memref<10000xf32, #tpu.memory_space<hbm>>) dst(%dma_wait3A_86 : memref<10000xf32, #tpu.memory_space<vmem>>)
      tpu.yield
    }) : () -> ()
    "tpu.region"() ({
      %run_scoped3A = tpu.sem_alloc : memref<!tpu.dma_semaphore, #tpu.memory_space<semaphore_mem>>
      %dma_start3A_77 = arith.constant 0 : i32
      %dma_start3A_78 = tpu.memref_slice %arg10[%dma_start3A_77] : memref<10016xf32, #tpu.memory_space<vmem>> -> memref<10000xf32, #tpu.memory_space<vmem>>
      %dma_start3A_79 = arith.constant 0 : i32
      %dma_start3A_80 = tpu.memref_slice %arg10[%dma_start3A_79] : memref<10016xf32, #tpu.memory_space<vmem>> -> memref<10000xf32, #tpu.memory_space<vmem>>
      tpu.enqueue_dma source(%arg3 : memref<10000xf32, #tpu.memory_space<hbm>>) target(%dma_start3A_80 : memref<10000xf32, #tpu.memory_space<vmem>>) target_semaphore(%run_scoped3A : memref<!tpu.dma_semaphore, #tpu.memory_space<semaphore_mem>>)
      %dma_wait3A = arith.constant 0 : i32
      %dma_wait3A_81 = tpu.memref_slice %arg10[%dma_wait3A] : memref<10016xf32, #tpu.memory_space<vmem>> -> memref<10000xf32, #tpu.memory_space<vmem>>
      %dma_wait3A_82 = arith.constant 0 : i32
      %dma_wait3A_83 = tpu.memref_slice %arg10[%dma_wait3A_82] : memref<10016xf32, #tpu.memory_space<vmem>> -> memref<10000xf32, #tpu.memory_space<vmem>>
      tpu.wait_dma2 semaphore(%run_scoped3A : memref<!tpu.dma_semaphore, #tpu.memory_space<semaphore_mem>>) src(%arg3 : memref<10000xf32, #tpu.memory_space<hbm>>) dst(%dma_wait3A_83 : memref<10000xf32, #tpu.memory_space<vmem>>)
      tpu.yield
    }) : () -> ()
    %add3A_46 = arith.constant 0 : i32
    %add3A_47 = arith.addi %mul3A_32, %add3A_46 : i32
    %multiple_of3A_48 = tpu.assume_multiple %add3A_47, 8 : i32
    %dma_start3A = tpu.memref_slice %arg4[%multiple_of3A_48] : memref<327680xi32, #tpu.memory_space<hbm>> -> memref<10240xi32, #tpu.memory_space<hbm>>
    %dma_start3A_49 = tpu.memref_slice %arg4[%multiple_of3A_48] : memref<327680xi32, #tpu.memory_space<hbm>> -> memref<10240xi32, #tpu.memory_space<hbm>>
    tpu.enqueue_dma source(%dma_start3A_49 : memref<10240xi32, #tpu.memory_space<hbm>>) target(%arg11 : memref<10240xi32, #tpu.memory_space<vmem>>) target_semaphore(%arg15 : memref<!tpu.dma_semaphore, #tpu.memory_space<semaphore_mem>>)
    %dma_start3A_50 = tpu.memref_slice %arg5[%multiple_of3A_48] : memref<327680xi32, #tpu.memory_space<hbm>> -> memref<10240xi32, #tpu.memory_space<hbm>>
    %dma_start3A_51 = tpu.memref_slice %arg5[%multiple_of3A_48] : memref<327680xi32, #tpu.memory_space<hbm>> -> memref<10240xi32, #tpu.memory_space<hbm>>
    tpu.enqueue_dma source(%dma_start3A_51 : memref<10240xi32, #tpu.memory_space<hbm>>) target(%arg12 : memref<10240xi32, #tpu.memory_space<vmem>>) target_semaphore(%arg16 : memref<!tpu.dma_semaphore, #tpu.memory_space<semaphore_mem>>)
    %scan3A = arith.constant 0 : i32
    %scan3A_52 = arith.constant 0 : i32
    %scan3A_53 = arith.constant 4 : i32
    %scan3A_54 = arith.addi %scan3A_52, %scan3A_53 : i32
    %scan3A_55 = arith.constant 1 : i32
    scf.for %scan3A_77 = %scan3A_52 to %scan3A_54 step %scan3A_55  : i32 {
      %dma_wait3A = arith.constant 0 : i32
      %dma_wait3A_78 = tpu.memref_slice %arg4[%dma_wait3A] : memref<327680xi32, #tpu.memory_space<hbm>> -> memref<10240xi32, #tpu.memory_space<hbm>>
      %dma_wait3A_79 = arith.constant 0 : i32
      %dma_wait3A_80 = tpu.memref_slice %arg4[%dma_wait3A_79] : memref<327680xi32, #tpu.memory_space<hbm>> -> memref<10240xi32, #tpu.memory_space<hbm>>
      tpu.wait_dma2 semaphore(%arg15 : memref<!tpu.dma_semaphore, #tpu.memory_space<semaphore_mem>>) src(%dma_wait3A_80 : memref<10240xi32, #tpu.memory_space<hbm>>) dst(%arg11 : memref<10240xi32, #tpu.memory_space<vmem>>)
      %dma_wait3A_81 = arith.constant 0 : i32
      %dma_wait3A_82 = tpu.memref_slice %arg5[%dma_wait3A_81] : memref<327680xi32, #tpu.memory_space<hbm>> -> memref<10240xi32, #tpu.memory_space<hbm>>
      %dma_wait3A_83 = arith.constant 0 : i32
      %dma_wait3A_84 = tpu.memref_slice %arg5[%dma_wait3A_83] : memref<327680xi32, #tpu.memory_space<hbm>> -> memref<10240xi32, #tpu.memory_space<hbm>>
      tpu.wait_dma2 semaphore(%arg16 : memref<!tpu.dma_semaphore, #tpu.memory_space<semaphore_mem>>) src(%dma_wait3A_84 : memref<10240xi32, #tpu.memory_space<hbm>>) dst(%arg12 : memref<10240xi32, #tpu.memory_space<vmem>>)
      %mul3A_85 = arith.constant 2 : i32
      %mul3A_86 = arith.muli %mul3A_85, %scan3A_77 : i32
      %add3A_87 = arith.constant 1 : i32
      %add3A_88 = arith.addi %mul3A_86, %add3A_87 : i32
      %mul3A_89 = arith.constant 10240 : i32
      %mul3A_90 = arith.muli %add3A_88, %mul3A_89 : i32
      %add3A_91 = arith.addi %mul3A_32, %mul3A_90 : i32
      %multiple_of3A_92 = tpu.assume_multiple %add3A_91, 8 : i32
      %dma_start3A_93 = tpu.memref_slice %arg4[%multiple_of3A_92] : memref<327680xi32, #tpu.memory_space<hbm>> -> memref<10240xi32, #tpu.memory_space<hbm>>
      %dma_start3A_94 = tpu.memref_slice %arg4[%multiple_of3A_92] : memref<327680xi32, #tpu.memory_space<hbm>> -> memref<10240xi32, #tpu.memory_space<hbm>>
      tpu.enqueue_dma source(%dma_start3A_94 : memref<10240xi32, #tpu.memory_space<hbm>>) target(%arg13 : memref<10240xi32, #tpu.memory_space<vmem>>) target_semaphore(%arg17 : memref<!tpu.dma_semaphore, #tpu.memory_space<semaphore_mem>>)
      %dma_start3A_95 = tpu.memref_slice %arg5[%multiple_of3A_92] : memref<327680xi32, #tpu.memory_space<hbm>> -> memref<10240xi32, #tpu.memory_space<hbm>>
      %dma_start3A_96 = tpu.memref_slice %arg5[%multiple_of3A_92] : memref<327680xi32, #tpu.memory_space<hbm>> -> memref<10240xi32, #tpu.memory_space<hbm>>
      tpu.enqueue_dma source(%dma_start3A_96 : memref<10240xi32, #tpu.memory_space<hbm>>) target(%arg14 : memref<10240xi32, #tpu.memory_space<vmem>>) target_semaphore(%arg18 : memref<!tpu.dma_semaphore, #tpu.memory_space<semaphore_mem>>)
      %parallel_loop3A = arith.constant 0 : i32
      %parallel_loop3A_97 = arith.constant 640 : i32
      %parallel_loop3A_98 = arith.constant 1 : i32
      scf.for %parallel_loop3A_117 = %parallel_loop3A to %parallel_loop3A_97 step %parallel_loop3A_98  : i32 {
        %parallel_loop3A_118 = arith.constant 16 : i32
        %parallel_loop3A_119 = arith.muli %parallel_loop3A_117, %parallel_loop3A_118 : i32
        %parallel_loop3A_120 = tpu.assume_multiple %parallel_loop3A_119, 16 : i32
        %parallel_loop3A_121 = arith.index_cast %parallel_loop3A_120 : i32 to index
        %parallel_loop3A_122 = tpu.vector_load %arg11[%parallel_loop3A_121] {strides = array<i32>} : memref<10240xi32, #tpu.memory_space<vmem>>, vector<16xi32>,
        %parallel_loop3A_123 = arith.index_cast %parallel_loop3A_120 : i32 to index
        %parallel_loop3A_124 = tpu.vector_load %arg12[%parallel_loop3A_123] {strides = array<i32>} : memref<10240xi32, #tpu.memory_space<vmem>>, vector<16xi32>,
        %parallel_loop3A_125 = tpu.vector_load_idx %arg7[%parallel_loop3A_122] : memref<10016xf32, #tpu.memory_space<vmem>>[vector<16xi32>], vector<16xf32>,
        tpu.vector_store_idx %arg9[%parallel_loop3A_124], %parallel_loop3A_125 {add = true} : memref<10016xf32, #tpu.memory_space<vmem>>[vector<16xi32>], vector<16xf32>,
        %parallel_loop3A_126 = tpu.vector_load_idx %arg8[%parallel_loop3A_122] : memref<10016xf32, #tpu.memory_space<vmem>>[vector<16xi32>], vector<16xf32>,
        tpu.vector_store_idx %arg10[%parallel_loop3A_124], %parallel_loop3A_126 {add = true} : memref<10016xf32, #tpu.memory_space<vmem>>[vector<16xi32>], vector<16xf32>,
      } {sc.loop_unroll_factor = 8 : i64, sc.parallel_access}
      %dma_wait3A_99 = arith.constant 0 : i32
      %dma_wait3A_100 = tpu.memref_slice %arg4[%dma_wait3A_99] : memref<327680xi32, #tpu.memory_space<hbm>> -> memref<10240xi32, #tpu.memory_space<hbm>>
      %dma_wait3A_101 = arith.constant 0 : i32
      %dma_wait3A_102 = tpu.memref_slice %arg4[%dma_wait3A_101] : memref<327680xi32, #tpu.memory_space<hbm>> -> memref<10240xi32, #tpu.memory_space<hbm>>
      tpu.wait_dma2 semaphore(%arg17 : memref<!tpu.dma_semaphore, #tpu.memory_space<semaphore_mem>>) src(%dma_wait3A_102 : memref<10240xi32, #tpu.memory_space<hbm>>) dst(%arg13 : memref<10240xi32, #tpu.memory_space<vmem>>)
      %dma_wait3A_103 = arith.constant 0 : i32
      %dma_wait3A_104 = tpu.memref_slice %arg5[%dma_wait3A_103] : memref<327680xi32, #tpu.memory_space<hbm>> -> memref<10240xi32, #tpu.memory_space<hbm>>
      %dma_wait3A_105 = arith.constant 0 : i32
      %dma_wait3A_106 = tpu.memref_slice %arg5[%dma_wait3A_105] : memref<327680xi32, #tpu.memory_space<hbm>> -> memref<10240xi32, #tpu.memory_space<hbm>>
      tpu.wait_dma2 semaphore(%arg18 : memref<!tpu.dma_semaphore, #tpu.memory_space<semaphore_mem>>) src(%dma_wait3A_106 : memref<10240xi32, #tpu.memory_space<hbm>>) dst(%arg14 : memref<10240xi32, #tpu.memory_space<vmem>>)
      %mul3A_107 = arith.constant 2 : i32
      %mul3A_108 = arith.muli %mul3A_107, %scan3A_77 : i32
      %add3A_109 = arith.constant 2 : i32
      %add3A_110 = arith.addi %mul3A_108, %add3A_109 : i32
      %lt3A_111 = arith.constant 8 : i32
      %lt3A_112 = arith.cmpi slt, %add3A_110, %lt3A_111 : i32
      %convert_element_type3A = arith.extui %lt3A_112 : i1 to i32
      %cond3A = arith.constant 0 : i32
      %cond3A_113 = arith.cmpi ne, %convert_element_type3A, %cond3A : i32
      scf.if %cond3A_113 {
        %mul3A_117 = arith.constant 2 : i32
        %mul3A_118 = arith.muli %mul3A_117, %scan3A_77 : i32
        %add3A_119 = arith.constant 2 : i32
        %add3A_120 = arith.addi %mul3A_118, %add3A_119 : i32
        %mul3A_121 = arith.constant 10240 : i32
        %mul3A_122 = arith.muli %add3A_120, %mul3A_121 : i32
        %add3A_123 = arith.addi %mul3A_32, %mul3A_122 : i32
        %multiple_of3A_124 = tpu.assume_multiple %add3A_123, 8 : i32
        %dma_start3A_125 = tpu.memref_slice %arg4[%multiple_of3A_124] : memref<327680xi32, #tpu.memory_space<hbm>> -> memref<10240xi32, #tpu.memory_space<hbm>>
        %dma_start3A_126 = tpu.memref_slice %arg4[%multiple_of3A_124] : memref<327680xi32, #tpu.memory_space<hbm>> -> memref<10240xi32, #tpu.memory_space<hbm>>
        tpu.enqueue_dma source(%dma_start3A_126 : memref<10240xi32, #tpu.memory_space<hbm>>) target(%arg11 : memref<10240xi32, #tpu.memory_space<vmem>>) target_semaphore(%arg15 : memref<!tpu.dma_semaphore, #tpu.memory_space<semaphore_mem>>)
        %dma_start3A_127 = tpu.memref_slice %arg5[%multiple_of3A_124] : memref<327680xi32, #tpu.memory_space<hbm>> -> memref<10240xi32, #tpu.memory_space<hbm>>
        %dma_start3A_128 = tpu.memref_slice %arg5[%multiple_of3A_124] : memref<327680xi32, #tpu.memory_space<hbm>> -> memref<10240xi32, #tpu.memory_space<hbm>>
        tpu.enqueue_dma source(%dma_start3A_128 : memref<10240xi32, #tpu.memory_space<hbm>>) target(%arg12 : memref<10240xi32, #tpu.memory_space<vmem>>) target_semaphore(%arg16 : memref<!tpu.dma_semaphore, #tpu.memory_space<semaphore_mem>>)
      } else {
      }
      %parallel_loop3A_114 = arith.constant 0 : i32
      %parallel_loop3A_115 = arith.constant 640 : i32
      %parallel_loop3A_116 = arith.constant 1 : i32
      scf.for %parallel_loop3A_117 = %parallel_loop3A_114 to %parallel_loop3A_115 step %parallel_loop3A_116  : i32 {
        %parallel_loop3A_118 = arith.constant 16 : i32
        %parallel_loop3A_119 = arith.muli %parallel_loop3A_117, %parallel_loop3A_118 : i32
        %parallel_loop3A_120 = tpu.assume_multiple %parallel_loop3A_119, 16 : i32
        %parallel_loop3A_121 = arith.index_cast %parallel_loop3A_120 : i32 to index
        %parallel_loop3A_122 = tpu.vector_load %arg13[%parallel_loop3A_121] {strides = array<i32>} : memref<10240xi32, #tpu.memory_space<vmem>>, vector<16xi32>,
        %parallel_loop3A_123 = arith.index_cast %parallel_loop3A_120 : i32 to index
        %parallel_loop3A_124 = tpu.vector_load %arg14[%parallel_loop3A_123] {strides = array<i32>} : memref<10240xi32, #tpu.memory_space<vmem>>, vector<16xi32>,
        %parallel_loop3A_125 = tpu.vector_load_idx %arg7[%parallel_loop3A_122] : memref<10016xf32, #tpu.memory_space<vmem>>[vector<16xi32>], vector<16xf32>,
        tpu.vector_store_idx %arg9[%parallel_loop3A_124], %parallel_loop3A_125 {add = true} : memref<10016xf32, #tpu.memory_space<vmem>>[vector<16xi32>], vector<16xf32>,
        %parallel_loop3A_126 = tpu.vector_load_idx %arg8[%parallel_loop3A_122] : memref<10016xf32, #tpu.memory_space<vmem>>[vector<16xi32>], vector<16xf32>,
        tpu.vector_store_idx %arg10[%parallel_loop3A_124], %parallel_loop3A_126 {add = true} : memref<10016xf32, #tpu.memory_space<vmem>>[vector<16xi32>], vector<16xf32>,
      } {sc.loop_unroll_factor = 8 : i64, sc.parallel_access}
    }
    %scan3A_56 = arith.constant 4 : i32
    %mul3A_57 = arith.constant 16 : i32
    %mul3A_58 = arith.muli %select_n3A_30, %mul3A_57 : i32
    %mul3A_59 = arith.constant 2 : i32
    %mul3A_60 = arith.muli %select_n3A_9, %mul3A_59 : i32
    %add3A_61 = arith.addi %mul3A_58, %mul3A_60 : i32
    %add3A_62 = arith.constant 0 : i32
    %add3A_63 = arith.addi %add3A_61, %add3A_62 : i32
    %mul3A_64 = arith.constant 10000 : i32
    %mul3A_65 = arith.muli %add3A_63, %mul3A_64 : i32
    %multiple_of3A_66 = tpu.assume_multiple %mul3A_65, 8 : i32
    "tpu.region"() ({
      %run_scoped3A = tpu.sem_alloc : memref<!tpu.dma_semaphore, #tpu.memory_space<semaphore_mem>>
      %dma_start3A_77 = arith.constant 0 : i32
      %dma_start3A_78 = tpu.memref_slice %arg9[%dma_start3A_77] : memref<10016xf32, #tpu.memory_space<vmem>> -> memref<10000xf32, #tpu.memory_space<vmem>>
      %dma_start3A_79 = tpu.memref_slice %arg6[%multiple_of3A_66] : memref<640000xf32, #tpu.memory_space<hbm>> -> memref<10000xf32, #tpu.memory_space<hbm>>
      %dma_start3A_80 = tpu.memref_slice %arg6[%multiple_of3A_66] : memref<640000xf32, #tpu.memory_space<hbm>> -> memref<10000xf32, #tpu.memory_space<hbm>>
      %dma_start3A_81 = arith.constant 0 : i32
      %dma_start3A_82 = tpu.memref_slice %arg9[%dma_start3A_81] : memref<10016xf32, #tpu.memory_space<vmem>> -> memref<10000xf32, #tpu.memory_space<vmem>>
      tpu.enqueue_dma source(%dma_start3A_82 : memref<10000xf32, #tpu.memory_space<vmem>>) target(%dma_start3A_80 : memref<10000xf32, #tpu.memory_space<hbm>>) target_semaphore(%run_scoped3A : memref<!tpu.dma_semaphore, #tpu.memory_space<semaphore_mem>>)
      %dma_wait3A = arith.constant 0 : i32
      %dma_wait3A_83 = tpu.memref_slice %arg9[%dma_wait3A] : memref<10016xf32, #tpu.memory_space<vmem>> -> memref<10000xf32, #tpu.memory_space<vmem>>
      %dma_wait3A_84 = tpu.memref_slice %arg6[%multiple_of3A_66] : memref<640000xf32, #tpu.memory_space<hbm>> -> memref<10000xf32, #tpu.memory_space<hbm>>
      %dma_wait3A_85 = tpu.memref_slice %arg6[%multiple_of3A_66] : memref<640000xf32, #tpu.memory_space<hbm>> -> memref<10000xf32, #tpu.memory_space<hbm>>
      %dma_wait3A_86 = arith.constant 0 : i32
      %dma_wait3A_87 = tpu.memref_slice %arg9[%dma_wait3A_86] : memref<10016xf32, #tpu.memory_space<vmem>> -> memref<10000xf32, #tpu.memory_space<vmem>>
      tpu.wait_dma2 semaphore(%run_scoped3A : memref<!tpu.dma_semaphore, #tpu.memory_space<semaphore_mem>>) src(%dma_wait3A_87 : memref<10000xf32, #tpu.memory_space<vmem>>) dst(%dma_wait3A_85 : memref<10000xf32, #tpu.memory_space<hbm>>)
      tpu.yield
    }) : () -> ()
    %mul3A_67 = arith.constant 16 : i32
    %mul3A_68 = arith.muli %select_n3A_30, %mul3A_67 : i32
    %mul3A_69 = arith.constant 2 : i32
    %mul3A_70 = arith.muli %select_n3A_9, %mul3A_69 : i32
    %add3A_71 = arith.addi %mul3A_68, %mul3A_70 : i32
    %add3A_72 = arith.constant 1 : i32
    %add3A_73 = arith.addi %add3A_71, %add3A_72 : i32
    %mul3A_74 = arith.constant 10000 : i32
    %mul3A_75 = arith.muli %add3A_73, %mul3A_74 : i32
    %multiple_of3A_76 = tpu.assume_multiple %mul3A_75, 8 : i32
    "tpu.region"() ({
      %run_scoped3A = tpu.sem_alloc : memref<!tpu.dma_semaphore, #tpu.memory_space<semaphore_mem>>
      %dma_start3A_77 = arith.constant 0 : i32
      %dma_start3A_78 = tpu.memref_slice %arg10[%dma_start3A_77] : memref<10016xf32, #tpu.memory_space<vmem>> -> memref<10000xf32, #tpu.memory_space<vmem>>
      %dma_start3A_79 = tpu.memref_slice %arg6[%multiple_of3A_76] : memref<640000xf32, #tpu.memory_space<hbm>> -> memref<10000xf32, #tpu.memory_space<hbm>>
      %dma_start3A_80 = tpu.memref_slice %arg6[%multiple_of3A_76] : memref<640000xf32, #tpu.memory_space<hbm>> -> memref<10000xf32, #tpu.memory_space<hbm>>
      %dma_start3A_81 = arith.constant 0 : i32
      %dma_start3A_82 = tpu.memref_slice %arg10[%dma_start3A_81] : memref<10016xf32, #tpu.memory_space<vmem>> -> memref<10000xf32, #tpu.memory_space<vmem>>
      tpu.enqueue_dma source(%dma_start3A_82 : memref<10000xf32, #tpu.memory_space<vmem>>) target(%dma_start3A_80 : memref<10000xf32, #tpu.memory_space<hbm>>) target_semaphore(%run_scoped3A : memref<!tpu.dma_semaphore, #tpu.memory_space<semaphore_mem>>)
      %dma_wait3A = arith.constant 0 : i32
      %dma_wait3A_83 = tpu.memref_slice %arg10[%dma_wait3A] : memref<10016xf32, #tpu.memory_space<vmem>> -> memref<10000xf32, #tpu.memory_space<vmem>>
      %dma_wait3A_84 = tpu.memref_slice %arg6[%multiple_of3A_76] : memref<640000xf32, #tpu.memory_space<hbm>> -> memref<10000xf32, #tpu.memory_space<hbm>>
      %dma_wait3A_85 = tpu.memref_slice %arg6[%multiple_of3A_76] : memref<640000xf32, #tpu.memory_space<hbm>> -> memref<10000xf32, #tpu.memory_space<hbm>>
      %dma_wait3A_86 = arith.constant 0 : i32
      %dma_wait3A_87 = tpu.memref_slice %arg10[%dma_wait3A_86] : memref<10016xf32, #tpu.memory_space<vmem>> -> memref<10000xf32, #tpu.memory_space<vmem>>
      tpu.wait_dma2 semaphore(%run_scoped3A : memref<!tpu.dma_semaphore, #tpu.memory_space<semaphore_mem>>) src(%dma_wait3A_87 : memref<10000xf32, #tpu.memory_space<vmem>>) dst(%dma_wait3A_85 : memref<10000xf32, #tpu.memory_space<hbm>>)
      tpu.yield
    }) : () -> ()
    return
  }
}

module attributes {stable_mosaic.version = 14 : i64} {
  func.func @_mm_k(%arg0: memref<10000x128xf32, #tpu.memory_space<vmem>>, %arg1: memref<128x16xf32, #tpu.memory_space<vmem>>, %arg2: memref<16x10000xf32, #tpu.memory_space<vmem>>) attributes {dimension_semantics = [], scalar_prefetch = 0 : i64, scratch_operands = 0 : i64, tpu.core_type = #tpu.core_type<tc>} {
    %get3A = arith.constant 0 : index
    %get3A_0 = arith.constant 0 : index
    %get3A_1 = vector.load %arg1[%get3A, %get3A_0] : memref<128x16xf32, #tpu.memory_space<vmem>>, vector<128x16xf32>
    %get3A_2 = arith.constant 0 : index
    %get3A_3 = arith.constant 0 : index
    %get3A_4 = vector.load %arg0[%get3A_2, %get3A_3] : memref<10000x128xf32, #tpu.memory_space<vmem>>, vector<10000x128xf32>
    %dot_general3A = arith.constant dense<0.000000e+00> : vector<16x10000xf32>
    %dot_general3A_5 = tpu.matmul %get3A_1, %get3A_4, %dot_general3A {dimension_numbers = #tpu.dot_dimension_numbers<[0], [1], [1], [0], [0, 1, 1, 0], [], []>, transpose_lhs_hint = false} : vector<128x16xf32>, vector<10000x128xf32>, vector<16x10000xf32> -> vector<16x10000xf32>
    %swap3A = arith.constant 0 : index
    %swap3A_6 = arith.constant 0 : index
    %swap3A_7 = vector.load %arg2[%swap3A, %swap3A_6] : memref<16x10000xf32, #tpu.memory_space<vmem>>, vector<16x10000xf32>
    tpu.vector_store %arg2[%swap3A, %swap3A_6], %dot_general3A_5 {strides = array<i32>} : memref<16x10000xf32, #tpu.memory_space<vmem>>, vector<16x10000xf32>,
    return
  }
}

module attributes {stable_mosaic.version = 14 : i64} {
  func.func @_bn1_k(%arg0: memref<4x16x10000xf32, #tpu.memory_space<vmem>>, %arg1: memref<16xf32, #tpu.memory_space<vmem>>, %arg2: memref<16xf32, #tpu.memory_space<vmem>>, %arg3: memref<16xf32, #tpu.memory_space<vmem>>, %arg4: memref<1xf32, #tpu.memory_space<vmem>>, %arg5: memref<16x1xf32, #tpu.memory_space<vmem>>, %arg6: memref<16x10000xf32, #tpu.memory_space<vmem>>, %arg7: memref<1x10000xf32, #tpu.memory_space<vmem>>) attributes {dimension_semantics = [], scalar_prefetch = 0 : i64, scratch_operands = 0 : i64, tpu.core_type = #tpu.core_type<tc>} {
    %get3A = arith.constant 0 : index
    %get3A_0 = arith.constant 0 : index
    %get3A_1 = arith.constant 0 : index
    %get3A_2 = vector.load %arg0[%get3A, %get3A_0, %get3A_1] : memref<4x16x10000xf32, #tpu.memory_space<vmem>>, vector<4x16x10000xf32>
    %reduce_sum3A = arith.constant dense<0.000000e+00> : vector<16x10000xf32>
    %reduce_sum3A_3 = vector.multi_reduction <add>, %get3A_2, %reduce_sum3A [0] : vector<4x16x10000xf32> to vector<16x10000xf32>
    %get3A_4 = arith.constant 0 : index
    %get3A_5 = vector.load %arg1[%get3A_4] : memref<16xf32, #tpu.memory_space<vmem>>, vector<16xf32>
    %broadcast_in_dim3A = vector.shape_cast %get3A_5 : vector<16xf32> to vector<16x1xf32>
    %add3A = vector.broadcast %broadcast_in_dim3A : vector<16x1xf32> to vector<16x10000xf32>
    %add3A_6 = arith.addf %reduce_sum3A_3, %add3A : vector<16x10000xf32>
    %reduce_sum3A_7 = arith.constant dense<0.000000e+00> : vector<16xf32>
    %reduce_sum3A_8 = vector.multi_reduction <add>, %add3A_6, %reduce_sum3A_7 [1] : vector<16x10000xf32> to vector<16xf32>
    %broadcast_in_dim3A_9 = vector.shape_cast %reduce_sum3A_8 : vector<16xf32> to vector<16x1xf32>
    %div3A = arith.constant 1.000000e+04 : f32
    %div3A_10 = vector.broadcast %div3A : f32 to vector<16x1xf32>
    %div3A_11 = arith.divf %broadcast_in_dim3A_9, %div3A_10 : vector<16x1xf32>
    %mul3A = arith.mulf %add3A_6, %add3A_6 : vector<16x10000xf32>
    %reduce_sum3A_12 = arith.constant dense<0.000000e+00> : vector<16xf32>
    %reduce_sum3A_13 = vector.multi_reduction <add>, %mul3A, %reduce_sum3A_12 [1] : vector<16x10000xf32> to vector<16xf32>
    %broadcast_in_dim3A_14 = vector.shape_cast %reduce_sum3A_13 : vector<16xf32> to vector<16x1xf32>
    %div3A_15 = arith.constant 1.000000e+04 : f32
    %div3A_16 = vector.broadcast %div3A_15 : f32 to vector<16x1xf32>
    %div3A_17 = arith.divf %broadcast_in_dim3A_14, %div3A_16 : vector<16x1xf32>
    %mul3A_18 = arith.mulf %div3A_11, %div3A_11 : vector<16x1xf32>
    %sub3A = arith.subf %div3A_17, %mul3A_18 : vector<16x1xf32>
    %sub3A_19 = vector.broadcast %div3A_11 : vector<16x1xf32> to vector<16x10000xf32>
    %sub3A_20 = arith.subf %add3A_6, %sub3A_19 : vector<16x10000xf32>
    %get3A_21 = arith.constant 0 : index
    %get3A_22 = vector.load %arg2[%get3A_21] : memref<16xf32, #tpu.memory_space<vmem>>, vector<16xf32>
    %broadcast_in_dim3A_23 = vector.shape_cast %get3A_22 : vector<16xf32> to vector<16x1xf32>
    %add3A_24 = arith.constant 9.99999974E-6 : f32
    %add3A_25 = vector.broadcast %add3A_24 : f32 to vector<16x1xf32>
    %add3A_26 = arith.addf %sub3A, %add3A_25 : vector<16x1xf32>
    %rsqrt3A = math.rsqrt %add3A_26 : vector<16x1xf32>
    %mul3A_27 = arith.mulf %broadcast_in_dim3A_23, %rsqrt3A : vector<16x1xf32>
    %mul3A_28 = vector.broadcast %mul3A_27 : vector<16x1xf32> to vector<16x10000xf32>
    %mul3A_29 = arith.mulf %sub3A_20, %mul3A_28 : vector<16x10000xf32>
    %get3A_30 = arith.constant 0 : index
    %get3A_31 = vector.load %arg3[%get3A_30] : memref<16xf32, #tpu.memory_space<vmem>>, vector<16xf32>
    %broadcast_in_dim3A_32 = vector.shape_cast %get3A_31 : vector<16xf32> to vector<16x1xf32>
    %add3A_33 = vector.broadcast %broadcast_in_dim3A_32 : vector<16x1xf32> to vector<16x10000xf32>
    %add3A_34 = arith.addf %mul3A_29, %add3A_33 : vector<16x10000xf32>
    %ge3A = arith.constant 0.000000e+00 : f32
    %ge3A_35 = vector.broadcast %ge3A : f32 to vector<16x10000xf32>
    %ge3A_36 = arith.cmpf oge, %add3A_34, %ge3A_35 : vector<16x10000xf32>
    %mul3A_37 = arith.constant 0.00999999977 : f32
    %mul3A_38 = vector.broadcast %mul3A_37 : f32 to vector<16x10000xf32>
    %mul3A_39 = arith.mulf %mul3A_38, %add3A_34 : vector<16x10000xf32>
    %select_n3A = arith.select %ge3A_36, %add3A_34, %mul3A_39 : vector<16x10000xi1>, vector<16x10000xf32>
    %swap3A = arith.constant 0 : index
    %swap3A_40 = arith.constant 0 : index
    %swap3A_41 = vector.load %arg6[%swap3A, %swap3A_40] : memref<16x10000xf32, #tpu.memory_space<vmem>>, vector<16x10000xf32>
    tpu.vector_store %arg6[%swap3A, %swap3A_40], %select_n3A {strides = array<i32>} : memref<16x10000xf32, #tpu.memory_space<vmem>>, vector<16x10000xf32>,
    %get3A_42 = arith.constant 0 : index
    %get3A_43 = arith.constant 0 : index
    %get3A_44 = vector.load %arg5[%get3A_42, %get3A_43] : memref<16x1xf32, #tpu.memory_space<vmem>>, vector<16x1xf32>
    %dot_general3A = arith.constant dense<0.000000e+00> : vector<1x10000xf32>
    %dot_general3A_45 = tpu.matmul %get3A_44, %select_n3A, %dot_general3A {dimension_numbers = #tpu.dot_dimension_numbers<[0], [0], [1], [1], [0, 1, 1, 1], [], []>, transpose_lhs_hint = false} : vector<16x1xf32>, vector<16x10000xf32>, vector<1x10000xf32> -> vector<1x10000xf32>
    %get3A_46 = arith.constant 0 : index
    %get3A_47 = vector.load %arg4[%get3A_46] : memref<1xf32, #tpu.memory_space<vmem>>, vector<1xf32>
    %broadcast_in_dim3A_48 = vector.shape_cast %get3A_47 : vector<1xf32> to vector<1x1xf32>
    %add3A_49 = vector.broadcast %broadcast_in_dim3A_48 : vector<1x1xf32> to vector<1x10000xf32>
    %add3A_50 = arith.addf %dot_general3A_45, %add3A_49 : vector<1x10000xf32>
    %swap3A_51 = arith.constant 0 : index
    %swap3A_52 = arith.constant 0 : index
    %swap3A_53 = vector.load %arg7[%swap3A_51, %swap3A_52] : memref<1x10000xf32, #tpu.memory_space<vmem>>, vector<1x10000xf32>
    tpu.vector_store %arg7[%swap3A_51, %swap3A_52], %add3A_50 {strides = array<i32>} : memref<1x10000xf32, #tpu.memory_space<vmem>>, vector<1x10000xf32>,
    return
  }
}

module attributes {stable_mosaic.version = 14 : i64} {
  func.func @_topk1_k(%arg0: memref<4x16x10000xf32, #tpu.memory_space<vmem>>, %arg1: memref<16x1xf32, #tpu.memory_space<vmem>>, %arg2: memref<1x10000xf32, #tpu.memory_space<vmem>>, %arg3: memref<16x10000xf32, #tpu.memory_space<vmem>>, %arg4: memref<16x32xf32, #tpu.memory_space<vmem>>, %arg5: memref<32x10000xf32, #tpu.memory_space<vmem>>, %arg6: memref<1x10000xf32, #tpu.memory_space<vmem>>) attributes {dimension_semantics = [], scalar_prefetch = 0 : i64, scratch_operands = 0 : i64, tpu.core_type = #tpu.core_type<tc>} {
    %get3A = arith.constant 0 : index
    %get3A_0 = arith.constant 0 : index
    %get3A_1 = vector.load %arg1[%get3A, %get3A_0] : memref<16x1xf32, #tpu.memory_space<vmem>>, vector<16x1xf32>
    %get3A_2 = arith.constant 0 : index
    %get3A_3 = arith.constant 0 : index
    %get3A_4 = arith.constant 0 : index
    %get3A_5 = vector.load %arg0[%get3A_2, %get3A_3, %get3A_4] : memref<4x16x10000xf32, #tpu.memory_space<vmem>>, vector<4x16x10000xf32>
    %reduce_sum3A = arith.constant dense<0.000000e+00> : vector<16x10000xf32>
    %reduce_sum3A_6 = vector.multi_reduction <add>, %get3A_5, %reduce_sum3A [0] : vector<4x16x10000xf32> to vector<16x10000xf32>
    %dot_general3A = arith.constant dense<0.000000e+00> : vector<1x10000xf32>
    %dot_general3A_7 = tpu.matmul %get3A_1, %reduce_sum3A_6, %dot_general3A {dimension_numbers = #tpu.dot_dimension_numbers<[0], [0], [1], [1], [0, 1, 1, 1], [], []>, transpose_lhs_hint = false} : vector<16x1xf32>, vector<16x10000xf32>, vector<1x10000xf32> -> vector<1x10000xf32>
    %get3A_8 = arith.constant 0 : index
    %get3A_9 = arith.constant 0 : index
    %get3A_10 = vector.load %arg2[%get3A_8, %get3A_9] : memref<1x10000xf32, #tpu.memory_space<vmem>>, vector<1x10000xf32>
    %add3A = arith.addf %dot_general3A_7, %get3A_10 : vector<1x10000xf32>
    %broadcast_in_dim3A = arith.constant true
    %broadcast_in_dim3A_11 = vector.broadcast %broadcast_in_dim3A : i1 to vector<1x10000xi1>
    %bitcast_convert_type3A = tpu.bitcast %add3A : vector<1x10000xf32> -> vector<1x10000xi32>
    %shift_right_logical3A = arith.constant 31 : i32
    %shift_right_logical3A_12 = vector.broadcast %shift_right_logical3A : i32 to vector<1x10000xi32>
    %shift_right_logical3A_13 = arith.shrui %bitcast_convert_type3A, %shift_right_logical3A_12 : vector<1x10000xi32>
    %ne3A = arith.constant 0 : i32
    %ne3A_14 = vector.broadcast %ne3A : i32 to vector<1x10000xi32>
    %ne3A_15 = arith.cmpi ne, %shift_right_logical3A_13, %ne3A_14 : vector<1x10000xi32>
    %jit3A = arith.constant -1 : i32
    %jit3A_16 = arith.constant -2147483648 : i32
    %broadcast_in_dim3A_17 = vector.broadcast %jit3A : i32 to vector<1x10000xi32>
    %broadcast_in_dim3A_18 = vector.broadcast %jit3A_16 : i32 to vector<1x10000xi32>
    %select_n3A = arith.select %ne3A_15, %broadcast_in_dim3A_17, %broadcast_in_dim3A_18 : vector<1x10000xi1>, vector<1x10000xi32>
    %xor3A = arith.xori %bitcast_convert_type3A, %select_n3A : vector<1x10000xi32>
    %scan3A = arith.constant 0 : i32
    %scan3A_19 = arith.constant 0 : i32
    %scan3A_20 = arith.constant 32 : i32
    %scan3A_21 = arith.addi %scan3A_19, %scan3A_20 : i32
    %scan3A_22 = arith.constant 1 : i32
    %scan3A_23 = scf.for %scan3A_67 = %scan3A_19 to %scan3A_21 step %scan3A_22 iter_args(%scan3A_68 = %scan3A) -> (i32)  : i32 {
      %sub3A_69 = arith.constant 31 : i32
      %sub3A_70 = arith.subi %sub3A_69, %scan3A_67 : i32
      %shift_left3A = arith.constant 1 : i32
      %shift_left3A_71 = arith.shli %shift_left3A, %sub3A_70 : i32
      %or3A_72 = arith.ori %scan3A_68, %shift_left3A_71 : i32
      %ge3A = vector.broadcast %or3A_72 : i32 to vector<1x10000xi32>
      %ge3A_73 = arith.cmpi uge, %xor3A, %ge3A : vector<1x10000xi32>
      %and3A_74 = arith.andi %broadcast_in_dim3A_11, %ge3A_73 : vector<1x10000xi1>
      %convert_element_type3A_75 = arith.extui %and3A_74 : vector<1x10000xi1> to vector<1x10000xi32>
      %reduce_sum3A_76 = vector.shape_cast %convert_element_type3A_75 : vector<1x10000xi32> to vector<1x1x10000xi32>
      %reduce_sum3A_77 = arith.constant dense<0> : vector<1xi32>
      %reduce_sum3A_78 = vector.multi_reduction <add>, %reduce_sum3A_76, %reduce_sum3A_77 [1, 2] : vector<1x1x10000xi32> to vector<1xi32>
      %reduce_sum3A_79 = vector.shape_cast %reduce_sum3A_78 : vector<1xi32> to vector<1x1x1xi32>
      %reduce_sum3A_80 = vector.extract %reduce_sum3A_79[0, 0, 0] : i32 from vector<1x1x1xi32>
      %ge3A_81 = arith.constant 5000 : i32
      %ge3A_82 = arith.cmpi sge, %reduce_sum3A_80, %ge3A_81 : i32
      %select_n3A_83 = arith.select %ge3A_82, %or3A_72, %scan3A_68 : i32
      scf.yield %select_n3A_83 : i32
    }
    %scan3A_24 = arith.constant 32 : i32
    %gt3A = vector.broadcast %scan3A_23 : i32 to vector<1x10000xi32>
    %gt3A_25 = arith.cmpi ugt, %xor3A, %gt3A : vector<1x10000xi32>
    %and3A = arith.andi %broadcast_in_dim3A_11, %gt3A_25 : vector<1x10000xi1>
    %convert_element_type3A = arith.extui %and3A : vector<1x10000xi1> to vector<1x10000xi32>
    %reduce_sum3A_26 = vector.shape_cast %convert_element_type3A : vector<1x10000xi32> to vector<1x1x10000xi32>
    %reduce_sum3A_27 = arith.constant dense<0> : vector<1xi32>
    %reduce_sum3A_28 = vector.multi_reduction <add>, %reduce_sum3A_26, %reduce_sum3A_27 [1, 2] : vector<1x1x10000xi32> to vector<1xi32>
    %reduce_sum3A_29 = vector.shape_cast %reduce_sum3A_28 : vector<1xi32> to vector<1x1x1xi32>
    %reduce_sum3A_30 = vector.extract %reduce_sum3A_29[0, 0, 0] : i32 from vector<1x1x1xi32>
    %sub3A = arith.constant 5000 : i32
    %sub3A_31 = arith.subi %sub3A, %reduce_sum3A_30 : i32
    %iota3A = tpu.iota {dimensions = array<i32: 1>} : vector<1x10000xi32>
    %eq3A = vector.broadcast %scan3A_23 : i32 to vector<1x10000xi32>
    %eq3A_32 = arith.cmpi eq, %xor3A, %eq3A : vector<1x10000xi32>
    %and3A_33 = arith.andi %broadcast_in_dim3A_11, %eq3A_32 : vector<1x10000xi1>
    %scan3A_34 = arith.constant 0 : i32
    %scan3A_35 = arith.constant 0 : i32
    %scan3A_36 = arith.constant 15 : i32
    %scan3A_37 = arith.addi %scan3A_35, %scan3A_36 : i32
    %scan3A_38 = arith.constant 1 : i32
    %scan3A_39 = scf.for %scan3A_67 = %scan3A_35 to %scan3A_37 step %scan3A_38 iter_args(%scan3A_68 = %scan3A_34) -> (i32)  : i32 {
      %sub3A_69 = arith.constant 14 : i32
      %sub3A_70 = arith.subi %sub3A_69, %scan3A_67 : i32
      %shift_left3A = arith.constant 1 : i32
      %shift_left3A_71 = arith.shli %shift_left3A, %sub3A_70 : i32
      %or3A_72 = arith.ori %scan3A_68, %shift_left3A_71 : i32
      %lt3A = vector.broadcast %or3A_72 : i32 to vector<1x10000xi32>
      %lt3A_73 = arith.cmpi slt, %iota3A, %lt3A : vector<1x10000xi32>
      %and3A_74 = arith.andi %and3A_33, %lt3A_73 : vector<1x10000xi1>
      %convert_element_type3A_75 = arith.extui %and3A_74 : vector<1x10000xi1> to vector<1x10000xi32>
      %reduce_sum3A_76 = vector.shape_cast %convert_element_type3A_75 : vector<1x10000xi32> to vector<1x1x10000xi32>
      %reduce_sum3A_77 = arith.constant dense<0> : vector<1xi32>
      %reduce_sum3A_78 = vector.multi_reduction <add>, %reduce_sum3A_76, %reduce_sum3A_77 [1, 2] : vector<1x1x10000xi32> to vector<1xi32>
      %reduce_sum3A_79 = vector.shape_cast %reduce_sum3A_78 : vector<1xi32> to vector<1x1x1xi32>
      %reduce_sum3A_80 = vector.extract %reduce_sum3A_79[0, 0, 0] : i32 from vector<1x1x1xi32>
      %lt3A_81 = arith.cmpi slt, %reduce_sum3A_80, %sub3A_31 : i32
      %select_n3A_82 = arith.select %lt3A_81, %or3A_72, %scan3A_68 : i32
      scf.yield %select_n3A_82 : i32
    }
    %scan3A_40 = arith.constant 15 : i32
    %gt3A_41 = vector.broadcast %scan3A_23 : i32 to vector<1x10000xi32>
    %gt3A_42 = arith.cmpi ugt, %xor3A, %gt3A_41 : vector<1x10000xi32>
    %le3A = vector.broadcast %scan3A_39 : i32 to vector<1x10000xi32>
    %le3A_43 = arith.cmpi sle, %iota3A, %le3A : vector<1x10000xi32>
    %and3A_44 = arith.andi %and3A_33, %le3A_43 : vector<1x10000xi1>
    %or3A = arith.ori %gt3A_42, %and3A_44 : vector<1x10000xi1>
    %and3A_45 = arith.andi %broadcast_in_dim3A_11, %or3A : vector<1x10000xi1>
    %get3A_46 = arith.constant 0 : index
    %get3A_47 = arith.constant 0 : index
    %get3A_48 = vector.load %arg3[%get3A_46, %get3A_47] : memref<16x10000xf32, #tpu.memory_space<vmem>>, vector<16x10000xf32>
    %tanh3A = math.tanh %add3A : vector<1x10000xf32>
    %mul3A = vector.broadcast %tanh3A : vector<1x10000xf32> to vector<16x10000xf32>
    %mul3A_49 = arith.mulf %get3A_48, %mul3A : vector<16x10000xf32>
    %jit3A_50 = arith.constant 0.000000e+00 : f32
    %broadcast_in_dim3A_51 = vector.shape_cast %and3A_45 : vector<1x10000xi1> to vector<1x10000xi1>
    %broadcast_in_dim3A_52 = vector.broadcast %broadcast_in_dim3A_51 : vector<1x10000xi1> to vector<16x10000xi1>
    %broadcast_in_dim3A_53 = vector.broadcast %jit3A_50 : f32 to vector<16x10000xf32>
    %select_n3A_54 = arith.select %broadcast_in_dim3A_52, %mul3A_49, %broadcast_in_dim3A_53 : vector<16x10000xi1>, vector<16x10000xf32>
    %get3A_55 = arith.constant 0 : index
    %get3A_56 = arith.constant 0 : index
    %get3A_57 = vector.load %arg4[%get3A_55, %get3A_56] : memref<16x32xf32, #tpu.memory_space<vmem>>, vector<16x32xf32>
    %dot_general3A_58 = arith.constant dense<0.000000e+00> : vector<32x10000xf32>
    %dot_general3A_59 = tpu.matmul %get3A_57, %select_n3A_54, %dot_general3A_58 {dimension_numbers = #tpu.dot_dimension_numbers<[0], [0], [1], [1], [0, 1, 1, 1], [], []>, transpose_lhs_hint = false} : vector<16x32xf32>, vector<16x10000xf32>, vector<32x10000xf32> -> vector<32x10000xf32>
    %swap3A = arith.constant 0 : index
    %swap3A_60 = arith.constant 0 : index
    %swap3A_61 = vector.load %arg5[%swap3A, %swap3A_60] : memref<32x10000xf32, #tpu.memory_space<vmem>>, vector<32x10000xf32>
    tpu.vector_store %arg5[%swap3A, %swap3A_60], %dot_general3A_59 {strides = array<i32>} : memref<32x10000xf32, #tpu.memory_space<vmem>>, vector<32x10000xf32>,
    %convert_element_type3A_62 = arith.extui %and3A_45 : vector<1x10000xi1> to vector<1x10000xi32>
    %convert_element_type3A_63 = arith.sitofp %convert_element_type3A_62 : vector<1x10000xi32> to vector<1x10000xf32>
    %swap3A_64 = arith.constant 0 : index
    %swap3A_65 = arith.constant 0 : index
    %swap3A_66 = vector.load %arg6[%swap3A_64, %swap3A_65] : memref<1x10000xf32, #tpu.memory_space<vmem>>, vector<1x10000xf32>
    tpu.vector_store %arg6[%swap3A_64, %swap3A_65], %convert_element_type3A_63 {strides = array<i32>} : memref<1x10000xf32, #tpu.memory_space<vmem>>, vector<1x10000xf32>,
    return
  }
}

module attributes {stable_mosaic.version = 14 : i64} {
  func.func @_bn2_k(%arg0: memref<4x32x10000xf32, #tpu.memory_space<vmem>>, %arg1: memref<1x10000xf32, #tpu.memory_space<vmem>>, %arg2: memref<32xf32, #tpu.memory_space<vmem>>, %arg3: memref<32xf32, #tpu.memory_space<vmem>>, %arg4: memref<32xf32, #tpu.memory_space<vmem>>, %arg5: memref<1xf32, #tpu.memory_space<vmem>>, %arg6: memref<32x1xf32, #tpu.memory_space<vmem>>, %arg7: memref<32x10000xf32, #tpu.memory_space<vmem>>, %arg8: memref<1x10000xf32, #tpu.memory_space<vmem>>) attributes {dimension_semantics = [], scalar_prefetch = 0 : i64, scratch_operands = 0 : i64, tpu.core_type = #tpu.core_type<tc>} {
    %get3A = arith.constant 0 : index
    %get3A_0 = arith.constant 0 : index
    %get3A_1 = vector.load %arg1[%get3A, %get3A_0] : memref<1x10000xf32, #tpu.memory_space<vmem>>, vector<1x10000xf32>
    %get3A_2 = arith.constant 0 : index
    %get3A_3 = arith.constant 0 : index
    %get3A_4 = arith.constant 0 : index
    %get3A_5 = vector.load %arg0[%get3A_2, %get3A_3, %get3A_4] : memref<4x32x10000xf32, #tpu.memory_space<vmem>>, vector<4x32x10000xf32>
    %reduce_sum3A = arith.constant dense<0.000000e+00> : vector<32x10000xf32>
    %reduce_sum3A_6 = vector.multi_reduction <add>, %get3A_5, %reduce_sum3A [0] : vector<4x32x10000xf32> to vector<32x10000xf32>
    %get3A_7 = arith.constant 0 : index
    %get3A_8 = vector.load %arg2[%get3A_7] : memref<32xf32, #tpu.memory_space<vmem>>, vector<32xf32>
    %broadcast_in_dim3A = vector.shape_cast %get3A_8 : vector<32xf32> to vector<32x1xf32>
    %add3A = vector.broadcast %broadcast_in_dim3A : vector<32x1xf32> to vector<32x10000xf32>
    %add3A_9 = arith.addf %reduce_sum3A_6, %add3A : vector<32x10000xf32>
    %mul3A = vector.broadcast %get3A_1 : vector<1x10000xf32> to vector<32x10000xf32>
    %mul3A_10 = arith.mulf %add3A_9, %mul3A : vector<32x10000xf32>
    %reduce_sum3A_11 = arith.constant dense<0.000000e+00> : vector<32xf32>
    %reduce_sum3A_12 = vector.multi_reduction <add>, %mul3A_10, %reduce_sum3A_11 [1] : vector<32x10000xf32> to vector<32xf32>
    %broadcast_in_dim3A_13 = vector.shape_cast %reduce_sum3A_12 : vector<32xf32> to vector<32x1xf32>
    %div3A = arith.constant 5.000000e+03 : f32
    %div3A_14 = vector.broadcast %div3A : f32 to vector<32x1xf32>
    %div3A_15 = arith.divf %broadcast_in_dim3A_13, %div3A_14 : vector<32x1xf32>
    %mul3A_16 = arith.mulf %add3A_9, %add3A_9 : vector<32x10000xf32>
    %mul3A_17 = vector.broadcast %get3A_1 : vector<1x10000xf32> to vector<32x10000xf32>
    %mul3A_18 = arith.mulf %mul3A_16, %mul3A_17 : vector<32x10000xf32>
    %reduce_sum3A_19 = arith.constant dense<0.000000e+00> : vector<32xf32>
    %reduce_sum3A_20 = vector.multi_reduction <add>, %mul3A_18, %reduce_sum3A_19 [1] : vector<32x10000xf32> to vector<32xf32>
    %broadcast_in_dim3A_21 = vector.shape_cast %reduce_sum3A_20 : vector<32xf32> to vector<32x1xf32>
    %div3A_22 = arith.constant 5.000000e+03 : f32
    %div3A_23 = vector.broadcast %div3A_22 : f32 to vector<32x1xf32>
    %div3A_24 = arith.divf %broadcast_in_dim3A_21, %div3A_23 : vector<32x1xf32>
    %mul3A_25 = arith.mulf %div3A_15, %div3A_15 : vector<32x1xf32>
    %sub3A = arith.subf %div3A_24, %mul3A_25 : vector<32x1xf32>
    %sub3A_26 = vector.broadcast %div3A_15 : vector<32x1xf32> to vector<32x10000xf32>
    %sub3A_27 = arith.subf %add3A_9, %sub3A_26 : vector<32x10000xf32>
    %get3A_28 = arith.constant 0 : index
    %get3A_29 = vector.load %arg3[%get3A_28] : memref<32xf32, #tpu.memory_space<vmem>>, vector<32xf32>
    %broadcast_in_dim3A_30 = vector.shape_cast %get3A_29 : vector<32xf32> to vector<32x1xf32>
    %add3A_31 = arith.constant 9.99999974E-6 : f32
    %add3A_32 = vector.broadcast %add3A_31 : f32 to vector<32x1xf32>
    %add3A_33 = arith.addf %sub3A, %add3A_32 : vector<32x1xf32>
    %rsqrt3A = math.rsqrt %add3A_33 : vector<32x1xf32>
    %mul3A_34 = arith.mulf %broadcast_in_dim3A_30, %rsqrt3A : vector<32x1xf32>
    %mul3A_35 = vector.broadcast %mul3A_34 : vector<32x1xf32> to vector<32x10000xf32>
    %mul3A_36 = arith.mulf %sub3A_27, %mul3A_35 : vector<32x10000xf32>
    %get3A_37 = arith.constant 0 : index
    %get3A_38 = vector.load %arg4[%get3A_37] : memref<32xf32, #tpu.memory_space<vmem>>, vector<32xf32>
    %broadcast_in_dim3A_39 = vector.shape_cast %get3A_38 : vector<32xf32> to vector<32x1xf32>
    %add3A_40 = vector.broadcast %broadcast_in_dim3A_39 : vector<32x1xf32> to vector<32x10000xf32>
    %add3A_41 = arith.addf %mul3A_36, %add3A_40 : vector<32x10000xf32>
    %ge3A = arith.constant 0.000000e+00 : f32
    %ge3A_42 = vector.broadcast %ge3A : f32 to vector<32x10000xf32>
    %ge3A_43 = arith.cmpf oge, %add3A_41, %ge3A_42 : vector<32x10000xf32>
    %mul3A_44 = arith.constant 0.00999999977 : f32
    %mul3A_45 = vector.broadcast %mul3A_44 : f32 to vector<32x10000xf32>
    %mul3A_46 = arith.mulf %mul3A_45, %add3A_41 : vector<32x10000xf32>
    %select_n3A = arith.select %ge3A_43, %add3A_41, %mul3A_46 : vector<32x10000xi1>, vector<32x10000xf32>
    %mul3A_47 = vector.broadcast %get3A_1 : vector<1x10000xf32> to vector<32x10000xf32>
    %mul3A_48 = arith.mulf %mul3A_47, %select_n3A : vector<32x10000xf32>
    %swap3A = arith.constant 0 : index
    %swap3A_49 = arith.constant 0 : index
    %swap3A_50 = vector.load %arg7[%swap3A, %swap3A_49] : memref<32x10000xf32, #tpu.memory_space<vmem>>, vector<32x10000xf32>
    tpu.vector_store %arg7[%swap3A, %swap3A_49], %mul3A_48 {strides = array<i32>} : memref<32x10000xf32, #tpu.memory_space<vmem>>, vector<32x10000xf32>,
    %get3A_51 = arith.constant 0 : index
    %get3A_52 = arith.constant 0 : index
    %get3A_53 = vector.load %arg6[%get3A_51, %get3A_52] : memref<32x1xf32, #tpu.memory_space<vmem>>, vector<32x1xf32>
    %dot_general3A = arith.constant dense<0.000000e+00> : vector<1x10000xf32>
    %dot_general3A_54 = tpu.matmul %get3A_53, %mul3A_48, %dot_general3A {dimension_numbers = #tpu.dot_dimension_numbers<[0], [0], [1], [1], [0, 1, 1, 1], [], []>, transpose_lhs_hint = false} : vector<32x1xf32>, vector<32x10000xf32>, vector<1x10000xf32> -> vector<1x10000xf32>
    %get3A_55 = arith.constant 0 : index
    %get3A_56 = vector.load %arg5[%get3A_55] : memref<1xf32, #tpu.memory_space<vmem>>, vector<1xf32>
    %broadcast_in_dim3A_57 = vector.shape_cast %get3A_56 : vector<1xf32> to vector<1x1xf32>
    %add3A_58 = vector.broadcast %broadcast_in_dim3A_57 : vector<1x1xf32> to vector<1x10000xf32>
    %add3A_59 = arith.addf %dot_general3A_54, %add3A_58 : vector<1x10000xf32>
    %swap3A_60 = arith.constant 0 : index
    %swap3A_61 = arith.constant 0 : index
    %swap3A_62 = vector.load %arg8[%swap3A_60, %swap3A_61] : memref<1x10000xf32, #tpu.memory_space<vmem>>, vector<1x10000xf32>
    tpu.vector_store %arg8[%swap3A_60, %swap3A_61], %add3A_59 {strides = array<i32>} : memref<1x10000xf32, #tpu.memory_space<vmem>>, vector<1x10000xf32>,
    return
  }
}

module attributes {stable_mosaic.version = 14 : i64} {
  func.func @_final_k(%arg0: memref<4x32x10000xf32, #tpu.memory_space<vmem>>, %arg1: memref<32x1xf32, #tpu.memory_space<vmem>>, %arg2: memref<1x10000xf32, #tpu.memory_space<vmem>>, %arg3: memref<1x10000xf32, #tpu.memory_space<vmem>>, %arg4: memref<32x10000xf32, #tpu.memory_space<vmem>>, %arg5: memref<32x8xf32, #tpu.memory_space<vmem>>, %arg6: memref<8xf32, #tpu.memory_space<vmem>>, %arg7: memref<8x4xf32, #tpu.memory_space<vmem>>, %arg8: memref<4xf32, #tpu.memory_space<vmem>>, %arg9: memref<4x2xf32, #tpu.memory_space<vmem>>, %arg10: memref<2xf32, #tpu.memory_space<vmem>>, %arg11: memref<2x1xf32, #tpu.memory_space<vmem>>) attributes {dimension_semantics = [], scalar_prefetch = 0 : i64, scratch_operands = 0 : i64, tpu.core_type = #tpu.core_type<tc>} {
    %get3A = arith.constant 0 : index
    %get3A_0 = arith.constant 0 : index
    %get3A_1 = vector.load %arg1[%get3A, %get3A_0] : memref<32x1xf32, #tpu.memory_space<vmem>>, vector<32x1xf32>
    %get3A_2 = arith.constant 0 : index
    %get3A_3 = arith.constant 0 : index
    %get3A_4 = arith.constant 0 : index
    %get3A_5 = vector.load %arg0[%get3A_2, %get3A_3, %get3A_4] : memref<4x32x10000xf32, #tpu.memory_space<vmem>>, vector<4x32x10000xf32>
    %reduce_sum3A = arith.constant dense<0.000000e+00> : vector<32x10000xf32>
    %reduce_sum3A_6 = vector.multi_reduction <add>, %get3A_5, %reduce_sum3A [0] : vector<4x32x10000xf32> to vector<32x10000xf32>
    %dot_general3A = arith.constant dense<0.000000e+00> : vector<1x10000xf32>
    %dot_general3A_7 = tpu.matmul %get3A_1, %reduce_sum3A_6, %dot_general3A {dimension_numbers = #tpu.dot_dimension_numbers<[0], [0], [1], [1], [0, 1, 1, 1], [], []>, transpose_lhs_hint = false} : vector<32x1xf32>, vector<32x10000xf32>, vector<1x10000xf32> -> vector<1x10000xf32>
    %get3A_8 = arith.constant 0 : index
    %get3A_9 = arith.constant 0 : index
    %get3A_10 = vector.load %arg2[%get3A_8, %get3A_9] : memref<1x10000xf32, #tpu.memory_space<vmem>>, vector<1x10000xf32>
    %add3A = arith.addf %dot_general3A_7, %get3A_10 : vector<1x10000xf32>
    %get3A_11 = arith.constant 0 : index
    %get3A_12 = arith.constant 0 : index
    %get3A_13 = vector.load %arg3[%get3A_11, %get3A_12] : memref<1x10000xf32, #tpu.memory_space<vmem>>, vector<1x10000xf32>
    %gt3A = arith.constant 0.000000e+00 : f32
    %gt3A_14 = vector.broadcast %gt3A : f32 to vector<1x10000xf32>
    %gt3A_15 = arith.cmpf ogt, %get3A_13, %gt3A_14 : vector<1x10000xf32>
    %bitcast_convert_type3A = tpu.bitcast %add3A : vector<1x10000xf32> -> vector<1x10000xi32>
    %shift_right_logical3A = arith.constant 31 : i32
    %shift_right_logical3A_16 = vector.broadcast %shift_right_logical3A : i32 to vector<1x10000xi32>
    %shift_right_logical3A_17 = arith.shrui %bitcast_convert_type3A, %shift_right_logical3A_16 : vector<1x10000xi32>
    %ne3A = arith.constant 0 : i32
    %ne3A_18 = vector.broadcast %ne3A : i32 to vector<1x10000xi32>
    %ne3A_19 = arith.cmpi ne, %shift_right_logical3A_17, %ne3A_18 : vector<1x10000xi32>
    %jit3A = arith.constant -1 : i32
    %jit3A_20 = arith.constant -2147483648 : i32
    %broadcast_in_dim3A = vector.broadcast %jit3A : i32 to vector<1x10000xi32>
    %broadcast_in_dim3A_21 = vector.broadcast %jit3A_20 : i32 to vector<1x10000xi32>
    %select_n3A = arith.select %ne3A_19, %broadcast_in_dim3A, %broadcast_in_dim3A_21 : vector<1x10000xi1>, vector<1x10000xi32>
    %xor3A = arith.xori %bitcast_convert_type3A, %select_n3A : vector<1x10000xi32>
    %scan3A = arith.constant 0 : i32
    %scan3A_22 = arith.constant 0 : i32
    %scan3A_23 = arith.constant 32 : i32
    %scan3A_24 = arith.addi %scan3A_22, %scan3A_23 : i32
    %scan3A_25 = arith.constant 1 : i32
    %scan3A_26 = scf.for %scan3A_109 = %scan3A_22 to %scan3A_24 step %scan3A_25 iter_args(%scan3A_110 = %scan3A) -> (i32)  : i32 {
      %sub3A_111 = arith.constant 31 : i32
      %sub3A_112 = arith.subi %sub3A_111, %scan3A_109 : i32
      %shift_left3A = arith.constant 1 : i32
      %shift_left3A_113 = arith.shli %shift_left3A, %sub3A_112 : i32
      %or3A_114 = arith.ori %scan3A_110, %shift_left3A_113 : i32
      %ge3A_115 = vector.broadcast %or3A_114 : i32 to vector<1x10000xi32>
      %ge3A_116 = arith.cmpi uge, %xor3A, %ge3A_115 : vector<1x10000xi32>
      %and3A_117 = arith.andi %gt3A_15, %ge3A_116 : vector<1x10000xi1>
      %convert_element_type3A_118 = arith.extui %and3A_117 : vector<1x10000xi1> to vector<1x10000xi32>
      %reduce_sum3A_119 = vector.shape_cast %convert_element_type3A_118 : vector<1x10000xi32> to vector<1x1x10000xi32>
      %reduce_sum3A_120 = arith.constant dense<0> : vector<1xi32>
      %reduce_sum3A_121 = vector.multi_reduction <add>, %reduce_sum3A_119, %reduce_sum3A_120 [1, 2] : vector<1x1x10000xi32> to vector<1xi32>
      %reduce_sum3A_122 = vector.shape_cast %reduce_sum3A_121 : vector<1xi32> to vector<1x1x1xi32>
      %reduce_sum3A_123 = vector.extract %reduce_sum3A_122[0, 0, 0] : i32 from vector<1x1x1xi32>
      %ge3A_124 = arith.constant 2500 : i32
      %ge3A_125 = arith.cmpi sge, %reduce_sum3A_123, %ge3A_124 : i32
      %select_n3A_126 = arith.select %ge3A_125, %or3A_114, %scan3A_110 : i32
      scf.yield %select_n3A_126 : i32
    }
    %scan3A_27 = arith.constant 32 : i32
    %gt3A_28 = vector.broadcast %scan3A_26 : i32 to vector<1x10000xi32>
    %gt3A_29 = arith.cmpi ugt, %xor3A, %gt3A_28 : vector<1x10000xi32>
    %and3A = arith.andi %gt3A_15, %gt3A_29 : vector<1x10000xi1>
    %convert_element_type3A = arith.extui %and3A : vector<1x10000xi1> to vector<1x10000xi32>
    %reduce_sum3A_30 = vector.shape_cast %convert_element_type3A : vector<1x10000xi32> to vector<1x1x10000xi32>
    %reduce_sum3A_31 = arith.constant dense<0> : vector<1xi32>
    %reduce_sum3A_32 = vector.multi_reduction <add>, %reduce_sum3A_30, %reduce_sum3A_31 [1, 2] : vector<1x1x10000xi32> to vector<1xi32>
    %reduce_sum3A_33 = vector.shape_cast %reduce_sum3A_32 : vector<1xi32> to vector<1x1x1xi32>
    %reduce_sum3A_34 = vector.extract %reduce_sum3A_33[0, 0, 0] : i32 from vector<1x1x1xi32>
    %sub3A = arith.constant 2500 : i32
    %sub3A_35 = arith.subi %sub3A, %reduce_sum3A_34 : i32
    %iota3A = tpu.iota {dimensions = array<i32: 1>} : vector<1x10000xi32>
    %eq3A = vector.broadcast %scan3A_26 : i32 to vector<1x10000xi32>
    %eq3A_36 = arith.cmpi eq, %xor3A, %eq3A : vector<1x10000xi32>
    %and3A_37 = arith.andi %gt3A_15, %eq3A_36 : vector<1x10000xi1>
    %scan3A_38 = arith.constant 0 : i32
    %scan3A_39 = arith.constant 0 : i32
    %scan3A_40 = arith.constant 15 : i32
    %scan3A_41 = arith.addi %scan3A_39, %scan3A_40 : i32
    %scan3A_42 = arith.constant 1 : i32
    %scan3A_43 = scf.for %scan3A_109 = %scan3A_39 to %scan3A_41 step %scan3A_42 iter_args(%scan3A_110 = %scan3A_38) -> (i32)  : i32 {
      %sub3A_111 = arith.constant 14 : i32
      %sub3A_112 = arith.subi %sub3A_111, %scan3A_109 : i32
      %shift_left3A = arith.constant 1 : i32
      %shift_left3A_113 = arith.shli %shift_left3A, %sub3A_112 : i32
      %or3A_114 = arith.ori %scan3A_110, %shift_left3A_113 : i32
      %lt3A = vector.broadcast %or3A_114 : i32 to vector<1x10000xi32>
      %lt3A_115 = arith.cmpi slt, %iota3A, %lt3A : vector<1x10000xi32>
      %and3A_116 = arith.andi %and3A_37, %lt3A_115 : vector<1x10000xi1>
      %convert_element_type3A_117 = arith.extui %and3A_116 : vector<1x10000xi1> to vector<1x10000xi32>
      %reduce_sum3A_118 = vector.shape_cast %convert_element_type3A_117 : vector<1x10000xi32> to vector<1x1x10000xi32>
      %reduce_sum3A_119 = arith.constant dense<0> : vector<1xi32>
      %reduce_sum3A_120 = vector.multi_reduction <add>, %reduce_sum3A_118, %reduce_sum3A_119 [1, 2] : vector<1x1x10000xi32> to vector<1xi32>
      %reduce_sum3A_121 = vector.shape_cast %reduce_sum3A_120 : vector<1xi32> to vector<1x1x1xi32>
      %reduce_sum3A_122 = vector.extract %reduce_sum3A_121[0, 0, 0] : i32 from vector<1x1x1xi32>
      %lt3A_123 = arith.cmpi slt, %reduce_sum3A_122, %sub3A_35 : i32
      %select_n3A_124 = arith.select %lt3A_123, %or3A_114, %scan3A_110 : i32
      scf.yield %select_n3A_124 : i32
    }
    %scan3A_44 = arith.constant 15 : i32
    %gt3A_45 = vector.broadcast %scan3A_26 : i32 to vector<1x10000xi32>
    %gt3A_46 = arith.cmpi ugt, %xor3A, %gt3A_45 : vector<1x10000xi32>
    %le3A = vector.broadcast %scan3A_43 : i32 to vector<1x10000xi32>
    %le3A_47 = arith.cmpi sle, %iota3A, %le3A : vector<1x10000xi32>
    %and3A_48 = arith.andi %and3A_37, %le3A_47 : vector<1x10000xi1>
    %or3A = arith.ori %gt3A_46, %and3A_48 : vector<1x10000xi1>
    %and3A_49 = arith.andi %gt3A_15, %or3A : vector<1x10000xi1>
    %tanh3A = math.tanh %add3A : vector<1x10000xf32>
    %jit3A_50 = arith.constant 0.000000e+00 : f32
    %broadcast_in_dim3A_51 = vector.broadcast %jit3A_50 : f32 to vector<1x10000xf32>
    %select_n3A_52 = arith.select %and3A_49, %tanh3A, %broadcast_in_dim3A_51 : vector<1x10000xi1>, vector<1x10000xf32>
    %get3A_53 = arith.constant 0 : index
    %get3A_54 = arith.constant 0 : index
    %get3A_55 = vector.load %arg4[%get3A_53, %get3A_54] : memref<32x10000xf32, #tpu.memory_space<vmem>>, vector<32x10000xf32>
    %mul3A = vector.broadcast %select_n3A_52 : vector<1x10000xf32> to vector<32x10000xf32>
    %mul3A_56 = arith.mulf %get3A_55, %mul3A : vector<32x10000xf32>
    %reduce_sum3A_57 = arith.constant dense<0.000000e+00> : vector<32xf32>
    %reduce_sum3A_58 = vector.multi_reduction <add>, %mul3A_56, %reduce_sum3A_57 [1] : vector<32x10000xf32> to vector<32xf32>
    %broadcast_in_dim3A_59 = vector.shape_cast %reduce_sum3A_58 : vector<32xf32> to vector<32x1xf32>
    %get3A_60 = arith.constant 0 : index
    %get3A_61 = arith.constant 0 : index
    %get3A_62 = vector.load %arg5[%get3A_60, %get3A_61] : memref<32x8xf32, #tpu.memory_space<vmem>>, vector<32x8xf32>
    %dot_general3A_63 = arith.constant dense<0.000000e+00> : vector<8x1xf32>
    %dot_general3A_64 = tpu.matmul %get3A_62, %broadcast_in_dim3A_59, %dot_general3A_63 {dimension_numbers = #tpu.dot_dimension_numbers<[0], [0], [1], [1], [0, 1, 1, 1], [], []>, transpose_lhs_hint = false} : vector<32x8xf32>, vector<32x1xf32>, vector<8x1xf32> -> vector<8x1xf32>
    %get3A_65 = arith.constant 0 : index
    %get3A_66 = vector.load %arg6[%get3A_65] : memref<8xf32, #tpu.memory_space<vmem>>, vector<8xf32>
    %broadcast_in_dim3A_67 = vector.shape_cast %get3A_66 : vector<8xf32> to vector<8x1xf32>
    %add3A_68 = arith.addf %dot_general3A_64, %broadcast_in_dim3A_67 : vector<8x1xf32>
    %ge3A = arith.constant 0.000000e+00 : f32
    %ge3A_69 = vector.broadcast %ge3A : f32 to vector<8x1xf32>
    %ge3A_70 = arith.cmpf oge, %add3A_68, %ge3A_69 : vector<8x1xf32>
    %mul3A_71 = arith.constant 0.00999999977 : f32
    %mul3A_72 = vector.broadcast %mul3A_71 : f32 to vector<8x1xf32>
    %mul3A_73 = arith.mulf %mul3A_72, %add3A_68 : vector<8x1xf32>
    %select_n3A_74 = arith.select %ge3A_70, %add3A_68, %mul3A_73 : vector<8x1xi1>, vector<8x1xf32>
    %get3A_75 = arith.constant 0 : index
    %get3A_76 = arith.constant 0 : index
    %get3A_77 = vector.load %arg7[%get3A_75, %get3A_76] : memref<8x4xf32, #tpu.memory_space<vmem>>, vector<8x4xf32>
    %dot_general3A_78 = arith.constant dense<0.000000e+00> : vector<4x1xf32>
    %dot_general3A_79 = tpu.matmul %get3A_77, %select_n3A_74, %dot_general3A_78 {dimension_numbers = #tpu.dot_dimension_numbers<[0], [0], [1], [1], [0, 1, 1, 1], [], []>, transpose_lhs_hint = false} : vector<8x4xf32>, vector<8x1xf32>, vector<4x1xf32> -> vector<4x1xf32>
    %get3A_80 = arith.constant 0 : index
    %get3A_81 = vector.load %arg8[%get3A_80] : memref<4xf32, #tpu.memory_space<vmem>>, vector<4xf32>
    %broadcast_in_dim3A_82 = vector.shape_cast %get3A_81 : vector<4xf32> to vector<4x1xf32>
    %add3A_83 = arith.addf %dot_general3A_79, %broadcast_in_dim3A_82 : vector<4x1xf32>
    %ge3A_84 = arith.constant 0.000000e+00 : f32
    %ge3A_85 = vector.broadcast %ge3A_84 : f32 to vector<4x1xf32>
    %ge3A_86 = arith.cmpf oge, %add3A_83, %ge3A_85 : vector<4x1xf32>
    %mul3A_87 = arith.constant 0.00999999977 : f32
    %mul3A_88 = vector.broadcast %mul3A_87 : f32 to vector<4x1xf32>
    %mul3A_89 = arith.mulf %mul3A_88, %add3A_83 : vector<4x1xf32>
    %select_n3A_90 = arith.select %ge3A_86, %add3A_83, %mul3A_89 : vector<4x1xi1>, vector<4x1xf32>
    %get3A_91 = arith.constant 0 : index
    %get3A_92 = arith.constant 0 : index
    %get3A_93 = vector.load %arg9[%get3A_91, %get3A_92] : memref<4x2xf32, #tpu.memory_space<vmem>>, vector<4x2xf32>
    %dot_general3A_94 = arith.constant dense<0.000000e+00> : vector<2x1xf32>
    %dot_general3A_95 = tpu.matmul %get3A_93, %select_n3A_90, %dot_general3A_94 {dimension_numbers = #tpu.dot_dimension_numbers<[0], [0], [1], [1], [0, 1, 1, 1], [], []>, transpose_lhs_hint = false} : vector<4x2xf32>, vector<4x1xf32>, vector<2x1xf32> -> vector<2x1xf32>
    %get3A_96 = arith.constant 0 : index
    %get3A_97 = vector.load %arg10[%get3A_96] : memref<2xf32, #tpu.memory_space<vmem>>, vector<2xf32>
    %broadcast_in_dim3A_98 = vector.shape_cast %get3A_97 : vector<2xf32> to vector<2x1xf32>
    %add3A_99 = arith.addf %dot_general3A_95, %broadcast_in_dim3A_98 : vector<2x1xf32>
    %ge3A_100 = arith.constant 0.000000e+00 : f32
    %ge3A_101 = vector.broadcast %ge3A_100 : f32 to vector<2x1xf32>
    %ge3A_102 = arith.cmpf oge, %add3A_99, %ge3A_101 : vector<2x1xf32>
    %mul3A_103 = arith.constant 0.00999999977 : f32
    %mul3A_104 = vector.broadcast %mul3A_103 : f32 to vector<2x1xf32>
    %mul3A_105 = arith.mulf %mul3A_104, %add3A_99 : vector<2x1xf32>
    %select_n3A_106 = arith.select %ge3A_102, %add3A_99, %mul3A_105 : vector<2x1xi1>, vector<2x1xf32>
    %swap3A = arith.constant 0 : index
    %swap3A_107 = arith.constant 0 : index
    %swap3A_108 = vector.load %arg11[%swap3A, %swap3A_107] : memref<2x1xf32, #tpu.memory_space<vmem>>, vector<2x1xf32>
    tpu.vector_store %arg11[%swap3A, %swap3A_107], %select_n3A_106 {strides = array<i32>} : memref<2x1xf32, #tpu.memory_space<vmem>>, vector<2x1xf32>,
    return
  }
}

</mosaic_0001>

<sc_bundles>
// kernel: kernel.11.cloned.1.call-start
scs
__scs_entry_jumppad:
0x0: {  	(pc) =	sbr.rel $0x88, $3  }
0x1: {  	(tag) =	ssettag $0x0;
	lr =	simm.s32 $0x1  }
0x2: {  	[smem:$0x3F8B] =	sst lr;
	_ =	strace $0xD0000000  }
0x3: {  	_ = 	snop  }
0x4: {  	_ = 	snop  }
0x5: {  	_ = 	snop  }
0x6: {  	_ = 	snop  }
0x7: {  	_ = 	snop  }
__scs_overlays_trampoline_lowered:
0x8: {  	[smem:$0x3F9A] =	sst s0  }
0x9: {  	[smem:$0x3F9B] =	sst s1  }
0xa: {  	[smem:$0x3F9C] =	sst s2  }
0xb: {  	[smem:$0x3F9D] =	sst s3  }
0xc: {  	[smem:$0x3F9E] =	sst s4  }
0xd: {  	[smem:$0x3F9F] =	sst s5  }
0xe: {  	[smem:$0x3FA0] =	sst s6  }
0xf: {  	[smem:$0x3FA1] =	sst s7  }
0x10: {  	[smem:$0x3FA2] =	sst s8  }
0x11: {  	[smem:$0x3FA3] =	sst s9;
	s0 =	simm.s32 @!p0 $0x0  }
0x12: {  	s1 =	sld [smem:$0x3F89];
	s0 =	simm.s32 @p0 $0x1  }
0x13: {  	[smem:$0x3FA4] =	sst s0;
	s0 =	simm.s32 @!p1 $0x0  }
0x14: {  	s2 =	sld [smem:$0x3F88];
	s0 =	simm.s32 @p1 $0x1  }
0x15: {  	[smem:$0x3FA5] =	sst s0;
	s0 =	simm.s32 @!p2 $0x0  }
0x16: {  	s3 =	sld [smem:$0x3FDB];
	s0 =	simm.s32 @p2 $0x1  }
0x17: {  	s4 =	simm.s32 $0x1BF5;
	[smem:$0x3FA7] =	sst s0  }
0x18: {  	s0 =	sld [smem:$0x3F8A];
	_ =	swait.ge [sflag:s4], $0x0  }
0x19: {  	s7 =	sld [smem:$0x3F8B]  }
0x1a: {  	s8 =	sadd.s32 $0xFFFFE003, lr  }
0x1b: {  	s9 =	sadd.s32 $0xFFFFFEF7, lr;
	s5 =	simm.s32 $0xFFFFFFFF;
	p2 =	slt.u32 s8, $0xFFFFF086  }
0x1c: {  	p1 =	slt.u32 s9, $0xF7A;
	s5 =	simm.s32 @!p2 $0x0  }
0x1d: {  	s5 =	simm.s32 @p1 $0x1;
	p0 =	seq.s32 s7, s2  }
0x1e: {  	s7 =	smul.u32 @!p0 $0xF7A, s2;
	p2 =	seq.s32 @!p0 s5, $0x0  }
0x1f: {  	s9 =	smul.u32 $0xF7A, s1;
	s8 =	simm.s32 @!p0 $0x1BF5;
	p2 =	por !p2, p0  }
0x20: {  	[sflag:s8] =	ssyncset.s32 @!p0 $0xFFFFF086;
	s6 =	sadd.s32 @!p0 s3, s7;
	s7 =	simm.s32 @!p0 $0x108  }
0x21: {  	s3 =	sadd.s32 s3, s9;
	s6 =	sadd.s32 @!p0 $0x88, s6;
	s7 =	simm.s32 @p2 $0x1082  }
0x22: {  	[simem:s7], [sflag:s8] =	dma.local @!p0 [hbm:s6], $0xF7A  }
0x23: {  	s9 =	sor.u32 $0xD0000000, s2;
	s6 =	simm.s32 $0x108;
	_ =	swait.ge @!p0 [sflag:s8], $0x0  }
0x24: {  	s3 =	sadd.s32 $0x88, s3;
	s6 =	simm.s32 @!p1 $0x1082;
	[sflag:s4] =	ssyncset.s32 $0xFFFFF086  }
0x25: {  	[simem:s6], [sflag:s4] =	dma.local [hbm:s3], $0xF7A  }
0x26: {  	[smem:$0x3F8B] =	sst s1;
	(tag) =	ssettag s2;
	_ =	strace s9  }
0x27: {  	s1 =	sld [smem:$0x3F9B]  }
0x28: {  	s2 =	sld [smem:$0x3F9C]  }
0x29: {  	s4 =	sld [smem:$0x3F9E]  }
0x2a: {  	p0 =	seq.s32 s5, $0x0;
	s5 =	sld [smem:$0x3F9F]  }
0x2b: {  	s6 =	sld [smem:$0x3FA0]  }
0x2c: {  	s7 =	sld [smem:$0x3FA1]  }
0x2d: {  	s3 =	simm.s32 $0x108;
	s8 =	sld [smem:$0x3FA2]  }
0x2e: {  	s3 =	simm.s32 @!p0 $0x1082;
	s9 =	sld [smem:$0x3FA3]  }
0x2f: {  	lr =	sadd.s32 s0, s3;
	s0 =	sld [smem:$0x3F9A]  }
0x30: {  	s3 =	sld [smem:$0x3F9D]  }
0x31: {  	[smem:$0x3FA6] =	sst s10  }
0x32: {  	s10 =	sld [smem:$0x3FA4];
	_ =	sdelay $0x3  }
0x33: {  	p0 =	seq.s32 s10, $0x1;
	s10 =	sld [smem:$0x3FA6];
	_ =	sdelay $0x3  }
0x34: {  	[smem:$0x3FA6] =	sst s10  }
0x35: {  	s10 =	sld [smem:$0x3FA5];
	_ =	sdelay $0x3  }
0x36: {  	p1 =	seq.s32 s10, $0x1;
	s10 =	sld [smem:$0x3FA6];
	_ =	sdelay $0x3  }
0x37: {  	[smem:$0x3FA6] =	sst s10  }
0x38: {  	s10 =	sld [smem:$0x3FA7]  }
0x39: {  	_ = 	snop;
	(pc) =	sbr.ind lr, $3  }
0x3a: {  	_ = 	snop  }
0x3b: {  	_ = 	snop  }
0x3c: {  	p2 =	seq.s32 s10, $0x1;
	s10 =	sld [smem:$0x3FA6]  }
0x3d: {  	_ =	shalt  }
0x3e: {  	_ =	shalt  }
0x3f: {  	_ =	shalt  }
0x40: {  	_ =	shalt  }
0x41: {  	_ =	shalt  }
0x42: {  	_ =	shalt  }
0x43: {  	_ =	shalt  }
0x44: {  	_ =	shalt  }
0x45: {  	_ =	shalt  }
0x46: {  	_ =	shalt  }
0x47: {  	_ =	shalt  }
0x48: {  	_ =	shalt  }
0x49: {  	_ =	shalt  }
0x4a: {  	_ =	shalt  }
0x4b: {  	_ =	shalt  }
0x4c: {  	_ =	shalt  }
0x4d: {  	_ =	shalt  }
0x4e: {  	_ =	shalt  }
0x4f: {  	_ =	shalt  }
0x50: {  	_ =	shalt  }
0x51: {  	_ =	shalt  }
0x52: {  	_ =	shalt  }
0x53: {  	_ =	shalt  }
0x54: {  	_ =	shalt  }
0x55: {  	_ =	shalt  }
0x56: {  	_ =	shalt  }
0x57: {  	_ =	shalt  }
0x58: {  	_ =	shalt  }
0x59: {  	_ =	shalt  }
0x5a: {  	_ =	shalt  }
0x5b: {  	_ =	shalt  }
0x5c: {  	_ =	shalt  }
0x5d: {  	_ =	shalt  }
0x5e: {  	_ =	shalt  }
0x5f: {  	_ =	shalt  }
0x60: {  	_ =	shalt  }
0x61: {  	_ =	shalt  }
0x62: {  	_ =	shalt  }
0x63: {  	_ =	shalt  }
0x64: {  	_ =	shalt  }
0x65: {  	_ =	shalt  }
0x66: {  	_ =	shalt  }
0x67: {  	_ =	shalt  }
0x68: {  	_ =	shalt  }
0x69: {  	_ =	shalt  }
0x6a: {  	_ =	shalt  }
0x6b: {  	_ =	shalt  }
0x6c: {  	_ =	shalt  }
0x6d: {  	_ =	shalt  }
0x6e: {  	_ =	shalt  }
0x6f: {  	_ =	shalt  }
0x70: {  	_ =	shalt  }
0x71: {  	_ =	shalt  }
0x72: {  	_ =	shalt  }
0x73: {  	_ =	shalt  }
0x74: {  	_ =	shalt  }
0x75: {  	_ =	shalt  }
0x76: {  	_ =	shalt  }
0x77: {  	_ =	shalt  }
0x78: {  	_ =	shalt  }
0x79: {  	_ =	shalt  }
0x7a: {  	_ =	shalt  }
0x7b: {  	_ =	shalt  }
0x7c: {  	_ =	shalt  }
0x7d: {  	_ =	shalt  }
0x7e: {  	_ =	shalt  }
0x7f: {  	_ =	shalt  }
0x80: {  	_ =	shalt  }
0x81: {  	_ =	shalt  }
0x82: {  	_ =	shalt  }
0x83: {  	_ =	shalt  }
0x84: {  	_ =	shalt  }
0x85: {  	_ =	shalt  }
0x86: {  	_ =	shalt  }
0x87: {  	_ =	shalt  }
.Lfunc_end0:
.L_simem_size_0:
called_computation_lowered:
.L_overlay_start_0:
0x88: {  	s2 =	sld [smem:$0x3FD9]  }
0x89: {  	s3 =	sld [smem:$0x3FFE];
	_ =	sdelay $0x1  }
0x8a: {  	s1 =	srdreg.scid  }
0x8b: {  	s0 =	sand.u32 $0x1, s1  }
0x8c: {  	s16 =	sshll.u32 s0, $0xA;
	s2 =	sadd.s32 s3, s2  }
0x8d: {  	s2 =	sadd.s32 s2, s16  }
0x8e: {  	[smem:$0x3FB2] =	sst s2  }
0x8f: {  	_ = 	snop  }
0x90: {  	(tm) =	ssettm $0x1  }
0x91: {  	s17 =	sld [smem:$0x3FFB];
	_ =	sdelay $0x3  }
0x92: {  	_ =	strace s17  }
0x93: {  	s2 =	sld [smem:$0x3FFC];
	_ =	sdelay $0x3  }
0x94: {  	_ =	strace s2  }
0x95: {  	s2 =	sld [smem:$0x3FFD];
	_ =	sdelay $0x3  }
0x96: {  	_ =	strace s2  }
0x97: {  	_ =	strace $0x8FFFFFFF  }
0x98: {  	s18 =	sld [smem:$0x3FDB];
	_ =	sdelay $0x1  }
0x99: {  	s19 =	simm.s32 $_scs_section_size  }
0x9a: {  	s4 =	simm.s32 $_size__tile_overlayer_lowered;
	s5 =	simm.s32 $_tile_overlayer_lowered  }
0x9b: {  	s22 =	simm.s32 $0x1BFF;
	s21 =	sshll.u32 s5, $0x1;
	s2 =	sadd.s32 s19, s18  }
0x9c: {  	s6 =	simm.s32 $0x0;
	s20 =	sshll.u32 s4, $0x1;
	s4 =	sadd.s32 s21, s2  }
0x9d: {  	[timem:s6], [sflag:s22] =	dma.local [hbm:s4], s20  }
0x9e: {  	_ =	swait.ge [sflag:s22], s20  }
0x9f: {  	s3 =	ssub.s32 $0x0, s20;
	[sflag:s22] =	ssyncset.done $0x0  }
0xa0: {  	[sflag:s22] =	ssyncadd.s32 s3;
	_ =	sdelay $0x1  }
0xa1: {  	s23 =	simm.s32 $0x1B8B  }
0xa2: {  	_ =	swait.ge [sflag:s23], $0x1  }
0xa3: {  	[sflag:s23] =	ssyncset.done $0x0  }
0xa4: {  	s25 =	simm.s32 $0x1B8E;
	s24 =	sld [smem:$0x3FFE];
	[sflag:s23] =	ssyncadd.s32 $0xFFFFFFFF  }
0xa5: {  	s26 =	simm.s32 $execute0_lowered;
	[smem:$0x3FD2] =	sst s25  }
0xa6: {  	s4 =	sshll.u32 s26, $0x1;
	_ =	strace $0x80000046;
	[dreg:$0x1] =	wrdreg $0xFFFFFFFF  }
0xa7: {  	s28 =	simm.s32 $_size_execute0_lowered;
	s2 =	sadd.s32 s2, s4;
	[dreg:$0x0] =	wrdreg $0x0  }
0xa8: {  	s4 =	sshll.u32 s28, $0x1;
	[dreg:$0x2] =	wrdreg s2  }
0xa9: {  	[dreg:$0x3] =	wrdreg s4  }
0xaa: {  	[dreg:$0x4] =	wrdreg $0xC0  }
0xab: {  	_ =	task [dreg:s6], $0x5FFFF  }
0xac: {  	[dreg:$0x1] =	wrdreg $0xFFFFFFFF  }
0xad: {  	[dreg:$0x0] =	wrdreg $0x60  }
0xae: {  	[dreg:$0x2] =	wrdreg s24  }
0xaf: {  	[dreg:$0x3] =	wrdreg $0x9  }
0xb0: {  	_ =	task.clear_ibuf [dreg:s6], $0x4FFFF;
	_ =	strace $0x90000046  }
0xb1: {  	s29 =	simm.s32 $0x9;
	_ =	strace $0x80000048  }
0xb2: {  	_ =	swait.ge [sflag:s29], $0x1  }
0xb3: {  	[sflag:s29] =	ssyncadd.s32 $0xFFFFFFFF  }
0xb4: {  	_ =	strace $0x90000048  }
0xb5: {  	_ =	sfence  }
0xb6: {  	s30 =	sld [smem:$0x0];
	_ =	sdelay $0x2  }
0xb7: {  	s31 =	sshll.u32 s1, $0xD;
	s1 =	sshrl.u32 s1, $0x2  }
0xb8: {  	s3 =	sand.u32 $0x4000, s31;
	s1 =	sadd.s32 s1, s30  }
0xb9: {  	s0 =	sor.u32 s3, s0;
	s1 =	sshll.u32 s1, $0x11  }
0xba: {  	s0 =	sor.u32 s1, s0  }
0xbb: {  	s0 =	sadd.s32 $0x8F2B, s0  }
0xbc: {  	[sflag:s0] =	ssyncadd.remote.s32 $0x1  }
0xbd: {  	_ =	sfence.sel $0xFFFF  }
0xbe: {  	[dreg:$0x0] =	wrdreg $0xFFFFFFFF;
	(pc) =	sbr.abs _section_cstart, $3  }
0xbf: {  	[dreg:$0x1] =	wrdreg $0xFFFFFFFF  }
0xc0: {  	_ =	task.clear_ibuf [dreg:s6], $0x2FFFF;
	_ =	strace $0x9FFFFFFF  }
0xc1: {  	(tm) =	ssettm $0x7FFFFFFF  }
tec
execute0_lowered:
.L_overlay_start_1:
0x0: {  	(tag) =	ssettag $0x1  }
0x1: {  	s0 =	rddreg [dreg:$0x0]  }
0x2: {  	s1 =	simm.s32 $0x0;
	s2 =	srdreg.scid;
	s8 =	stileid.u32  }
0x3: {  	s10 =	simm.s32 $0x1;
	s16 =	simm.s32 $0x5;
	s17 =	simm.s32 $0x4F00  }
0x4: {  	s18 =	simm.s32 $0x2780;
	s19 =	simm.s32 $0x7680;
	s20 =	simm.s32 $0x9E00  }
0x5: {  	s21 =	simm.s32 $0xC600;
	s22 =	simm.s32 $0x2;
	s23 =	simm.s32 $0xEE00  }
0x6: {  	s24 =	simm.s32 $0x11600;
	s25 =	simm.s32 $0x3;
	s26 =	simm.s32 $0x4  }
0x7: {  	s28 =	simm.s32 $0x0;
	[smem:$0x7FF] =	sst s1;
	s2 =	sand.u32 $0x1, s2  }
0x8: {  	s7 =	sadd.s32 $0x2E00, s0;
	s3 =	sadd.s32 $0x1BE00, s0;
	s5 =	sshll.u32 s2, $0x4  }
0x9: {  	s4 =	sadd.s32 $0x11E00, s0;
	s6 =	sor.u32 s8, s5;
	s8 =	sand.u32 $0x7, s8  }
0xa: {  	_ =	strace $0x80000047;
	p0 =	sne.s32 s8, $0x0;
	p1 =	seq.s32 s6, $0x0  }
0xb: {  	s2 =	ssub.s32 $0x2, s2;
	s5 =	sadd.s32 $0x7E00, s0;
	p0 =	por !p0, !p1  }
0xc: {  	s0 =	sadd.s32 $0x1C400, s0;
	s9 =	sshrl.u32 s2, $0x1;
	p0 =	por !p0, !p0  }
0xd: {  	s2 =	ssub.s32 s2, s9;
	s29 =	sshrl.u32 s6, $0x3;
	s10 =	simm.s32 @!p0 $0x0  }
0xe: {  	s6 =	simm.s32 $0x1;
	s30 =	smul.u32 $0x4E20, s8;
	s9 =	ssub.s32 s29, s10  }
0xf: {  	s11 =	sshll.u32 s8, $0x1;
	s12 =	smul.u32 $0x14000, s9;
	s9 =	sshll.u32 s9, $0x4  }
0x10: {  	s8 =	smul.u32 $0x9C4, s8;
	s10 =	sshrl.u32 s30, $0x3;
	s9 =	sor.u32 s11, s9  }
0x11: {  	s15 =	smax.u32 s2, $0x1;
	s10 =	sadd.s32 s7, s10;
	s13 =	smul.u32 $0x2710, s9  }
0x12: {  	s7 =	sadd.s32 s7, s8;
	s8 =	sadd.s32 $0x4E2, s10;
	s31 =	sshrl.u32 s12, $0x3  }
0x13: {  	s11 =	sor.u32 $0x2800, s12;
	s12 =	sadd.s32 $0x5000, s12;
	s14 =	sadd.s32 $0x2710, s13  }
0x14: {  	s9 =	sadd.s32 s4, s31;
	s13 =	sshrl.u32 s13, $0x3;
	s14 =	sshrl.u32 s14, $0x3  }
0x15: {  	s10 =	sadd.s32 s5, s31;
	s13 =	sadd.s32 s0, s13;
	s14 =	sadd.s32 s0, s14  }
.LBB2_1:
0x16: {  	[tilespmem:s1], [sflag:$0x5] =	stream.linear.gather [hbm4b:s7+s1], $0x2710, $0x38;
	[tilespmem:$0x13E00] =	vst v63  }
0x17: {  	_ =	swait.ge [sflag:s16], $0x2710  }
0x18: {  	[sflag:s16] =	ssyncset.done $0x0  }
0x19: {  	[sflag:s16] =	ssyncadd.s32 $0xFFFFD8F0  }
0x1a: {  	[tilespmem:s17], [sflag:$0x5] =	stream.linear.gather [hbm4b:s3+s1], $0x2710, $0x38;
	[tilespmem:$0x13E00] =	vst v63  }
0x1b: {  	_ =	swait.ge [sflag:s16], $0x2710  }
0x1c: {  	[sflag:s16] =	ssyncset.done $0x0  }
0x1d: {  	[sflag:s16] =	ssyncadd.s32 $0xFFFFD8F0  }
0x1e: {  	[tilespmem:s18], [sflag:$0x5] =	stream.linear.gather [hbm4b:s8+s1], $0x2710, $0x38;
	[tilespmem:$0x13E00] =	vst v63  }
0x1f: {  	_ =	swait.ge [sflag:s16], $0x2710  }
0x20: {  	[sflag:s16] =	ssyncset.done $0x0  }
0x21: {  	[sflag:s16] =	ssyncadd.s32 $0xFFFFD8F0  }
0x22: {  	[tilespmem:s19], [sflag:$0x5] =	stream.linear.gather [hbm4b:s3+s1], $0x2710, $0x38;
	[tilespmem:$0x13E00] =	vst v63  }
0x23: {  	_ =	swait.ge [sflag:s16], $0x2710  }
0x24: {  	[sflag:s16] =	ssyncset.done $0x0  }
0x25: {  	[sflag:s16] =	ssyncadd.s32 $0xFFFFD8F0  }
0x26: {  	[tilespmem:s20], [sflag:$0x1] =	stream.linear.gather [hbm4b:s9+s1], $0x2800, $0x38;
	[tilespmem:$0x13E00] =	vst v63  }
0x27: {  	s29 =	simm.s32 $0x0  }
0x28: {  	[tilespmem:s21], [sflag:$0x2] =	stream.linear.gather [hbm4b:s10+s1], $0x2800, $0x38;
	[tilespmem:$0x13E00] =	vst v63  }
.LBB2_2:
0x29: {  	_ =	swait.ge [sflag:s6], $0x2800  }
0x2a: {  	s30 =	smul.u32 $0x5000, s29;
	[sflag:s6] =	ssyncset.done $0x0  }
0x2b: {  	[sflag:s6] =	ssyncadd.s32 $0xFFFFD800  }
0x2c: {  	s0 =	sadd.s32 s30, s11;
	_ =	swait.ge [sflag:s22], $0x2800  }
0x2d: {  	s0 =	sshrl.u32 s0, $0x3;
	[sflag:s22] =	ssyncset.done $0x0  }
0x2e: {  	s2 =	sadd.s32 s4, s0;
	[sflag:s22] =	ssyncadd.s32 $0xFFFFD800  }
0x2f: {  	[tilespmem:s23], [sflag:$0x3] =	stream.linear.gather [hbm4b:s2+s1], $0x2800, $0x38;
	[tilespmem:$0x13E00] =	vst v63  }
0x30: {  	s0 =	sadd.s32 s5, s0;
	s2 =	simm.s32 $0x9E40  }
0x31: {  	[tilespmem:s24], [sflag:$0x4] =	stream.linear.gather [hbm4b:s0+s1], $0x2800, $0x38;
	[tilespmem:$0x13E00] =	vst v63  }
0x32: {  	v0 =	vld [tilespmem:s2+$0x30]  }
0x33: {  	v1 =	vld [tilespmem:s2+$0xFFFFFFD0]  }
0x34: {  	v2 =	vld [tilespmem:s2+$0xFFFFFFE0]  }
0x35: {  	v3 =	vld [tilespmem:s2+$0xFFFFFFF0]  }
0x36: {  	v4 =	vld [tilespmem:s2+$0x0]  }
0x37: {  	s31 =	simm.s32 $0xC640;
	v5 =	vld [tilespmem:s2+$0x10]  }
0x38: {  	v6 =	vld [tilespmem:s31+$0x30]  }
0x39: {  	v7 =	vld [tilespmem:s2+$0x20]  }
0x3a: {  	v9 =	vld [tilespmem:s2+$0xFFFFFFC0]  }
0x3b: {  	v16 =	vld [tilespmem:s31+$0xFFFFFFC0]  }
0x3c: {  	v17 =	vld [tilespmem:s31+$0xFFFFFFD0]  }
0x3d: {  	v62 =	vld [tilespmem:s31+$0xFFFFFFE0]  }
0x3e: {  	v63 =	vld [tilespmem:s31+$0xFFFFFFF0]  }
0x3f: {  	v18 =	vld [tilespmem:s31+$0x0]  }
0x40: {  	v19 =	vld [tilespmem:s31+$0x10]  }
0x41: {  	v20 =	vld [tilespmem:s31+$0x20]  }
0x42: {  	v8 =	vld.idx.msk [tilespmem:v0+s1+$0x0], $0xffff  }
0x43: {  	v10 =	vld.idx.msk [tilespmem:v1+s1+$0x0], $0xffff  }
0x44: {  	v11 =	vld.idx.msk [tilespmem:v2+s1+$0x0], $0xffff  }
0x45: {  	v12 =	vld.idx.msk [tilespmem:v3+s1+$0x0], $0xffff  }
0x46: {  	v14 =	vld.idx.msk [tilespmem:v9+s1+$0x0], $0xffff  }
0x47: {  	v13 =	vld.idx.msk [tilespmem:v4+s1+$0x0], $0xffff  }
0x48: {  	v61 =	vld.idx.msk [tilespmem:v5+s1+$0x0], $0xffff  }
0x49: {  	v15 =	vld.idx.msk [tilespmem:v7+s1+$0x0], $0xffff  }
0x4a: {  	[tilespmem:v6+s17+$0x0] =	vst.idx.add.f32.msk $0xffff, v8  }
0x4b: {  	[tilespmem:v16+s17+$0x0] =	vst.idx.add.f32.msk $0xffff, v14  }
0x4c: {  	[tilespmem:v17+s17+$0x0] =	vst.idx.add.f32.msk $0xffff, v10  }
0x4d: {  	[tilespmem:v62+s17+$0x0] =	vst.idx.add.f32.msk $0xffff, v11  }
0x4e: {  	[tilespmem:v63+s17+$0x0] =	vst.idx.add.f32.msk $0xffff, v12  }
0x4f: {  	[tilespmem:v18+s17+$0x0] =	vst.idx.add.f32.msk $0xffff, v13  }
0x50: {  	[tilespmem:v19+s17+$0x0] =	vst.idx.add.f32.msk $0xffff, v61  }
0x51: {  	[tilespmem:v20+s17+$0x0] =	vst.idx.add.f32.msk $0xffff, v15  }
0x52: {  	v0 =	vld.idx.msk [tilespmem:v0+s18+$0x0], $0xffff  }
0x53: {  	v9 =	vld.idx.msk [tilespmem:v9+s18+$0x0], $0xffff  }
0x54: {  	v1 =	vld.idx.msk [tilespmem:v1+s18+$0x0], $0xffff  }
0x55: {  	v2 =	vld.idx.msk [tilespmem:v2+s18+$0x0], $0xffff  }
0x56: {  	v3 =	vld.idx.msk [tilespmem:v3+s18+$0x0], $0xffff  }
0x57: {  	v4 =	vld.idx.msk [tilespmem:v4+s18+$0x0], $0xffff  }
0x58: {  	v5 =	vld.idx.msk [tilespmem:v5+s18+$0x0], $0xffff  }
0x59: {  	v7 =	vld.idx.msk [tilespmem:v7+s18+$0x0], $0xffff  }
0x5a: {  	[tilespmem:v6+s19+$0x0] =	vst.idx.add.f32.msk $0xffff, v0  }
0x5b: {  	[tilespmem:v16+s19+$0x0] =	vst.idx.add.f32.msk $0xffff, v9  }
0x5c: {  	[tilespmem:v17+s19+$0x0] =	vst.idx.add.f32.msk $0xffff, v1  }
0x5d: {  	[tilespmem:v62+s19+$0x0] =	vst.idx.add.f32.msk $0xffff, v2  }
0x5e: {  	[tilespmem:v63+s19+$0x0] =	vst.idx.add.f32.msk $0xffff, v3  }
0x5f: {  	[tilespmem:v18+s19+$0x0] =	vst.idx.add.f32.msk $0xffff, v4  }
0x60: {  	[tilespmem:v19+s19+$0x0] =	vst.idx.add.f32.msk $0xffff, v5  }
0x61: {  	s0 =	simm.s32 $0x0;
	s2 =	simm.s32 $0x9EC0;
	[tilespmem:v20+s19+$0x0] =	vst.idx.add.f32.msk $0xffff, v7  }
.LBB2_3:
0x62: {  	v0 =	vld [tilespmem:s2+$0x30];
	s0 =	sadd.s32 $0x8, s0  }
0x63: {  	v1 =	vld [tilespmem:s2+$0xFFFFFFD0];
	p0 =	slt.u32 s0, $0x278  }
0x64: {  	v2 =	vld [tilespmem:s2+$0xFFFFFFE0]  }
0x65: {  	v3 =	vld [tilespmem:s2+$0xFFFFFFF0]  }
0x66: {  	v4 =	vld [tilespmem:s2+$0x0]  }
0x67: {  	s31 =	sadd.s32 $0x80, s31;
	v5 =	vld [tilespmem:s2+$0x10]  }
0x68: {  	v6 =	vld [tilespmem:s31+$0x30]  }
0x69: {  	v7 =	vld [tilespmem:s2+$0x20]  }
0x6a: {  	v8 =	vld.idx.msk [tilespmem:v0+s1+$0x0], $0xffff  }
0x6b: {  	v9 =	vld [tilespmem:s2+$0xFFFFFFC0]  }
0x6c: {  	v10 =	vld.idx.msk [tilespmem:v1+s1+$0x0], $0xffff  }
0x6d: {  	v11 =	vld.idx.msk [tilespmem:v2+s1+$0x0], $0xffff  }
0x6e: {  	v12 =	vld.idx.msk [tilespmem:v3+s1+$0x0], $0xffff  }
0x6f: {  	v13 =	vld.idx.msk [tilespmem:v4+s1+$0x0], $0xffff  }
0x70: {  	[tilespmem:v6+s17+$0x0] =	vst.idx.add.f32.msk $0xffff, v8  }
0x71: {  	v0 =	vld.idx.msk [tilespmem:v0+s18+$0x0], $0xffff  }
0x72: {  	v8 =	vld.idx.msk [tilespmem:v5+s1+$0x0], $0xffff  }
0x73: {  	v14 =	vld.idx.msk [tilespmem:v9+s1+$0x0], $0xffff  }
0x74: {  	v15 =	vld.idx.msk [tilespmem:v7+s1+$0x0], $0xffff  }
0x75: {  	v16 =	vld [tilespmem:s31+$0xFFFFFFC0]  }
0x76: {  	v17 =	vld [tilespmem:s31+$0xFFFFFFD0]  }
0x77: {  	[tilespmem:v6+s19+$0x0] =	vst.idx.add.f32.msk $0xffff, v0  }
0x78: {  	v0 =	vld [tilespmem:s31+$0xFFFFFFE0]  }
0x79: {  	v6 =	vld [tilespmem:s31+$0xFFFFFFF0]  }
0x7a: {  	v18 =	vld [tilespmem:s31+$0x0]  }
0x7b: {  	v19 =	vld [tilespmem:s31+$0x10]  }
0x7c: {  	v20 =	vld [tilespmem:s31+$0x20]  }
0x7d: {  	[tilespmem:v16+s17+$0x0] =	vst.idx.add.f32.msk $0xffff, v14  }
0x7e: {  	[tilespmem:v17+s17+$0x0] =	vst.idx.add.f32.msk $0xffff, v10  }
0x7f: {  	v9 =	vld.idx.msk [tilespmem:v9+s18+$0x0], $0xffff  }
0x80: {  	[tilespmem:v0+s17+$0x0] =	vst.idx.add.f32.msk $0xffff, v11  }
0x81: {  	[tilespmem:v6+s17+$0x0] =	vst.idx.add.f32.msk $0xffff, v12  }
0x82: {  	[tilespmem:v18+s17+$0x0] =	vst.idx.add.f32.msk $0xffff, v13  }
0x83: {  	[tilespmem:v19+s17+$0x0] =	vst.idx.add.f32.msk $0xffff, v8  }
0x84: {  	[tilespmem:v20+s17+$0x0] =	vst.idx.add.f32.msk $0xffff, v15  }
0x85: {  	v1 =	vld.idx.msk [tilespmem:v1+s18+$0x0], $0xffff  }
0x86: {  	v2 =	vld.idx.msk [tilespmem:v2+s18+$0x0], $0xffff  }
0x87: {  	v3 =	vld.idx.msk [tilespmem:v3+s18+$0x0], $0xffff  }
0x88: {  	v4 =	vld.idx.msk [tilespmem:v4+s18+$0x0], $0xffff  }
0x89: {  	v5 =	vld.idx.msk [tilespmem:v5+s18+$0x0], $0xffff  }
0x8a: {  	v7 =	vld.idx.msk [tilespmem:v7+s18+$0x0], $0xffff  }
0x8b: {  	[tilespmem:v16+s19+$0x0] =	vst.idx.add.f32.msk $0xffff, v9  }
0x8c: {  	[tilespmem:v17+s19+$0x0] =	vst.idx.add.f32.msk $0xffff, v1  }
.Ltmp0:
0x8d: {  	[tilespmem:v0+s19+$0x0] =	vst.idx.add.f32.msk $0xffff, v2;
	(pc) =	sbr.rel @p0 .LBB2_3-.Ltmp0, $4  }
0x8e: {  	[tilespmem:v6+s19+$0x0] =	vst.idx.add.f32.msk $0xffff, v3  }
0x8f: {  	[tilespmem:v18+s19+$0x0] =	vst.idx.add.f32.msk $0xffff, v4  }
0x90: {  	[tilespmem:v19+s19+$0x0] =	vst.idx.add.f32.msk $0xffff, v5  }
0x91: {  	s2 =	sadd.s32 $0x80, s2;
	[tilespmem:v20+s19+$0x0] =	vst.idx.add.f32.msk $0xffff, v7  }
0x92: {  	_ =	swait.ge [sflag:s25], $0x2800  }
0x93: {  	[sflag:s25] =	ssyncset.done $0x0  }
0x94: {  	p0 =	seq.s32 s29, $0x3;
	[sflag:s25] =	ssyncadd.s32 $0xFFFFD800  }
0x95: {  	s0 =	sadd.s32 @!p0 s30, s12;
	_ =	swait.ge [sflag:s26], $0x2800  }
0x96: {  	s30 =	simm.s32 @!p0 $0x0;
	s0 =	sshrl.u32 @!p0 s0, $0x3;
	[sflag:s26] =	ssyncset.done $0x0  }
0x97: {  	s31 =	simm.s32 @!p0 $0x9E00;
	s2 =	sadd.s32 @!p0 s4, s0;
	[sflag:s26] =	ssyncadd.s32 $0xFFFFD800  }
0x98: {  	[tilespmem:s31], [sflag:$0x1] =	stream.linear.gather @!p0 [hbm4b:s2+s30], $0x2800, $0x38;
	[tilespmem:$0x13E00] =	vst v63  }
0x99: {  	s0 =	sadd.s32 @!p0 s5, s0;
	s2 =	simm.s32 @!p0 $0xC600;
	s31 =	simm.s32 $0xEE40  }
0x9a: {  	[tilespmem:s2], [sflag:$0x2] =	stream.linear.gather @!p0 [hbm4b:s0+s30], $0x2800, $0x38;
	[tilespmem:$0x13E00] =	vst v63  }
0x9b: {  	v0 =	vld [tilespmem:s31+$0x30]  }
0x9c: {  	v1 =	vld [tilespmem:s31+$0xFFFFFFD0]  }
0x9d: {  	v2 =	vld [tilespmem:s31+$0xFFFFFFE0]  }
0x9e: {  	v3 =	vld [tilespmem:s31+$0xFFFFFFF0]  }
0x9f: {  	v4 =	vld [tilespmem:s31+$0x0]  }
0xa0: {  	s30 =	simm.s32 $0x11640;
	v5 =	vld [tilespmem:s31+$0x10]  }
0xa1: {  	v6 =	vld [tilespmem:s30+$0x30]  }
0xa2: {  	v7 =	vld [tilespmem:s31+$0x20]  }
0xa3: {  	v9 =	vld [tilespmem:s31+$0xFFFFFFC0]  }
0xa4: {  	v16 =	vld [tilespmem:s30+$0xFFFFFFC0]  }
0xa5: {  	v17 =	vld [tilespmem:s30+$0xFFFFFFD0]  }
0xa6: {  	v62 =	vld [tilespmem:s30+$0xFFFFFFE0]  }
0xa7: {  	v63 =	vld [tilespmem:s30+$0xFFFFFFF0]  }
0xa8: {  	v18 =	vld [tilespmem:s30+$0x0]  }
0xa9: {  	v19 =	vld [tilespmem:s30+$0x10]  }
0xaa: {  	v20 =	vld [tilespmem:s30+$0x20]  }
0xab: {  	v8 =	vld.idx.msk [tilespmem:v0+s1+$0x0], $0xffff  }
0xac: {  	v10 =	vld.idx.msk [tilespmem:v1+s1+$0x0], $0xffff  }
0xad: {  	v11 =	vld.idx.msk [tilespmem:v2+s1+$0x0], $0xffff  }
0xae: {  	v12 =	vld.idx.msk [tilespmem:v3+s1+$0x0], $0xffff  }
0xaf: {  	v14 =	vld.idx.msk [tilespmem:v9+s1+$0x0], $0xffff  }
0xb0: {  	v13 =	vld.idx.msk [tilespmem:v4+s1+$0x0], $0xffff  }
0xb1: {  	v61 =	vld.idx.msk [tilespmem:v5+s1+$0x0], $0xffff  }
0xb2: {  	v15 =	vld.idx.msk [tilespmem:v7+s1+$0x0], $0xffff  }
0xb3: {  	[tilespmem:v6+s17+$0x0] =	vst.idx.add.f32.msk $0xffff, v8  }
0xb4: {  	[tilespmem:v16+s17+$0x0] =	vst.idx.add.f32.msk $0xffff, v14  }
0xb5: {  	[tilespmem:v17+s17+$0x0] =	vst.idx.add.f32.msk $0xffff, v10  }
0xb6: {  	[tilespmem:v62+s17+$0x0] =	vst.idx.add.f32.msk $0xffff, v11  }
0xb7: {  	[tilespmem:v63+s17+$0x0] =	vst.idx.add.f32.msk $0xffff, v12  }
0xb8: {  	[tilespmem:v18+s17+$0x0] =	vst.idx.add.f32.msk $0xffff, v13  }
0xb9: {  	[tilespmem:v19+s17+$0x0] =	vst.idx.add.f32.msk $0xffff, v61  }
0xba: {  	[tilespmem:v20+s17+$0x0] =	vst.idx.add.f32.msk $0xffff, v15  }
0xbb: {  	v0 =	vld.idx.msk [tilespmem:v0+s18+$0x0], $0xffff  }
0xbc: {  	v9 =	vld.idx.msk [tilespmem:v9+s18+$0x0], $0xffff  }
0xbd: {  	v1 =	vld.idx.msk [tilespmem:v1+s18+$0x0], $0xffff  }
0xbe: {  	v2 =	vld.idx.msk [tilespmem:v2+s18+$0x0], $0xffff  }
0xbf: {  	v3 =	vld.idx.msk [tilespmem:v3+s18+$0x0], $0xffff  }
0xc0: {  	v4 =	vld.idx.msk [tilespmem:v4+s18+$0x0], $0xffff  }
0xc1: {  	v5 =	vld.idx.msk [tilespmem:v5+s18+$0x0], $0xffff  }
0xc2: {  	v7 =	vld.idx.msk [tilespmem:v7+s18+$0x0], $0xffff  }
0xc3: {  	[tilespmem:v6+s19+$0x0] =	vst.idx.add.f32.msk $0xffff, v0  }
0xc4: {  	[tilespmem:v16+s19+$0x0] =	vst.idx.add.f32.msk $0xffff, v9  }
0xc5: {  	[tilespmem:v17+s19+$0x0] =	vst.idx.add.f32.msk $0xffff, v1  }
0xc6: {  	[tilespmem:v62+s19+$0x0] =	vst.idx.add.f32.msk $0xffff, v2  }
0xc7: {  	[tilespmem:v63+s19+$0x0] =	vst.idx.add.f32.msk $0xffff, v3  }
0xc8: {  	[tilespmem:v18+s19+$0x0] =	vst.idx.add.f32.msk $0xffff, v4  }
0xc9: {  	[tilespmem:v19+s19+$0x0] =	vst.idx.add.f32.msk $0xffff, v5  }
0xca: {  	s0 =	simm.s32 $0x0;
	s2 =	simm.s32 $0xEEC0;
	[tilespmem:v20+s19+$0x0] =	vst.idx.add.f32.msk $0xffff, v7  }
.LBB2_5:
0xcb: {  	v0 =	vld [tilespmem:s2+$0x30];
	s0 =	sadd.s32 $0x8, s0  }
0xcc: {  	v1 =	vld [tilespmem:s2+$0xFFFFFFD0];
	p0 =	slt.u32 s0, $0x278  }
0xcd: {  	v2 =	vld [tilespmem:s2+$0xFFFFFFE0]  }
0xce: {  	v3 =	vld [tilespmem:s2+$0xFFFFFFF0]  }
0xcf: {  	v4 =	vld [tilespmem:s2+$0x0]  }
0xd0: {  	s30 =	sadd.s32 $0x80, s30;
	v5 =	vld [tilespmem:s2+$0x10]  }
0xd1: {  	v6 =	vld [tilespmem:s30+$0x30]  }
0xd2: {  	v7 =	vld [tilespmem:s2+$0x20]  }
0xd3: {  	v8 =	vld.idx.msk [tilespmem:v0+s1+$0x0], $0xffff  }
0xd4: {  	v9 =	vld [tilespmem:s2+$0xFFFFFFC0]  }
0xd5: {  	v10 =	vld.idx.msk [tilespmem:v1+s1+$0x0], $0xffff  }
0xd6: {  	v11 =	vld.idx.msk [tilespmem:v2+s1+$0x0], $0xffff  }
0xd7: {  	v12 =	vld.idx.msk [tilespmem:v3+s1+$0x0], $0xffff  }
0xd8: {  	v13 =	vld.idx.msk [tilespmem:v4+s1+$0x0], $0xffff  }
0xd9: {  	[tilespmem:v6+s17+$0x0] =	vst.idx.add.f32.msk $0xffff, v8  }
0xda: {  	v0 =	vld.idx.msk [tilespmem:v0+s18+$0x0], $0xffff  }
0xdb: {  	v8 =	vld.idx.msk [tilespmem:v5+s1+$0x0], $0xffff  }
0xdc: {  	v14 =	vld.idx.msk [tilespmem:v9+s1+$0x0], $0xffff  }
0xdd: {  	v15 =	vld.idx.msk [tilespmem:v7+s1+$0x0], $0xffff  }
0xde: {  	v16 =	vld [tilespmem:s30+$0xFFFFFFC0]  }
0xdf: {  	v17 =	vld [tilespmem:s30+$0xFFFFFFD0]  }
0xe0: {  	[tilespmem:v6+s19+$0x0] =	vst.idx.add.f32.msk $0xffff, v0  }
0xe1: {  	v0 =	vld [tilespmem:s30+$0xFFFFFFE0]  }
0xe2: {  	v6 =	vld [tilespmem:s30+$0xFFFFFFF0]  }
0xe3: {  	v18 =	vld [tilespmem:s30+$0x0]  }
0xe4: {  	v19 =	vld [tilespmem:s30+$0x10]  }
0xe5: {  	v20 =	vld [tilespmem:s30+$0x20]  }
0xe6: {  	[tilespmem:v16+s17+$0x0] =	vst.idx.add.f32.msk $0xffff, v14  }
0xe7: {  	[tilespmem:v17+s17+$0x0] =	vst.idx.add.f32.msk $0xffff, v10  }
0xe8: {  	v9 =	vld.idx.msk [tilespmem:v9+s18+$0x0], $0xffff  }
0xe9: {  	[tilespmem:v0+s17+$0x0] =	vst.idx.add.f32.msk $0xffff, v11  }
0xea: {  	[tilespmem:v6+s17+$0x0] =	vst.idx.add.f32.msk $0xffff, v12  }
0xeb: {  	[tilespmem:v18+s17+$0x0] =	vst.idx.add.f32.msk $0xffff, v13  }
0xec: {  	[tilespmem:v19+s17+$0x0] =	vst.idx.add.f32.msk $0xffff, v8  }
0xed: {  	[tilespmem:v20+s17+$0x0] =	vst.idx.add.f32.msk $0xffff, v15  }
0xee: {  	v1 =	vld.idx.msk [tilespmem:v1+s18+$0x0], $0xffff  }
0xef: {  	v2 =	vld.idx.msk [tilespmem:v2+s18+$0x0], $0xffff  }
0xf0: {  	v3 =	vld.idx.msk [tilespmem:v3+s18+$0x0], $0xffff  }
0xf1: {  	v4 =	vld.idx.msk [tilespmem:v4+s18+$0x0], $0xffff  }
0xf2: {  	v5 =	vld.idx.msk [tilespmem:v5+s18+$0x0], $0xffff  }
0xf3: {  	v7 =	vld.idx.msk [tilespmem:v7+s18+$0x0], $0xffff  }
0xf4: {  	[tilespmem:v16+s19+$0x0] =	vst.idx.add.f32.msk $0xffff, v9  }
0xf5: {  	[tilespmem:v17+s19+$0x0] =	vst.idx.add.f32.msk $0xffff, v1  }
.Ltmp1:
0xf6: {  	[tilespmem:v0+s19+$0x0] =	vst.idx.add.f32.msk $0xffff, v2;
	(pc) =	sbr.rel @p0 .LBB2_5-.Ltmp1, $4  }
0xf7: {  	[tilespmem:v6+s19+$0x0] =	vst.idx.add.f32.msk $0xffff, v3  }
0xf8: {  	[tilespmem:v18+s19+$0x0] =	vst.idx.add.f32.msk $0xffff, v4  }
0xf9: {  	[tilespmem:v19+s19+$0x0] =	vst.idx.add.f32.msk $0xffff, v5  }
0xfa: {  	s2 =	sadd.s32 $0x80, s2;
	[tilespmem:v20+s19+$0x0] =	vst.idx.add.f32.msk $0xffff, v7  }
0xfb: {  	s29 =	sadd.s32 $0x1, s29  }
0xfc: {  	p0 =	sne.s32 s29, $0x4  }
.Ltmp2:
0xfd: {  	_ = 	snop;
	(pc) =	sbr.rel @p0 .LBB2_2-.Ltmp2, $1  }
0xfe: {  	_ =	sdelay $0x3  }
0xff: {  	[hbm4b:s13+s1] =	stream.linear.scatter [tilespmem:s17], [sflag:$0x5], $0x2710, $0x38;
	[tilespmem:$0x13E00] =	vst v63  }
0x100: {  	s28 =	sadd.s32 $0x1, s28;
	_ =	swait.ge [sflag:s16], $0x2710  }
0x101: {  	p0 =	sne.s32 s28, s15;
	[sflag:s16] =	ssyncset.done $0x0  }
.Ltmp3:
0x102: {  	[sflag:s16] =	ssyncadd.s32 $0xFFFFD8F0;
	(pc) =	sbr.rel @p0 .LBB2_1-.Ltmp3, $4  }
0x103: {  	[hbm4b:s14+s1] =	stream.linear.scatter [tilespmem:s19], [sflag:$0x5], $0x2710, $0x38;
	[tilespmem:$0x13E00] =	vst v63  }
0x104: {  	_ =	swait.ge [sflag:s16], $0x2710  }
0x105: {  	[sflag:s16] =	ssyncset.done $0x0  }
0x106: {  	[sflag:s16] =	ssyncadd.s32 $0xFFFFD8F0  }
0x107: {  	_ =	sfence.sel $0x180000  }
0x108: {  	[bflag:$0x0] =	sbarrier.arrive $0xFFFF  }
0x109: {  	_ =	strace $0x90000047  }
0x10a: {  	s0 =	stileid.u32;
	[bflag:$0x2] =	sbarrier.arrive $0xFFFF  }
0x10b: {  	p0 =	sne.s32 s0, $0x0;
	s0 =	rddreg [dreg:$0x1]  }
0x10c: {  	s0 =	sadd.s32 @!p0 $0x100000, s0  }
0x10d: {  	[sflag:s0] =	ssyncadd.tile.s32 @!p0 $0x1;
	_ =	shalt  }
.Lfunc_end2:
_tile_overlayer_lowered:
.L_overlay_start_2:
0x10e: {  	(tag) =	ssettag $0x2  }
0x10f: {  	s0 =	rddreg [dreg:$0x0];
	s2 =	stileid.u32  }
0x110: {  	s1 =	rddreg [dreg:$0x1];
	p0 =	sne.s32 s2, $0x0  }
0x111: {  	s3 =	rddreg [dreg:$0x2];
	[bflag:$0x3] =	sbarrier.arrive $0xFFFF;
	s2 =	simm.s32 @!p0 $0x1C05  }
0x112: {  	[timem:s3], [sflag:s2] =	dma.local @!p0 [hbm:s0], s1  }
0x113: {  	s0 =	simm.s32 @!p0 $0x5  }
0x114: {  	_ =	swait.ge @!p0 [sflag:s0], s1  }
0x115: {  	s1 =	ssub.s32 @!p0 $0x0, s1;
	[sflag:s0] =	ssyncset.done @!p0 $0x0  }
0x116: {  	[sflag:s0] =	ssyncadd.s32 @!p0 s1  }
0x117: {  	[bflag:$0x3] =	sbarrier.arrive $0xFFFF  }
0x118: {  	_ =	shalt  }

// kernel: kernel.14.cloned.1.call-start
scs
__scs_entry_jumppad:
0x0: {  	(pc) =	sbr.rel $0x88, $3  }
0x1: {  	(tag) =	ssettag $0x0;
	lr =	simm.s32 $0x1  }
0x2: {  	[smem:$0x3F8B] =	sst lr;
	_ =	strace $0xD0000000  }
0x3: {  	_ = 	snop  }
0x4: {  	_ = 	snop  }
0x5: {  	_ = 	snop  }
0x6: {  	_ = 	snop  }
0x7: {  	_ = 	snop  }
__scs_overlays_trampoline_lowered:
0x8: {  	[smem:$0x3F9A] =	sst s0  }
0x9: {  	[smem:$0x3F9B] =	sst s1  }
0xa: {  	[smem:$0x3F9C] =	sst s2  }
0xb: {  	[smem:$0x3F9D] =	sst s3  }
0xc: {  	[smem:$0x3F9E] =	sst s4  }
0xd: {  	[smem:$0x3F9F] =	sst s5  }
0xe: {  	[smem:$0x3FA0] =	sst s6  }
0xf: {  	[smem:$0x3FA1] =	sst s7  }
0x10: {  	[smem:$0x3FA2] =	sst s8  }
0x11: {  	[smem:$0x3FA3] =	sst s9;
	s0 =	simm.s32 @!p0 $0x0  }
0x12: {  	s1 =	sld [smem:$0x3F89];
	s0 =	simm.s32 @p0 $0x1  }
0x13: {  	[smem:$0x3FA4] =	sst s0;
	s0 =	simm.s32 @!p1 $0x0  }
0x14: {  	s2 =	sld [smem:$0x3F88];
	s0 =	simm.s32 @p1 $0x1  }
0x15: {  	[smem:$0x3FA5] =	sst s0;
	s0 =	simm.s32 @!p2 $0x0  }
0x16: {  	s3 =	sld [smem:$0x3FDB];
	s0 =	simm.s32 @p2 $0x1  }
0x17: {  	s4 =	simm.s32 $0x1BF5;
	[smem:$0x3FA7] =	sst s0  }
0x18: {  	s0 =	sld [smem:$0x3F8A];
	_ =	swait.ge [sflag:s4], $0x0  }
0x19: {  	s7 =	sld [smem:$0x3F8B]  }
0x1a: {  	s8 =	sadd.s32 $0xFFFFE003, lr  }
0x1b: {  	s9 =	sadd.s32 $0xFFFFFEF7, lr;
	s5 =	simm.s32 $0xFFFFFFFF;
	p2 =	slt.u32 s8, $0xFFFFF086  }
0x1c: {  	p1 =	slt.u32 s9, $0xF7A;
	s5 =	simm.s32 @!p2 $0x0  }
0x1d: {  	s5 =	simm.s32 @p1 $0x1;
	p0 =	seq.s32 s7, s2  }
0x1e: {  	s7 =	smul.u32 @!p0 $0xF7A, s2;
	p2 =	seq.s32 @!p0 s5, $0x0  }
0x1f: {  	s9 =	smul.u32 $0xF7A, s1;
	s8 =	simm.s32 @!p0 $0x1BF5;
	p2 =	por !p2, p0  }
0x20: {  	[sflag:s8] =	ssyncset.s32 @!p0 $0xFFFFF086;
	s6 =	sadd.s32 @!p0 s3, s7;
	s7 =	simm.s32 @!p0 $0x108  }
0x21: {  	s3 =	sadd.s32 s3, s9;
	s6 =	sadd.s32 @!p0 $0x88, s6;
	s7 =	simm.s32 @p2 $0x1082  }
0x22: {  	[simem:s7], [sflag:s8] =	dma.local @!p0 [hbm:s6], $0xF7A  }
0x23: {  	s9 =	sor.u32 $0xD0000000, s2;
	s6 =	simm.s32 $0x108;
	_ =	swait.ge @!p0 [sflag:s8], $0x0  }
0x24: {  	s3 =	sadd.s32 $0x88, s3;
	s6 =	simm.s32 @!p1 $0x1082;
	[sflag:s4] =	ssyncset.s32 $0xFFFFF086  }
0x25: {  	[simem:s6], [sflag:s4] =	dma.local [hbm:s3], $0xF7A  }
0x26: {  	[smem:$0x3F8B] =	sst s1;
	(tag) =	ssettag s2;
	_ =	strace s9  }
0x27: {  	s1 =	sld [smem:$0x3F9B]  }
0x28: {  	s2 =	sld [smem:$0x3F9C]  }
0x29: {  	s4 =	sld [smem:$0x3F9E]  }
0x2a: {  	p0 =	seq.s32 s5, $0x0;
	s5 =	sld [smem:$0x3F9F]  }
0x2b: {  	s6 =	sld [smem:$0x3FA0]  }
0x2c: {  	s7 =	sld [smem:$0x3FA1]  }
0x2d: {  	s3 =	simm.s32 $0x108;
	s8 =	sld [smem:$0x3FA2]  }
0x2e: {  	s3 =	simm.s32 @!p0 $0x1082;
	s9 =	sld [smem:$0x3FA3]  }
0x2f: {  	lr =	sadd.s32 s0, s3;
	s0 =	sld [smem:$0x3F9A]  }
0x30: {  	s3 =	sld [smem:$0x3F9D]  }
0x31: {  	[smem:$0x3FA6] =	sst s10  }
0x32: {  	s10 =	sld [smem:$0x3FA4];
	_ =	sdelay $0x3  }
0x33: {  	p0 =	seq.s32 s10, $0x1;
	s10 =	sld [smem:$0x3FA6];
	_ =	sdelay $0x3  }
0x34: {  	[smem:$0x3FA6] =	sst s10  }
0x35: {  	s10 =	sld [smem:$0x3FA5];
	_ =	sdelay $0x3  }
0x36: {  	p1 =	seq.s32 s10, $0x1;
	s10 =	sld [smem:$0x3FA6];
	_ =	sdelay $0x3  }
0x37: {  	[smem:$0x3FA6] =	sst s10  }
0x38: {  	s10 =	sld [smem:$0x3FA7]  }
0x39: {  	_ = 	snop;
	(pc) =	sbr.ind lr, $3  }
0x3a: {  	_ = 	snop  }
0x3b: {  	_ = 	snop  }
0x3c: {  	p2 =	seq.s32 s10, $0x1;
	s10 =	sld [smem:$0x3FA6]  }
0x3d: {  	_ =	shalt  }
0x3e: {  	_ =	shalt  }
0x3f: {  	_ =	shalt  }
0x40: {  	_ =	shalt  }
0x41: {  	_ =	shalt  }
0x42: {  	_ =	shalt  }
0x43: {  	_ =	shalt  }
0x44: {  	_ =	shalt  }
0x45: {  	_ =	shalt  }
0x46: {  	_ =	shalt  }
0x47: {  	_ =	shalt  }
0x48: {  	_ =	shalt  }
0x49: {  	_ =	shalt  }
0x4a: {  	_ =	shalt  }
0x4b: {  	_ =	shalt  }
0x4c: {  	_ =	shalt  }
0x4d: {  	_ =	shalt  }
0x4e: {  	_ =	shalt  }
0x4f: {  	_ =	shalt  }
0x50: {  	_ =	shalt  }
0x51: {  	_ =	shalt  }
0x52: {  	_ =	shalt  }
0x53: {  	_ =	shalt  }
0x54: {  	_ =	shalt  }
0x55: {  	_ =	shalt  }
0x56: {  	_ =	shalt  }
0x57: {  	_ =	shalt  }
0x58: {  	_ =	shalt  }
0x59: {  	_ =	shalt  }
0x5a: {  	_ =	shalt  }
0x5b: {  	_ =	shalt  }
0x5c: {  	_ =	shalt  }
0x5d: {  	_ =	shalt  }
0x5e: {  	_ =	shalt  }
0x5f: {  	_ =	shalt  }
0x60: {  	_ =	shalt  }
0x61: {  	_ =	shalt  }
0x62: {  	_ =	shalt  }
0x63: {  	_ =	shalt  }
0x64: {  	_ =	shalt  }
0x65: {  	_ =	shalt  }
0x66: {  	_ =	shalt  }
0x67: {  	_ =	shalt  }
0x68: {  	_ =	shalt  }
0x69: {  	_ =	shalt  }
0x6a: {  	_ =	shalt  }
0x6b: {  	_ =	shalt  }
0x6c: {  	_ =	shalt  }
0x6d: {  	_ =	shalt  }
0x6e: {  	_ =	shalt  }
0x6f: {  	_ =	shalt  }
0x70: {  	_ =	shalt  }
0x71: {  	_ =	shalt  }
0x72: {  	_ =	shalt  }
0x73: {  	_ =	shalt  }
0x74: {  	_ =	shalt  }
0x75: {  	_ =	shalt  }
0x76: {  	_ =	shalt  }
0x77: {  	_ =	shalt  }
0x78: {  	_ =	shalt  }
0x79: {  	_ =	shalt  }
0x7a: {  	_ =	shalt  }
0x7b: {  	_ =	shalt  }
0x7c: {  	_ =	shalt  }
0x7d: {  	_ =	shalt  }
0x7e: {  	_ =	shalt  }
0x7f: {  	_ =	shalt  }
0x80: {  	_ =	shalt  }
0x81: {  	_ =	shalt  }
0x82: {  	_ =	shalt  }
0x83: {  	_ =	shalt  }
0x84: {  	_ =	shalt  }
0x85: {  	_ =	shalt  }
0x86: {  	_ =	shalt  }
0x87: {  	_ =	shalt  }
.Lfunc_end0:
.L_simem_size_0:
called_computation.1_lowered:
.L_overlay_start_0:
0x88: {  	s2 =	sld [smem:$0x3FD9]  }
0x89: {  	s3 =	sld [smem:$0x3FFE];
	_ =	sdelay $0x1  }
0x8a: {  	s1 =	srdreg.scid  }
0x8b: {  	s0 =	sand.u32 $0x1, s1  }
0x8c: {  	s16 =	sshll.u32 s0, $0xA;
	s2 =	sadd.s32 s3, s2  }
0x8d: {  	s2 =	sadd.s32 s2, s16  }
0x8e: {  	[smem:$0x3FB2] =	sst s2  }
0x8f: {  	_ = 	snop  }
0x90: {  	(tm) =	ssettm $0x1  }
0x91: {  	s17 =	sld [smem:$0x3FFB];
	_ =	sdelay $0x3  }
0x92: {  	_ =	strace s17  }
0x93: {  	s2 =	sld [smem:$0x3FFC];
	_ =	sdelay $0x3  }
0x94: {  	_ =	strace s2  }
0x95: {  	s2 =	sld [smem:$0x3FFD];
	_ =	sdelay $0x3  }
0x96: {  	_ =	strace s2  }
0x97: {  	_ =	strace $0x8FFFFFFF  }
0x98: {  	s18 =	sld [smem:$0x3FDB];
	_ =	sdelay $0x1  }
0x99: {  	s19 =	simm.s32 $_scs_section_size  }
0x9a: {  	s4 =	simm.s32 $_size__tile_overlayer_lowered;
	s5 =	simm.s32 $_tile_overlayer_lowered  }
0x9b: {  	s22 =	simm.s32 $0x1BFF;
	s21 =	sshll.u32 s5, $0x1;
	s2 =	sadd.s32 s19, s18  }
0x9c: {  	s6 =	simm.s32 $0x0;
	s20 =	sshll.u32 s4, $0x1;
	s4 =	sadd.s32 s21, s2  }
0x9d: {  	[timem:s6], [sflag:s22] =	dma.local [hbm:s4], s20  }
0x9e: {  	_ =	swait.ge [sflag:s22], s20  }
0x9f: {  	s3 =	ssub.s32 $0x0, s20;
	[sflag:s22] =	ssyncset.done $0x0  }
0xa0: {  	[sflag:s22] =	ssyncadd.s32 s3;
	_ =	sdelay $0x1  }
0xa1: {  	s23 =	simm.s32 $0x1B8B  }
0xa2: {  	_ =	swait.ge [sflag:s23], $0x1  }
0xa3: {  	[sflag:s23] =	ssyncset.done $0x0  }
0xa4: {  	s25 =	simm.s32 $0x1B8E;
	s24 =	sld [smem:$0x3FFE];
	[sflag:s23] =	ssyncadd.s32 $0xFFFFFFFF  }
0xa5: {  	s26 =	simm.s32 $execute0_lowered;
	[smem:$0x3FD2] =	sst s25  }
0xa6: {  	s4 =	sshll.u32 s26, $0x1;
	_ =	strace $0x80000049;
	[dreg:$0x1] =	wrdreg $0xFFFFFFFF  }
0xa7: {  	s28 =	simm.s32 $_size_execute0_lowered;
	s2 =	sadd.s32 s2, s4;
	[dreg:$0x0] =	wrdreg $0x0  }
0xa8: {  	s4 =	sshll.u32 s28, $0x1;
	[dreg:$0x2] =	wrdreg s2  }
0xa9: {  	[dreg:$0x3] =	wrdreg s4  }
0xaa: {  	[dreg:$0x4] =	wrdreg $0xC0  }
0xab: {  	_ =	task [dreg:s6], $0x5FFFF  }
0xac: {  	[dreg:$0x1] =	wrdreg $0xFFFFFFFF  }
0xad: {  	[dreg:$0x0] =	wrdreg $0x60  }
0xae: {  	[dreg:$0x2] =	wrdreg s24  }
0xaf: {  	[dreg:$0x3] =	wrdreg $0x9  }
0xb0: {  	_ =	task.clear_ibuf [dreg:s6], $0x4FFFF;
	_ =	strace $0x90000049  }
0xb1: {  	s29 =	simm.s32 $0x9;
	_ =	strace $0x8000004B  }
0xb2: {  	_ =	swait.ge [sflag:s29], $0x1  }
0xb3: {  	[sflag:s29] =	ssyncadd.s32 $0xFFFFFFFF  }
0xb4: {  	_ =	strace $0x9000004B  }
0xb5: {  	_ =	sfence  }
0xb6: {  	s30 =	sld [smem:$0x0];
	_ =	sdelay $0x2  }
0xb7: {  	s31 =	sshll.u32 s1, $0xD;
	s1 =	sshrl.u32 s1, $0x2  }
0xb8: {  	s3 =	sand.u32 $0x4000, s31;
	s1 =	sadd.s32 s1, s30  }
0xb9: {  	s0 =	sor.u32 s3, s0;
	s1 =	sshll.u32 s1, $0x11  }
0xba: {  	s0 =	sor.u32 s1, s0  }
0xbb: {  	s0 =	sadd.s32 $0x8F2B, s0  }
0xbc: {  	[sflag:s0] =	ssyncadd.remote.s32 $0x1  }
0xbd: {  	_ =	sfence.sel $0xFFFF  }
0xbe: {  	[dreg:$0x0] =	wrdreg $0xFFFFFFFF;
	(pc) =	sbr.abs _section_cstart, $3  }
0xbf: {  	[dreg:$0x1] =	wrdreg $0xFFFFFFFF  }
0xc0: {  	_ =	task.clear_ibuf [dreg:s6], $0x2FFFF;
	_ =	strace $0x9FFFFFFF  }
0xc1: {  	(tm) =	ssettm $0x7FFFFFFF  }
tec
execute0_lowered:
.L_overlay_start_1:
0x0: {  	(tag) =	ssettag $0x1  }
0x1: {  	s0 =	rddreg [dreg:$0x0]  }
0x2: {  	s1 =	simm.s32 $0x0;
	s2 =	srdreg.scid;
	s8 =	stileid.u32  }
0x3: {  	s10 =	simm.s32 $0x1;
	s16 =	simm.s32 $0x5;
	s17 =	simm.s32 $0x4F00  }
0x4: {  	s18 =	simm.s32 $0x2780;
	s19 =	simm.s32 $0x7680;
	s20 =	simm.s32 $0x9E00  }
0x5: {  	s21 =	simm.s32 $0xC600;
	s22 =	simm.s32 $0x2;
	s23 =	simm.s32 $0xEE00  }
0x6: {  	s24 =	simm.s32 $0x11600;
	s25 =	simm.s32 $0x3;
	s26 =	simm.s32 $0x4  }
0x7: {  	s28 =	simm.s32 $0x0;
	[smem:$0x7FF] =	sst s1;
	s2 =	sand.u32 $0x1, s2  }
0x8: {  	s7 =	sadd.s32 $0x2E00, s0;
	s3 =	sadd.s32 $0x1BE00, s0;
	s5 =	sshll.u32 s2, $0x4  }
0x9: {  	s4 =	sadd.s32 $0x11E00, s0;
	s6 =	sor.u32 s8, s5;
	s8 =	sand.u32 $0x7, s8  }
0xa: {  	_ =	strace $0x8000004A;
	p0 =	sne.s32 s8, $0x0;
	p1 =	seq.s32 s6, $0x0  }
0xb: {  	s2 =	ssub.s32 $0x2, s2;
	s5 =	sadd.s32 $0x7E00, s0;
	p0 =	por !p0, !p1  }
0xc: {  	s0 =	sadd.s32 $0x1C400, s0;
	s9 =	sshrl.u32 s2, $0x1;
	p0 =	por !p0, !p0  }
0xd: {  	s2 =	ssub.s32 s2, s9;
	s29 =	sshrl.u32 s6, $0x3;
	s10 =	simm.s32 @!p0 $0x0  }
0xe: {  	s6 =	simm.s32 $0x1;
	s30 =	smul.u32 $0x4E20, s8;
	s9 =	ssub.s32 s29, s10  }
0xf: {  	s11 =	sshll.u32 s8, $0x1;
	s12 =	smul.u32 $0x14000, s9;
	s9 =	sshll.u32 s9, $0x4  }
0x10: {  	s8 =	smul.u32 $0x9C4, s8;
	s10 =	sshrl.u32 s30, $0x3;
	s9 =	sor.u32 s11, s9  }
0x11: {  	s15 =	smax.u32 s2, $0x1;
	s10 =	sadd.s32 s7, s10;
	s13 =	smul.u32 $0x2710, s9  }
0x12: {  	s7 =	sadd.s32 s7, s8;
	s8 =	sadd.s32 $0x4E2, s10;
	s31 =	sshrl.u32 s12, $0x3  }
0x13: {  	s11 =	sor.u32 $0x2800, s12;
	s12 =	sadd.s32 $0x5000, s12;
	s14 =	sadd.s32 $0x2710, s13  }
0x14: {  	s9 =	sadd.s32 s4, s31;
	s13 =	sshrl.u32 s13, $0x3;
	s14 =	sshrl.u32 s14, $0x3  }
0x15: {  	s10 =	sadd.s32 s5, s31;
	s13 =	sadd.s32 s0, s13;
	s14 =	sadd.s32 s0, s14  }
.LBB2_1:
0x16: {  	[tilespmem:s1], [sflag:$0x5] =	stream.linear.gather [hbm4b:s7+s1], $0x2710, $0x38;
	[tilespmem:$0x13E00] =	vst v63  }
0x17: {  	_ =	swait.ge [sflag:s16], $0x2710  }
0x18: {  	[sflag:s16] =	ssyncset.done $0x0  }
0x19: {  	[sflag:s16] =	ssyncadd.s32 $0xFFFFD8F0  }
0x1a: {  	[tilespmem:s17], [sflag:$0x5] =	stream.linear.gather [hbm4b:s3+s1], $0x2710, $0x38;
	[tilespmem:$0x13E00] =	vst v63  }
0x1b: {  	_ =	swait.ge [sflag:s16], $0x2710  }
0x1c: {  	[sflag:s16] =	ssyncset.done $0x0  }
0x1d: {  	[sflag:s16] =	ssyncadd.s32 $0xFFFFD8F0  }
0x1e: {  	[tilespmem:s18], [sflag:$0x5] =	stream.linear.gather [hbm4b:s8+s1], $0x2710, $0x38;
	[tilespmem:$0x13E00] =	vst v63  }
0x1f: {  	_ =	swait.ge [sflag:s16], $0x2710  }
0x20: {  	[sflag:s16] =	ssyncset.done $0x0  }
0x21: {  	[sflag:s16] =	ssyncadd.s32 $0xFFFFD8F0  }
0x22: {  	[tilespmem:s19], [sflag:$0x5] =	stream.linear.gather [hbm4b:s3+s1], $0x2710, $0x38;
	[tilespmem:$0x13E00] =	vst v63  }
0x23: {  	_ =	swait.ge [sflag:s16], $0x2710  }
0x24: {  	[sflag:s16] =	ssyncset.done $0x0  }
0x25: {  	[sflag:s16] =	ssyncadd.s32 $0xFFFFD8F0  }
0x26: {  	[tilespmem:s20], [sflag:$0x1] =	stream.linear.gather [hbm4b:s9+s1], $0x2800, $0x38;
	[tilespmem:$0x13E00] =	vst v63  }
0x27: {  	s29 =	simm.s32 $0x0  }
0x28: {  	[tilespmem:s21], [sflag:$0x2] =	stream.linear.gather [hbm4b:s10+s1], $0x2800, $0x38;
	[tilespmem:$0x13E00] =	vst v63  }
.LBB2_2:
0x29: {  	_ =	swait.ge [sflag:s6], $0x2800  }
0x2a: {  	s30 =	smul.u32 $0x5000, s29;
	[sflag:s6] =	ssyncset.done $0x0  }
0x2b: {  	[sflag:s6] =	ssyncadd.s32 $0xFFFFD800  }
0x2c: {  	s0 =	sadd.s32 s30, s11;
	_ =	swait.ge [sflag:s22], $0x2800  }
0x2d: {  	s0 =	sshrl.u32 s0, $0x3;
	[sflag:s22] =	ssyncset.done $0x0  }
0x2e: {  	s2 =	sadd.s32 s4, s0;
	[sflag:s22] =	ssyncadd.s32 $0xFFFFD800  }
0x2f: {  	[tilespmem:s23], [sflag:$0x3] =	stream.linear.gather [hbm4b:s2+s1], $0x2800, $0x38;
	[tilespmem:$0x13E00] =	vst v63  }
0x30: {  	s0 =	sadd.s32 s5, s0;
	s2 =	simm.s32 $0x9E40  }
0x31: {  	[tilespmem:s24], [sflag:$0x4] =	stream.linear.gather [hbm4b:s0+s1], $0x2800, $0x38;
	[tilespmem:$0x13E00] =	vst v63  }
0x32: {  	v0 =	vld [tilespmem:s2+$0x30]  }
0x33: {  	v1 =	vld [tilespmem:s2+$0xFFFFFFD0]  }
0x34: {  	v2 =	vld [tilespmem:s2+$0xFFFFFFE0]  }
0x35: {  	v3 =	vld [tilespmem:s2+$0xFFFFFFF0]  }
0x36: {  	v4 =	vld [tilespmem:s2+$0x0]  }
0x37: {  	s31 =	simm.s32 $0xC640;
	v5 =	vld [tilespmem:s2+$0x10]  }
0x38: {  	v6 =	vld [tilespmem:s31+$0x30]  }
0x39: {  	v7 =	vld [tilespmem:s2+$0x20]  }
0x3a: {  	v9 =	vld [tilespmem:s2+$0xFFFFFFC0]  }
0x3b: {  	v16 =	vld [tilespmem:s31+$0xFFFFFFC0]  }
0x3c: {  	v17 =	vld [tilespmem:s31+$0xFFFFFFD0]  }
0x3d: {  	v62 =	vld [tilespmem:s31+$0xFFFFFFE0]  }
0x3e: {  	v63 =	vld [tilespmem:s31+$0xFFFFFFF0]  }
0x3f: {  	v18 =	vld [tilespmem:s31+$0x0]  }
0x40: {  	v19 =	vld [tilespmem:s31+$0x10]  }
0x41: {  	v20 =	vld [tilespmem:s31+$0x20]  }
0x42: {  	v8 =	vld.idx.msk [tilespmem:v0+s1+$0x0], $0xffff  }
0x43: {  	v10 =	vld.idx.msk [tilespmem:v1+s1+$0x0], $0xffff  }
0x44: {  	v11 =	vld.idx.msk [tilespmem:v2+s1+$0x0], $0xffff  }
0x45: {  	v12 =	vld.idx.msk [tilespmem:v3+s1+$0x0], $0xffff  }
0x46: {  	v14 =	vld.idx.msk [tilespmem:v9+s1+$0x0], $0xffff  }
0x47: {  	v13 =	vld.idx.msk [tilespmem:v4+s1+$0x0], $0xffff  }
0x48: {  	v61 =	vld.idx.msk [tilespmem:v5+s1+$0x0], $0xffff  }
0x49: {  	v15 =	vld.idx.msk [tilespmem:v7+s1+$0x0], $0xffff  }
0x4a: {  	[tilespmem:v6+s17+$0x0] =	vst.idx.add.f32.msk $0xffff, v8  }
0x4b: {  	[tilespmem:v16+s17+$0x0] =	vst.idx.add.f32.msk $0xffff, v14  }
0x4c: {  	[tilespmem:v17+s17+$0x0] =	vst.idx.add.f32.msk $0xffff, v10  }
0x4d: {  	[tilespmem:v62+s17+$0x0] =	vst.idx.add.f32.msk $0xffff, v11  }
0x4e: {  	[tilespmem:v63+s17+$0x0] =	vst.idx.add.f32.msk $0xffff, v12  }
0x4f: {  	[tilespmem:v18+s17+$0x0] =	vst.idx.add.f32.msk $0xffff, v13  }
0x50: {  	[tilespmem:v19+s17+$0x0] =	vst.idx.add.f32.msk $0xffff, v61  }
0x51: {  	[tilespmem:v20+s17+$0x0] =	vst.idx.add.f32.msk $0xffff, v15  }
0x52: {  	v0 =	vld.idx.msk [tilespmem:v0+s18+$0x0], $0xffff  }
0x53: {  	v9 =	vld.idx.msk [tilespmem:v9+s18+$0x0], $0xffff  }
0x54: {  	v1 =	vld.idx.msk [tilespmem:v1+s18+$0x0], $0xffff  }
0x55: {  	v2 =	vld.idx.msk [tilespmem:v2+s18+$0x0], $0xffff  }
0x56: {  	v3 =	vld.idx.msk [tilespmem:v3+s18+$0x0], $0xffff  }
0x57: {  	v4 =	vld.idx.msk [tilespmem:v4+s18+$0x0], $0xffff  }
0x58: {  	v5 =	vld.idx.msk [tilespmem:v5+s18+$0x0], $0xffff  }
0x59: {  	v7 =	vld.idx.msk [tilespmem:v7+s18+$0x0], $0xffff  }
0x5a: {  	[tilespmem:v6+s19+$0x0] =	vst.idx.add.f32.msk $0xffff, v0  }
0x5b: {  	[tilespmem:v16+s19+$0x0] =	vst.idx.add.f32.msk $0xffff, v9  }
0x5c: {  	[tilespmem:v17+s19+$0x0] =	vst.idx.add.f32.msk $0xffff, v1  }
0x5d: {  	[tilespmem:v62+s19+$0x0] =	vst.idx.add.f32.msk $0xffff, v2  }
0x5e: {  	[tilespmem:v63+s19+$0x0] =	vst.idx.add.f32.msk $0xffff, v3  }
0x5f: {  	[tilespmem:v18+s19+$0x0] =	vst.idx.add.f32.msk $0xffff, v4  }
0x60: {  	[tilespmem:v19+s19+$0x0] =	vst.idx.add.f32.msk $0xffff, v5  }
0x61: {  	s0 =	simm.s32 $0x0;
	s2 =	simm.s32 $0x9EC0;
	[tilespmem:v20+s19+$0x0] =	vst.idx.add.f32.msk $0xffff, v7  }
.LBB2_3:
0x62: {  	v0 =	vld [tilespmem:s2+$0x30];
	s0 =	sadd.s32 $0x8, s0  }
0x63: {  	v1 =	vld [tilespmem:s2+$0xFFFFFFD0];
	p0 =	slt.u32 s0, $0x278  }
0x64: {  	v2 =	vld [tilespmem:s2+$0xFFFFFFE0]  }
0x65: {  	v3 =	vld [tilespmem:s2+$0xFFFFFFF0]  }
0x66: {  	v4 =	vld [tilespmem:s2+$0x0]  }
0x67: {  	s31 =	sadd.s32 $0x80, s31;
	v5 =	vld [tilespmem:s2+$0x10]  }
0x68: {  	v6 =	vld [tilespmem:s31+$0x30]  }
0x69: {  	v7 =	vld [tilespmem:s2+$0x20]  }
0x6a: {  	v8 =	vld.idx.msk [tilespmem:v0+s1+$0x0], $0xffff  }
0x6b: {  	v9 =	vld [tilespmem:s2+$0xFFFFFFC0]  }
0x6c: {  	v10 =	vld.idx.msk [tilespmem:v1+s1+$0x0], $0xffff  }
0x6d: {  	v11 =	vld.idx.msk [tilespmem:v2+s1+$0x0], $0xffff  }
0x6e: {  	v12 =	vld.idx.msk [tilespmem:v3+s1+$0x0], $0xffff  }
0x6f: {  	v13 =	vld.idx.msk [tilespmem:v4+s1+$0x0], $0xffff  }
0x70: {  	[tilespmem:v6+s17+$0x0] =	vst.idx.add.f32.msk $0xffff, v8  }
0x71: {  	v0 =	vld.idx.msk [tilespmem:v0+s18+$0x0], $0xffff  }
0x72: {  	v8 =	vld.idx.msk [tilespmem:v5+s1+$0x0], $0xffff  }
0x73: {  	v14 =	vld.idx.msk [tilespmem:v9+s1+$0x0], $0xffff  }
0x74: {  	v15 =	vld.idx.msk [tilespmem:v7+s1+$0x0], $0xffff  }
0x75: {  	v16 =	vld [tilespmem:s31+$0xFFFFFFC0]  }
0x76: {  	v17 =	vld [tilespmem:s31+$0xFFFFFFD0]  }
0x77: {  	[tilespmem:v6+s19+$0x0] =	vst.idx.add.f32.msk $0xffff, v0  }
0x78: {  	v0 =	vld [tilespmem:s31+$0xFFFFFFE0]  }
0x79: {  	v6 =	vld [tilespmem:s31+$0xFFFFFFF0]  }
0x7a: {  	v18 =	vld [tilespmem:s31+$0x0]  }
0x7b: {  	v19 =	vld [tilespmem:s31+$0x10]  }
0x7c: {  	v20 =	vld [tilespmem:s31+$0x20]  }
0x7d: {  	[tilespmem:v16+s17+$0x0] =	vst.idx.add.f32.msk $0xffff, v14  }
0x7e: {  	[tilespmem:v17+s17+$0x0] =	vst.idx.add.f32.msk $0xffff, v10  }
0x7f: {  	v9 =	vld.idx.msk [tilespmem:v9+s18+$0x0], $0xffff  }
0x80: {  	[tilespmem:v0+s17+$0x0] =	vst.idx.add.f32.msk $0xffff, v11  }
0x81: {  	[tilespmem:v6+s17+$0x0] =	vst.idx.add.f32.msk $0xffff, v12  }
0x82: {  	[tilespmem:v18+s17+$0x0] =	vst.idx.add.f32.msk $0xffff, v13  }
0x83: {  	[tilespmem:v19+s17+$0x0] =	vst.idx.add.f32.msk $0xffff, v8  }
0x84: {  	[tilespmem:v20+s17+$0x0] =	vst.idx.add.f32.msk $0xffff, v15  }
0x85: {  	v1 =	vld.idx.msk [tilespmem:v1+s18+$0x0], $0xffff  }
0x86: {  	v2 =	vld.idx.msk [tilespmem:v2+s18+$0x0], $0xffff  }
0x87: {  	v3 =	vld.idx.msk [tilespmem:v3+s18+$0x0], $0xffff  }
0x88: {  	v4 =	vld.idx.msk [tilespmem:v4+s18+$0x0], $0xffff  }
0x89: {  	v5 =	vld.idx.msk [tilespmem:v5+s18+$0x0], $0xffff  }
0x8a: {  	v7 =	vld.idx.msk [tilespmem:v7+s18+$0x0], $0xffff  }
0x8b: {  	[tilespmem:v16+s19+$0x0] =	vst.idx.add.f32.msk $0xffff, v9  }
0x8c: {  	[tilespmem:v17+s19+$0x0] =	vst.idx.add.f32.msk $0xffff, v1  }
.Ltmp0:
0x8d: {  	[tilespmem:v0+s19+$0x0] =	vst.idx.add.f32.msk $0xffff, v2;
	(pc) =	sbr.rel @p0 .LBB2_3-.Ltmp0, $4  }
0x8e: {  	[tilespmem:v6+s19+$0x0] =	vst.idx.add.f32.msk $0xffff, v3  }
0x8f: {  	[tilespmem:v18+s19+$0x0] =	vst.idx.add.f32.msk $0xffff, v4  }
0x90: {  	[tilespmem:v19+s19+$0x0] =	vst.idx.add.f32.msk $0xffff, v5  }
0x91: {  	s2 =	sadd.s32 $0x80, s2;
	[tilespmem:v20+s19+$0x0] =	vst.idx.add.f32.msk $0xffff, v7  }
0x92: {  	_ =	swait.ge [sflag:s25], $0x2800  }
0x93: {  	[sflag:s25] =	ssyncset.done $0x0  }
0x94: {  	p0 =	seq.s32 s29, $0x3;
	[sflag:s25] =	ssyncadd.s32 $0xFFFFD800  }
0x95: {  	s0 =	sadd.s32 @!p0 s30, s12;
	_ =	swait.ge [sflag:s26], $0x2800  }
0x96: {  	s30 =	simm.s32 @!p0 $0x0;
	s0 =	sshrl.u32 @!p0 s0, $0x3;
	[sflag:s26] =	ssyncset.done $0x0  }
0x97: {  	s31 =	simm.s32 @!p0 $0x9E00;
	s2 =	sadd.s32 @!p0 s4, s0;
	[sflag:s26] =	ssyncadd.s32 $0xFFFFD800  }
0x98: {  	[tilespmem:s31], [sflag:$0x1] =	stream.linear.gather @!p0 [hbm4b:s2+s30], $0x2800, $0x38;
	[tilespmem:$0x13E00] =	vst v63  }
0x99: {  	s0 =	sadd.s32 @!p0 s5, s0;
	s2 =	simm.s32 @!p0 $0xC600;
	s31 =	simm.s32 $0xEE40  }
0x9a: {  	[tilespmem:s2], [sflag:$0x2] =	stream.linear.gather @!p0 [hbm4b:s0+s30], $0x2800, $0x38;
	[tilespmem:$0x13E00] =	vst v63  }
0x9b: {  	v0 =	vld [tilespmem:s31+$0x30]  }
0x9c: {  	v1 =	vld [tilespmem:s31+$0xFFFFFFD0]  }
0x9d: {  	v2 =	vld [tilespmem:s31+$0xFFFFFFE0]  }
0x9e: {  	v3 =	vld [tilespmem:s31+$0xFFFFFFF0]  }
0x9f: {  	v4 =	vld [tilespmem:s31+$0x0]  }
0xa0: {  	s30 =	simm.s32 $0x11640;
	v5 =	vld [tilespmem:s31+$0x10]  }
0xa1: {  	v6 =	vld [tilespmem:s30+$0x30]  }
0xa2: {  	v7 =	vld [tilespmem:s31+$0x20]  }
0xa3: {  	v9 =	vld [tilespmem:s31+$0xFFFFFFC0]  }
0xa4: {  	v16 =	vld [tilespmem:s30+$0xFFFFFFC0]  }
0xa5: {  	v17 =	vld [tilespmem:s30+$0xFFFFFFD0]  }
0xa6: {  	v62 =	vld [tilespmem:s30+$0xFFFFFFE0]  }
0xa7: {  	v63 =	vld [tilespmem:s30+$0xFFFFFFF0]  }
0xa8: {  	v18 =	vld [tilespmem:s30+$0x0]  }
0xa9: {  	v19 =	vld [tilespmem:s30+$0x10]  }
0xaa: {  	v20 =	vld [tilespmem:s30+$0x20]  }
0xab: {  	v8 =	vld.idx.msk [tilespmem:v0+s1+$0x0], $0xffff  }
0xac: {  	v10 =	vld.idx.msk [tilespmem:v1+s1+$0x0], $0xffff  }
0xad: {  	v11 =	vld.idx.msk [tilespmem:v2+s1+$0x0], $0xffff  }
0xae: {  	v12 =	vld.idx.msk [tilespmem:v3+s1+$0x0], $0xffff  }
0xaf: {  	v14 =	vld.idx.msk [tilespmem:v9+s1+$0x0], $0xffff  }
0xb0: {  	v13 =	vld.idx.msk [tilespmem:v4+s1+$0x0], $0xffff  }
0xb1: {  	v61 =	vld.idx.msk [tilespmem:v5+s1+$0x0], $0xffff  }
0xb2: {  	v15 =	vld.idx.msk [tilespmem:v7+s1+$0x0], $0xffff  }
0xb3: {  	[tilespmem:v6+s17+$0x0] =	vst.idx.add.f32.msk $0xffff, v8  }
0xb4: {  	[tilespmem:v16+s17+$0x0] =	vst.idx.add.f32.msk $0xffff, v14  }
0xb5: {  	[tilespmem:v17+s17+$0x0] =	vst.idx.add.f32.msk $0xffff, v10  }
0xb6: {  	[tilespmem:v62+s17+$0x0] =	vst.idx.add.f32.msk $0xffff, v11  }
0xb7: {  	[tilespmem:v63+s17+$0x0] =	vst.idx.add.f32.msk $0xffff, v12  }
0xb8: {  	[tilespmem:v18+s17+$0x0] =	vst.idx.add.f32.msk $0xffff, v13  }
0xb9: {  	[tilespmem:v19+s17+$0x0] =	vst.idx.add.f32.msk $0xffff, v61  }
0xba: {  	[tilespmem:v20+s17+$0x0] =	vst.idx.add.f32.msk $0xffff, v15  }
0xbb: {  	v0 =	vld.idx.msk [tilespmem:v0+s18+$0x0], $0xffff  }
0xbc: {  	v9 =	vld.idx.msk [tilespmem:v9+s18+$0x0], $0xffff  }
0xbd: {  	v1 =	vld.idx.msk [tilespmem:v1+s18+$0x0], $0xffff  }
0xbe: {  	v2 =	vld.idx.msk [tilespmem:v2+s18+$0x0], $0xffff  }
0xbf: {  	v3 =	vld.idx.msk [tilespmem:v3+s18+$0x0], $0xffff  }
0xc0: {  	v4 =	vld.idx.msk [tilespmem:v4+s18+$0x0], $0xffff  }
0xc1: {  	v5 =	vld.idx.msk [tilespmem:v5+s18+$0x0], $0xffff  }
0xc2: {  	v7 =	vld.idx.msk [tilespmem:v7+s18+$0x0], $0xffff  }
0xc3: {  	[tilespmem:v6+s19+$0x0] =	vst.idx.add.f32.msk $0xffff, v0  }
0xc4: {  	[tilespmem:v16+s19+$0x0] =	vst.idx.add.f32.msk $0xffff, v9  }
0xc5: {  	[tilespmem:v17+s19+$0x0] =	vst.idx.add.f32.msk $0xffff, v1  }
0xc6: {  	[tilespmem:v62+s19+$0x0] =	vst.idx.add.f32.msk $0xffff, v2  }
0xc7: {  	[tilespmem:v63+s19+$0x0] =	vst.idx.add.f32.msk $0xffff, v3  }
0xc8: {  	[tilespmem:v18+s19+$0x0] =	vst.idx.add.f32.msk $0xffff, v4  }
0xc9: {  	[tilespmem:v19+s19+$0x0] =	vst.idx.add.f32.msk $0xffff, v5  }
0xca: {  	s0 =	simm.s32 $0x0;
	s2 =	simm.s32 $0xEEC0;
	[tilespmem:v20+s19+$0x0] =	vst.idx.add.f32.msk $0xffff, v7  }
.LBB2_5:
0xcb: {  	v0 =	vld [tilespmem:s2+$0x30];
	s0 =	sadd.s32 $0x8, s0  }
0xcc: {  	v1 =	vld [tilespmem:s2+$0xFFFFFFD0];
	p0 =	slt.u32 s0, $0x278  }
0xcd: {  	v2 =	vld [tilespmem:s2+$0xFFFFFFE0]  }
0xce: {  	v3 =	vld [tilespmem:s2+$0xFFFFFFF0]  }
0xcf: {  	v4 =	vld [tilespmem:s2+$0x0]  }
0xd0: {  	s30 =	sadd.s32 $0x80, s30;
	v5 =	vld [tilespmem:s2+$0x10]  }
0xd1: {  	v6 =	vld [tilespmem:s30+$0x30]  }
0xd2: {  	v7 =	vld [tilespmem:s2+$0x20]  }
0xd3: {  	v8 =	vld.idx.msk [tilespmem:v0+s1+$0x0], $0xffff  }
0xd4: {  	v9 =	vld [tilespmem:s2+$0xFFFFFFC0]  }
0xd5: {  	v10 =	vld.idx.msk [tilespmem:v1+s1+$0x0], $0xffff  }
0xd6: {  	v11 =	vld.idx.msk [tilespmem:v2+s1+$0x0], $0xffff  }
0xd7: {  	v12 =	vld.idx.msk [tilespmem:v3+s1+$0x0], $0xffff  }
0xd8: {  	v13 =	vld.idx.msk [tilespmem:v4+s1+$0x0], $0xffff  }
0xd9: {  	[tilespmem:v6+s17+$0x0] =	vst.idx.add.f32.msk $0xffff, v8  }
0xda: {  	v0 =	vld.idx.msk [tilespmem:v0+s18+$0x0], $0xffff  }
0xdb: {  	v8 =	vld.idx.msk [tilespmem:v5+s1+$0x0], $0xffff  }
0xdc: {  	v14 =	vld.idx.msk [tilespmem:v9+s1+$0x0], $0xffff  }
0xdd: {  	v15 =	vld.idx.msk [tilespmem:v7+s1+$0x0], $0xffff  }
0xde: {  	v16 =	vld [tilespmem:s30+$0xFFFFFFC0]  }
0xdf: {  	v17 =	vld [tilespmem:s30+$0xFFFFFFD0]  }
0xe0: {  	[tilespmem:v6+s19+$0x0] =	vst.idx.add.f32.msk $0xffff, v0  }
0xe1: {  	v0 =	vld [tilespmem:s30+$0xFFFFFFE0]  }
0xe2: {  	v6 =	vld [tilespmem:s30+$0xFFFFFFF0]  }
0xe3: {  	v18 =	vld [tilespmem:s30+$0x0]  }
0xe4: {  	v19 =	vld [tilespmem:s30+$0x10]  }
0xe5: {  	v20 =	vld [tilespmem:s30+$0x20]  }
0xe6: {  	[tilespmem:v16+s17+$0x0] =	vst.idx.add.f32.msk $0xffff, v14  }
0xe7: {  	[tilespmem:v17+s17+$0x0] =	vst.idx.add.f32.msk $0xffff, v10  }
0xe8: {  	v9 =	vld.idx.msk [tilespmem:v9+s18+$0x0], $0xffff  }
0xe9: {  	[tilespmem:v0+s17+$0x0] =	vst.idx.add.f32.msk $0xffff, v11  }
0xea: {  	[tilespmem:v6+s17+$0x0] =	vst.idx.add.f32.msk $0xffff, v12  }
0xeb: {  	[tilespmem:v18+s17+$0x0] =	vst.idx.add.f32.msk $0xffff, v13  }
0xec: {  	[tilespmem:v19+s17+$0x0] =	vst.idx.add.f32.msk $0xffff, v8  }
0xed: {  	[tilespmem:v20+s17+$0x0] =	vst.idx.add.f32.msk $0xffff, v15  }
0xee: {  	v1 =	vld.idx.msk [tilespmem:v1+s18+$0x0], $0xffff  }
0xef: {  	v2 =	vld.idx.msk [tilespmem:v2+s18+$0x0], $0xffff  }
0xf0: {  	v3 =	vld.idx.msk [tilespmem:v3+s18+$0x0], $0xffff  }
0xf1: {  	v4 =	vld.idx.msk [tilespmem:v4+s18+$0x0], $0xffff  }
0xf2: {  	v5 =	vld.idx.msk [tilespmem:v5+s18+$0x0], $0xffff  }
0xf3: {  	v7 =	vld.idx.msk [tilespmem:v7+s18+$0x0], $0xffff  }
0xf4: {  	[tilespmem:v16+s19+$0x0] =	vst.idx.add.f32.msk $0xffff, v9  }
0xf5: {  	[tilespmem:v17+s19+$0x0] =	vst.idx.add.f32.msk $0xffff, v1  }
.Ltmp1:
0xf6: {  	[tilespmem:v0+s19+$0x0] =	vst.idx.add.f32.msk $0xffff, v2;
	(pc) =	sbr.rel @p0 .LBB2_5-.Ltmp1, $4  }
0xf7: {  	[tilespmem:v6+s19+$0x0] =	vst.idx.add.f32.msk $0xffff, v3  }
0xf8: {  	[tilespmem:v18+s19+$0x0] =	vst.idx.add.f32.msk $0xffff, v4  }
0xf9: {  	[tilespmem:v19+s19+$0x0] =	vst.idx.add.f32.msk $0xffff, v5  }
0xfa: {  	s2 =	sadd.s32 $0x80, s2;
	[tilespmem:v20+s19+$0x0] =	vst.idx.add.f32.msk $0xffff, v7  }
0xfb: {  	s29 =	sadd.s32 $0x1, s29  }
0xfc: {  	p0 =	sne.s32 s29, $0x4  }
.Ltmp2:
0xfd: {  	_ = 	snop;
	(pc) =	sbr.rel @p0 .LBB2_2-.Ltmp2, $1  }
0xfe: {  	_ =	sdelay $0x3  }
0xff: {  	[hbm4b:s13+s1] =	stream.linear.scatter [tilespmem:s17], [sflag:$0x5], $0x2710, $0x38;
	[tilespmem:$0x13E00] =	vst v63  }
0x100: {  	s28 =	sadd.s32 $0x1, s28;
	_ =	swait.ge [sflag:s16], $0x2710  }
0x101: {  	p0 =	sne.s32 s28, s15;
	[sflag:s16] =	ssyncset.done $0x0  }
.Ltmp3:
0x102: {  	[sflag:s16] =	ssyncadd.s32 $0xFFFFD8F0;
	(pc) =	sbr.rel @p0 .LBB2_1-.Ltmp3, $4  }
0x103: {  	[hbm4b:s14+s1] =	stream.linear.scatter [tilespmem:s19], [sflag:$0x5], $0x2710, $0x38;
	[tilespmem:$0x13E00] =	vst v63  }
0x104: {  	_ =	swait.ge [sflag:s16], $0x2710  }
0x105: {  	[sflag:s16] =	ssyncset.done $0x0  }
0x106: {  	[sflag:s16] =	ssyncadd.s32 $0xFFFFD8F0  }
0x107: {  	_ =	sfence.sel $0x180000  }
0x108: {  	[bflag:$0x0] =	sbarrier.arrive $0xFFFF  }
0x109: {  	_ =	strace $0x9000004A  }
0x10a: {  	s0 =	stileid.u32;
	[bflag:$0x2] =	sbarrier.arrive $0xFFFF  }
0x10b: {  	p0 =	sne.s32 s0, $0x0;
	s0 =	rddreg [dreg:$0x1]  }
0x10c: {  	s0 =	sadd.s32 @!p0 $0x100000, s0  }
0x10d: {  	[sflag:s0] =	ssyncadd.tile.s32 @!p0 $0x1;
	_ =	shalt  }
.Lfunc_end2:
_tile_overlayer_lowered:
.L_overlay_start_2:
0x10e: {  	(tag) =	ssettag $0x2  }
0x10f: {  	s0 =	rddreg [dreg:$0x0];
	s2 =	stileid.u32  }
0x110: {  	s1 =	rddreg [dreg:$0x1];
	p0 =	sne.s32 s2, $0x0  }
0x111: {  	s3 =	rddreg [dreg:$0x2];
	[bflag:$0x3] =	sbarrier.arrive $0xFFFF;
	s2 =	simm.s32 @!p0 $0x1C05  }
0x112: {  	[timem:s3], [sflag:s2] =	dma.local @!p0 [hbm:s0], s1  }
0x113: {  	s0 =	simm.s32 @!p0 $0x5  }
0x114: {  	_ =	swait.ge @!p0 [sflag:s0], s1  }
0x115: {  	s1 =	ssub.s32 @!p0 $0x0, s1;
	[sflag:s0] =	ssyncset.done @!p0 $0x0  }
0x116: {  	[sflag:s0] =	ssyncadd.s32 @!p0 s1  }
0x117: {  	[bflag:$0x3] =	sbarrier.arrive $0xFFFF  }
0x118: {  	_ =	shalt  }

// kernel: kernel.17.cloned.1.call-start
scs
__scs_entry_jumppad:
0x0: {  	(pc) =	sbr.rel $0x88, $3  }
0x1: {  	(tag) =	ssettag $0x0;
	lr =	simm.s32 $0x1  }
0x2: {  	[smem:$0x3F8B] =	sst lr;
	_ =	strace $0xD0000000  }
0x3: {  	_ = 	snop  }
0x4: {  	_ = 	snop  }
0x5: {  	_ = 	snop  }
0x6: {  	_ = 	snop  }
0x7: {  	_ = 	snop  }
__scs_overlays_trampoline_lowered:
0x8: {  	[smem:$0x3F9A] =	sst s0  }
0x9: {  	[smem:$0x3F9B] =	sst s1  }
0xa: {  	[smem:$0x3F9C] =	sst s2  }
0xb: {  	[smem:$0x3F9D] =	sst s3  }
0xc: {  	[smem:$0x3F9E] =	sst s4  }
0xd: {  	[smem:$0x3F9F] =	sst s5  }
0xe: {  	[smem:$0x3FA0] =	sst s6  }
0xf: {  	[smem:$0x3FA1] =	sst s7  }
0x10: {  	[smem:$0x3FA2] =	sst s8  }
0x11: {  	[smem:$0x3FA3] =	sst s9;
	s0 =	simm.s32 @!p0 $0x0  }
0x12: {  	s1 =	sld [smem:$0x3F89];
	s0 =	simm.s32 @p0 $0x1  }
0x13: {  	[smem:$0x3FA4] =	sst s0;
	s0 =	simm.s32 @!p1 $0x0  }
0x14: {  	s2 =	sld [smem:$0x3F88];
	s0 =	simm.s32 @p1 $0x1  }
0x15: {  	[smem:$0x3FA5] =	sst s0;
	s0 =	simm.s32 @!p2 $0x0  }
0x16: {  	s3 =	sld [smem:$0x3FDB];
	s0 =	simm.s32 @p2 $0x1  }
0x17: {  	s4 =	simm.s32 $0x1BF5;
	[smem:$0x3FA7] =	sst s0  }
0x18: {  	s0 =	sld [smem:$0x3F8A];
	_ =	swait.ge [sflag:s4], $0x0  }
0x19: {  	s7 =	sld [smem:$0x3F8B]  }
0x1a: {  	s8 =	sadd.s32 $0xFFFFE003, lr  }
0x1b: {  	s9 =	sadd.s32 $0xFFFFFEF7, lr;
	s5 =	simm.s32 $0xFFFFFFFF;
	p2 =	slt.u32 s8, $0xFFFFF086  }
0x1c: {  	p1 =	slt.u32 s9, $0xF7A;
	s5 =	simm.s32 @!p2 $0x0  }
0x1d: {  	s5 =	simm.s32 @p1 $0x1;
	p0 =	seq.s32 s7, s2  }
0x1e: {  	s7 =	smul.u32 @!p0 $0xF7A, s2;
	p2 =	seq.s32 @!p0 s5, $0x0  }
0x1f: {  	s9 =	smul.u32 $0xF7A, s1;
	s8 =	simm.s32 @!p0 $0x1BF5;
	p2 =	por !p2, p0  }
0x20: {  	[sflag:s8] =	ssyncset.s32 @!p0 $0xFFFFF086;
	s6 =	sadd.s32 @!p0 s3, s7;
	s7 =	simm.s32 @!p0 $0x108  }
0x21: {  	s3 =	sadd.s32 s3, s9;
	s6 =	sadd.s32 @!p0 $0x88, s6;
	s7 =	simm.s32 @p2 $0x1082  }
0x22: {  	[simem:s7], [sflag:s8] =	dma.local @!p0 [hbm:s6], $0xF7A  }
0x23: {  	s9 =	sor.u32 $0xD0000000, s2;
	s6 =	simm.s32 $0x108;
	_ =	swait.ge @!p0 [sflag:s8], $0x0  }
0x24: {  	s3 =	sadd.s32 $0x88, s3;
	s6 =	simm.s32 @!p1 $0x1082;
	[sflag:s4] =	ssyncset.s32 $0xFFFFF086  }
0x25: {  	[simem:s6], [sflag:s4] =	dma.local [hbm:s3], $0xF7A  }
0x26: {  	[smem:$0x3F8B] =	sst s1;
	(tag) =	ssettag s2;
	_ =	strace s9  }
0x27: {  	s1 =	sld [smem:$0x3F9B]  }
0x28: {  	s2 =	sld [smem:$0x3F9C]  }
0x29: {  	s4 =	sld [smem:$0x3F9E]  }
0x2a: {  	p0 =	seq.s32 s5, $0x0;
	s5 =	sld [smem:$0x3F9F]  }
0x2b: {  	s6 =	sld [smem:$0x3FA0]  }
0x2c: {  	s7 =	sld [smem:$0x3FA1]  }
0x2d: {  	s3 =	simm.s32 $0x108;
	s8 =	sld [smem:$0x3FA2]  }
0x2e: {  	s3 =	simm.s32 @!p0 $0x1082;
	s9 =	sld [smem:$0x3FA3]  }
0x2f: {  	lr =	sadd.s32 s0, s3;
	s0 =	sld [smem:$0x3F9A]  }
0x30: {  	s3 =	sld [smem:$0x3F9D]  }
0x31: {  	[smem:$0x3FA6] =	sst s10  }
0x32: {  	s10 =	sld [smem:$0x3FA4];
	_ =	sdelay $0x3  }
0x33: {  	p0 =	seq.s32 s10, $0x1;
	s10 =	sld [smem:$0x3FA6];
	_ =	sdelay $0x3  }
0x34: {  	[smem:$0x3FA6] =	sst s10  }
0x35: {  	s10 =	sld [smem:$0x3FA5];
	_ =	sdelay $0x3  }
0x36: {  	p1 =	seq.s32 s10, $0x1;
	s10 =	sld [smem:$0x3FA6];
	_ =	sdelay $0x3  }
0x37: {  	[smem:$0x3FA6] =	sst s10  }
0x38: {  	s10 =	sld [smem:$0x3FA7]  }
0x39: {  	_ = 	snop;
	(pc) =	sbr.ind lr, $3  }
0x3a: {  	_ = 	snop  }
0x3b: {  	_ = 	snop  }
0x3c: {  	p2 =	seq.s32 s10, $0x1;
	s10 =	sld [smem:$0x3FA6]  }
0x3d: {  	_ =	shalt  }
0x3e: {  	_ =	shalt  }
0x3f: {  	_ =	shalt  }
0x40: {  	_ =	shalt  }
0x41: {  	_ =	shalt  }
0x42: {  	_ =	shalt  }
0x43: {  	_ =	shalt  }
0x44: {  	_ =	shalt  }
0x45: {  	_ =	shalt  }
0x46: {  	_ =	shalt  }
0x47: {  	_ =	shalt  }
0x48: {  	_ =	shalt  }
0x49: {  	_ =	shalt  }
0x4a: {  	_ =	shalt  }
0x4b: {  	_ =	shalt  }
0x4c: {  	_ =	shalt  }
0x4d: {  	_ =	shalt  }
0x4e: {  	_ =	shalt  }
0x4f: {  	_ =	shalt  }
0x50: {  	_ =	shalt  }
0x51: {  	_ =	shalt  }
0x52: {  	_ =	shalt  }
0x53: {  	_ =	shalt  }
0x54: {  	_ =	shalt  }
0x55: {  	_ =	shalt  }
0x56: {  	_ =	shalt  }
0x57: {  	_ =	shalt  }
0x58: {  	_ =	shalt  }
0x59: {  	_ =	shalt  }
0x5a: {  	_ =	shalt  }
0x5b: {  	_ =	shalt  }
0x5c: {  	_ =	shalt  }
0x5d: {  	_ =	shalt  }
0x5e: {  	_ =	shalt  }
0x5f: {  	_ =	shalt  }
0x60: {  	_ =	shalt  }
0x61: {  	_ =	shalt  }
0x62: {  	_ =	shalt  }
0x63: {  	_ =	shalt  }
0x64: {  	_ =	shalt  }
0x65: {  	_ =	shalt  }
0x66: {  	_ =	shalt  }
0x67: {  	_ =	shalt  }
0x68: {  	_ =	shalt  }
0x69: {  	_ =	shalt  }
0x6a: {  	_ =	shalt  }
0x6b: {  	_ =	shalt  }
0x6c: {  	_ =	shalt  }
0x6d: {  	_ =	shalt  }
0x6e: {  	_ =	shalt  }
0x6f: {  	_ =	shalt  }
0x70: {  	_ =	shalt  }
0x71: {  	_ =	shalt  }
0x72: {  	_ =	shalt  }
0x73: {  	_ =	shalt  }
0x74: {  	_ =	shalt  }
0x75: {  	_ =	shalt  }
0x76: {  	_ =	shalt  }
0x77: {  	_ =	shalt  }
0x78: {  	_ =	shalt  }
0x79: {  	_ =	shalt  }
0x7a: {  	_ =	shalt  }
0x7b: {  	_ =	shalt  }
0x7c: {  	_ =	shalt  }
0x7d: {  	_ =	shalt  }
0x7e: {  	_ =	shalt  }
0x7f: {  	_ =	shalt  }
0x80: {  	_ =	shalt  }
0x81: {  	_ =	shalt  }
0x82: {  	_ =	shalt  }
0x83: {  	_ =	shalt  }
0x84: {  	_ =	shalt  }
0x85: {  	_ =	shalt  }
0x86: {  	_ =	shalt  }
0x87: {  	_ =	shalt  }
.Lfunc_end0:
.L_simem_size_0:
called_computation.2_lowered:
.L_overlay_start_0:
0x88: {  	s2 =	sld [smem:$0x3FD9]  }
0x89: {  	s3 =	sld [smem:$0x3FFE];
	_ =	sdelay $0x1  }
0x8a: {  	s1 =	srdreg.scid  }
0x8b: {  	s0 =	sand.u32 $0x1, s1  }
0x8c: {  	s16 =	sshll.u32 s0, $0xA;
	s2 =	sadd.s32 s3, s2  }
0x8d: {  	s2 =	sadd.s32 s2, s16  }
0x8e: {  	[smem:$0x3FB2] =	sst s2  }
0x8f: {  	_ = 	snop  }
0x90: {  	(tm) =	ssettm $0x1  }
0x91: {  	s17 =	sld [smem:$0x3FFB];
	_ =	sdelay $0x3  }
0x92: {  	_ =	strace s17  }
0x93: {  	s2 =	sld [smem:$0x3FFC];
	_ =	sdelay $0x3  }
0x94: {  	_ =	strace s2  }
0x95: {  	s2 =	sld [smem:$0x3FFD];
	_ =	sdelay $0x3  }
0x96: {  	_ =	strace s2  }
0x97: {  	_ =	strace $0x8FFFFFFF  }
0x98: {  	s18 =	sld [smem:$0x3FDB];
	_ =	sdelay $0x1  }
0x99: {  	s19 =	simm.s32 $_scs_section_size  }
0x9a: {  	s4 =	simm.s32 $_size__tile_overlayer_lowered;
	s5 =	simm.s32 $_tile_overlayer_lowered  }
0x9b: {  	s22 =	simm.s32 $0x1BFF;
	s21 =	sshll.u32 s5, $0x1;
	s2 =	sadd.s32 s19, s18  }
0x9c: {  	s6 =	simm.s32 $0x0;
	s20 =	sshll.u32 s4, $0x1;
	s4 =	sadd.s32 s21, s2  }
0x9d: {  	[timem:s6], [sflag:s22] =	dma.local [hbm:s4], s20  }
0x9e: {  	_ =	swait.ge [sflag:s22], s20  }
0x9f: {  	s3 =	ssub.s32 $0x0, s20;
	[sflag:s22] =	ssyncset.done $0x0  }
0xa0: {  	[sflag:s22] =	ssyncadd.s32 s3;
	_ =	sdelay $0x1  }
0xa1: {  	s23 =	simm.s32 $0x1B8B  }
0xa2: {  	_ =	swait.ge [sflag:s23], $0x1  }
0xa3: {  	[sflag:s23] =	ssyncset.done $0x0  }
0xa4: {  	s25 =	simm.s32 $0x1B8E;
	s24 =	sld [smem:$0x3FFE];
	[sflag:s23] =	ssyncadd.s32 $0xFFFFFFFF  }
0xa5: {  	s26 =	simm.s32 $execute0_lowered;
	[smem:$0x3FD2] =	sst s25  }
0xa6: {  	s4 =	sshll.u32 s26, $0x1;
	_ =	strace $0x8000004C;
	[dreg:$0x1] =	wrdreg $0xFFFFFFFF  }
0xa7: {  	s28 =	simm.s32 $_size_execute0_lowered;
	s2 =	sadd.s32 s2, s4;
	[dreg:$0x0] =	wrdreg $0x0  }
0xa8: {  	s4 =	sshll.u32 s28, $0x1;
	[dreg:$0x2] =	wrdreg s2  }
0xa9: {  	[dreg:$0x3] =	wrdreg s4  }
0xaa: {  	[dreg:$0x4] =	wrdreg $0xC0  }
0xab: {  	_ =	task [dreg:s6], $0x5FFFF  }
0xac: {  	[dreg:$0x1] =	wrdreg $0xFFFFFFFF  }
0xad: {  	[dreg:$0x0] =	wrdreg $0x60  }
0xae: {  	[dreg:$0x2] =	wrdreg s24  }
0xaf: {  	[dreg:$0x3] =	wrdreg $0x9  }
0xb0: {  	_ =	task.clear_ibuf [dreg:s6], $0x4FFFF;
	_ =	strace $0x9000004C  }
0xb1: {  	s29 =	simm.s32 $0x9;
	_ =	strace $0x8000004E  }
0xb2: {  	_ =	swait.ge [sflag:s29], $0x1  }
0xb3: {  	[sflag:s29] =	ssyncadd.s32 $0xFFFFFFFF  }
0xb4: {  	_ =	strace $0x9000004E  }
0xb5: {  	_ =	sfence  }
0xb6: {  	s30 =	sld [smem:$0x0];
	_ =	sdelay $0x2  }
0xb7: {  	s31 =	sshll.u32 s1, $0xD;
	s1 =	sshrl.u32 s1, $0x2  }
0xb8: {  	s3 =	sand.u32 $0x4000, s31;
	s1 =	sadd.s32 s1, s30  }
0xb9: {  	s0 =	sor.u32 s3, s0;
	s1 =	sshll.u32 s1, $0x11  }
0xba: {  	s0 =	sor.u32 s1, s0  }
0xbb: {  	s0 =	sadd.s32 $0x8F2B, s0  }
0xbc: {  	[sflag:s0] =	ssyncadd.remote.s32 $0x1  }
0xbd: {  	_ =	sfence.sel $0xFFFF  }
0xbe: {  	[dreg:$0x0] =	wrdreg $0xFFFFFFFF;
	(pc) =	sbr.abs _section_cstart, $3  }
0xbf: {  	[dreg:$0x1] =	wrdreg $0xFFFFFFFF  }
0xc0: {  	_ =	task.clear_ibuf [dreg:s6], $0x2FFFF;
	_ =	strace $0x9FFFFFFF  }
0xc1: {  	(tm) =	ssettm $0x7FFFFFFF  }
tec
execute0_lowered:
.L_overlay_start_1:
0x0: {  	(tag) =	ssettag $0x1  }
0x1: {  	s0 =	rddreg [dreg:$0x0];
	s1 =	srdreg.scid  }
0x2: {  	s2 =	simm.s32 $0x0;
	s4 =	stileid.u32;
	s9 =	simm.s32 $0x1  }
0x3: {  	s28 =	simm.s32 $0x11480;
	s31 =	simm.s32 $0x2;
	s29 =	simm.s32 $0x3  }
0x4: {  	s30 =	simm.s32 $0x4;
	s1 =	sand.u32 $0x1, s1;
	[smem:$0x7FF] =	sst s2  }
0x5: {  	s7 =	sand.u32 $0x7, s4;
	s8 =	sadd.s32 $0x1C400, s0;
	s5 =	sadd.s32 $0x7E00, s0  }
0x6: {  	s3 =	sshll.u32 s1, $0x4;
	_ =	strace $0x8000004D;
	s11 =	smul.u32 $0x9C40, s7  }
0x7: {  	p0 =	sne.s32 s7, $0x0;
	s1 =	ssub.s32 $0x2, s1;
	s12 =	smul.u32 $0x1388, s7  }
0x8: {  	s7 =	sshll.u32 s7, $0x2;
	s6 =	sor.u32 s4, s3;
	s3 =	sadd.s32 $0x1BE00, s0  }
0x9: {  	s4 =	sadd.s32 $0x11E00, s0;
	s10 =	sshrl.u32 s1, $0x1;
	s0 =	sadd.s32 $0x26200, s0  }
0xa: {  	p1 =	seq.s32 s6, $0x0;
	s6 =	sshrl.u32 s6, $0x3;
	s11 =	sshrl.u32 s11, $0x3  }
0xb: {  	s1 =	ssub.s32 s1, s10;
	s11 =	sadd.s32 s8, s11;
	s8 =	sadd.s32 s8, s12  }
0xc: {  	p0 =	por !p0, !p1;
	[dreg:$0x2] =	wrdreg s8;
	s19 =	sadd.s32 $0x4E2, s11  }
0xd: {  	p0 =	por !p0, !p0;
	s20 =	sadd.s32 $0x9C4, s11;
	[dreg:$0x3] =	wrdreg s19  }
0xe: {  	s22 =	sadd.s32 $0xEA6, s11;
	s9 =	simm.s32 @!p0 $0x0;
	[dreg:$0x4] =	wrdreg s20  }
0xf: {  	[dreg:$0x5] =	wrdreg s22;
	s19 =	smax.u32 s1, $0x1;
	s9 =	ssub.s32 s6, s9  }
0x10: {  	s20 =	simm.s32 $0x5;
	s18 =	smul.u32 $0x14000, s9;
	s9 =	sshll.u32 s9, $0x5  }
0x11: {  	s22 =	simm.s32 $0x2780;
	s1 =	simm.s32 $0x1B400;
	s7 =	sor.u32 s7, s9  }
0x12: {  	s6 =	simm.s32 $0x1;
	s21 =	sshrl.u32 s18, $0x3;
	s7 =	smul.u32 $0x2710, s7  }
0x13: {  	s13 =	sor.u32 $0x2800, s18;
	s14 =	sadd.s32 $0x5000, s18;
	s23 =	sadd.s32 s4, s21  }
0x14: {  	s8 =	sadd.s32 s5, s21;
	s21 =	simm.s32 $0x9E00;
	[dreg:$0x6] =	wrdreg s23  }
0x15: {  	[dreg:$0x7] =	wrdreg s8;
	s24 =	sshrl.u32 s7, $0x3;
	s25 =	sadd.s32 $0x2710, s7  }
0x16: {  	s26 =	sadd.s32 $0x4E20, s7;
	s7 =	sadd.s32 $0x7530, s7;
	s23 =	simm.s32 $0xC580  }
0x17: {  	s15 =	sadd.s32 s0, s24;
	s8 =	sshrl.u32 s25, $0x3;
	s9 =	sshrl.u32 s26, $0x3  }
0x18: {  	s7 =	sshrl.u32 s7, $0x3;
	s24 =	simm.s32 $0x4F00;
	s25 =	simm.s32 $0xED00  }
0x19: {  	s26 =	simm.s32 $0x7680;
	s16 =	sadd.s32 s0, s8;
	s17 =	sadd.s32 s0, s9  }
0x1a: {  	s18 =	sadd.s32 s0, s7;
	s0 =	simm.s32 $0x18C00;
	s7 =	simm.s32 $0x0  }
.LBB2_1:
0x1b: {  	s8 =	rddreg [dreg:$0x2]  }
0x1c: {  	[tilespmem:s2], [sflag:$0x5] =	stream.linear.gather [hbm4b:s8+s2], $0x2710, $0x38;
	[tilespmem:$0x1DC00] =	vst v63  }
0x1d: {  	_ =	swait.ge [sflag:s20], $0x2710  }
0x1e: {  	[sflag:s20] =	ssyncset.done $0x0  }
0x1f: {  	[sflag:s20] =	ssyncadd.s32 $0xFFFFD8F0  }
0x20: {  	[tilespmem:s21], [sflag:$0x5] =	stream.linear.gather [hbm4b:s3+s2], $0x2710, $0x38;
	[tilespmem:$0x1DC00] =	vst v63  }
0x21: {  	_ =	swait.ge [sflag:s20], $0x2710  }
0x22: {  	[sflag:s20] =	ssyncset.done $0x0  }
0x23: {  	s11 =	rddreg [dreg:$0x3];
	[sflag:s20] =	ssyncadd.s32 $0xFFFFD8F0  }
0x24: {  	[tilespmem:s22], [sflag:$0x5] =	stream.linear.gather [hbm4b:s11+s2], $0x2710, $0x38;
	[tilespmem:$0x1DC00] =	vst v63  }
0x25: {  	_ =	swait.ge [sflag:s20], $0x2710  }
0x26: {  	[sflag:s20] =	ssyncset.done $0x0  }
0x27: {  	[sflag:s20] =	ssyncadd.s32 $0xFFFFD8F0  }
0x28: {  	[tilespmem:s23], [sflag:$0x5] =	stream.linear.gather [hbm4b:s3+s2], $0x2710, $0x38;
	[tilespmem:$0x1DC00] =	vst v63  }
0x29: {  	_ =	swait.ge [sflag:s20], $0x2710  }
0x2a: {  	[sflag:s20] =	ssyncset.done $0x0  }
0x2b: {  	s12 =	rddreg [dreg:$0x4];
	[sflag:s20] =	ssyncadd.s32 $0xFFFFD8F0  }
0x2c: {  	[tilespmem:s24], [sflag:$0x5] =	stream.linear.gather [hbm4b:s12+s2], $0x2710, $0x38;
	[tilespmem:$0x1DC00] =	vst v63  }
0x2d: {  	_ =	swait.ge [sflag:s20], $0x2710  }
0x2e: {  	[sflag:s20] =	ssyncset.done $0x0  }
0x2f: {  	[sflag:s20] =	ssyncadd.s32 $0xFFFFD8F0  }
0x30: {  	[tilespmem:s25], [sflag:$0x5] =	stream.linear.gather [hbm4b:s3+s2], $0x2710, $0x38;
	[tilespmem:$0x1DC00] =	vst v63  }
0x31: {  	_ =	swait.ge [sflag:s20], $0x2710  }
0x32: {  	[sflag:s20] =	ssyncset.done $0x0  }
0x33: {  	s9 =	rddreg [dreg:$0x5];
	[sflag:s20] =	ssyncadd.s32 $0xFFFFD8F0  }
0x34: {  	[tilespmem:s26], [sflag:$0x5] =	stream.linear.gather [hbm4b:s9+s2], $0x2710, $0x38;
	[tilespmem:$0x1DC00] =	vst v63  }
0x35: {  	_ =	swait.ge [sflag:s20], $0x2710  }
0x36: {  	[sflag:s20] =	ssyncset.done $0x0  }
0x37: {  	[sflag:s20] =	ssyncadd.s32 $0xFFFFD8F0  }
0x38: {  	[tilespmem:s28], [sflag:$0x5] =	stream.linear.gather [hbm4b:s3+s2], $0x2710, $0x38;
	[tilespmem:$0x1DC00] =	vst v63  }
0x39: {  	_ =	swait.ge [sflag:s20], $0x2710  }
0x3a: {  	[sflag:s20] =	ssyncset.done $0x0  }
0x3b: {  	s9 =	simm.s32 $0x13C00;
	s10 =	rddreg [dreg:$0x6];
	[sflag:s20] =	ssyncadd.s32 $0xFFFFD8F0  }
0x3c: {  	[tilespmem:s9], [sflag:$0x1] =	stream.linear.gather [hbm4b:s10+s2], $0x2800, $0x38;
	[tilespmem:$0x1DC00] =	vst v63  }
0x3d: {  	s8 =	simm.s32 $0x0;
	s12 =	simm.s32 $0x16400;
	s11 =	rddreg [dreg:$0x7]  }
0x3e: {  	[tilespmem:s12], [sflag:$0x2] =	stream.linear.gather [hbm4b:s11+s2], $0x2800, $0x38;
	[tilespmem:$0x1DC00] =	vst v63  }
.LBB2_2:
0x3f: {  	_ =	swait.ge [sflag:s6], $0x2800  }
0x40: {  	s9 =	smul.u32 $0x5000, s8;
	[sflag:s6] =	ssyncset.done $0x0  }
0x41: {  	[sflag:s6] =	ssyncadd.s32 $0xFFFFD800  }
0x42: {  	s10 =	sadd.s32 s9, s13;
	_ =	swait.ge [sflag:s31], $0x2800  }
0x43: {  	s10 =	sshrl.u32 s10, $0x3;
	[sflag:s31] =	ssyncset.done $0x0  }
0x44: {  	s11 =	sadd.s32 s4, s10;
	[sflag:s31] =	ssyncadd.s32 $0xFFFFD800  }
0x45: {  	[tilespmem:s0], [sflag:$0x3] =	stream.linear.gather [hbm4b:s11+s2], $0x2800, $0x38;
	[tilespmem:$0x1DC00] =	vst v63  }
0x46: {  	s12 =	simm.s32 $0x13C40;
	s10 =	sadd.s32 s5, s10  }
0x47: {  	[tilespmem:s1], [sflag:$0x4] =	stream.linear.gather [hbm4b:s10+s2], $0x2800, $0x38;
	[tilespmem:$0x1DC00] =	vst v63  }
0x48: {  	v0 =	vld [tilespmem:s12+$0x30]  }
0x49: {  	v1 =	vld [tilespmem:s12+$0xFFFFFFD0]  }
0x4a: {  	v2 =	vld [tilespmem:s12+$0xFFFFFFE0]  }
0x4b: {  	v3 =	vld [tilespmem:s12+$0xFFFFFFF0]  }
0x4c: {  	v4 =	vld [tilespmem:s12+$0x0]  }
0x4d: {  	s10 =	simm.s32 $0x16440;
	v5 =	vld [tilespmem:s12+$0x10]  }
0x4e: {  	v6 =	vld [tilespmem:s10+$0x30]  }
0x4f: {  	v7 =	vld [tilespmem:s12+$0x20]  }
0x50: {  	v9 =	vld [tilespmem:s12+$0xFFFFFFC0]  }
0x51: {  	v17 =	vld [tilespmem:s10+$0xFFFFFFC0]  }
0x52: {  	v18 =	vld [tilespmem:s10+$0xFFFFFFD0]  }
0x53: {  	v19 =	vld [tilespmem:s10+$0xFFFFFFE0]  }
0x54: {  	v20 =	vld [tilespmem:s10+$0xFFFFFFF0]  }
0x55: {  	v21 =	vld [tilespmem:s10+$0x0]  }
0x56: {  	v22 =	vld [tilespmem:s10+$0x10]  }
0x57: {  	v23 =	vld [tilespmem:s10+$0x20]  }
0x58: {  	v8 =	vld.idx.msk [tilespmem:v0+s2+$0x0], $0xffff  }
0x59: {  	v10 =	vld.idx.msk [tilespmem:v1+s2+$0x0], $0xffff  }
0x5a: {  	v11 =	vld.idx.msk [tilespmem:v2+s2+$0x0], $0xffff  }
0x5b: {  	v12 =	vld.idx.msk [tilespmem:v3+s2+$0x0], $0xffff  }
0x5c: {  	v15 =	vld.idx.msk [tilespmem:v9+s2+$0x0], $0xffff  }
0x5d: {  	v13 =	vld.idx.msk [tilespmem:v4+s2+$0x0], $0xffff  }
0x5e: {  	v14 =	vld.idx.msk [tilespmem:v5+s2+$0x0], $0xffff  }
0x5f: {  	v16 =	vld.idx.msk [tilespmem:v7+s2+$0x0], $0xffff  }
0x60: {  	[tilespmem:v6+s21+$0x0] =	vst.idx.add.f32.msk $0xffff, v8  }
0x61: {  	[tilespmem:v17+s21+$0x0] =	vst.idx.add.f32.msk $0xffff, v15  }
0x62: {  	[tilespmem:v18+s21+$0x0] =	vst.idx.add.f32.msk $0xffff, v10  }
0x63: {  	[tilespmem:v19+s21+$0x0] =	vst.idx.add.f32.msk $0xffff, v11  }
0x64: {  	[tilespmem:v20+s21+$0x0] =	vst.idx.add.f32.msk $0xffff, v12  }
0x65: {  	[tilespmem:v21+s21+$0x0] =	vst.idx.add.f32.msk $0xffff, v13  }
0x66: {  	[tilespmem:v22+s21+$0x0] =	vst.idx.add.f32.msk $0xffff, v14  }
0x67: {  	[tilespmem:v23+s21+$0x0] =	vst.idx.add.f32.msk $0xffff, v16  }
0x68: {  	v8 =	vld.idx.msk [tilespmem:v0+s22+$0x0], $0xffff  }
0x69: {  	v56 =	vld.idx.msk [tilespmem:v9+s22+$0x0], $0xffff  }
0x6a: {  	v57 =	vld.idx.msk [tilespmem:v1+s22+$0x0], $0xffff  }
0x6b: {  	v58 =	vld.idx.msk [tilespmem:v2+s22+$0x0], $0xffff  }
0x6c: {  	v59 =	vld.idx.msk [tilespmem:v3+s22+$0x0], $0xffff  }
0x6d: {  	v60 =	vld.idx.msk [tilespmem:v4+s22+$0x0], $0xffff  }
0x6e: {  	v61 =	vld.idx.msk [tilespmem:v5+s22+$0x0], $0xffff  }
0x6f: {  	v62 =	vld.idx.msk [tilespmem:v7+s22+$0x0], $0xffff  }
0x70: {  	[tilespmem:v6+s23+$0x0] =	vst.idx.add.f32.msk $0xffff, v8  }
0x71: {  	[tilespmem:v17+s23+$0x0] =	vst.idx.add.f32.msk $0xffff, v56  }
0x72: {  	[tilespmem:v18+s23+$0x0] =	vst.idx.add.f32.msk $0xffff, v57  }
0x73: {  	[tilespmem:v19+s23+$0x0] =	vst.idx.add.f32.msk $0xffff, v58  }
0x74: {  	[tilespmem:v20+s23+$0x0] =	vst.idx.add.f32.msk $0xffff, v59  }
0x75: {  	[tilespmem:v21+s23+$0x0] =	vst.idx.add.f32.msk $0xffff, v60  }
0x76: {  	[tilespmem:v22+s23+$0x0] =	vst.idx.add.f32.msk $0xffff, v61  }
0x77: {  	[tilespmem:v23+s23+$0x0] =	vst.idx.add.f32.msk $0xffff, v62  }
0x78: {  	v8 =	vld.idx.msk [tilespmem:v0+s24+$0x0], $0xffff  }
0x79: {  	v10 =	vld.idx.msk [tilespmem:v3+s24+$0x0], $0xffff  }
0x7a: {  	v11 =	vld.idx.msk [tilespmem:v4+s24+$0x0], $0xffff  }
0x7b: {  	v12 =	vld.idx.msk [tilespmem:v5+s24+$0x0], $0xffff  }
0x7c: {  	v13 =	vld.idx.msk [tilespmem:v7+s24+$0x0], $0xffff  }
0x7d: {  	[tilespmem:v6+s25+$0x0] =	vst.idx.add.f32.msk $0xffff, v8  }
0x7e: {  	v8 =	vld.idx.msk [tilespmem:v2+s24+$0x0], $0xffff  }
0x7f: {  	[tilespmem:v20+s25+$0x0] =	vst.idx.add.f32.msk $0xffff, v10  }
0x80: {  	[tilespmem:v21+s25+$0x0] =	vst.idx.add.f32.msk $0xffff, v11  }
0x81: {  	[tilespmem:v22+s25+$0x0] =	vst.idx.add.f32.msk $0xffff, v12  }
0x82: {  	[tilespmem:v23+s25+$0x0] =	vst.idx.add.f32.msk $0xffff, v13  }
0x83: {  	v0 =	vld.idx.msk [tilespmem:v0+s26+$0x0], $0xffff  }
0x84: {  	v3 =	vld.idx.msk [tilespmem:v3+s26+$0x0], $0xffff  }
0x85: {  	v4 =	vld.idx.msk [tilespmem:v4+s26+$0x0], $0xffff  }
0x86: {  	v5 =	vld.idx.msk [tilespmem:v5+s26+$0x0], $0xffff  }
0x87: {  	v63 =	vld.idx.msk [tilespmem:v7+s26+$0x0], $0xffff  }
0x88: {  	[tilespmem:v19+s25+$0x0] =	vst.idx.add.f32.msk $0xffff, v8  }
0x89: {  	[tilespmem:v6+s28+$0x0] =	vst.idx.add.f32.msk $0xffff, v0  }
0x8a: {  	v0 =	vld.idx.msk [tilespmem:v9+s24+$0x0], $0xffff  }
0x8b: {  	v6 =	vld.idx.msk [tilespmem:v1+s24+$0x0], $0xffff  }
0x8c: {  	v2 =	vld.idx.msk [tilespmem:v2+s26+$0x0], $0xffff  }
0x8d: {  	[tilespmem:v20+s28+$0x0] =	vst.idx.add.f32.msk $0xffff, v3  }
0x8e: {  	[tilespmem:v21+s28+$0x0] =	vst.idx.add.f32.msk $0xffff, v4  }
0x8f: {  	[tilespmem:v17+s25+$0x0] =	vst.idx.add.f32.msk $0xffff, v0  }
0x90: {  	[tilespmem:v18+s25+$0x0] =	vst.idx.add.f32.msk $0xffff, v6  }
0x91: {  	v0 =	vld.idx.msk [tilespmem:v9+s26+$0x0], $0xffff  }
0x92: {  	v1 =	vld.idx.msk [tilespmem:v1+s26+$0x0], $0xffff  }
0x93: {  	[tilespmem:v22+s28+$0x0] =	vst.idx.add.f32.msk $0xffff, v5  }
0x94: {  	[tilespmem:v23+s28+$0x0] =	vst.idx.add.f32.msk $0xffff, v63  }
0x95: {  	[tilespmem:v19+s28+$0x0] =	vst.idx.add.f32.msk $0xffff, v2  }
0x96: {  	[tilespmem:v17+s28+$0x0] =	vst.idx.add.f32.msk $0xffff, v0  }
0x97: {  	s11 =	simm.s32 $0x0;
	s12 =	simm.s32 $0x13CC0;
	[tilespmem:v18+s28+$0x0] =	vst.idx.add.f32.msk $0xffff, v1  }
.LBB2_3:
0x98: {  	v6 =	vld [tilespmem:s12+$0x30];
	s11 =	sadd.s32 $0x8, s11  }
0x99: {  	v0 =	vld [tilespmem:s12+$0xFFFFFFD0];
	p0 =	slt.u32 s11, $0x278  }
0x9a: {  	v1 =	vld [tilespmem:s12+$0xFFFFFFE0]  }
0x9b: {  	v2 =	vld [tilespmem:s12+$0xFFFFFFF0]  }
0x9c: {  	v3 =	vld [tilespmem:s12+$0x0]  }
0x9d: {  	s10 =	sadd.s32 $0x80, s10;
	v4 =	vld [tilespmem:s12+$0x10]  }
0x9e: {  	v7 =	vld [tilespmem:s10+$0x30]  }
0x9f: {  	v5 =	vld [tilespmem:s12+$0x20]  }
0xa0: {  	v8 =	vld.idx.msk [tilespmem:v6+s2+$0x0], $0xffff  }
0xa1: {  	v9 =	vld [tilespmem:s12+$0xFFFFFFC0]  }
0xa2: {  	v10 =	vld.idx.msk [tilespmem:v0+s2+$0x0], $0xffff  }
0xa3: {  	v11 =	vld.idx.msk [tilespmem:v1+s2+$0x0], $0xffff  }
0xa4: {  	v12 =	vld.idx.msk [tilespmem:v2+s2+$0x0], $0xffff  }
0xa5: {  	v13 =	vld.idx.msk [tilespmem:v3+s2+$0x0], $0xffff  }
0xa6: {  	[tilespmem:v7+s21+$0x0] =	vst.idx.add.f32.msk $0xffff, v8  }
0xa7: {  	v8 =	vld.idx.msk [tilespmem:v6+s22+$0x0], $0xffff  }
0xa8: {  	v14 =	vld.idx.msk [tilespmem:v4+s2+$0x0], $0xffff  }
0xa9: {  	v15 =	vld.idx.msk [tilespmem:v9+s2+$0x0], $0xffff  }
0xaa: {  	v16 =	vld.idx.msk [tilespmem:v5+s2+$0x0], $0xffff  }
0xab: {  	v17 =	vld [tilespmem:s10+$0xFFFFFFC0]  }
0xac: {  	v18 =	vld [tilespmem:s10+$0xFFFFFFD0]  }
0xad: {  	[tilespmem:v7+s23+$0x0] =	vst.idx.add.f32.msk $0xffff, v8  }
0xae: {  	v8 =	vld.idx.msk [tilespmem:v6+s24+$0x0], $0xffff  }
0xaf: {  	v19 =	vld [tilespmem:s10+$0xFFFFFFE0]  }
0xb0: {  	v20 =	vld [tilespmem:s10+$0xFFFFFFF0]  }
0xb1: {  	v21 =	vld [tilespmem:s10+$0x0]  }
0xb2: {  	v22 =	vld [tilespmem:s10+$0x10]  }
0xb3: {  	v23 =	vld [tilespmem:s10+$0x20]  }
0xb4: {  	[tilespmem:v7+s25+$0x0] =	vst.idx.add.f32.msk $0xffff, v8  }
0xb5: {  	v6 =	vld.idx.msk [tilespmem:v6+s26+$0x0], $0xffff  }
0xb6: {  	[tilespmem:v17+s21+$0x0] =	vst.idx.add.f32.msk $0xffff, v15  }
0xb7: {  	[tilespmem:v18+s21+$0x0] =	vst.idx.add.f32.msk $0xffff, v10  }
0xb8: {  	[tilespmem:v19+s21+$0x0] =	vst.idx.add.f32.msk $0xffff, v11  }
0xb9: {  	[tilespmem:v20+s21+$0x0] =	vst.idx.add.f32.msk $0xffff, v12  }
0xba: {  	[tilespmem:v21+s21+$0x0] =	vst.idx.add.f32.msk $0xffff, v13  }
0xbb: {  	[tilespmem:v7+s28+$0x0] =	vst.idx.add.f32.msk $0xffff, v6  }
0xbc: {  	[tilespmem:v22+s21+$0x0] =	vst.idx.add.f32.msk $0xffff, v14  }
0xbd: {  	[tilespmem:v23+s21+$0x0] =	vst.idx.add.f32.msk $0xffff, v16  }
0xbe: {  	v6 =	vld.idx.msk [tilespmem:v9+s22+$0x0], $0xffff  }
0xbf: {  	v7 =	vld.idx.msk [tilespmem:v0+s22+$0x0], $0xffff  }
0xc0: {  	v8 =	vld.idx.msk [tilespmem:v1+s22+$0x0], $0xffff  }
0xc1: {  	v10 =	vld.idx.msk [tilespmem:v2+s22+$0x0], $0xffff  }
0xc2: {  	v11 =	vld.idx.msk [tilespmem:v3+s22+$0x0], $0xffff  }
0xc3: {  	v12 =	vld.idx.msk [tilespmem:v4+s22+$0x0], $0xffff  }
0xc4: {  	v13 =	vld.idx.msk [tilespmem:v5+s22+$0x0], $0xffff  }
0xc5: {  	[tilespmem:v17+s23+$0x0] =	vst.idx.add.f32.msk $0xffff, v6  }
0xc6: {  	[tilespmem:v18+s23+$0x0] =	vst.idx.add.f32.msk $0xffff, v7  }
0xc7: {  	[tilespmem:v19+s23+$0x0] =	vst.idx.add.f32.msk $0xffff, v8  }
0xc8: {  	[tilespmem:v20+s23+$0x0] =	vst.idx.add.f32.msk $0xffff, v10  }
0xc9: {  	[tilespmem:v21+s23+$0x0] =	vst.idx.add.f32.msk $0xffff, v11  }
0xca: {  	[tilespmem:v22+s23+$0x0] =	vst.idx.add.f32.msk $0xffff, v12  }
0xcb: {  	[tilespmem:v23+s23+$0x0] =	vst.idx.add.f32.msk $0xffff, v13  }
0xcc: {  	v6 =	vld.idx.msk [tilespmem:v9+s24+$0x0], $0xffff  }
0xcd: {  	v7 =	vld.idx.msk [tilespmem:v0+s24+$0x0], $0xffff  }
0xce: {  	v8 =	vld.idx.msk [tilespmem:v1+s24+$0x0], $0xffff  }
0xcf: {  	v10 =	vld.idx.msk [tilespmem:v2+s24+$0x0], $0xffff  }
0xd0: {  	v11 =	vld.idx.msk [tilespmem:v3+s24+$0x0], $0xffff  }
0xd1: {  	v12 =	vld.idx.msk [tilespmem:v4+s24+$0x0], $0xffff  }
0xd2: {  	v13 =	vld.idx.msk [tilespmem:v5+s24+$0x0], $0xffff  }
0xd3: {  	[tilespmem:v17+s25+$0x0] =	vst.idx.add.f32.msk $0xffff, v6  }
0xd4: {  	[tilespmem:v18+s25+$0x0] =	vst.idx.add.f32.msk $0xffff, v7  }
0xd5: {  	[tilespmem:v19+s25+$0x0] =	vst.idx.add.f32.msk $0xffff, v8  }
0xd6: {  	[tilespmem:v20+s25+$0x0] =	vst.idx.add.f32.msk $0xffff, v10  }
0xd7: {  	[tilespmem:v21+s25+$0x0] =	vst.idx.add.f32.msk $0xffff, v11  }
0xd8: {  	[tilespmem:v22+s25+$0x0] =	vst.idx.add.f32.msk $0xffff, v12  }
0xd9: {  	[tilespmem:v23+s25+$0x0] =	vst.idx.add.f32.msk $0xffff, v13  }
0xda: {  	v6 =	vld.idx.msk [tilespmem:v9+s26+$0x0], $0xffff  }
0xdb: {  	v0 =	vld.idx.msk [tilespmem:v0+s26+$0x0], $0xffff  }
0xdc: {  	v1 =	vld.idx.msk [tilespmem:v1+s26+$0x0], $0xffff  }
0xdd: {  	v2 =	vld.idx.msk [tilespmem:v2+s26+$0x0], $0xffff  }
0xde: {  	v3 =	vld.idx.msk [tilespmem:v3+s26+$0x0], $0xffff  }
0xdf: {  	v4 =	vld.idx.msk [tilespmem:v4+s26+$0x0], $0xffff  }
0xe0: {  	v5 =	vld.idx.msk [tilespmem:v5+s26+$0x0], $0xffff  }
0xe1: {  	[tilespmem:v17+s28+$0x0] =	vst.idx.add.f32.msk $0xffff, v6  }
0xe2: {  	[tilespmem:v18+s28+$0x0] =	vst.idx.add.f32.msk $0xffff, v0  }
.Ltmp0:
0xe3: {  	[tilespmem:v19+s28+$0x0] =	vst.idx.add.f32.msk $0xffff, v1;
	(pc) =	sbr.rel @p0 .LBB2_3-.Ltmp0, $4  }
0xe4: {  	[tilespmem:v20+s28+$0x0] =	vst.idx.add.f32.msk $0xffff, v2  }
0xe5: {  	[tilespmem:v21+s28+$0x0] =	vst.idx.add.f32.msk $0xffff, v3  }
0xe6: {  	[tilespmem:v22+s28+$0x0] =	vst.idx.add.f32.msk $0xffff, v4  }
0xe7: {  	s12 =	sadd.s32 $0x80, s12;
	[tilespmem:v23+s28+$0x0] =	vst.idx.add.f32.msk $0xffff, v5  }
0xe8: {  	_ =	swait.ge [sflag:s29], $0x2800  }
0xe9: {  	[sflag:s29] =	ssyncset.done $0x0  }
0xea: {  	p0 =	seq.s32 s8, $0x3;
	[sflag:s29] =	ssyncadd.s32 $0xFFFFD800  }
0xeb: {  	s9 =	sadd.s32 @!p0 s9, s14;
	_ =	swait.ge [sflag:s30], $0x2800  }
0xec: {  	s11 =	simm.s32 @!p0 $0x0;
	s9 =	sshrl.u32 @!p0 s9, $0x3;
	[sflag:s30] =	ssyncset.done $0x0  }
0xed: {  	s12 =	simm.s32 @!p0 $0x13C00;
	s10 =	sadd.s32 @!p0 s4, s9;
	[sflag:s30] =	ssyncadd.s32 $0xFFFFD800  }
0xee: {  	[tilespmem:s12], [sflag:$0x1] =	stream.linear.gather @!p0 [hbm4b:s10+s11], $0x2800, $0x38;
	[tilespmem:$0x1DC00] =	vst v63  }
0xef: {  	s9 =	sadd.s32 @!p0 s5, s9;
	s10 =	simm.s32 @!p0 $0x16400;
	s12 =	simm.s32 $0x18C40  }
0xf0: {  	[tilespmem:s10], [sflag:$0x2] =	stream.linear.gather @!p0 [hbm4b:s9+s11], $0x2800, $0x38;
	[tilespmem:$0x1DC00] =	vst v63  }
0xf1: {  	v0 =	vld [tilespmem:s12+$0x30]  }
0xf2: {  	v1 =	vld [tilespmem:s12+$0xFFFFFFD0]  }
0xf3: {  	v2 =	vld [tilespmem:s12+$0xFFFFFFE0]  }
0xf4: {  	v3 =	vld [tilespmem:s12+$0xFFFFFFF0]  }
0xf5: {  	v4 =	vld [tilespmem:s12+$0x0]  }
0xf6: {  	s9 =	simm.s32 $0x1B440;
	v5 =	vld [tilespmem:s12+$0x10]  }
0xf7: {  	v6 =	vld [tilespmem:s9+$0x30]  }
0xf8: {  	v7 =	vld [tilespmem:s12+$0x20]  }
0xf9: {  	v9 =	vld [tilespmem:s12+$0xFFFFFFC0]  }
0xfa: {  	v17 =	vld [tilespmem:s9+$0xFFFFFFC0]  }
0xfb: {  	v18 =	vld [tilespmem:s9+$0xFFFFFFD0]  }
0xfc: {  	v19 =	vld [tilespmem:s9+$0xFFFFFFE0]  }
0xfd: {  	v20 =	vld [tilespmem:s9+$0xFFFFFFF0]  }
0xfe: {  	v21 =	vld [tilespmem:s9+$0x0]  }
0xff: {  	v22 =	vld [tilespmem:s9+$0x10]  }
0x100: {  	v23 =	vld [tilespmem:s9+$0x20]  }
0x101: {  	v8 =	vld.idx.msk [tilespmem:v0+s2+$0x0], $0xffff  }
0x102: {  	v10 =	vld.idx.msk [tilespmem:v1+s2+$0x0], $0xffff  }
0x103: {  	v11 =	vld.idx.msk [tilespmem:v2+s2+$0x0], $0xffff  }
0x104: {  	v12 =	vld.idx.msk [tilespmem:v3+s2+$0x0], $0xffff  }
0x105: {  	v15 =	vld.idx.msk [tilespmem:v9+s2+$0x0], $0xffff  }
0x106: {  	v13 =	vld.idx.msk [tilespmem:v4+s2+$0x0], $0xffff  }
0x107: {  	v14 =	vld.idx.msk [tilespmem:v5+s2+$0x0], $0xffff  }
0x108: {  	v16 =	vld.idx.msk [tilespmem:v7+s2+$0x0], $0xffff  }
0x109: {  	[tilespmem:v6+s21+$0x0] =	vst.idx.add.f32.msk $0xffff, v8  }
0x10a: {  	[tilespmem:v17+s21+$0x0] =	vst.idx.add.f32.msk $0xffff, v15  }
0x10b: {  	[tilespmem:v18+s21+$0x0] =	vst.idx.add.f32.msk $0xffff, v10  }
0x10c: {  	[tilespmem:v19+s21+$0x0] =	vst.idx.add.f32.msk $0xffff, v11  }
0x10d: {  	[tilespmem:v20+s21+$0x0] =	vst.idx.add.f32.msk $0xffff, v12  }
0x10e: {  	[tilespmem:v21+s21+$0x0] =	vst.idx.add.f32.msk $0xffff, v13  }
0x10f: {  	[tilespmem:v22+s21+$0x0] =	vst.idx.add.f32.msk $0xffff, v14  }
0x110: {  	[tilespmem:v23+s21+$0x0] =	vst.idx.add.f32.msk $0xffff, v16  }
0x111: {  	v8 =	vld.idx.msk [tilespmem:v0+s22+$0x0], $0xffff  }
0x112: {  	v56 =	vld.idx.msk [tilespmem:v9+s22+$0x0], $0xffff  }
0x113: {  	v57 =	vld.idx.msk [tilespmem:v1+s22+$0x0], $0xffff  }
0x114: {  	v58 =	vld.idx.msk [tilespmem:v2+s22+$0x0], $0xffff  }
0x115: {  	v59 =	vld.idx.msk [tilespmem:v3+s22+$0x0], $0xffff  }
0x116: {  	v60 =	vld.idx.msk [tilespmem:v4+s22+$0x0], $0xffff  }
0x117: {  	v61 =	vld.idx.msk [tilespmem:v5+s22+$0x0], $0xffff  }
0x118: {  	v62 =	vld.idx.msk [tilespmem:v7+s22+$0x0], $0xffff  }
0x119: {  	[tilespmem:v6+s23+$0x0] =	vst.idx.add.f32.msk $0xffff, v8  }
0x11a: {  	[tilespmem:v17+s23+$0x0] =	vst.idx.add.f32.msk $0xffff, v56  }
0x11b: {  	[tilespmem:v18+s23+$0x0] =	vst.idx.add.f32.msk $0xffff, v57  }
0x11c: {  	[tilespmem:v19+s23+$0x0] =	vst.idx.add.f32.msk $0xffff, v58  }
0x11d: {  	[tilespmem:v20+s23+$0x0] =	vst.idx.add.f32.msk $0xffff, v59  }
0x11e: {  	[tilespmem:v21+s23+$0x0] =	vst.idx.add.f32.msk $0xffff, v60  }
0x11f: {  	[tilespmem:v22+s23+$0x0] =	vst.idx.add.f32.msk $0xffff, v61  }
0x120: {  	[tilespmem:v23+s23+$0x0] =	vst.idx.add.f32.msk $0xffff, v62  }
0x121: {  	v8 =	vld.idx.msk [tilespmem:v0+s24+$0x0], $0xffff  }
0x122: {  	v10 =	vld.idx.msk [tilespmem:v3+s24+$0x0], $0xffff  }
0x123: {  	v11 =	vld.idx.msk [tilespmem:v4+s24+$0x0], $0xffff  }
0x124: {  	v12 =	vld.idx.msk [tilespmem:v5+s24+$0x0], $0xffff  }
0x125: {  	v13 =	vld.idx.msk [tilespmem:v7+s24+$0x0], $0xffff  }
0x126: {  	[tilespmem:v6+s25+$0x0] =	vst.idx.add.f32.msk $0xffff, v8  }
0x127: {  	v8 =	vld.idx.msk [tilespmem:v2+s24+$0x0], $0xffff  }
0x128: {  	[tilespmem:v20+s25+$0x0] =	vst.idx.add.f32.msk $0xffff, v10  }
0x129: {  	[tilespmem:v21+s25+$0x0] =	vst.idx.add.f32.msk $0xffff, v11  }
0x12a: {  	[tilespmem:v22+s25+$0x0] =	vst.idx.add.f32.msk $0xffff, v12  }
0x12b: {  	[tilespmem:v23+s25+$0x0] =	vst.idx.add.f32.msk $0xffff, v13  }
0x12c: {  	v0 =	vld.idx.msk [tilespmem:v0+s26+$0x0], $0xffff  }
0x12d: {  	v3 =	vld.idx.msk [tilespmem:v3+s26+$0x0], $0xffff  }
0x12e: {  	v4 =	vld.idx.msk [tilespmem:v4+s26+$0x0], $0xffff  }
0x12f: {  	v5 =	vld.idx.msk [tilespmem:v5+s26+$0x0], $0xffff  }
0x130: {  	v63 =	vld.idx.msk [tilespmem:v7+s26+$0x0], $0xffff  }
0x131: {  	[tilespmem:v19+s25+$0x0] =	vst.idx.add.f32.msk $0xffff, v8  }
0x132: {  	[tilespmem:v6+s28+$0x0] =	vst.idx.add.f32.msk $0xffff, v0  }
0x133: {  	v0 =	vld.idx.msk [tilespmem:v9+s24+$0x0], $0xffff  }
0x134: {  	v6 =	vld.idx.msk [tilespmem:v1+s24+$0x0], $0xffff  }
0x135: {  	v2 =	vld.idx.msk [tilespmem:v2+s26+$0x0], $0xffff  }
0x136: {  	[tilespmem:v20+s28+$0x0] =	vst.idx.add.f32.msk $0xffff, v3  }
0x137: {  	[tilespmem:v21+s28+$0x0] =	vst.idx.add.f32.msk $0xffff, v4  }
0x138: {  	[tilespmem:v17+s25+$0x0] =	vst.idx.add.f32.msk $0xffff, v0  }
0x139: {  	[tilespmem:v18+s25+$0x0] =	vst.idx.add.f32.msk $0xffff, v6  }
0x13a: {  	v0 =	vld.idx.msk [tilespmem:v9+s26+$0x0], $0xffff  }
0x13b: {  	v1 =	vld.idx.msk [tilespmem:v1+s26+$0x0], $0xffff  }
0x13c: {  	[tilespmem:v22+s28+$0x0] =	vst.idx.add.f32.msk $0xffff, v5  }
0x13d: {  	[tilespmem:v23+s28+$0x0] =	vst.idx.add.f32.msk $0xffff, v63  }
0x13e: {  	[tilespmem:v19+s28+$0x0] =	vst.idx.add.f32.msk $0xffff, v2  }
0x13f: {  	[tilespmem:v17+s28+$0x0] =	vst.idx.add.f32.msk $0xffff, v0  }
0x140: {  	s10 =	simm.s32 $0x0;
	s11 =	simm.s32 $0x18CC0;
	[tilespmem:v18+s28+$0x0] =	vst.idx.add.f32.msk $0xffff, v1  }
.LBB2_5:
0x141: {  	v6 =	vld [tilespmem:s11+$0x30];
	s10 =	sadd.s32 $0x8, s10  }
0x142: {  	v0 =	vld [tilespmem:s11+$0xFFFFFFD0];
	p0 =	slt.u32 s10, $0x278  }
0x143: {  	v1 =	vld [tilespmem:s11+$0xFFFFFFE0]  }
0x144: {  	v2 =	vld [tilespmem:s11+$0xFFFFFFF0]  }
0x145: {  	v3 =	vld [tilespmem:s11+$0x0]  }
0x146: {  	s9 =	sadd.s32 $0x80, s9;
	v4 =	vld [tilespmem:s11+$0x10]  }
0x147: {  	v7 =	vld [tilespmem:s9+$0x30]  }
0x148: {  	v5 =	vld [tilespmem:s11+$0x20]  }
0x149: {  	v8 =	vld.idx.msk [tilespmem:v6+s2+$0x0], $0xffff  }
0x14a: {  	v9 =	vld [tilespmem:s11+$0xFFFFFFC0]  }
0x14b: {  	v10 =	vld.idx.msk [tilespmem:v0+s2+$0x0], $0xffff  }
0x14c: {  	v11 =	vld.idx.msk [tilespmem:v1+s2+$0x0], $0xffff  }
0x14d: {  	v12 =	vld.idx.msk [tilespmem:v2+s2+$0x0], $0xffff  }
0x14e: {  	v13 =	vld.idx.msk [tilespmem:v3+s2+$0x0], $0xffff  }
0x14f: {  	[tilespmem:v7+s21+$0x0] =	vst.idx.add.f32.msk $0xffff, v8  }
0x150: {  	v8 =	vld.idx.msk [tilespmem:v6+s22+$0x0], $0xffff  }
0x151: {  	v14 =	vld.idx.msk [tilespmem:v4+s2+$0x0], $0xffff  }
0x152: {  	v15 =	vld.idx.msk [tilespmem:v9+s2+$0x0], $0xffff  }
0x153: {  	v16 =	vld.idx.msk [tilespmem:v5+s2+$0x0], $0xffff  }
0x154: {  	v17 =	vld [tilespmem:s9+$0xFFFFFFC0]  }
0x155: {  	v18 =	vld [tilespmem:s9+$0xFFFFFFD0]  }
0x156: {  	[tilespmem:v7+s23+$0x0] =	vst.idx.add.f32.msk $0xffff, v8  }
0x157: {  	v8 =	vld.idx.msk [tilespmem:v6+s24+$0x0], $0xffff  }
0x158: {  	v19 =	vld [tilespmem:s9+$0xFFFFFFE0]  }
0x159: {  	v20 =	vld [tilespmem:s9+$0xFFFFFFF0]  }
0x15a: {  	v21 =	vld [tilespmem:s9+$0x0]  }
0x15b: {  	v22 =	vld [tilespmem:s9+$0x10]  }
0x15c: {  	v23 =	vld [tilespmem:s9+$0x20]  }
0x15d: {  	[tilespmem:v7+s25+$0x0] =	vst.idx.add.f32.msk $0xffff, v8  }
0x15e: {  	v6 =	vld.idx.msk [tilespmem:v6+s26+$0x0], $0xffff  }
0x15f: {  	[tilespmem:v17+s21+$0x0] =	vst.idx.add.f32.msk $0xffff, v15  }
0x160: {  	[tilespmem:v18+s21+$0x0] =	vst.idx.add.f32.msk $0xffff, v10  }
0x161: {  	[tilespmem:v19+s21+$0x0] =	vst.idx.add.f32.msk $0xffff, v11  }
0x162: {  	[tilespmem:v20+s21+$0x0] =	vst.idx.add.f32.msk $0xffff, v12  }
0x163: {  	[tilespmem:v21+s21+$0x0] =	vst.idx.add.f32.msk $0xffff, v13  }
0x164: {  	[tilespmem:v7+s28+$0x0] =	vst.idx.add.f32.msk $0xffff, v6  }
0x165: {  	[tilespmem:v22+s21+$0x0] =	vst.idx.add.f32.msk $0xffff, v14  }
0x166: {  	[tilespmem:v23+s21+$0x0] =	vst.idx.add.f32.msk $0xffff, v16  }
0x167: {  	v6 =	vld.idx.msk [tilespmem:v9+s22+$0x0], $0xffff  }
0x168: {  	v7 =	vld.idx.msk [tilespmem:v0+s22+$0x0], $0xffff  }
0x169: {  	v8 =	vld.idx.msk [tilespmem:v1+s22+$0x0], $0xffff  }
0x16a: {  	v10 =	vld.idx.msk [tilespmem:v2+s22+$0x0], $0xffff  }
0x16b: {  	v11 =	vld.idx.msk [tilespmem:v3+s22+$0x0], $0xffff  }
0x16c: {  	v12 =	vld.idx.msk [tilespmem:v4+s22+$0x0], $0xffff  }
0x16d: {  	v13 =	vld.idx.msk [tilespmem:v5+s22+$0x0], $0xffff  }
0x16e: {  	[tilespmem:v17+s23+$0x0] =	vst.idx.add.f32.msk $0xffff, v6  }
0x16f: {  	[tilespmem:v18+s23+$0x0] =	vst.idx.add.f32.msk $0xffff, v7  }
0x170: {  	[tilespmem:v19+s23+$0x0] =	vst.idx.add.f32.msk $0xffff, v8  }
0x171: {  	[tilespmem:v20+s23+$0x0] =	vst.idx.add.f32.msk $0xffff, v10  }
0x172: {  	[tilespmem:v21+s23+$0x0] =	vst.idx.add.f32.msk $0xffff, v11  }
0x173: {  	[tilespmem:v22+s23+$0x0] =	vst.idx.add.f32.msk $0xffff, v12  }
0x174: {  	[tilespmem:v23+s23+$0x0] =	vst.idx.add.f32.msk $0xffff, v13  }
0x175: {  	v6 =	vld.idx.msk [tilespmem:v9+s24+$0x0], $0xffff  }
0x176: {  	v7 =	vld.idx.msk [tilespmem:v0+s24+$0x0], $0xffff  }
0x177: {  	v8 =	vld.idx.msk [tilespmem:v1+s24+$0x0], $0xffff  }
0x178: {  	v10 =	vld.idx.msk [tilespmem:v2+s24+$0x0], $0xffff  }
0x179: {  	v11 =	vld.idx.msk [tilespmem:v3+s24+$0x0], $0xffff  }
0x17a: {  	v12 =	vld.idx.msk [tilespmem:v4+s24+$0x0], $0xffff  }
0x17b: {  	v13 =	vld.idx.msk [tilespmem:v5+s24+$0x0], $0xffff  }
0x17c: {  	[tilespmem:v17+s25+$0x0] =	vst.idx.add.f32.msk $0xffff, v6  }
0x17d: {  	[tilespmem:v18+s25+$0x0] =	vst.idx.add.f32.msk $0xffff, v7  }
0x17e: {  	[tilespmem:v19+s25+$0x0] =	vst.idx.add.f32.msk $0xffff, v8  }
0x17f: {  	[tilespmem:v20+s25+$0x0] =	vst.idx.add.f32.msk $0xffff, v10  }
0x180: {  	[tilespmem:v21+s25+$0x0] =	vst.idx.add.f32.msk $0xffff, v11  }
0x181: {  	[tilespmem:v22+s25+$0x0] =	vst.idx.add.f32.msk $0xffff, v12  }
0x182: {  	[tilespmem:v23+s25+$0x0] =	vst.idx.add.f32.msk $0xffff, v13  }
0x183: {  	v6 =	vld.idx.msk [tilespmem:v9+s26+$0x0], $0xffff  }
0x184: {  	v0 =	vld.idx.msk [tilespmem:v0+s26+$0x0], $0xffff  }
0x185: {  	v1 =	vld.idx.msk [tilespmem:v1+s26+$0x0], $0xffff  }
0x186: {  	v2 =	vld.idx.msk [tilespmem:v2+s26+$0x0], $0xffff  }
0x187: {  	v3 =	vld.idx.msk [tilespmem:v3+s26+$0x0], $0xffff  }
0x188: {  	v4 =	vld.idx.msk [tilespmem:v4+s26+$0x0], $0xffff  }
0x189: {  	v5 =	vld.idx.msk [tilespmem:v5+s26+$0x0], $0xffff  }
0x18a: {  	[tilespmem:v17+s28+$0x0] =	vst.idx.add.f32.msk $0xffff, v6  }
0x18b: {  	[tilespmem:v18+s28+$0x0] =	vst.idx.add.f32.msk $0xffff, v0  }
.Ltmp1:
0x18c: {  	[tilespmem:v19+s28+$0x0] =	vst.idx.add.f32.msk $0xffff, v1;
	(pc) =	sbr.rel @p0 .LBB2_5-.Ltmp1, $4  }
0x18d: {  	[tilespmem:v20+s28+$0x0] =	vst.idx.add.f32.msk $0xffff, v2  }
0x18e: {  	[tilespmem:v21+s28+$0x0] =	vst.idx.add.f32.msk $0xffff, v3  }
0x18f: {  	[tilespmem:v22+s28+$0x0] =	vst.idx.add.f32.msk $0xffff, v4  }
0x190: {  	s11 =	sadd.s32 $0x80, s11;
	[tilespmem:v23+s28+$0x0] =	vst.idx.add.f32.msk $0xffff, v5  }
0x191: {  	s8 =	sadd.s32 $0x1, s8  }
0x192: {  	p0 =	sne.s32 s8, $0x4  }
.Ltmp2:
0x193: {  	_ = 	snop;
	(pc) =	sbr.rel @p0 .LBB2_2-.Ltmp2, $1  }
0x194: {  	_ =	sdelay $0x3  }
0x195: {  	[hbm4b:s15+s2] =	stream.linear.scatter [tilespmem:s21], [sflag:$0x5], $0x2710, $0x38;
	[tilespmem:$0x1DC00] =	vst v63  }
0x196: {  	_ =	swait.ge [sflag:s20], $0x2710  }
0x197: {  	[sflag:s20] =	ssyncset.done $0x0  }
0x198: {  	[sflag:s20] =	ssyncadd.s32 $0xFFFFD8F0  }
0x199: {  	[hbm4b:s16+s2] =	stream.linear.scatter [tilespmem:s23], [sflag:$0x5], $0x2710, $0x38;
	[tilespmem:$0x1DC00] =	vst v63  }
0x19a: {  	_ =	swait.ge [sflag:s20], $0x2710  }
0x19b: {  	[sflag:s20] =	ssyncset.done $0x0  }
0x19c: {  	[sflag:s20] =	ssyncadd.s32 $0xFFFFD8F0  }
0x19d: {  	[hbm4b:s17+s2] =	stream.linear.scatter [tilespmem:s25], [sflag:$0x5], $0x2710, $0x38;
	[tilespmem:$0x1DC00] =	vst v63  }
0x19e: {  	s7 =	sadd.s32 $0x1, s7;
	_ =	swait.ge [sflag:s20], $0x2710  }
0x19f: {  	p0 =	sne.s32 s7, s19;
	[sflag:s20] =	ssyncset.done $0x0  }
.Ltmp3:
0x1a0: {  	[sflag:s20] =	ssyncadd.s32 $0xFFFFD8F0;
	(pc) =	sbr.rel @p0 .LBB2_1-.Ltmp3, $4  }
0x1a1: {  	[hbm4b:s18+s2] =	stream.linear.scatter [tilespmem:s28], [sflag:$0x5], $0x2710, $0x38;
	[tilespmem:$0x1DC00] =	vst v63  }
0x1a2: {  	_ =	swait.ge [sflag:s20], $0x2710  }
0x1a3: {  	[sflag:s20] =	ssyncset.done $0x0  }
0x1a4: {  	[sflag:s20] =	ssyncadd.s32 $0xFFFFD8F0  }
0x1a5: {  	_ =	sfence.sel $0x180000  }
0x1a6: {  	[bflag:$0x0] =	sbarrier.arrive $0xFFFF  }
0x1a7: {  	_ =	strace $0x9000004D  }
0x1a8: {  	s0 =	stileid.u32;
	[bflag:$0x2] =	sbarrier.arrive $0xFFFF  }
0x1a9: {  	p0 =	sne.s32 s0, $0x0;
	s0 =	rddreg [dreg:$0x1]  }
0x1aa: {  	s0 =	sadd.s32 @!p0 $0x100000, s0  }
0x1ab: {  	[sflag:s0] =	ssyncadd.tile.s32 @!p0 $0x1;
	_ =	shalt  }
.Lfunc_end2:
_tile_overlayer_lowered:
.L_overlay_start_2:
0x1ac: {  	(tag) =	ssettag $0x2  }
0x1ad: {  	s0 =	rddreg [dreg:$0x0];
	s2 =	stileid.u32  }
0x1ae: {  	s1 =	rddreg [dreg:$0x1];
	p0 =	sne.s32 s2, $0x0  }
0x1af: {  	s3 =	rddreg [dreg:$0x2];
	[bflag:$0x3] =	sbarrier.arrive $0xFFFF;
	s2 =	simm.s32 @!p0 $0x1C05  }
0x1b0: {  	[timem:s3], [sflag:s2] =	dma.local @!p0 [hbm:s0], s1  }
0x1b1: {  	s0 =	simm.s32 @!p0 $0x5  }
0x1b2: {  	_ =	swait.ge @!p0 [sflag:s0], s1  }
0x1b3: {  	s1 =	ssub.s32 @!p0 $0x0, s1;
	[sflag:s0] =	ssyncset.done @!p0 $0x0  }
0x1b4: {  	[sflag:s0] =	ssyncadd.s32 @!p0 s1  }
0x1b5: {  	[bflag:$0x3] =	sbarrier.arrive $0xFFFF  }
0x1b6: {  	_ =	shalt  }

// kernel: kernel.20.cloned.1.call-start
scs
__scs_entry_jumppad:
0x0: {  	(pc) =	sbr.rel $0x88, $3  }
0x1: {  	(tag) =	ssettag $0x0;
	lr =	simm.s32 $0x1  }
0x2: {  	[smem:$0x3F8B] =	sst lr;
	_ =	strace $0xD0000000  }
0x3: {  	_ = 	snop  }
0x4: {  	_ = 	snop  }
0x5: {  	_ = 	snop  }
0x6: {  	_ = 	snop  }
0x7: {  	_ = 	snop  }
__scs_overlays_trampoline_lowered:
0x8: {  	[smem:$0x3F9A] =	sst s0  }
0x9: {  	[smem:$0x3F9B] =	sst s1  }
0xa: {  	[smem:$0x3F9C] =	sst s2  }
0xb: {  	[smem:$0x3F9D] =	sst s3  }
0xc: {  	[smem:$0x3F9E] =	sst s4  }
0xd: {  	[smem:$0x3F9F] =	sst s5  }
0xe: {  	[smem:$0x3FA0] =	sst s6  }
0xf: {  	[smem:$0x3FA1] =	sst s7  }
0x10: {  	[smem:$0x3FA2] =	sst s8  }
0x11: {  	[smem:$0x3FA3] =	sst s9;
	s0 =	simm.s32 @!p0 $0x0  }
0x12: {  	s1 =	sld [smem:$0x3F89];
	s0 =	simm.s32 @p0 $0x1  }
0x13: {  	[smem:$0x3FA4] =	sst s0;
	s0 =	simm.s32 @!p1 $0x0  }
0x14: {  	s2 =	sld [smem:$0x3F88];
	s0 =	simm.s32 @p1 $0x1  }
0x15: {  	[smem:$0x3FA5] =	sst s0;
	s0 =	simm.s32 @!p2 $0x0  }
0x16: {  	s3 =	sld [smem:$0x3FDB];
	s0 =	simm.s32 @p2 $0x1  }
0x17: {  	s4 =	simm.s32 $0x1BF5;
	[smem:$0x3FA7] =	sst s0  }
0x18: {  	s0 =	sld [smem:$0x3F8A];
	_ =	swait.ge [sflag:s4], $0x0  }
0x19: {  	s7 =	sld [smem:$0x3F8B]  }
0x1a: {  	s8 =	sadd.s32 $0xFFFFE003, lr  }
0x1b: {  	s9 =	sadd.s32 $0xFFFFFEF7, lr;
	s5 =	simm.s32 $0xFFFFFFFF;
	p2 =	slt.u32 s8, $0xFFFFF086  }
0x1c: {  	p1 =	slt.u32 s9, $0xF7A;
	s5 =	simm.s32 @!p2 $0x0  }
0x1d: {  	s5 =	simm.s32 @p1 $0x1;
	p0 =	seq.s32 s7, s2  }
0x1e: {  	s7 =	smul.u32 @!p0 $0xF7A, s2;
	p2 =	seq.s32 @!p0 s5, $0x0  }
0x1f: {  	s9 =	smul.u32 $0xF7A, s1;
	s8 =	simm.s32 @!p0 $0x1BF5;
	p2 =	por !p2, p0  }
0x20: {  	[sflag:s8] =	ssyncset.s32 @!p0 $0xFFFFF086;
	s6 =	sadd.s32 @!p0 s3, s7;
	s7 =	simm.s32 @!p0 $0x108  }
0x21: {  	s3 =	sadd.s32 s3, s9;
	s6 =	sadd.s32 @!p0 $0x88, s6;
	s7 =	simm.s32 @p2 $0x1082  }
0x22: {  	[simem:s7], [sflag:s8] =	dma.local @!p0 [hbm:s6], $0xF7A  }
0x23: {  	s9 =	sor.u32 $0xD0000000, s2;
	s6 =	simm.s32 $0x108;
	_ =	swait.ge @!p0 [sflag:s8], $0x0  }
0x24: {  	s3 =	sadd.s32 $0x88, s3;
	s6 =	simm.s32 @!p1 $0x1082;
	[sflag:s4] =	ssyncset.s32 $0xFFFFF086  }
0x25: {  	[simem:s6], [sflag:s4] =	dma.local [hbm:s3], $0xF7A  }
0x26: {  	[smem:$0x3F8B] =	sst s1;
	(tag) =	ssettag s2;
	_ =	strace s9  }
0x27: {  	s1 =	sld [smem:$0x3F9B]  }
0x28: {  	s2 =	sld [smem:$0x3F9C]  }
0x29: {  	s4 =	sld [smem:$0x3F9E]  }
0x2a: {  	p0 =	seq.s32 s5, $0x0;
	s5 =	sld [smem:$0x3F9F]  }
0x2b: {  	s6 =	sld [smem:$0x3FA0]  }
0x2c: {  	s7 =	sld [smem:$0x3FA1]  }
0x2d: {  	s3 =	simm.s32 $0x108;
	s8 =	sld [smem:$0x3FA2]  }
0x2e: {  	s3 =	simm.s32 @!p0 $0x1082;
	s9 =	sld [smem:$0x3FA3]  }
0x2f: {  	lr =	sadd.s32 s0, s3;
	s0 =	sld [smem:$0x3F9A]  }
0x30: {  	s3 =	sld [smem:$0x3F9D]  }
0x31: {  	[smem:$0x3FA6] =	sst s10  }
0x32: {  	s10 =	sld [smem:$0x3FA4];
	_ =	sdelay $0x3  }
0x33: {  	p0 =	seq.s32 s10, $0x1;
	s10 =	sld [smem:$0x3FA6];
	_ =	sdelay $0x3  }
0x34: {  	[smem:$0x3FA6] =	sst s10  }
0x35: {  	s10 =	sld [smem:$0x3FA5];
	_ =	sdelay $0x3  }
0x36: {  	p1 =	seq.s32 s10, $0x1;
	s10 =	sld [smem:$0x3FA6];
	_ =	sdelay $0x3  }
0x37: {  	[smem:$0x3FA6] =	sst s10  }
0x38: {  	s10 =	sld [smem:$0x3FA7]  }
0x39: {  	_ = 	snop;
	(pc) =	sbr.ind lr, $3  }
0x3a: {  	_ = 	snop  }
0x3b: {  	_ = 	snop  }
0x3c: {  	p2 =	seq.s32 s10, $0x1;
	s10 =	sld [smem:$0x3FA6]  }
0x3d: {  	_ =	shalt  }
0x3e: {  	_ =	shalt  }
0x3f: {  	_ =	shalt  }
0x40: {  	_ =	shalt  }
0x41: {  	_ =	shalt  }
0x42: {  	_ =	shalt  }
0x43: {  	_ =	shalt  }
0x44: {  	_ =	shalt  }
0x45: {  	_ =	shalt  }
0x46: {  	_ =	shalt  }
0x47: {  	_ =	shalt  }
0x48: {  	_ =	shalt  }
0x49: {  	_ =	shalt  }
0x4a: {  	_ =	shalt  }
0x4b: {  	_ =	shalt  }
0x4c: {  	_ =	shalt  }
0x4d: {  	_ =	shalt  }
0x4e: {  	_ =	shalt  }
0x4f: {  	_ =	shalt  }
0x50: {  	_ =	shalt  }
0x51: {  	_ =	shalt  }
0x52: {  	_ =	shalt  }
0x53: {  	_ =	shalt  }
0x54: {  	_ =	shalt  }
0x55: {  	_ =	shalt  }
0x56: {  	_ =	shalt  }
0x57: {  	_ =	shalt  }
0x58: {  	_ =	shalt  }
0x59: {  	_ =	shalt  }
0x5a: {  	_ =	shalt  }
0x5b: {  	_ =	shalt  }
0x5c: {  	_ =	shalt  }
0x5d: {  	_ =	shalt  }
0x5e: {  	_ =	shalt  }
0x5f: {  	_ =	shalt  }
0x60: {  	_ =	shalt  }
0x61: {  	_ =	shalt  }
0x62: {  	_ =	shalt  }
0x63: {  	_ =	shalt  }
0x64: {  	_ =	shalt  }
0x65: {  	_ =	shalt  }
0x66: {  	_ =	shalt  }
0x67: {  	_ =	shalt  }
0x68: {  	_ =	shalt  }
0x69: {  	_ =	shalt  }
0x6a: {  	_ =	shalt  }
0x6b: {  	_ =	shalt  }
0x6c: {  	_ =	shalt  }
0x6d: {  	_ =	shalt  }
0x6e: {  	_ =	shalt  }
0x6f: {  	_ =	shalt  }
0x70: {  	_ =	shalt  }
0x71: {  	_ =	shalt  }
0x72: {  	_ =	shalt  }
0x73: {  	_ =	shalt  }
0x74: {  	_ =	shalt  }
0x75: {  	_ =	shalt  }
0x76: {  	_ =	shalt  }
0x77: {  	_ =	shalt  }
0x78: {  	_ =	shalt  }
0x79: {  	_ =	shalt  }
0x7a: {  	_ =	shalt  }
0x7b: {  	_ =	shalt  }
0x7c: {  	_ =	shalt  }
0x7d: {  	_ =	shalt  }
0x7e: {  	_ =	shalt  }
0x7f: {  	_ =	shalt  }
0x80: {  	_ =	shalt  }
0x81: {  	_ =	shalt  }
0x82: {  	_ =	shalt  }
0x83: {  	_ =	shalt  }
0x84: {  	_ =	shalt  }
0x85: {  	_ =	shalt  }
0x86: {  	_ =	shalt  }
0x87: {  	_ =	shalt  }
.Lfunc_end0:
.L_simem_size_0:
called_computation.3_lowered:
.L_overlay_start_0:
0x88: {  	s2 =	sld [smem:$0x3FD9]  }
0x89: {  	s3 =	sld [smem:$0x3FFE];
	_ =	sdelay $0x1  }
0x8a: {  	s1 =	srdreg.scid  }
0x8b: {  	s0 =	sand.u32 $0x1, s1  }
0x8c: {  	s16 =	sshll.u32 s0, $0xA;
	s2 =	sadd.s32 s3, s2  }
0x8d: {  	s2 =	sadd.s32 s2, s16  }
0x8e: {  	[smem:$0x3FB2] =	sst s2  }
0x8f: {  	_ = 	snop  }
0x90: {  	(tm) =	ssettm $0x1  }
0x91: {  	s17 =	sld [smem:$0x3FFB];
	_ =	sdelay $0x3  }
0x92: {  	_ =	strace s17  }
0x93: {  	s2 =	sld [smem:$0x3FFC];
	_ =	sdelay $0x3  }
0x94: {  	_ =	strace s2  }
0x95: {  	s2 =	sld [smem:$0x3FFD];
	_ =	sdelay $0x3  }
0x96: {  	_ =	strace s2  }
0x97: {  	_ =	strace $0x8FFFFFFF  }
0x98: {  	s18 =	sld [smem:$0x3FDB];
	_ =	sdelay $0x1  }
0x99: {  	s19 =	simm.s32 $_scs_section_size  }
0x9a: {  	s4 =	simm.s32 $_size__tile_overlayer_lowered;
	s5 =	simm.s32 $_tile_overlayer_lowered  }
0x9b: {  	s22 =	simm.s32 $0x1BFF;
	s21 =	sshll.u32 s5, $0x1;
	s2 =	sadd.s32 s19, s18  }
0x9c: {  	s6 =	simm.s32 $0x0;
	s20 =	sshll.u32 s4, $0x1;
	s4 =	sadd.s32 s21, s2  }
0x9d: {  	[timem:s6], [sflag:s22] =	dma.local [hbm:s4], s20  }
0x9e: {  	_ =	swait.ge [sflag:s22], s20  }
0x9f: {  	s3 =	ssub.s32 $0x0, s20;
	[sflag:s22] =	ssyncset.done $0x0  }
0xa0: {  	[sflag:s22] =	ssyncadd.s32 s3;
	_ =	sdelay $0x1  }
0xa1: {  	s23 =	simm.s32 $0x1B8B  }
0xa2: {  	_ =	swait.ge [sflag:s23], $0x1  }
0xa3: {  	[sflag:s23] =	ssyncset.done $0x0  }
0xa4: {  	s25 =	simm.s32 $0x1B8E;
	s24 =	sld [smem:$0x3FFE];
	[sflag:s23] =	ssyncadd.s32 $0xFFFFFFFF  }
0xa5: {  	s26 =	simm.s32 $execute0_lowered;
	[smem:$0x3FD2] =	sst s25  }
0xa6: {  	s4 =	sshll.u32 s26, $0x1;
	_ =	strace $0x8000004F;
	[dreg:$0x1] =	wrdreg $0xFFFFFFFF  }
0xa7: {  	s28 =	simm.s32 $_size_execute0_lowered;
	s2 =	sadd.s32 s2, s4;
	[dreg:$0x0] =	wrdreg $0x0  }
0xa8: {  	s4 =	sshll.u32 s28, $0x1;
	[dreg:$0x2] =	wrdreg s2  }
0xa9: {  	[dreg:$0x3] =	wrdreg s4  }
0xaa: {  	[dreg:$0x4] =	wrdreg $0xC0  }
0xab: {  	_ =	task [dreg:s6], $0x5FFFF  }
0xac: {  	[dreg:$0x1] =	wrdreg $0xFFFFFFFF  }
0xad: {  	[dreg:$0x0] =	wrdreg $0x60  }
0xae: {  	[dreg:$0x2] =	wrdreg s24  }
0xaf: {  	[dreg:$0x3] =	wrdreg $0x9  }
0xb0: {  	_ =	task.clear_ibuf [dreg:s6], $0x4FFFF;
	_ =	strace $0x9000004F  }
0xb1: {  	s29 =	simm.s32 $0x9;
	_ =	strace $0x80000051  }
0xb2: {  	_ =	swait.ge [sflag:s29], $0x1  }
0xb3: {  	[sflag:s29] =	ssyncadd.s32 $0xFFFFFFFF  }
0xb4: {  	_ =	strace $0x90000051  }
0xb5: {  	_ =	sfence  }
0xb6: {  	s30 =	sld [smem:$0x0];
	_ =	sdelay $0x2  }
0xb7: {  	s31 =	sshll.u32 s1, $0xD;
	s1 =	sshrl.u32 s1, $0x2  }
0xb8: {  	s3 =	sand.u32 $0x4000, s31;
	s1 =	sadd.s32 s1, s30  }
0xb9: {  	s0 =	sor.u32 s3, s0;
	s1 =	sshll.u32 s1, $0x11  }
0xba: {  	s0 =	sor.u32 s1, s0  }
0xbb: {  	s0 =	sadd.s32 $0x8F2B, s0  }
0xbc: {  	[sflag:s0] =	ssyncadd.remote.s32 $0x1  }
0xbd: {  	_ =	sfence.sel $0xFFFF  }
0xbe: {  	[dreg:$0x0] =	wrdreg $0xFFFFFFFF;
	(pc) =	sbr.abs _section_cstart, $3  }
0xbf: {  	[dreg:$0x1] =	wrdreg $0xFFFFFFFF  }
0xc0: {  	_ =	task.clear_ibuf [dreg:s6], $0x2FFFF;
	_ =	strace $0x9FFFFFFF  }
0xc1: {  	(tm) =	ssettm $0x7FFFFFFF  }
tec
execute0_lowered:
.L_overlay_start_1:
0x0: {  	(tag) =	ssettag $0x1  }
0x1: {  	s0 =	rddreg [dreg:$0x0];
	s1 =	srdreg.scid  }
0x2: {  	s2 =	simm.s32 $0x0;
	s4 =	stileid.u32;
	s9 =	simm.s32 $0x1  }
0x3: {  	s28 =	simm.s32 $0x11480;
	s31 =	simm.s32 $0x2;
	s29 =	simm.s32 $0x3  }
0x4: {  	s30 =	simm.s32 $0x4;
	s1 =	sand.u32 $0x1, s1;
	[smem:$0x7FF] =	sst s2  }
0x5: {  	s7 =	sand.u32 $0x7, s4;
	s8 =	sadd.s32 $0x1C400, s0;
	s5 =	sadd.s32 $0x7E00, s0  }
0x6: {  	s3 =	sshll.u32 s1, $0x4;
	_ =	strace $0x80000050;
	s11 =	smul.u32 $0x9C40, s7  }
0x7: {  	p0 =	sne.s32 s7, $0x0;
	s1 =	ssub.s32 $0x2, s1;
	s12 =	smul.u32 $0x1388, s7  }
0x8: {  	s7 =	sshll.u32 s7, $0x2;
	s6 =	sor.u32 s4, s3;
	s3 =	sadd.s32 $0x1BE00, s0  }
0x9: {  	s4 =	sadd.s32 $0x11E00, s0;
	s10 =	sshrl.u32 s1, $0x1;
	s0 =	sadd.s32 $0x26200, s0  }
0xa: {  	p1 =	seq.s32 s6, $0x0;
	s6 =	sshrl.u32 s6, $0x3;
	s11 =	sshrl.u32 s11, $0x3  }
0xb: {  	s1 =	ssub.s32 s1, s10;
	s11 =	sadd.s32 s8, s11;
	s8 =	sadd.s32 s8, s12  }
0xc: {  	p0 =	por !p0, !p1;
	[dreg:$0x2] =	wrdreg s8;
	s19 =	sadd.s32 $0x4E2, s11  }
0xd: {  	p0 =	por !p0, !p0;
	s20 =	sadd.s32 $0x9C4, s11;
	[dreg:$0x3] =	wrdreg s19  }
0xe: {  	s22 =	sadd.s32 $0xEA6, s11;
	s9 =	simm.s32 @!p0 $0x0;
	[dreg:$0x4] =	wrdreg s20  }
0xf: {  	[dreg:$0x5] =	wrdreg s22;
	s19 =	smax.u32 s1, $0x1;
	s9 =	ssub.s32 s6, s9  }
0x10: {  	s20 =	simm.s32 $0x5;
	s18 =	smul.u32 $0x14000, s9;
	s9 =	sshll.u32 s9, $0x5  }
0x11: {  	s22 =	simm.s32 $0x2780;
	s1 =	simm.s32 $0x1B400;
	s7 =	sor.u32 s7, s9  }
0x12: {  	s6 =	simm.s32 $0x1;
	s21 =	sshrl.u32 s18, $0x3;
	s7 =	smul.u32 $0x2710, s7  }
0x13: {  	s13 =	sor.u32 $0x2800, s18;
	s14 =	sadd.s32 $0x5000, s18;
	s23 =	sadd.s32 s4, s21  }
0x14: {  	s8 =	sadd.s32 s5, s21;
	s21 =	simm.s32 $0x9E00;
	[dreg:$0x6] =	wrdreg s23  }
0x15: {  	[dreg:$0x7] =	wrdreg s8;
	s24 =	sshrl.u32 s7, $0x3;
	s25 =	sadd.s32 $0x2710, s7  }
0x16: {  	s26 =	sadd.s32 $0x4E20, s7;
	s7 =	sadd.s32 $0x7530, s7;
	s23 =	simm.s32 $0xC580  }
0x17: {  	s15 =	sadd.s32 s0, s24;
	s8 =	sshrl.u32 s25, $0x3;
	s9 =	sshrl.u32 s26, $0x3  }
0x18: {  	s7 =	sshrl.u32 s7, $0x3;
	s24 =	simm.s32 $0x4F00;
	s25 =	simm.s32 $0xED00  }
0x19: {  	s26 =	simm.s32 $0x7680;
	s16 =	sadd.s32 s0, s8;
	s17 =	sadd.s32 s0, s9  }
0x1a: {  	s18 =	sadd.s32 s0, s7;
	s0 =	simm.s32 $0x18C00;
	s7 =	simm.s32 $0x0  }
.LBB2_1:
0x1b: {  	s8 =	rddreg [dreg:$0x2]  }
0x1c: {  	[tilespmem:s2], [sflag:$0x5] =	stream.linear.gather [hbm4b:s8+s2], $0x2710, $0x38;
	[tilespmem:$0x1DC00] =	vst v63  }
0x1d: {  	_ =	swait.ge [sflag:s20], $0x2710  }
0x1e: {  	[sflag:s20] =	ssyncset.done $0x0  }
0x1f: {  	[sflag:s20] =	ssyncadd.s32 $0xFFFFD8F0  }
0x20: {  	[tilespmem:s21], [sflag:$0x5] =	stream.linear.gather [hbm4b:s3+s2], $0x2710, $0x38;
	[tilespmem:$0x1DC00] =	vst v63  }
0x21: {  	_ =	swait.ge [sflag:s20], $0x2710  }
0x22: {  	[sflag:s20] =	ssyncset.done $0x0  }
0x23: {  	s11 =	rddreg [dreg:$0x3];
	[sflag:s20] =	ssyncadd.s32 $0xFFFFD8F0  }
0x24: {  	[tilespmem:s22], [sflag:$0x5] =	stream.linear.gather [hbm4b:s11+s2], $0x2710, $0x38;
	[tilespmem:$0x1DC00] =	vst v63  }
0x25: {  	_ =	swait.ge [sflag:s20], $0x2710  }
0x26: {  	[sflag:s20] =	ssyncset.done $0x0  }
0x27: {  	[sflag:s20] =	ssyncadd.s32 $0xFFFFD8F0  }
0x28: {  	[tilespmem:s23], [sflag:$0x5] =	stream.linear.gather [hbm4b:s3+s2], $0x2710, $0x38;
	[tilespmem:$0x1DC00] =	vst v63  }
0x29: {  	_ =	swait.ge [sflag:s20], $0x2710  }
0x2a: {  	[sflag:s20] =	ssyncset.done $0x0  }
0x2b: {  	s12 =	rddreg [dreg:$0x4];
	[sflag:s20] =	ssyncadd.s32 $0xFFFFD8F0  }
0x2c: {  	[tilespmem:s24], [sflag:$0x5] =	stream.linear.gather [hbm4b:s12+s2], $0x2710, $0x38;
	[tilespmem:$0x1DC00] =	vst v63  }
0x2d: {  	_ =	swait.ge [sflag:s20], $0x2710  }
0x2e: {  	[sflag:s20] =	ssyncset.done $0x0  }
0x2f: {  	[sflag:s20] =	ssyncadd.s32 $0xFFFFD8F0  }
0x30: {  	[tilespmem:s25], [sflag:$0x5] =	stream.linear.gather [hbm4b:s3+s2], $0x2710, $0x38;
	[tilespmem:$0x1DC00] =	vst v63  }
0x31: {  	_ =	swait.ge [sflag:s20], $0x2710  }
0x32: {  	[sflag:s20] =	ssyncset.done $0x0  }
0x33: {  	s9 =	rddreg [dreg:$0x5];
	[sflag:s20] =	ssyncadd.s32 $0xFFFFD8F0  }
0x34: {  	[tilespmem:s26], [sflag:$0x5] =	stream.linear.gather [hbm4b:s9+s2], $0x2710, $0x38;
	[tilespmem:$0x1DC00] =	vst v63  }
0x35: {  	_ =	swait.ge [sflag:s20], $0x2710  }
0x36: {  	[sflag:s20] =	ssyncset.done $0x0  }
0x37: {  	[sflag:s20] =	ssyncadd.s32 $0xFFFFD8F0  }
0x38: {  	[tilespmem:s28], [sflag:$0x5] =	stream.linear.gather [hbm4b:s3+s2], $0x2710, $0x38;
	[tilespmem:$0x1DC00] =	vst v63  }
0x39: {  	_ =	swait.ge [sflag:s20], $0x2710  }
0x3a: {  	[sflag:s20] =	ssyncset.done $0x0  }
0x3b: {  	s9 =	simm.s32 $0x13C00;
	s10 =	rddreg [dreg:$0x6];
	[sflag:s20] =	ssyncadd.s32 $0xFFFFD8F0  }
0x3c: {  	[tilespmem:s9], [sflag:$0x1] =	stream.linear.gather [hbm4b:s10+s2], $0x2800, $0x38;
	[tilespmem:$0x1DC00] =	vst v63  }
0x3d: {  	s8 =	simm.s32 $0x0;
	s12 =	simm.s32 $0x16400;
	s11 =	rddreg [dreg:$0x7]  }
0x3e: {  	[tilespmem:s12], [sflag:$0x2] =	stream.linear.gather [hbm4b:s11+s2], $0x2800, $0x38;
	[tilespmem:$0x1DC00] =	vst v63  }
.LBB2_2:
0x3f: {  	_ =	swait.ge [sflag:s6], $0x2800  }
0x40: {  	s9 =	smul.u32 $0x5000, s8;
	[sflag:s6] =	ssyncset.done $0x0  }
0x41: {  	[sflag:s6] =	ssyncadd.s32 $0xFFFFD800  }
0x42: {  	s10 =	sadd.s32 s9, s13;
	_ =	swait.ge [sflag:s31], $0x2800  }
0x43: {  	s10 =	sshrl.u32 s10, $0x3;
	[sflag:s31] =	ssyncset.done $0x0  }
0x44: {  	s11 =	sadd.s32 s4, s10;
	[sflag:s31] =	ssyncadd.s32 $0xFFFFD800  }
0x45: {  	[tilespmem:s0], [sflag:$0x3] =	stream.linear.gather [hbm4b:s11+s2], $0x2800, $0x38;
	[tilespmem:$0x1DC00] =	vst v63  }
0x46: {  	s12 =	simm.s32 $0x13C40;
	s10 =	sadd.s32 s5, s10  }
0x47: {  	[tilespmem:s1], [sflag:$0x4] =	stream.linear.gather [hbm4b:s10+s2], $0x2800, $0x38;
	[tilespmem:$0x1DC00] =	vst v63  }
0x48: {  	v0 =	vld [tilespmem:s12+$0x30]  }
0x49: {  	v1 =	vld [tilespmem:s12+$0xFFFFFFD0]  }
0x4a: {  	v2 =	vld [tilespmem:s12+$0xFFFFFFE0]  }
0x4b: {  	v3 =	vld [tilespmem:s12+$0xFFFFFFF0]  }
0x4c: {  	v4 =	vld [tilespmem:s12+$0x0]  }
0x4d: {  	s10 =	simm.s32 $0x16440;
	v5 =	vld [tilespmem:s12+$0x10]  }
0x4e: {  	v6 =	vld [tilespmem:s10+$0x30]  }
0x4f: {  	v7 =	vld [tilespmem:s12+$0x20]  }
0x50: {  	v9 =	vld [tilespmem:s12+$0xFFFFFFC0]  }
0x51: {  	v17 =	vld [tilespmem:s10+$0xFFFFFFC0]  }
0x52: {  	v18 =	vld [tilespmem:s10+$0xFFFFFFD0]  }
0x53: {  	v19 =	vld [tilespmem:s10+$0xFFFFFFE0]  }
0x54: {  	v20 =	vld [tilespmem:s10+$0xFFFFFFF0]  }
0x55: {  	v21 =	vld [tilespmem:s10+$0x0]  }
0x56: {  	v22 =	vld [tilespmem:s10+$0x10]  }
0x57: {  	v23 =	vld [tilespmem:s10+$0x20]  }
0x58: {  	v8 =	vld.idx.msk [tilespmem:v0+s2+$0x0], $0xffff  }
0x59: {  	v10 =	vld.idx.msk [tilespmem:v1+s2+$0x0], $0xffff  }
0x5a: {  	v11 =	vld.idx.msk [tilespmem:v2+s2+$0x0], $0xffff  }
0x5b: {  	v12 =	vld.idx.msk [tilespmem:v3+s2+$0x0], $0xffff  }
0x5c: {  	v15 =	vld.idx.msk [tilespmem:v9+s2+$0x0], $0xffff  }
0x5d: {  	v13 =	vld.idx.msk [tilespmem:v4+s2+$0x0], $0xffff  }
0x5e: {  	v14 =	vld.idx.msk [tilespmem:v5+s2+$0x0], $0xffff  }
0x5f: {  	v16 =	vld.idx.msk [tilespmem:v7+s2+$0x0], $0xffff  }
0x60: {  	[tilespmem:v6+s21+$0x0] =	vst.idx.add.f32.msk $0xffff, v8  }
0x61: {  	[tilespmem:v17+s21+$0x0] =	vst.idx.add.f32.msk $0xffff, v15  }
0x62: {  	[tilespmem:v18+s21+$0x0] =	vst.idx.add.f32.msk $0xffff, v10  }
0x63: {  	[tilespmem:v19+s21+$0x0] =	vst.idx.add.f32.msk $0xffff, v11  }
0x64: {  	[tilespmem:v20+s21+$0x0] =	vst.idx.add.f32.msk $0xffff, v12  }
0x65: {  	[tilespmem:v21+s21+$0x0] =	vst.idx.add.f32.msk $0xffff, v13  }
0x66: {  	[tilespmem:v22+s21+$0x0] =	vst.idx.add.f32.msk $0xffff, v14  }
0x67: {  	[tilespmem:v23+s21+$0x0] =	vst.idx.add.f32.msk $0xffff, v16  }
0x68: {  	v8 =	vld.idx.msk [tilespmem:v0+s22+$0x0], $0xffff  }
0x69: {  	v56 =	vld.idx.msk [tilespmem:v9+s22+$0x0], $0xffff  }
0x6a: {  	v57 =	vld.idx.msk [tilespmem:v1+s22+$0x0], $0xffff  }
0x6b: {  	v58 =	vld.idx.msk [tilespmem:v2+s22+$0x0], $0xffff  }
0x6c: {  	v59 =	vld.idx.msk [tilespmem:v3+s22+$0x0], $0xffff  }
0x6d: {  	v60 =	vld.idx.msk [tilespmem:v4+s22+$0x0], $0xffff  }
0x6e: {  	v61 =	vld.idx.msk [tilespmem:v5+s22+$0x0], $0xffff  }
0x6f: {  	v62 =	vld.idx.msk [tilespmem:v7+s22+$0x0], $0xffff  }
0x70: {  	[tilespmem:v6+s23+$0x0] =	vst.idx.add.f32.msk $0xffff, v8  }
0x71: {  	[tilespmem:v17+s23+$0x0] =	vst.idx.add.f32.msk $0xffff, v56  }
0x72: {  	[tilespmem:v18+s23+$0x0] =	vst.idx.add.f32.msk $0xffff, v57  }
0x73: {  	[tilespmem:v19+s23+$0x0] =	vst.idx.add.f32.msk $0xffff, v58  }
0x74: {  	[tilespmem:v20+s23+$0x0] =	vst.idx.add.f32.msk $0xffff, v59  }
0x75: {  	[tilespmem:v21+s23+$0x0] =	vst.idx.add.f32.msk $0xffff, v60  }
0x76: {  	[tilespmem:v22+s23+$0x0] =	vst.idx.add.f32.msk $0xffff, v61  }
0x77: {  	[tilespmem:v23+s23+$0x0] =	vst.idx.add.f32.msk $0xffff, v62  }
0x78: {  	v8 =	vld.idx.msk [tilespmem:v0+s24+$0x0], $0xffff  }
0x79: {  	v10 =	vld.idx.msk [tilespmem:v3+s24+$0x0], $0xffff  }
0x7a: {  	v11 =	vld.idx.msk [tilespmem:v4+s24+$0x0], $0xffff  }
0x7b: {  	v12 =	vld.idx.msk [tilespmem:v5+s24+$0x0], $0xffff  }
0x7c: {  	v13 =	vld.idx.msk [tilespmem:v7+s24+$0x0], $0xffff  }
0x7d: {  	[tilespmem:v6+s25+$0x0] =	vst.idx.add.f32.msk $0xffff, v8  }
0x7e: {  	v8 =	vld.idx.msk [tilespmem:v2+s24+$0x0], $0xffff  }
0x7f: {  	[tilespmem:v20+s25+$0x0] =	vst.idx.add.f32.msk $0xffff, v10  }
0x80: {  	[tilespmem:v21+s25+$0x0] =	vst.idx.add.f32.msk $0xffff, v11  }
0x81: {  	[tilespmem:v22+s25+$0x0] =	vst.idx.add.f32.msk $0xffff, v12  }
0x82: {  	[tilespmem:v23+s25+$0x0] =	vst.idx.add.f32.msk $0xffff, v13  }
0x83: {  	v0 =	vld.idx.msk [tilespmem:v0+s26+$0x0], $0xffff  }
0x84: {  	v3 =	vld.idx.msk [tilespmem:v3+s26+$0x0], $0xffff  }
0x85: {  	v4 =	vld.idx.msk [tilespmem:v4+s26+$0x0], $0xffff  }
0x86: {  	v5 =	vld.idx.msk [tilespmem:v5+s26+$0x0], $0xffff  }
0x87: {  	v63 =	vld.idx.msk [tilespmem:v7+s26+$0x0], $0xffff  }
0x88: {  	[tilespmem:v19+s25+$0x0] =	vst.idx.add.f32.msk $0xffff, v8  }
0x89: {  	[tilespmem:v6+s28+$0x0] =	vst.idx.add.f32.msk $0xffff, v0  }
0x8a: {  	v0 =	vld.idx.msk [tilespmem:v9+s24+$0x0], $0xffff  }
0x8b: {  	v6 =	vld.idx.msk [tilespmem:v1+s24+$0x0], $0xffff  }
0x8c: {  	v2 =	vld.idx.msk [tilespmem:v2+s26+$0x0], $0xffff  }
0x8d: {  	[tilespmem:v20+s28+$0x0] =	vst.idx.add.f32.msk $0xffff, v3  }
0x8e: {  	[tilespmem:v21+s28+$0x0] =	vst.idx.add.f32.msk $0xffff, v4  }
0x8f: {  	[tilespmem:v17+s25+$0x0] =	vst.idx.add.f32.msk $0xffff, v0  }
0x90: {  	[tilespmem:v18+s25+$0x0] =	vst.idx.add.f32.msk $0xffff, v6  }
0x91: {  	v0 =	vld.idx.msk [tilespmem:v9+s26+$0x0], $0xffff  }
0x92: {  	v1 =	vld.idx.msk [tilespmem:v1+s26+$0x0], $0xffff  }
0x93: {  	[tilespmem:v22+s28+$0x0] =	vst.idx.add.f32.msk $0xffff, v5  }
0x94: {  	[tilespmem:v23+s28+$0x0] =	vst.idx.add.f32.msk $0xffff, v63  }
0x95: {  	[tilespmem:v19+s28+$0x0] =	vst.idx.add.f32.msk $0xffff, v2  }
0x96: {  	[tilespmem:v17+s28+$0x0] =	vst.idx.add.f32.msk $0xffff, v0  }
0x97: {  	s11 =	simm.s32 $0x0;
	s12 =	simm.s32 $0x13CC0;
	[tilespmem:v18+s28+$0x0] =	vst.idx.add.f32.msk $0xffff, v1  }
.LBB2_3:
0x98: {  	v6 =	vld [tilespmem:s12+$0x30];
	s11 =	sadd.s32 $0x8, s11  }
0x99: {  	v0 =	vld [tilespmem:s12+$0xFFFFFFD0];
	p0 =	slt.u32 s11, $0x278  }
0x9a: {  	v1 =	vld [tilespmem:s12+$0xFFFFFFE0]  }
0x9b: {  	v2 =	vld [tilespmem:s12+$0xFFFFFFF0]  }
0x9c: {  	v3 =	vld [tilespmem:s12+$0x0]  }
0x9d: {  	s10 =	sadd.s32 $0x80, s10;
	v4 =	vld [tilespmem:s12+$0x10]  }
0x9e: {  	v7 =	vld [tilespmem:s10+$0x30]  }
0x9f: {  	v5 =	vld [tilespmem:s12+$0x20]  }
0xa0: {  	v8 =	vld.idx.msk [tilespmem:v6+s2+$0x0], $0xffff  }
0xa1: {  	v9 =	vld [tilespmem:s12+$0xFFFFFFC0]  }
0xa2: {  	v10 =	vld.idx.msk [tilespmem:v0+s2+$0x0], $0xffff  }
0xa3: {  	v11 =	vld.idx.msk [tilespmem:v1+s2+$0x0], $0xffff  }
0xa4: {  	v12 =	vld.idx.msk [tilespmem:v2+s2+$0x0], $0xffff  }
0xa5: {  	v13 =	vld.idx.msk [tilespmem:v3+s2+$0x0], $0xffff  }
0xa6: {  	[tilespmem:v7+s21+$0x0] =	vst.idx.add.f32.msk $0xffff, v8  }
0xa7: {  	v8 =	vld.idx.msk [tilespmem:v6+s22+$0x0], $0xffff  }
0xa8: {  	v14 =	vld.idx.msk [tilespmem:v4+s2+$0x0], $0xffff  }
0xa9: {  	v15 =	vld.idx.msk [tilespmem:v9+s2+$0x0], $0xffff  }
0xaa: {  	v16 =	vld.idx.msk [tilespmem:v5+s2+$0x0], $0xffff  }
0xab: {  	v17 =	vld [tilespmem:s10+$0xFFFFFFC0]  }
0xac: {  	v18 =	vld [tilespmem:s10+$0xFFFFFFD0]  }
0xad: {  	[tilespmem:v7+s23+$0x0] =	vst.idx.add.f32.msk $0xffff, v8  }
0xae: {  	v8 =	vld.idx.msk [tilespmem:v6+s24+$0x0], $0xffff  }
0xaf: {  	v19 =	vld [tilespmem:s10+$0xFFFFFFE0]  }
0xb0: {  	v20 =	vld [tilespmem:s10+$0xFFFFFFF0]  }
0xb1: {  	v21 =	vld [tilespmem:s10+$0x0]  }
0xb2: {  	v22 =	vld [tilespmem:s10+$0x10]  }
0xb3: {  	v23 =	vld [tilespmem:s10+$0x20]  }
0xb4: {  	[tilespmem:v7+s25+$0x0] =	vst.idx.add.f32.msk $0xffff, v8  }
0xb5: {  	v6 =	vld.idx.msk [tilespmem:v6+s26+$0x0], $0xffff  }
0xb6: {  	[tilespmem:v17+s21+$0x0] =	vst.idx.add.f32.msk $0xffff, v15  }
0xb7: {  	[tilespmem:v18+s21+$0x0] =	vst.idx.add.f32.msk $0xffff, v10  }
0xb8: {  	[tilespmem:v19+s21+$0x0] =	vst.idx.add.f32.msk $0xffff, v11  }
0xb9: {  	[tilespmem:v20+s21+$0x0] =	vst.idx.add.f32.msk $0xffff, v12  }
0xba: {  	[tilespmem:v21+s21+$0x0] =	vst.idx.add.f32.msk $0xffff, v13  }
0xbb: {  	[tilespmem:v7+s28+$0x0] =	vst.idx.add.f32.msk $0xffff, v6  }
0xbc: {  	[tilespmem:v22+s21+$0x0] =	vst.idx.add.f32.msk $0xffff, v14  }
0xbd: {  	[tilespmem:v23+s21+$0x0] =	vst.idx.add.f32.msk $0xffff, v16  }
0xbe: {  	v6 =	vld.idx.msk [tilespmem:v9+s22+$0x0], $0xffff  }
0xbf: {  	v7 =	vld.idx.msk [tilespmem:v0+s22+$0x0], $0xffff  }
0xc0: {  	v8 =	vld.idx.msk [tilespmem:v1+s22+$0x0], $0xffff  }
0xc1: {  	v10 =	vld.idx.msk [tilespmem:v2+s22+$0x0], $0xffff  }
0xc2: {  	v11 =	vld.idx.msk [tilespmem:v3+s22+$0x0], $0xffff  }
0xc3: {  	v12 =	vld.idx.msk [tilespmem:v4+s22+$0x0], $0xffff  }
0xc4: {  	v13 =	vld.idx.msk [tilespmem:v5+s22+$0x0], $0xffff  }
0xc5: {  	[tilespmem:v17+s23+$0x0] =	vst.idx.add.f32.msk $0xffff, v6  }
0xc6: {  	[tilespmem:v18+s23+$0x0] =	vst.idx.add.f32.msk $0xffff, v7  }
0xc7: {  	[tilespmem:v19+s23+$0x0] =	vst.idx.add.f32.msk $0xffff, v8  }
0xc8: {  	[tilespmem:v20+s23+$0x0] =	vst.idx.add.f32.msk $0xffff, v10  }
0xc9: {  	[tilespmem:v21+s23+$0x0] =	vst.idx.add.f32.msk $0xffff, v11  }
0xca: {  	[tilespmem:v22+s23+$0x0] =	vst.idx.add.f32.msk $0xffff, v12  }
0xcb: {  	[tilespmem:v23+s23+$0x0] =	vst.idx.add.f32.msk $0xffff, v13  }
0xcc: {  	v6 =	vld.idx.msk [tilespmem:v9+s24+$0x0], $0xffff  }
0xcd: {  	v7 =	vld.idx.msk [tilespmem:v0+s24+$0x0], $0xffff  }
0xce: {  	v8 =	vld.idx.msk [tilespmem:v1+s24+$0x0], $0xffff  }
0xcf: {  	v10 =	vld.idx.msk [tilespmem:v2+s24+$0x0], $0xffff  }
0xd0: {  	v11 =	vld.idx.msk [tilespmem:v3+s24+$0x0], $0xffff  }
0xd1: {  	v12 =	vld.idx.msk [tilespmem:v4+s24+$0x0], $0xffff  }
0xd2: {  	v13 =	vld.idx.msk [tilespmem:v5+s24+$0x0], $0xffff  }
0xd3: {  	[tilespmem:v17+s25+$0x0] =	vst.idx.add.f32.msk $0xffff, v6  }
0xd4: {  	[tilespmem:v18+s25+$0x0] =	vst.idx.add.f32.msk $0xffff, v7  }
0xd5: {  	[tilespmem:v19+s25+$0x0] =	vst.idx.add.f32.msk $0xffff, v8  }
0xd6: {  	[tilespmem:v20+s25+$0x0] =	vst.idx.add.f32.msk $0xffff, v10  }
0xd7: {  	[tilespmem:v21+s25+$0x0] =	vst.idx.add.f32.msk $0xffff, v11  }
0xd8: {  	[tilespmem:v22+s25+$0x0] =	vst.idx.add.f32.msk $0xffff, v12  }
0xd9: {  	[tilespmem:v23+s25+$0x0] =	vst.idx.add.f32.msk $0xffff, v13  }
0xda: {  	v6 =	vld.idx.msk [tilespmem:v9+s26+$0x0], $0xffff  }
0xdb: {  	v0 =	vld.idx.msk [tilespmem:v0+s26+$0x0], $0xffff  }
0xdc: {  	v1 =	vld.idx.msk [tilespmem:v1+s26+$0x0], $0xffff  }
0xdd: {  	v2 =	vld.idx.msk [tilespmem:v2+s26+$0x0], $0xffff  }
0xde: {  	v3 =	vld.idx.msk [tilespmem:v3+s26+$0x0], $0xffff  }
0xdf: {  	v4 =	vld.idx.msk [tilespmem:v4+s26+$0x0], $0xffff  }
0xe0: {  	v5 =	vld.idx.msk [tilespmem:v5+s26+$0x0], $0xffff  }
0xe1: {  	[tilespmem:v17+s28+$0x0] =	vst.idx.add.f32.msk $0xffff, v6  }
0xe2: {  	[tilespmem:v18+s28+$0x0] =	vst.idx.add.f32.msk $0xffff, v0  }
.Ltmp0:
0xe3: {  	[tilespmem:v19+s28+$0x0] =	vst.idx.add.f32.msk $0xffff, v1;
	(pc) =	sbr.rel @p0 .LBB2_3-.Ltmp0, $4  }
0xe4: {  	[tilespmem:v20+s28+$0x0] =	vst.idx.add.f32.msk $0xffff, v2  }
0xe5: {  	[tilespmem:v21+s28+$0x0] =	vst.idx.add.f32.msk $0xffff, v3  }
0xe6: {  	[tilespmem:v22+s28+$0x0] =	vst.idx.add.f32.msk $0xffff, v4  }
0xe7: {  	s12 =	sadd.s32 $0x80, s12;
	[tilespmem:v23+s28+$0x0] =	vst.idx.add.f32.msk $0xffff, v5  }
0xe8: {  	_ =	swait.ge [sflag:s29], $0x2800  }
0xe9: {  	[sflag:s29] =	ssyncset.done $0x0  }
0xea: {  	p0 =	seq.s32 s8, $0x3;
	[sflag:s29] =	ssyncadd.s32 $0xFFFFD800  }
0xeb: {  	s9 =	sadd.s32 @!p0 s9, s14;
	_ =	swait.ge [sflag:s30], $0x2800  }
0xec: {  	s11 =	simm.s32 @!p0 $0x0;
	s9 =	sshrl.u32 @!p0 s9, $0x3;
	[sflag:s30] =	ssyncset.done $0x0  }
0xed: {  	s12 =	simm.s32 @!p0 $0x13C00;
	s10 =	sadd.s32 @!p0 s4, s9;
	[sflag:s30] =	ssyncadd.s32 $0xFFFFD800  }
0xee: {  	[tilespmem:s12], [sflag:$0x1] =	stream.linear.gather @!p0 [hbm4b:s10+s11], $0x2800, $0x38;
	[tilespmem:$0x1DC00] =	vst v63  }
0xef: {  	s9 =	sadd.s32 @!p0 s5, s9;
	s10 =	simm.s32 @!p0 $0x16400;
	s12 =	simm.s32 $0x18C40  }
0xf0: {  	[tilespmem:s10], [sflag:$0x2] =	stream.linear.gather @!p0 [hbm4b:s9+s11], $0x2800, $0x38;
	[tilespmem:$0x1DC00] =	vst v63  }
0xf1: {  	v0 =	vld [tilespmem:s12+$0x30]  }
0xf2: {  	v1 =	vld [tilespmem:s12+$0xFFFFFFD0]  }
0xf3: {  	v2 =	vld [tilespmem:s12+$0xFFFFFFE0]  }
0xf4: {  	v3 =	vld [tilespmem:s12+$0xFFFFFFF0]  }
0xf5: {  	v4 =	vld [tilespmem:s12+$0x0]  }
0xf6: {  	s9 =	simm.s32 $0x1B440;
	v5 =	vld [tilespmem:s12+$0x10]  }
0xf7: {  	v6 =	vld [tilespmem:s9+$0x30]  }
0xf8: {  	v7 =	vld [tilespmem:s12+$0x20]  }
0xf9: {  	v9 =	vld [tilespmem:s12+$0xFFFFFFC0]  }
0xfa: {  	v17 =	vld [tilespmem:s9+$0xFFFFFFC0]  }
0xfb: {  	v18 =	vld [tilespmem:s9+$0xFFFFFFD0]  }
0xfc: {  	v19 =	vld [tilespmem:s9+$0xFFFFFFE0]  }
0xfd: {  	v20 =	vld [tilespmem:s9+$0xFFFFFFF0]  }
0xfe: {  	v21 =	vld [tilespmem:s9+$0x0]  }
0xff: {  	v22 =	vld [tilespmem:s9+$0x10]  }
0x100: {  	v23 =	vld [tilespmem:s9+$0x20]  }
0x101: {  	v8 =	vld.idx.msk [tilespmem:v0+s2+$0x0], $0xffff  }
0x102: {  	v10 =	vld.idx.msk [tilespmem:v1+s2+$0x0], $0xffff  }
0x103: {  	v11 =	vld.idx.msk [tilespmem:v2+s2+$0x0], $0xffff  }
0x104: {  	v12 =	vld.idx.msk [tilespmem:v3+s2+$0x0], $0xffff  }
0x105: {  	v15 =	vld.idx.msk [tilespmem:v9+s2+$0x0], $0xffff  }
0x106: {  	v13 =	vld.idx.msk [tilespmem:v4+s2+$0x0], $0xffff  }
0x107: {  	v14 =	vld.idx.msk [tilespmem:v5+s2+$0x0], $0xffff  }
0x108: {  	v16 =	vld.idx.msk [tilespmem:v7+s2+$0x0], $0xffff  }
0x109: {  	[tilespmem:v6+s21+$0x0] =	vst.idx.add.f32.msk $0xffff, v8  }
0x10a: {  	[tilespmem:v17+s21+$0x0] =	vst.idx.add.f32.msk $0xffff, v15  }
0x10b: {  	[tilespmem:v18+s21+$0x0] =	vst.idx.add.f32.msk $0xffff, v10  }
0x10c: {  	[tilespmem:v19+s21+$0x0] =	vst.idx.add.f32.msk $0xffff, v11  }
0x10d: {  	[tilespmem:v20+s21+$0x0] =	vst.idx.add.f32.msk $0xffff, v12  }
0x10e: {  	[tilespmem:v21+s21+$0x0] =	vst.idx.add.f32.msk $0xffff, v13  }
0x10f: {  	[tilespmem:v22+s21+$0x0] =	vst.idx.add.f32.msk $0xffff, v14  }
0x110: {  	[tilespmem:v23+s21+$0x0] =	vst.idx.add.f32.msk $0xffff, v16  }
0x111: {  	v8 =	vld.idx.msk [tilespmem:v0+s22+$0x0], $0xffff  }
0x112: {  	v56 =	vld.idx.msk [tilespmem:v9+s22+$0x0], $0xffff  }
0x113: {  	v57 =	vld.idx.msk [tilespmem:v1+s22+$0x0], $0xffff  }
0x114: {  	v58 =	vld.idx.msk [tilespmem:v2+s22+$0x0], $0xffff  }
0x115: {  	v59 =	vld.idx.msk [tilespmem:v3+s22+$0x0], $0xffff  }
0x116: {  	v60 =	vld.idx.msk [tilespmem:v4+s22+$0x0], $0xffff  }
0x117: {  	v61 =	vld.idx.msk [tilespmem:v5+s22+$0x0], $0xffff  }
0x118: {  	v62 =	vld.idx.msk [tilespmem:v7+s22+$0x0], $0xffff  }
0x119: {  	[tilespmem:v6+s23+$0x0] =	vst.idx.add.f32.msk $0xffff, v8  }
0x11a: {  	[tilespmem:v17+s23+$0x0] =	vst.idx.add.f32.msk $0xffff, v56  }
0x11b: {  	[tilespmem:v18+s23+$0x0] =	vst.idx.add.f32.msk $0xffff, v57  }
0x11c: {  	[tilespmem:v19+s23+$0x0] =	vst.idx.add.f32.msk $0xffff, v58  }
0x11d: {  	[tilespmem:v20+s23+$0x0] =	vst.idx.add.f32.msk $0xffff, v59  }
0x11e: {  	[tilespmem:v21+s23+$0x0] =	vst.idx.add.f32.msk $0xffff, v60  }
0x11f: {  	[tilespmem:v22+s23+$0x0] =	vst.idx.add.f32.msk $0xffff, v61  }
0x120: {  	[tilespmem:v23+s23+$0x0] =	vst.idx.add.f32.msk $0xffff, v62  }
0x121: {  	v8 =	vld.idx.msk [tilespmem:v0+s24+$0x0], $0xffff  }
0x122: {  	v10 =	vld.idx.msk [tilespmem:v3+s24+$0x0], $0xffff  }
0x123: {  	v11 =	vld.idx.msk [tilespmem:v4+s24+$0x0], $0xffff  }
0x124: {  	v12 =	vld.idx.msk [tilespmem:v5+s24+$0x0], $0xffff  }
0x125: {  	v13 =	vld.idx.msk [tilespmem:v7+s24+$0x0], $0xffff  }
0x126: {  	[tilespmem:v6+s25+$0x0] =	vst.idx.add.f32.msk $0xffff, v8  }
0x127: {  	v8 =	vld.idx.msk [tilespmem:v2+s24+$0x0], $0xffff  }
0x128: {  	[tilespmem:v20+s25+$0x0] =	vst.idx.add.f32.msk $0xffff, v10  }
0x129: {  	[tilespmem:v21+s25+$0x0] =	vst.idx.add.f32.msk $0xffff, v11  }
0x12a: {  	[tilespmem:v22+s25+$0x0] =	vst.idx.add.f32.msk $0xffff, v12  }
0x12b: {  	[tilespmem:v23+s25+$0x0] =	vst.idx.add.f32.msk $0xffff, v13  }
0x12c: {  	v0 =	vld.idx.msk [tilespmem:v0+s26+$0x0], $0xffff  }
0x12d: {  	v3 =	vld.idx.msk [tilespmem:v3+s26+$0x0], $0xffff  }
0x12e: {  	v4 =	vld.idx.msk [tilespmem:v4+s26+$0x0], $0xffff  }
0x12f: {  	v5 =	vld.idx.msk [tilespmem:v5+s26+$0x0], $0xffff  }
0x130: {  	v63 =	vld.idx.msk [tilespmem:v7+s26+$0x0], $0xffff  }
0x131: {  	[tilespmem:v19+s25+$0x0] =	vst.idx.add.f32.msk $0xffff, v8  }
0x132: {  	[tilespmem:v6+s28+$0x0] =	vst.idx.add.f32.msk $0xffff, v0  }
0x133: {  	v0 =	vld.idx.msk [tilespmem:v9+s24+$0x0], $0xffff  }
0x134: {  	v6 =	vld.idx.msk [tilespmem:v1+s24+$0x0], $0xffff  }
0x135: {  	v2 =	vld.idx.msk [tilespmem:v2+s26+$0x0], $0xffff  }
0x136: {  	[tilespmem:v20+s28+$0x0] =	vst.idx.add.f32.msk $0xffff, v3  }
0x137: {  	[tilespmem:v21+s28+$0x0] =	vst.idx.add.f32.msk $0xffff, v4  }
0x138: {  	[tilespmem:v17+s25+$0x0] =	vst.idx.add.f32.msk $0xffff, v0  }
0x139: {  	[tilespmem:v18+s25+$0x0] =	vst.idx.add.f32.msk $0xffff, v6  }
0x13a: {  	v0 =	vld.idx.msk [tilespmem:v9+s26+$0x0], $0xffff  }
0x13b: {  	v1 =	vld.idx.msk [tilespmem:v1+s26+$0x0], $0xffff  }
0x13c: {  	[tilespmem:v22+s28+$0x0] =	vst.idx.add.f32.msk $0xffff, v5  }
0x13d: {  	[tilespmem:v23+s28+$0x0] =	vst.idx.add.f32.msk $0xffff, v63  }
0x13e: {  	[tilespmem:v19+s28+$0x0] =	vst.idx.add.f32.msk $0xffff, v2  }
0x13f: {  	[tilespmem:v17+s28+$0x0] =	vst.idx.add.f32.msk $0xffff, v0  }
0x140: {  	s10 =	simm.s32 $0x0;
	s11 =	simm.s32 $0x18CC0;
	[tilespmem:v18+s28+$0x0] =	vst.idx.add.f32.msk $0xffff, v1  }
.LBB2_5:
0x141: {  	v6 =	vld [tilespmem:s11+$0x30];
	s10 =	sadd.s32 $0x8, s10  }
0x142: {  	v0 =	vld [tilespmem:s11+$0xFFFFFFD0];
	p0 =	slt.u32 s10, $0x278  }
0x143: {  	v1 =	vld [tilespmem:s11+$0xFFFFFFE0]  }
0x144: {  	v2 =	vld [tilespmem:s11+$0xFFFFFFF0]  }
0x145: {  	v3 =	vld [tilespmem:s11+$0x0]  }
0x146: {  	s9 =	sadd.s32 $0x80, s9;
	v4 =	vld [tilespmem:s11+$0x10]  }
0x147: {  	v7 =	vld [tilespmem:s9+$0x30]  }
0x148: {  	v5 =	vld [tilespmem:s11+$0x20]  }
0x149: {  	v8 =	vld.idx.msk [tilespmem:v6+s2+$0x0], $0xffff  }
0x14a: {  	v9 =	vld [tilespmem:s11+$0xFFFFFFC0]  }
0x14b: {  	v10 =	vld.idx.msk [tilespmem:v0+s2+$0x0], $0xffff  }
0x14c: {  	v11 =	vld.idx.msk [tilespmem:v1+s2+$0x0], $0xffff  }
0x14d: {  	v12 =	vld.idx.msk [tilespmem:v2+s2+$0x0], $0xffff  }
0x14e: {  	v13 =	vld.idx.msk [tilespmem:v3+s2+$0x0], $0xffff  }
0x14f: {  	[tilespmem:v7+s21+$0x0] =	vst.idx.add.f32.msk $0xffff, v8  }
0x150: {  	v8 =	vld.idx.msk [tilespmem:v6+s22+$0x0], $0xffff  }
0x151: {  	v14 =	vld.idx.msk [tilespmem:v4+s2+$0x0], $0xffff  }
0x152: {  	v15 =	vld.idx.msk [tilespmem:v9+s2+$0x0], $0xffff  }
0x153: {  	v16 =	vld.idx.msk [tilespmem:v5+s2+$0x0], $0xffff  }
0x154: {  	v17 =	vld [tilespmem:s9+$0xFFFFFFC0]  }
0x155: {  	v18 =	vld [tilespmem:s9+$0xFFFFFFD0]  }
0x156: {  	[tilespmem:v7+s23+$0x0] =	vst.idx.add.f32.msk $0xffff, v8  }
0x157: {  	v8 =	vld.idx.msk [tilespmem:v6+s24+$0x0], $0xffff  }
0x158: {  	v19 =	vld [tilespmem:s9+$0xFFFFFFE0]  }
0x159: {  	v20 =	vld [tilespmem:s9+$0xFFFFFFF0]  }
0x15a: {  	v21 =	vld [tilespmem:s9+$0x0]  }
0x15b: {  	v22 =	vld [tilespmem:s9+$0x10]  }
0x15c: {  	v23 =	vld [tilespmem:s9+$0x20]  }
0x15d: {  	[tilespmem:v7+s25+$0x0] =	vst.idx.add.f32.msk $0xffff, v8  }
0x15e: {  	v6 =	vld.idx.msk [tilespmem:v6+s26+$0x0], $0xffff  }
0x15f: {  	[tilespmem:v17+s21+$0x0] =	vst.idx.add.f32.msk $0xffff, v15  }
0x160: {  	[tilespmem:v18+s21+$0x0] =	vst.idx.add.f32.msk $0xffff, v10  }
0x161: {  	[tilespmem:v19+s21+$0x0] =	vst.idx.add.f32.msk $0xffff, v11  }
0x162: {  	[tilespmem:v20+s21+$0x0] =	vst.idx.add.f32.msk $0xffff, v12  }
0x163: {  	[tilespmem:v21+s21+$0x0] =	vst.idx.add.f32.msk $0xffff, v13  }
0x164: {  	[tilespmem:v7+s28+$0x0] =	vst.idx.add.f32.msk $0xffff, v6  }
0x165: {  	[tilespmem:v22+s21+$0x0] =	vst.idx.add.f32.msk $0xffff, v14  }
0x166: {  	[tilespmem:v23+s21+$0x0] =	vst.idx.add.f32.msk $0xffff, v16  }
0x167: {  	v6 =	vld.idx.msk [tilespmem:v9+s22+$0x0], $0xffff  }
0x168: {  	v7 =	vld.idx.msk [tilespmem:v0+s22+$0x0], $0xffff  }
0x169: {  	v8 =	vld.idx.msk [tilespmem:v1+s22+$0x0], $0xffff  }
0x16a: {  	v10 =	vld.idx.msk [tilespmem:v2+s22+$0x0], $0xffff  }
0x16b: {  	v11 =	vld.idx.msk [tilespmem:v3+s22+$0x0], $0xffff  }
0x16c: {  	v12 =	vld.idx.msk [tilespmem:v4+s22+$0x0], $0xffff  }
0x16d: {  	v13 =	vld.idx.msk [tilespmem:v5+s22+$0x0], $0xffff  }
0x16e: {  	[tilespmem:v17+s23+$0x0] =	vst.idx.add.f32.msk $0xffff, v6  }
0x16f: {  	[tilespmem:v18+s23+$0x0] =	vst.idx.add.f32.msk $0xffff, v7  }
0x170: {  	[tilespmem:v19+s23+$0x0] =	vst.idx.add.f32.msk $0xffff, v8  }
0x171: {  	[tilespmem:v20+s23+$0x0] =	vst.idx.add.f32.msk $0xffff, v10  }
0x172: {  	[tilespmem:v21+s23+$0x0] =	vst.idx.add.f32.msk $0xffff, v11  }
0x173: {  	[tilespmem:v22+s23+$0x0] =	vst.idx.add.f32.msk $0xffff, v12  }
0x174: {  	[tilespmem:v23+s23+$0x0] =	vst.idx.add.f32.msk $0xffff, v13  }
0x175: {  	v6 =	vld.idx.msk [tilespmem:v9+s24+$0x0], $0xffff  }
0x176: {  	v7 =	vld.idx.msk [tilespmem:v0+s24+$0x0], $0xffff  }
0x177: {  	v8 =	vld.idx.msk [tilespmem:v1+s24+$0x0], $0xffff  }
0x178: {  	v10 =	vld.idx.msk [tilespmem:v2+s24+$0x0], $0xffff  }
0x179: {  	v11 =	vld.idx.msk [tilespmem:v3+s24+$0x0], $0xffff  }
0x17a: {  	v12 =	vld.idx.msk [tilespmem:v4+s24+$0x0], $0xffff  }
0x17b: {  	v13 =	vld.idx.msk [tilespmem:v5+s24+$0x0], $0xffff  }
0x17c: {  	[tilespmem:v17+s25+$0x0] =	vst.idx.add.f32.msk $0xffff, v6  }
0x17d: {  	[tilespmem:v18+s25+$0x0] =	vst.idx.add.f32.msk $0xffff, v7  }
0x17e: {  	[tilespmem:v19+s25+$0x0] =	vst.idx.add.f32.msk $0xffff, v8  }
0x17f: {  	[tilespmem:v20+s25+$0x0] =	vst.idx.add.f32.msk $0xffff, v10  }
0x180: {  	[tilespmem:v21+s25+$0x0] =	vst.idx.add.f32.msk $0xffff, v11  }
0x181: {  	[tilespmem:v22+s25+$0x0] =	vst.idx.add.f32.msk $0xffff, v12  }
0x182: {  	[tilespmem:v23+s25+$0x0] =	vst.idx.add.f32.msk $0xffff, v13  }
0x183: {  	v6 =	vld.idx.msk [tilespmem:v9+s26+$0x0], $0xffff  }
0x184: {  	v0 =	vld.idx.msk [tilespmem:v0+s26+$0x0], $0xffff  }
0x185: {  	v1 =	vld.idx.msk [tilespmem:v1+s26+$0x0], $0xffff  }
0x186: {  	v2 =	vld.idx.msk [tilespmem:v2+s26+$0x0], $0xffff  }
0x187: {  	v3 =	vld.idx.msk [tilespmem:v3+s26+$0x0], $0xffff  }
0x188: {  	v4 =	vld.idx.msk [tilespmem:v4+s26+$0x0], $0xffff  }
0x189: {  	v5 =	vld.idx.msk [tilespmem:v5+s26+$0x0], $0xffff  }
0x18a: {  	[tilespmem:v17+s28+$0x0] =	vst.idx.add.f32.msk $0xffff, v6  }
0x18b: {  	[tilespmem:v18+s28+$0x0] =	vst.idx.add.f32.msk $0xffff, v0  }
.Ltmp1:
0x18c: {  	[tilespmem:v19+s28+$0x0] =	vst.idx.add.f32.msk $0xffff, v1;
	(pc) =	sbr.rel @p0 .LBB2_5-.Ltmp1, $4  }
0x18d: {  	[tilespmem:v20+s28+$0x0] =	vst.idx.add.f32.msk $0xffff, v2  }
0x18e: {  	[tilespmem:v21+s28+$0x0] =	vst.idx.add.f32.msk $0xffff, v3  }
0x18f: {  	[tilespmem:v22+s28+$0x0] =	vst.idx.add.f32.msk $0xffff, v4  }
0x190: {  	s11 =	sadd.s32 $0x80, s11;
	[tilespmem:v23+s28+$0x0] =	vst.idx.add.f32.msk $0xffff, v5  }
0x191: {  	s8 =	sadd.s32 $0x1, s8  }
0x192: {  	p0 =	sne.s32 s8, $0x4  }
.Ltmp2:
0x193: {  	_ = 	snop;
	(pc) =	sbr.rel @p0 .LBB2_2-.Ltmp2, $1  }
0x194: {  	_ =	sdelay $0x3  }
0x195: {  	[hbm4b:s15+s2] =	stream.linear.scatter [tilespmem:s21], [sflag:$0x5], $0x2710, $0x38;
	[tilespmem:$0x1DC00] =	vst v63  }
0x196: {  	_ =	swait.ge [sflag:s20], $0x2710  }
0x197: {  	[sflag:s20] =	ssyncset.done $0x0  }
0x198: {  	[sflag:s20] =	ssyncadd.s32 $0xFFFFD8F0  }
0x199: {  	[hbm4b:s16+s2] =	stream.linear.scatter [tilespmem:s23], [sflag:$0x5], $0x2710, $0x38;
	[tilespmem:$0x1DC00] =	vst v63  }
0x19a: {  	_ =	swait.ge [sflag:s20], $0x2710  }
0x19b: {  	[sflag:s20] =	ssyncset.done $0x0  }
0x19c: {  	[sflag:s20] =	ssyncadd.s32 $0xFFFFD8F0  }
0x19d: {  	[hbm4b:s17+s2] =	stream.linear.scatter [tilespmem:s25], [sflag:$0x5], $0x2710, $0x38;
	[tilespmem:$0x1DC00] =	vst v63  }
0x19e: {  	s7 =	sadd.s32 $0x1, s7;
	_ =	swait.ge [sflag:s20], $0x2710  }
0x19f: {  	p0 =	sne.s32 s7, s19;
	[sflag:s20] =	ssyncset.done $0x0  }
.Ltmp3:
0x1a0: {  	[sflag:s20] =	ssyncadd.s32 $0xFFFFD8F0;
	(pc) =	sbr.rel @p0 .LBB2_1-.Ltmp3, $4  }
0x1a1: {  	[hbm4b:s18+s2] =	stream.linear.scatter [tilespmem:s28], [sflag:$0x5], $0x2710, $0x38;
	[tilespmem:$0x1DC00] =	vst v63  }
0x1a2: {  	_ =	swait.ge [sflag:s20], $0x2710  }
0x1a3: {  	[sflag:s20] =	ssyncset.done $0x0  }
0x1a4: {  	[sflag:s20] =	ssyncadd.s32 $0xFFFFD8F0  }
0x1a5: {  	_ =	sfence.sel $0x180000  }
0x1a6: {  	[bflag:$0x0] =	sbarrier.arrive $0xFFFF  }
0x1a7: {  	_ =	strace $0x90000050  }
0x1a8: {  	s0 =	stileid.u32;
	[bflag:$0x2] =	sbarrier.arrive $0xFFFF  }
0x1a9: {  	p0 =	sne.s32 s0, $0x0;
	s0 =	rddreg [dreg:$0x1]  }
0x1aa: {  	s0 =	sadd.s32 @!p0 $0x100000, s0  }
0x1ab: {  	[sflag:s0] =	ssyncadd.tile.s32 @!p0 $0x1;
	_ =	shalt  }
.Lfunc_end2:
_tile_overlayer_lowered:
.L_overlay_start_2:
0x1ac: {  	(tag) =	ssettag $0x2  }
0x1ad: {  	s0 =	rddreg [dreg:$0x0];
	s2 =	stileid.u32  }
0x1ae: {  	s1 =	rddreg [dreg:$0x1];
	p0 =	sne.s32 s2, $0x0  }
0x1af: {  	s3 =	rddreg [dreg:$0x2];
	[bflag:$0x3] =	sbarrier.arrive $0xFFFF;
	s2 =	simm.s32 @!p0 $0x1C05  }
0x1b0: {  	[timem:s3], [sflag:s2] =	dma.local @!p0 [hbm:s0], s1  }
0x1b1: {  	s0 =	simm.s32 @!p0 $0x5  }
0x1b2: {  	_ =	swait.ge @!p0 [sflag:s0], s1  }
0x1b3: {  	s1 =	ssub.s32 @!p0 $0x0, s1;
	[sflag:s0] =	ssyncset.done @!p0 $0x0  }
0x1b4: {  	[sflag:s0] =	ssyncadd.s32 @!p0 s1  }
0x1b5: {  	[bflag:$0x3] =	sbarrier.arrive $0xFFFF  }
0x1b6: {  	_ =	shalt  }

</sc_bundles>
